<compile_context>
chip_gen: v7x
topology: tpu7x:2x2x1
jax: 0.10.2.dev20260603
libtpu: 0.0.44.dev20260713+nightly
codegen_flags: <defaults>
</compile_context>

<pallas_src>
import jax
import jax.numpy as jnp
from jax import lax
from jax.experimental import pallas as pl
from jax.experimental.pallas import tpu as pltpu
from jax.experimental.pallas import tpu_sc as plsc

N = 10000
E = 160000
F_IN = 256
H = 512
OUT = 256
BLK = 128
NSUB = 16

EDGES_PER_SUB = E // NSUB
SEG_C = 80
SEG_CHUNKS = (E // NSUB) // SEG_C
SEG_PAIRS = (SEG_CHUNKS + 1) // 2
ROWS_MAIN = 624
ROWS_TAIL = N - ROWS_MAIN * NSUB

DEC_C = 40
DEC_W = 32
DEC_CHUNKS = (E // DEC_W) // DEC_C
DEC_PAIRS = (DEC_CHUNKS + 1) // 2

M_TILE = 2000
GRID_M = N // M_TILE


def _sc_mesh():
    return plsc.VectorSubcoreMesh(core_axis_name="c", subcore_axis_name="s")


def _segsum(x_blocks, src3, dst3):
    nblk = len(x_blocks)
    per_core = nblk // 2

    def body(*refs):
        x_refs = refs[:nblk]
        src_ref = refs[nblk]
        dst_ref = refs[nblk + 1]
        outs = refs[nblk + 2:2 * nblk + 2]
        acc, sidx, didx, rows0, rows1, sem0, sem1 = refs[2 * nblk + 2:]
        rows = (rows0, rows1)
        sems = (sem0, sem1)
        cid = lax.axis_index("c")
        sid = lax.axis_index("s")
        zvec = jnp.zeros((16,), jnp.float32)

        pltpu.sync_copy(src_ref.at[pl.ds(sid * EDGES_PER_SUB, EDGES_PER_SUB)],
                        sidx)
        pltpu.sync_copy(dst_ref.at[sid], didx)

        def one_block(xb, ob):
            def zrow(r, carry):
                for c8 in range(BLK // 16):
                    rows0[r, pl.ds(c8 * 16, 16)] = zvec
                return carry
            lax.fori_loop(0, SEG_C, zrow, 0)
            r0 = sid * ROWS_MAIN
            off = 0
            while off < ROWS_MAIN:
                span = min(SEG_C, ROWS_MAIN - off)
                pltpu.sync_copy(rows0.at[pl.ds(0, span)],
                                acc.at[pl.ds(r0 + off, span)])
                off += span
            pl.when(sid == 0)(lambda: pltpu.sync_copy(
                rows0.at[pl.ds(0, ROWS_TAIL)],
                acc.at[pl.ds(ROWS_MAIN * NSUB, ROWS_TAIL)]))
            plsc.subcore_barrier()

            for b in range(2):
                pltpu.async_copy(xb.at[sidx.at[pl.ds(b * SEG_C, SEG_C)]],
                                 rows[b], sems[b])

            def pair(j, carry):
                for b in range(2):
                    c = 2 * j + b

                    def slot(b=b, c=c):
                        pltpu.make_async_copy(
                            xb.at[sidx.at[pl.ds(0, SEG_C)]],
                            rows[b], sems[b]).wait()
                        pltpu.sync_copy(rows[b], acc.at[didx.at[c]],
                                        add=True)
                        nc = c + 2

                        def seg_prefetch():
                            pltpu.async_copy(
                                xb.at[sidx.at[pl.ds(nc * SEG_C, SEG_C)]],
                                rows[b], sems[b])
                        pl.when(nc < SEG_CHUNKS)(seg_prefetch)
                    pl.when(c < SEG_CHUNKS)(slot)
                return carry
            lax.fori_loop(0, SEG_PAIRS, pair, 0)
            plsc.subcore_barrier()
            pltpu.sync_copy(acc.at[pl.ds(r0, ROWS_MAIN)],
                            ob.at[pl.ds(r0, ROWS_MAIN)])
            pl.when(sid == 0)(lambda: pltpu.sync_copy(
                acc.at[pl.ds(ROWS_MAIN * NSUB, ROWS_TAIL)],
                ob.at[pl.ds(ROWS_MAIN * NSUB, ROWS_TAIL)]))

        for core in range(2):
            def run_core(core=core):
                for b in range(per_core):
                    blk = core * per_core + b
                    one_block(x_refs[blk], outs[blk])
            pl.when(cid == core)(run_core)

    f = pl.kernel(
        body,
        out_type=tuple(jax.ShapeDtypeStruct((N, BLK), jnp.float32)
                       for _ in range(nblk)),
        mesh=_sc_mesh(),
        scratch_types=[
            pltpu.VMEM_SHARED((N, BLK), jnp.float32),
            pltpu.VMEM((EDGES_PER_SUB,), jnp.int32),
            pltpu.VMEM((SEG_CHUNKS, SEG_C), jnp.int32),
            pltpu.VMEM((SEG_C, BLK), jnp.float32),
            pltpu.VMEM((SEG_C, BLK), jnp.float32),
            pltpu.SemaphoreType.DMA,
            pltpu.SemaphoreType.DMA,
        ],
    )
    return f(*x_blocks, src3, dst3)


def _decode(A, Bm, ai3, bi3):
    span = E // DEC_W

    def body(a_ref, b_ref, ai_ref, bi_ref, out_ref,
             aidx, bidx, ra0, ra1, rb0, rb1, g0, g1, w0, w1):
        cid = lax.axis_index("c")
        sid = lax.axis_index("s")
        wid = sid * 2 + cid
        ra = (ra0, ra1)
        rb = (rb0, rb1)
        gs = (g0, g1)
        ws = (w0, w1)
        base0 = wid * span

        pltpu.sync_copy(ai_ref.at[pl.ds(base0, span)], aidx)
        pltpu.sync_copy(bi_ref.at[pl.ds(base0, span)], bidx)
        for b in range(2):
            pltpu.async_copy(a_ref.at[aidx.at[pl.ds(b * DEC_C, DEC_C)]],
                             ra[b], gs[b])
            pltpu.async_copy(b_ref.at[bidx.at[pl.ds(b * DEC_C, DEC_C)]],
                             rb[b], gs[b])

        def pair(j, carry):
            for b in range(2):
                c = 2 * j + b

                def slot(b=b, c=c):
                    pltpu.make_async_copy(
                        a_ref.at[aidx.at[pl.ds(0, DEC_C)]],
                        ra[b], gs[b]).wait()
                    pltpu.make_async_copy(
                        b_ref.at[bidx.at[pl.ds(0, DEC_C)]],
                        rb[b], gs[b]).wait()
                    def addrow(r, c2):
                        for q in range(OUT // 16):
                            plsc.addupdate(rb[b].at[r, pl.ds(q * 16, 16)],
                                           ra[b][r, pl.ds(q * 16, 16)])
                        return c2
                    lax.fori_loop(0, DEC_C, addrow, 0)
                    pltpu.async_copy(
                        rb[b],
                        out_ref.at[pl.ds(base0 + c * DEC_C, DEC_C)],
                        ws[b])
                    nc = c + 2

                    def prefetch():
                        pltpu.async_copy(
                            a_ref.at[aidx.at[pl.ds(nc * DEC_C, DEC_C)]],
                            ra[b], gs[b])
                        pltpu.make_async_copy(
                            rb[b], out_ref.at[pl.ds(base0, DEC_C)],
                            ws[b]).wait()
                        pltpu.async_copy(
                            b_ref.at[bidx.at[pl.ds(nc * DEC_C, DEC_C)]],
                            rb[b], gs[b])
                    pl.when(nc < DEC_CHUNKS)(prefetch)
                pl.when(c < DEC_CHUNKS)(slot)
            return carry
        lax.fori_loop(0, DEC_PAIRS, pair, 0)
        for b in range(2):
            pltpu.make_async_copy(
                rb[b], out_ref.at[pl.ds(base0, DEC_C)], ws[b]).wait()

    f = pl.kernel(
        body,
        out_type=jax.ShapeDtypeStruct((E, OUT), jnp.float32),
        mesh=_sc_mesh(),
        scratch_types=[
            pltpu.VMEM((E // DEC_W,), jnp.int32),
            pltpu.VMEM((E // DEC_W,), jnp.int32),
            pltpu.VMEM((DEC_C, OUT), jnp.float32),
            pltpu.VMEM((DEC_C, OUT), jnp.float32),
            pltpu.VMEM((DEC_C, OUT), jnp.float32),
            pltpu.VMEM((DEC_C, OUT), jnp.float32),
            pltpu.SemaphoreType.DMA,
            pltpu.SemaphoreType.DMA,
            pltpu.SemaphoreType.DMA,
            pltpu.SemaphoreType.DMA,
        ],
    )
    return f(A, Bm, ai3, bi3)


def _dense1(g_blocks, x, Wr1T, Wro1T, b_rel1r):
    def body(g0, g1, x_, wr, wro, b_, h0, h1_, h2_, h3_):
        g = jnp.concatenate([g0[...], g1[...]], axis=1)
        h = jnp.dot(g, wr[...], preferred_element_type=jnp.float32)
        h = h + jnp.dot(x_[...], wro[...], preferred_element_type=jnp.float32)
        h = jnp.maximum(h + b_[...], 0.0)
        h0[...] = h[:, 0 * BLK:1 * BLK]
        h1_[...] = h[:, 1 * BLK:2 * BLK]
        h2_[...] = h[:, 2 * BLK:3 * BLK]
        h3_[...] = h[:, 3 * BLK:4 * BLK]

    mb = pl.BlockSpec((M_TILE, BLK), lambda i: (i, 0))
    return pl.pallas_call(
        body,
        grid=(GRID_M,),
        in_specs=[
            mb, mb,
            pl.BlockSpec((M_TILE, F_IN), lambda i: (i, 0)),
            pl.BlockSpec((F_IN, H), lambda i: (0, 0)),
            pl.BlockSpec((F_IN, H), lambda i: (0, 0)),
            pl.BlockSpec((1, H), lambda i: (0, 0)),
        ],
        out_specs=(mb, mb, mb, mb),
        out_shape=tuple(jax.ShapeDtypeStruct((N, BLK), jnp.float32)
                        for _ in range(4)),
    )(*g_blocks, x, Wr1T, Wro1T, b_rel1r)


def _dense2(g_blocks, h_blocks, Wr2T, Wro2T, WlinT_a, WlinT_b,
            W1aT, W1bT, W2T, W3T, b_rel2r, b_linr, b1r, b2r, b3r):
    def body(g0, g1, g2, g3, h0, h1_, h2_, h3_, wr2, wro2, wla, wlb,
             w1a, w1b, w2t, w3t, br2, bl, b1_, b2_, b3_, a_out, b_out,
             wca, wcb, bc_):
        @pl.when(pl.program_id(0) == 0)
        def _():
            m2 = jnp.dot(w2t[...], w3t[...],
                         preferred_element_type=jnp.float32)
            wca[...] = jnp.dot(w1a[...], m2,
                               preferred_element_type=jnp.float32)
            wcb[...] = jnp.dot(w1b[...], m2,
                               preferred_element_type=jnp.float32)
            bc_[...] = (b3_[...]
                        + jnp.dot(b2_[...], w3t[...],
                                  preferred_element_type=jnp.float32)
                        + jnp.dot(b1_[...], m2,
                                  preferred_element_type=jnp.float32))

        g = jnp.concatenate([g0[...], g1[...], g2[...], g3[...]], axis=1)
        h1 = jnp.concatenate([h0[...], h1_[...], h2_[...], h3_[...]], axis=1)
        t = jnp.dot(g, wr2[...], preferred_element_type=jnp.float32)
        t = t + jnp.dot(h1, wro2[...], preferred_element_type=jnp.float32)
        h2 = jnp.maximum(t + br2[...], 0.0)
        z = jnp.dot(h1, wla[...], preferred_element_type=jnp.float32)
        z = z + jnp.dot(h2, wlb[...], preferred_element_type=jnp.float32)
        z = z + bl[...]
        a_out[...] = (jnp.dot(z, wca[...], preferred_element_type=jnp.float32)
                      + bc_[...])
        b_out[...] = jnp.dot(z, wcb[...], preferred_element_type=jnp.float32)

    mb = pl.BlockSpec((M_TILE, BLK), lambda i: (i, 0))
    mo = pl.BlockSpec((M_TILE, OUT), lambda i: (i, 0))
    wfull = lambda r, c: pl.BlockSpec((r, c), lambda i: (0, 0))
    return pl.pallas_call(
        body,
        grid=(GRID_M,),
        in_specs=[
            mb, mb, mb, mb, mb, mb, mb, mb,
            wfull(H, H), wfull(H, H), wfull(H, H), wfull(H, H),
            wfull(H, H), wfull(H, H), wfull(H, H), wfull(H, OUT),
            wfull(1, H), wfull(1, H),
            wfull(1, H), wfull(1, H), wfull(1, OUT),
        ],
        out_specs=(mo, mo),
        out_shape=(jax.ShapeDtypeStruct((N, OUT), jnp.float32),
                   jax.ShapeDtypeStruct((N, OUT), jnp.float32)),
        scratch_shapes=[
            pltpu.VMEM((H, OUT), jnp.float32),
            pltpu.VMEM((H, OUT), jnp.float32),
            pltpu.VMEM((1, OUT), jnp.float32),
        ],
    )(*g_blocks, *h_blocks, Wr2T, Wro2T, WlinT_a, WlinT_b,
      W1aT, W1bT, W2T, W3T, b_rel2r, b_linr, b1r, b2r, b3r)


def kernel(x, edge_index, edge_label_index, W_rel1, b_rel1, W_root1,
           W_rel2, b_rel2, W_root2, W_lin, b_lin,
           W1, b1, W2, b2, W3, b3):
    src = edge_index[0]
    dst = edge_index[1].reshape(NSUB, SEG_CHUNKS, SEG_C)
    ai = edge_label_index[0]
    bi = edge_label_index[1]
    x0 = x[:, :BLK]
    x1 = x[:, BLK:]
    Wr1T = W_rel1.T
    Wro1T = W_root1.T
    Wr2T = W_rel2.T
    Wro2T = W_root2.T
    WlinT_a = W_lin[:, :H].T
    WlinT_b = W_lin[:, H:].T
    W1aT = W1[:, :H].T
    W1bT = W1[:, H:].T
    W2T = W2.T
    W3T = W3.T

    g1 = _segsum((x0, x1), src, dst)
    h1b = _dense1(g1, x, Wr1T, Wro1T, b_rel1[None])
    g2 = _segsum(h1b, src, dst)
    A, Bm = _dense2(g2, h1b, Wr2T, Wro2T, WlinT_a, WlinT_b,
                    W1aT, W1bT, W2T, W3T,
                    b_rel2[None], b_lin[None], b1[None], b2[None], b3[None])
    return _decode(A, Bm, ai, bi)

# --- scband reference (transcript-rebuilt; emitter-appended) ---
"""Pipeline reference for scband-net-10153302687876 (READ-ONLY COPY).

The authoritative reference and input builder live on the scoring server;
editing this copy changes nothing except your own understanding.
"""

import jax, jax.numpy as jnp
import numpy as np

N = 10000
E = 160000
F_IN = 256
H = 512
OUT = 256


def setup_inputs(seed: int = 0) -> dict:
    key = jax.random.key(seed)
    ks = jax.random.split(key, 20)
    s = 0.05
    d = {}
    d["x"] = jax.random.normal(ks[0], (N, F_IN), jnp.float32)
    d["edge_index"] = jax.random.randint(ks[1], (2, E), 0, N, jnp.int32)
    d["edge_label_index"] = jax.random.randint(ks[2], (2, E), 0, N, jnp.int32)
    # GraphConv 1: lin_rel (with bias) + lin_root (no bias)
    d["W_rel1"] = jax.random.normal(ks[3], (H, F_IN), jnp.float32) * s
    d["b_rel1"] = jnp.zeros((H,), jnp.float32)
    d["W_root1"] = jax.random.normal(ks[4], (H, F_IN), jnp.float32) * s
    # GraphConv 2
    d["W_rel2"] = jax.random.normal(ks[5], (H, H), jnp.float32) * s
    d["b_rel2"] = jnp.zeros((H,), jnp.float32)
    d["W_root2"] = jax.random.normal(ks[6], (H, H), jnp.float32) * s
    # lin: 2H -> H
    d["W_lin"] = jax.random.normal(ks[7], (H, 2 * H), jnp.float32) * s
    d["b_lin"] = jnp.zeros((H,), jnp.float32)
    # decode MLP
    d["W1"] = jax.random.normal(ks[8], (H, 2 * H), jnp.float32) * s
    d["b1"] = jnp.zeros((H,), jnp.float32)
    d["W2"] = jax.random.normal(ks[9], (H, H), jnp.float32) * s
    d["b2"] = jnp.zeros((H,), jnp.float32)
    d["W3"] = jax.random.normal(ks[10], (OUT, H), jnp.float32) * s
    d["b3"] = jnp.zeros((OUT,), jnp.float32)
    return d


def reference(x, edge_index, edge_label_index, W_rel1, b_rel1, W_root1,
              W_rel2, b_rel2, W_root2, W_lin, b_lin,
              W1, b1, W2, b2, W3, b3):
    # encode: two GraphConv layers (aggr='add', edge_weight=None), eval mode (dropout off)
    src = edge_index[0]
    dst = edge_index[1]
    n = x.shape[0]
    agg1 = jax.ops.segment_sum(x[src], dst, num_segments=n)
    h1 = jax.nn.relu(agg1 @ W_rel1.T + b_rel1 + x @ W_root1.T)
    agg2 = jax.ops.segment_sum(h1[src], dst, num_segments=n)
    h2 = jax.nn.relu(agg2 @ W_rel2.T + b_rel2 + h1 @ W_root2.T)
    z = jnp.concatenate([h1, h2], axis=-1) @ W_lin.T + b_lin
    # decode on edge_label_index
    e = jnp.concatenate([z[edge_label_index[0]], z[edge_label_index[1]]], axis=-1)
    h = e @ W1.T + b1
    h = h @ W2.T + b2
    out = h @ W3.T + b3
    return out

if __name__ == "__main__":
    import jax
    _d = setup_inputs()
    print(jax.jit(kernel)(*tuple(_d.values())))

</pallas_src>

<mosaic_0001>
#map = affine_map<(d0, d1) -> (0, 0)>
#map1 = affine_map<(d0, d1) -> (0)>
#map2 = affine_map<(d0, d1) -> (0, 0, 0)>
module attributes {stable_mosaic.version = 14 : i64} {
  func.func @body(%arg0: i32, %arg1: i32, %arg2: memref<10000x128xf32, #tpu.memory_space<hbm>>, %arg3: memref<10000x128xf32, #tpu.memory_space<hbm>>, %arg4: memref<160000xi32, #tpu.memory_space<hbm>>, %arg5: memref<16x125x80xi32, #tpu.memory_space<hbm>>, %arg6: memref<10000x128xf32, #tpu.memory_space<hbm>>, %arg7: memref<10000x128xf32, #tpu.memory_space<hbm>>, %arg8: memref<10000x128xf32, #tpu.memory_space<vmem_shared>>, %arg9: memref<10000xi32, #tpu.memory_space<vmem>>, %arg10: memref<125x80xi32, #tpu.memory_space<vmem>>, %arg11: memref<80x128xf32, #tpu.memory_space<vmem>>, %arg12: memref<80x128xf32, #tpu.memory_space<vmem>>, %arg13: memref<!tpu.dma_semaphore, #tpu.memory_space<semaphore_mem>>, %arg14: memref<!tpu.dma_semaphore, #tpu.memory_space<semaphore_mem>>) attributes {dimension_semantics = [#tpu.dimension_semantics<core_parallel>, #tpu.dimension_semantics<subcore_parallel>], iteration_bounds = array<i64: 2, 16>, scalar_prefetch = 0 : i64, scratch_operands = 7 : i64, tpu.core_type = #tpu.core_type<sc_vector_subcore>, window_params = [{transform_indices = #map}, {transform_indices = #map}, {transform_indices = #map1}, {transform_indices = #map2}, {transform_indices = #map}, {transform_indices = #map}]} {
    %broadcast_in_dim3A = arith.constant 0.000000e+00 : f32
    %broadcast_in_dim3A_0 = vector.broadcast %broadcast_in_dim3A : f32 to vector<16xf32>
    %mul3A = arith.constant 10000 : i32
    %mul3A_1 = arith.muli %arg1, %mul3A : i32
    "tpu.region"() ({
      %run_scoped3A = tpu.sem_alloc : memref<!tpu.dma_semaphore, #tpu.memory_space<semaphore_mem>>
      %dma_start3A = tpu.memref_slice %arg4[%mul3A_1] : memref<160000xi32, #tpu.memory_space<hbm>> -> memref<10000xi32, #tpu.memory_space<hbm>>
      %dma_start3A_9 = tpu.memref_slice %arg4[%mul3A_1] : memref<160000xi32, #tpu.memory_space<hbm>> -> memref<10000xi32, #tpu.memory_space<hbm>>
      tpu.enqueue_dma source(%dma_start3A_9 : memref<10000xi32, #tpu.memory_space<hbm>>) target(%arg9 : memref<10000xi32, #tpu.memory_space<vmem>>) target_semaphore(%run_scoped3A : memref<!tpu.dma_semaphore, #tpu.memory_space<semaphore_mem>>)
      %dma_wait3A = tpu.memref_slice %arg4[%mul3A_1] : memref<160000xi32, #tpu.memory_space<hbm>> -> memref<10000xi32, #tpu.memory_space<hbm>>
      %dma_wait3A_10 = tpu.memref_slice %arg4[%mul3A_1] : memref<160000xi32, #tpu.memory_space<hbm>> -> memref<10000xi32, #tpu.memory_space<hbm>>
      tpu.wait_dma2 semaphore(%run_scoped3A : memref<!tpu.dma_semaphore, #tpu.memory_space<semaphore_mem>>) src(%dma_wait3A_10 : memref<10000xi32, #tpu.memory_space<hbm>>) dst(%arg9 : memref<10000xi32, #tpu.memory_space<vmem>>)
      tpu.yield
    }) : () -> ()
    "tpu.region"() ({
      %run_scoped3A = tpu.sem_alloc : memref<!tpu.dma_semaphore, #tpu.memory_space<semaphore_mem>>
      %dma_start3A = arith.constant 0 : i32
      %dma_start3A_9 = arith.constant 0 : i32
      %dma_start3A_10 = tpu.memref_slice %arg5[%arg1, %dma_start3A, %dma_start3A_9] : memref<16x125x80xi32, #tpu.memory_space<hbm>> -> memref<1x125x80xi32, #tpu.memory_space<hbm>>
      %dma_start3A_11 = tpu.memref_squeeze %dma_start3A_10 : memref<1x125x80xi32, #tpu.memory_space<hbm>> -> memref<125x80xi32, #tpu.memory_space<hbm>>
      %dma_start3A_12 = arith.constant 0 : i32
      %dma_start3A_13 = arith.constant 0 : i32
      %dma_start3A_14 = tpu.memref_slice %arg5[%arg1, %dma_start3A_12, %dma_start3A_13] : memref<16x125x80xi32, #tpu.memory_space<hbm>> -> memref<1x125x80xi32, #tpu.memory_space<hbm>>
      %dma_start3A_15 = tpu.memref_squeeze %dma_start3A_14 : memref<1x125x80xi32, #tpu.memory_space<hbm>> -> memref<125x80xi32, #tpu.memory_space<hbm>>
      tpu.enqueue_dma source(%dma_start3A_15 : memref<125x80xi32, #tpu.memory_space<hbm>>) target(%arg10 : memref<125x80xi32, #tpu.memory_space<vmem>>) target_semaphore(%run_scoped3A : memref<!tpu.dma_semaphore, #tpu.memory_space<semaphore_mem>>)
      %dma_wait3A = arith.constant 0 : i32
      %dma_wait3A_16 = arith.constant 0 : i32
      %dma_wait3A_17 = tpu.memref_slice %arg5[%arg1, %dma_wait3A, %dma_wait3A_16] : memref<16x125x80xi32, #tpu.memory_space<hbm>> -> memref<1x125x80xi32, #tpu.memory_space<hbm>>
      %dma_wait3A_18 = tpu.memref_squeeze %dma_wait3A_17 : memref<1x125x80xi32, #tpu.memory_space<hbm>> -> memref<125x80xi32, #tpu.memory_space<hbm>>
      %dma_wait3A_19 = arith.constant 0 : i32
      %dma_wait3A_20 = arith.constant 0 : i32
      %dma_wait3A_21 = tpu.memref_slice %arg5[%arg1, %dma_wait3A_19, %dma_wait3A_20] : memref<16x125x80xi32, #tpu.memory_space<hbm>> -> memref<1x125x80xi32, #tpu.memory_space<hbm>>
      %dma_wait3A_22 = tpu.memref_squeeze %dma_wait3A_21 : memref<1x125x80xi32, #tpu.memory_space<hbm>> -> memref<125x80xi32, #tpu.memory_space<hbm>>
      tpu.wait_dma2 semaphore(%run_scoped3A : memref<!tpu.dma_semaphore, #tpu.memory_space<semaphore_mem>>) src(%dma_wait3A_22 : memref<125x80xi32, #tpu.memory_space<hbm>>) dst(%arg10 : memref<125x80xi32, #tpu.memory_space<vmem>>)
      tpu.yield
    }) : () -> ()
    %eq3A = arith.constant 0 : i32
    %eq3A_2 = arith.cmpi eq, %arg0, %eq3A : i32
    %convert_element_type3A = arith.extui %eq3A_2 : i1 to i32
    %cond3A = arith.constant 0 : i32
    %cond3A_3 = arith.cmpi ne, %convert_element_type3A, %cond3A : i32
    scf.if %cond3A_3 {
      %scan3A = arith.constant 0 : i32
      %scan3A_9 = arith.constant 0 : i32
      %scan3A_10 = arith.constant 80 : i32
      %scan3A_11 = arith.addi %scan3A_9, %scan3A_10 : i32
      %scan3A_12 = arith.constant 1 : i32
      scf.for %scan3A_57 = %scan3A_9 to %scan3A_11 step %scan3A_12  : i32 {
        %swap3A = arith.index_cast %scan3A_57 : i32 to index
        %swap3A_58 = arith.constant 0 : index
        %swap3A_59 = tpu.vector_load %arg11[%swap3A, %swap3A_58] {strides = array<i32>} : memref<80x128xf32, #tpu.memory_space<vmem>>, vector<1x16xf32>,
        %swap3A_60 = vector.shape_cast %swap3A_59 : vector<1x16xf32> to vector<16xf32>
        %swap3A_61 = vector.shape_cast %broadcast_in_dim3A_0 : vector<16xf32> to vector<1x16xf32>
        tpu.vector_store %arg11[%swap3A, %swap3A_58], %swap3A_61 {strides = array<i32>} : memref<80x128xf32, #tpu.memory_space<vmem>>, vector<1x16xf32>,
        %swap3A_62 = arith.index_cast %scan3A_57 : i32 to index
        %swap3A_63 = arith.constant 16 : index
        %swap3A_64 = tpu.vector_load %arg11[%swap3A_62, %swap3A_63] {strides = array<i32>} : memref<80x128xf32, #tpu.memory_space<vmem>>, vector<1x16xf32>,
        %swap3A_65 = vector.shape_cast %swap3A_64 : vector<1x16xf32> to vector<16xf32>
        %swap3A_66 = vector.shape_cast %broadcast_in_dim3A_0 : vector<16xf32> to vector<1x16xf32>
        tpu.vector_store %arg11[%swap3A_62, %swap3A_63], %swap3A_66 {strides = array<i32>} : memref<80x128xf32, #tpu.memory_space<vmem>>, vector<1x16xf32>,
        %swap3A_67 = arith.index_cast %scan3A_57 : i32 to index
        %swap3A_68 = arith.constant 32 : index
        %swap3A_69 = tpu.vector_load %arg11[%swap3A_67, %swap3A_68] {strides = array<i32>} : memref<80x128xf32, #tpu.memory_space<vmem>>, vector<1x16xf32>,
        %swap3A_70 = vector.shape_cast %swap3A_69 : vector<1x16xf32> to vector<16xf32>
        %swap3A_71 = vector.shape_cast %broadcast_in_dim3A_0 : vector<16xf32> to vector<1x16xf32>
        tpu.vector_store %arg11[%swap3A_67, %swap3A_68], %swap3A_71 {strides = array<i32>} : memref<80x128xf32, #tpu.memory_space<vmem>>, vector<1x16xf32>,
        %swap3A_72 = arith.index_cast %scan3A_57 : i32 to index
        %swap3A_73 = arith.constant 48 : index
        %swap3A_74 = tpu.vector_load %arg11[%swap3A_72, %swap3A_73] {strides = array<i32>} : memref<80x128xf32, #tpu.memory_space<vmem>>, vector<1x16xf32>,
        %swap3A_75 = vector.shape_cast %swap3A_74 : vector<1x16xf32> to vector<16xf32>
        %swap3A_76 = vector.shape_cast %broadcast_in_dim3A_0 : vector<16xf32> to vector<1x16xf32>
        tpu.vector_store %arg11[%swap3A_72, %swap3A_73], %swap3A_76 {strides = array<i32>} : memref<80x128xf32, #tpu.memory_space<vmem>>, vector<1x16xf32>,
        %swap3A_77 = arith.index_cast %scan3A_57 : i32 to index
        %swap3A_78 = arith.constant 64 : index
        %swap3A_79 = tpu.vector_load %arg11[%swap3A_77, %swap3A_78] {strides = array<i32>} : memref<80x128xf32, #tpu.memory_space<vmem>>, vector<1x16xf32>,
        %swap3A_80 = vector.shape_cast %swap3A_79 : vector<1x16xf32> to vector<16xf32>
        %swap3A_81 = vector.shape_cast %broadcast_in_dim3A_0 : vector<16xf32> to vector<1x16xf32>
        tpu.vector_store %arg11[%swap3A_77, %swap3A_78], %swap3A_81 {strides = array<i32>} : memref<80x128xf32, #tpu.memory_space<vmem>>, vector<1x16xf32>,
        %swap3A_82 = arith.index_cast %scan3A_57 : i32 to index
        %swap3A_83 = arith.constant 80 : index
        %swap3A_84 = tpu.vector_load %arg11[%swap3A_82, %swap3A_83] {strides = array<i32>} : memref<80x128xf32, #tpu.memory_space<vmem>>, vector<1x16xf32>,
        %swap3A_85 = vector.shape_cast %swap3A_84 : vector<1x16xf32> to vector<16xf32>
        %swap3A_86 = vector.shape_cast %broadcast_in_dim3A_0 : vector<16xf32> to vector<1x16xf32>
        tpu.vector_store %arg11[%swap3A_82, %swap3A_83], %swap3A_86 {strides = array<i32>} : memref<80x128xf32, #tpu.memory_space<vmem>>, vector<1x16xf32>,
        %swap3A_87 = arith.index_cast %scan3A_57 : i32 to index
        %swap3A_88 = arith.constant 96 : index
        %swap3A_89 = tpu.vector_load %arg11[%swap3A_87, %swap3A_88] {strides = array<i32>} : memref<80x128xf32, #tpu.memory_space<vmem>>, vector<1x16xf32>,
        %swap3A_90 = vector.shape_cast %swap3A_89 : vector<1x16xf32> to vector<16xf32>
        %swap3A_91 = vector.shape_cast %broadcast_in_dim3A_0 : vector<16xf32> to vector<1x16xf32>
        tpu.vector_store %arg11[%swap3A_87, %swap3A_88], %swap3A_91 {strides = array<i32>} : memref<80x128xf32, #tpu.memory_space<vmem>>, vector<1x16xf32>,
        %swap3A_92 = arith.index_cast %scan3A_57 : i32 to index
        %swap3A_93 = arith.constant 112 : index
        %swap3A_94 = tpu.vector_load %arg11[%swap3A_92, %swap3A_93] {strides = array<i32>} : memref<80x128xf32, #tpu.memory_space<vmem>>, vector<1x16xf32>,
        %swap3A_95 = vector.shape_cast %swap3A_94 : vector<1x16xf32> to vector<16xf32>
        %swap3A_96 = vector.shape_cast %broadcast_in_dim3A_0 : vector<16xf32> to vector<1x16xf32>
        tpu.vector_store %arg11[%swap3A_92, %swap3A_93], %swap3A_96 {strides = array<i32>} : memref<80x128xf32, #tpu.memory_space<vmem>>, vector<1x16xf32>,
      }
      %scan3A_13 = arith.constant 80 : i32
      %mul3A_14 = arith.constant 624 : i32
      %mul3A_15 = arith.muli %arg1, %mul3A_14 : i32
      %add3A = arith.constant 0 : i32
      %add3A_16 = arith.addi %mul3A_15, %add3A : i32
      "tpu.region"() ({
        %run_scoped3A = tpu.sem_alloc : memref<!tpu.dma_semaphore, #tpu.memory_space<semaphore_mem>>
        %dma_start3A_57 = arith.constant 0 : i32
        %dma_start3A_58 = arith.constant 0 : i32
        %dma_start3A_59 = tpu.memref_slice %arg11[%dma_start3A_57, %dma_start3A_58] : memref<80x128xf32, #tpu.memory_space<vmem>> -> memref<80x128xf32, #tpu.memory_space<vmem>>
        %dma_start3A_60 = arith.constant 0 : i32
        %dma_start3A_61 = tpu.memref_slice %arg8[%add3A_16, %dma_start3A_60] : memref<10000x128xf32, #tpu.memory_space<vmem_shared>> -> memref<80x128xf32, #tpu.memory_space<vmem_shared>>
        %dma_start3A_62 = arith.constant 0 : i32
        %dma_start3A_63 = tpu.memref_slice %arg8[%add3A_16, %dma_start3A_62] : memref<10000x128xf32, #tpu.memory_space<vmem_shared>> -> memref<80x128xf32, #tpu.memory_space<vmem_shared>>
        %dma_start3A_64 = arith.constant 0 : i32
        %dma_start3A_65 = arith.constant 0 : i32
        %dma_start3A_66 = tpu.memref_slice %arg11[%dma_start3A_64, %dma_start3A_65] : memref<80x128xf32, #tpu.memory_space<vmem>> -> memref<80x128xf32, #tpu.memory_space<vmem>>
        tpu.enqueue_dma source(%dma_start3A_66 : memref<80x128xf32, #tpu.memory_space<vmem>>) target(%dma_start3A_63 : memref<80x128xf32, #tpu.memory_space<vmem_shared>>) target_semaphore(%run_scoped3A : memref<!tpu.dma_semaphore, #tpu.memory_space<semaphore_mem>>)
        %dma_wait3A = arith.constant 0 : i32
        %dma_wait3A_67 = arith.constant 0 : i32
        %dma_wait3A_68 = tpu.memref_slice %arg11[%dma_wait3A, %dma_wait3A_67] : memref<80x128xf32, #tpu.memory_space<vmem>> -> memref<80x128xf32, #tpu.memory_space<vmem>>
        %dma_wait3A_69 = arith.constant 0 : i32
        %dma_wait3A_70 = tpu.memref_slice %arg8[%add3A_16, %dma_wait3A_69] : memref<10000x128xf32, #tpu.memory_space<vmem_shared>> -> memref<80x128xf32, #tpu.memory_space<vmem_shared>>
        %dma_wait3A_71 = arith.constant 0 : i32
        %dma_wait3A_72 = tpu.memref_slice %arg8[%add3A_16, %dma_wait3A_71] : memref<10000x128xf32, #tpu.memory_space<vmem_shared>> -> memref<80x128xf32, #tpu.memory_space<vmem_shared>>
        %dma_wait3A_73 = arith.constant 0 : i32
        %dma_wait3A_74 = arith.constant 0 : i32
        %dma_wait3A_75 = tpu.memref_slice %arg11[%dma_wait3A_73, %dma_wait3A_74] : memref<80x128xf32, #tpu.memory_space<vmem>> -> memref<80x128xf32, #tpu.memory_space<vmem>>
        tpu.wait_dma2 semaphore(%run_scoped3A : memref<!tpu.dma_semaphore, #tpu.memory_space<semaphore_mem>>) src(%dma_wait3A_75 : memref<80x128xf32, #tpu.memory_space<vmem>>) dst(%dma_wait3A_72 : memref<80x128xf32, #tpu.memory_space<vmem_shared>>)
        tpu.yield
      }) : () -> ()
      %add3A_17 = arith.constant 80 : i32
      %add3A_18 = arith.addi %mul3A_15, %add3A_17 : i32
      "tpu.region"() ({
        %run_scoped3A = tpu.sem_alloc : memref<!tpu.dma_semaphore, #tpu.memory_space<semaphore_mem>>
        %dma_start3A_57 = arith.constant 0 : i32
        %dma_start3A_58 = arith.constant 0 : i32
        %dma_start3A_59 = tpu.memref_slice %arg11[%dma_start3A_57, %dma_start3A_58] : memref<80x128xf32, #tpu.memory_space<vmem>> -> memref<80x128xf32, #tpu.memory_space<vmem>>
        %dma_start3A_60 = arith.constant 0 : i32
        %dma_start3A_61 = tpu.memref_slice %arg8[%add3A_18, %dma_start3A_60] : memref<10000x128xf32, #tpu.memory_space<vmem_shared>> -> memref<80x128xf32, #tpu.memory_space<vmem_shared>>
        %dma_start3A_62 = arith.constant 0 : i32
        %dma_start3A_63 = tpu.memref_slice %arg8[%add3A_18, %dma_start3A_62] : memref<10000x128xf32, #tpu.memory_space<vmem_shared>> -> memref<80x128xf32, #tpu.memory_space<vmem_shared>>
        %dma_start3A_64 = arith.constant 0 : i32
        %dma_start3A_65 = arith.constant 0 : i32
        %dma_start3A_66 = tpu.memref_slice %arg11[%dma_start3A_64, %dma_start3A_65] : memref<80x128xf32, #tpu.memory_space<vmem>> -> memref<80x128xf32, #tpu.memory_space<vmem>>
        tpu.enqueue_dma source(%dma_start3A_66 : memref<80x128xf32, #tpu.memory_space<vmem>>) target(%dma_start3A_63 : memref<80x128xf32, #tpu.memory_space<vmem_shared>>) target_semaphore(%run_scoped3A : memref<!tpu.dma_semaphore, #tpu.memory_space<semaphore_mem>>)
        %dma_wait3A = arith.constant 0 : i32
        %dma_wait3A_67 = arith.constant 0 : i32
        %dma_wait3A_68 = tpu.memref_slice %arg11[%dma_wait3A, %dma_wait3A_67] : memref<80x128xf32, #tpu.memory_space<vmem>> -> memref<80x128xf32, #tpu.memory_space<vmem>>
        %dma_wait3A_69 = arith.constant 0 : i32
        %dma_wait3A_70 = tpu.memref_slice %arg8[%add3A_18, %dma_wait3A_69] : memref<10000x128xf32, #tpu.memory_space<vmem_shared>> -> memref<80x128xf32, #tpu.memory_space<vmem_shared>>
        %dma_wait3A_71 = arith.constant 0 : i32
        %dma_wait3A_72 = tpu.memref_slice %arg8[%add3A_18, %dma_wait3A_71] : memref<10000x128xf32, #tpu.memory_space<vmem_shared>> -> memref<80x128xf32, #tpu.memory_space<vmem_shared>>
        %dma_wait3A_73 = arith.constant 0 : i32
        %dma_wait3A_74 = arith.constant 0 : i32
        %dma_wait3A_75 = tpu.memref_slice %arg11[%dma_wait3A_73, %dma_wait3A_74] : memref<80x128xf32, #tpu.memory_space<vmem>> -> memref<80x128xf32, #tpu.memory_space<vmem>>
        tpu.wait_dma2 semaphore(%run_scoped3A : memref<!tpu.dma_semaphore, #tpu.memory_space<semaphore_mem>>) src(%dma_wait3A_75 : memref<80x128xf32, #tpu.memory_space<vmem>>) dst(%dma_wait3A_72 : memref<80x128xf32, #tpu.memory_space<vmem_shared>>)
        tpu.yield
      }) : () -> ()
      %add3A_19 = arith.constant 160 : i32
      %add3A_20 = arith.addi %mul3A_15, %add3A_19 : i32
      "tpu.region"() ({
        %run_scoped3A = tpu.sem_alloc : memref<!tpu.dma_semaphore, #tpu.memory_space<semaphore_mem>>
        %dma_start3A_57 = arith.constant 0 : i32
        %dma_start3A_58 = arith.constant 0 : i32
        %dma_start3A_59 = tpu.memref_slice %arg11[%dma_start3A_57, %dma_start3A_58] : memref<80x128xf32, #tpu.memory_space<vmem>> -> memref<80x128xf32, #tpu.memory_space<vmem>>
        %dma_start3A_60 = arith.constant 0 : i32
        %dma_start3A_61 = tpu.memref_slice %arg8[%add3A_20, %dma_start3A_60] : memref<10000x128xf32, #tpu.memory_space<vmem_shared>> -> memref<80x128xf32, #tpu.memory_space<vmem_shared>>
        %dma_start3A_62 = arith.constant 0 : i32
        %dma_start3A_63 = tpu.memref_slice %arg8[%add3A_20, %dma_start3A_62] : memref<10000x128xf32, #tpu.memory_space<vmem_shared>> -> memref<80x128xf32, #tpu.memory_space<vmem_shared>>
        %dma_start3A_64 = arith.constant 0 : i32
        %dma_start3A_65 = arith.constant 0 : i32
        %dma_start3A_66 = tpu.memref_slice %arg11[%dma_start3A_64, %dma_start3A_65] : memref<80x128xf32, #tpu.memory_space<vmem>> -> memref<80x128xf32, #tpu.memory_space<vmem>>
        tpu.enqueue_dma source(%dma_start3A_66 : memref<80x128xf32, #tpu.memory_space<vmem>>) target(%dma_start3A_63 : memref<80x128xf32, #tpu.memory_space<vmem_shared>>) target_semaphore(%run_scoped3A : memref<!tpu.dma_semaphore, #tpu.memory_space<semaphore_mem>>)
        %dma_wait3A = arith.constant 0 : i32
        %dma_wait3A_67 = arith.constant 0 : i32
        %dma_wait3A_68 = tpu.memref_slice %arg11[%dma_wait3A, %dma_wait3A_67] : memref<80x128xf32, #tpu.memory_space<vmem>> -> memref<80x128xf32, #tpu.memory_space<vmem>>
        %dma_wait3A_69 = arith.constant 0 : i32
        %dma_wait3A_70 = tpu.memref_slice %arg8[%add3A_20, %dma_wait3A_69] : memref<10000x128xf32, #tpu.memory_space<vmem_shared>> -> memref<80x128xf32, #tpu.memory_space<vmem_shared>>
        %dma_wait3A_71 = arith.constant 0 : i32
        %dma_wait3A_72 = tpu.memref_slice %arg8[%add3A_20, %dma_wait3A_71] : memref<10000x128xf32, #tpu.memory_space<vmem_shared>> -> memref<80x128xf32, #tpu.memory_space<vmem_shared>>
        %dma_wait3A_73 = arith.constant 0 : i32
        %dma_wait3A_74 = arith.constant 0 : i32
        %dma_wait3A_75 = tpu.memref_slice %arg11[%dma_wait3A_73, %dma_wait3A_74] : memref<80x128xf32, #tpu.memory_space<vmem>> -> memref<80x128xf32, #tpu.memory_space<vmem>>
        tpu.wait_dma2 semaphore(%run_scoped3A : memref<!tpu.dma_semaphore, #tpu.memory_space<semaphore_mem>>) src(%dma_wait3A_75 : memref<80x128xf32, #tpu.memory_space<vmem>>) dst(%dma_wait3A_72 : memref<80x128xf32, #tpu.memory_space<vmem_shared>>)
        tpu.yield
      }) : () -> ()
      %add3A_21 = arith.constant 240 : i32
      %add3A_22 = arith.addi %mul3A_15, %add3A_21 : i32
      "tpu.region"() ({
        %run_scoped3A = tpu.sem_alloc : memref<!tpu.dma_semaphore, #tpu.memory_space<semaphore_mem>>
        %dma_start3A_57 = arith.constant 0 : i32
        %dma_start3A_58 = arith.constant 0 : i32
        %dma_start3A_59 = tpu.memref_slice %arg11[%dma_start3A_57, %dma_start3A_58] : memref<80x128xf32, #tpu.memory_space<vmem>> -> memref<80x128xf32, #tpu.memory_space<vmem>>
        %dma_start3A_60 = arith.constant 0 : i32
        %dma_start3A_61 = tpu.memref_slice %arg8[%add3A_22, %dma_start3A_60] : memref<10000x128xf32, #tpu.memory_space<vmem_shared>> -> memref<80x128xf32, #tpu.memory_space<vmem_shared>>
        %dma_start3A_62 = arith.constant 0 : i32
        %dma_start3A_63 = tpu.memref_slice %arg8[%add3A_22, %dma_start3A_62] : memref<10000x128xf32, #tpu.memory_space<vmem_shared>> -> memref<80x128xf32, #tpu.memory_space<vmem_shared>>
        %dma_start3A_64 = arith.constant 0 : i32
        %dma_start3A_65 = arith.constant 0 : i32
        %dma_start3A_66 = tpu.memref_slice %arg11[%dma_start3A_64, %dma_start3A_65] : memref<80x128xf32, #tpu.memory_space<vmem>> -> memref<80x128xf32, #tpu.memory_space<vmem>>
        tpu.enqueue_dma source(%dma_start3A_66 : memref<80x128xf32, #tpu.memory_space<vmem>>) target(%dma_start3A_63 : memref<80x128xf32, #tpu.memory_space<vmem_shared>>) target_semaphore(%run_scoped3A : memref<!tpu.dma_semaphore, #tpu.memory_space<semaphore_mem>>)
        %dma_wait3A = arith.constant 0 : i32
        %dma_wait3A_67 = arith.constant 0 : i32
        %dma_wait3A_68 = tpu.memref_slice %arg11[%dma_wait3A, %dma_wait3A_67] : memref<80x128xf32, #tpu.memory_space<vmem>> -> memref<80x128xf32, #tpu.memory_space<vmem>>
        %dma_wait3A_69 = arith.constant 0 : i32
        %dma_wait3A_70 = tpu.memref_slice %arg8[%add3A_22, %dma_wait3A_69] : memref<10000x128xf32, #tpu.memory_space<vmem_shared>> -> memref<80x128xf32, #tpu.memory_space<vmem_shared>>
        %dma_wait3A_71 = arith.constant 0 : i32
        %dma_wait3A_72 = tpu.memref_slice %arg8[%add3A_22, %dma_wait3A_71] : memref<10000x128xf32, #tpu.memory_space<vmem_shared>> -> memref<80x128xf32, #tpu.memory_space<vmem_shared>>
        %dma_wait3A_73 = arith.constant 0 : i32
        %dma_wait3A_74 = arith.constant 0 : i32
        %dma_wait3A_75 = tpu.memref_slice %arg11[%dma_wait3A_73, %dma_wait3A_74] : memref<80x128xf32, #tpu.memory_space<vmem>> -> memref<80x128xf32, #tpu.memory_space<vmem>>
        tpu.wait_dma2 semaphore(%run_scoped3A : memref<!tpu.dma_semaphore, #tpu.memory_space<semaphore_mem>>) src(%dma_wait3A_75 : memref<80x128xf32, #tpu.memory_space<vmem>>) dst(%dma_wait3A_72 : memref<80x128xf32, #tpu.memory_space<vmem_shared>>)
        tpu.yield
      }) : () -> ()
      %add3A_23 = arith.constant 320 : i32
      %add3A_24 = arith.addi %mul3A_15, %add3A_23 : i32
      "tpu.region"() ({
        %run_scoped3A = tpu.sem_alloc : memref<!tpu.dma_semaphore, #tpu.memory_space<semaphore_mem>>
        %dma_start3A_57 = arith.constant 0 : i32
        %dma_start3A_58 = arith.constant 0 : i32
        %dma_start3A_59 = tpu.memref_slice %arg11[%dma_start3A_57, %dma_start3A_58] : memref<80x128xf32, #tpu.memory_space<vmem>> -> memref<80x128xf32, #tpu.memory_space<vmem>>
        %dma_start3A_60 = arith.constant 0 : i32
        %dma_start3A_61 = tpu.memref_slice %arg8[%add3A_24, %dma_start3A_60] : memref<10000x128xf32, #tpu.memory_space<vmem_shared>> -> memref<80x128xf32, #tpu.memory_space<vmem_shared>>
        %dma_start3A_62 = arith.constant 0 : i32
        %dma_start3A_63 = tpu.memref_slice %arg8[%add3A_24, %dma_start3A_62] : memref<10000x128xf32, #tpu.memory_space<vmem_shared>> -> memref<80x128xf32, #tpu.memory_space<vmem_shared>>
        %dma_start3A_64 = arith.constant 0 : i32
        %dma_start3A_65 = arith.constant 0 : i32
        %dma_start3A_66 = tpu.memref_slice %arg11[%dma_start3A_64, %dma_start3A_65] : memref<80x128xf32, #tpu.memory_space<vmem>> -> memref<80x128xf32, #tpu.memory_space<vmem>>
        tpu.enqueue_dma source(%dma_start3A_66 : memref<80x128xf32, #tpu.memory_space<vmem>>) target(%dma_start3A_63 : memref<80x128xf32, #tpu.memory_space<vmem_shared>>) target_semaphore(%run_scoped3A : memref<!tpu.dma_semaphore, #tpu.memory_space<semaphore_mem>>)
        %dma_wait3A = arith.constant 0 : i32
        %dma_wait3A_67 = arith.constant 0 : i32
        %dma_wait3A_68 = tpu.memref_slice %arg11[%dma_wait3A, %dma_wait3A_67] : memref<80x128xf32, #tpu.memory_space<vmem>> -> memref<80x128xf32, #tpu.memory_space<vmem>>
        %dma_wait3A_69 = arith.constant 0 : i32
        %dma_wait3A_70 = tpu.memref_slice %arg8[%add3A_24, %dma_wait3A_69] : memref<10000x128xf32, #tpu.memory_space<vmem_shared>> -> memref<80x128xf32, #tpu.memory_space<vmem_shared>>
        %dma_wait3A_71 = arith.constant 0 : i32
        %dma_wait3A_72 = tpu.memref_slice %arg8[%add3A_24, %dma_wait3A_71] : memref<10000x128xf32, #tpu.memory_space<vmem_shared>> -> memref<80x128xf32, #tpu.memory_space<vmem_shared>>
        %dma_wait3A_73 = arith.constant 0 : i32
        %dma_wait3A_74 = arith.constant 0 : i32
        %dma_wait3A_75 = tpu.memref_slice %arg11[%dma_wait3A_73, %dma_wait3A_74] : memref<80x128xf32, #tpu.memory_space<vmem>> -> memref<80x128xf32, #tpu.memory_space<vmem>>
        tpu.wait_dma2 semaphore(%run_scoped3A : memref<!tpu.dma_semaphore, #tpu.memory_space<semaphore_mem>>) src(%dma_wait3A_75 : memref<80x128xf32, #tpu.memory_space<vmem>>) dst(%dma_wait3A_72 : memref<80x128xf32, #tpu.memory_space<vmem_shared>>)
        tpu.yield
      }) : () -> ()
      %add3A_25 = arith.constant 400 : i32
      %add3A_26 = arith.addi %mul3A_15, %add3A_25 : i32
      "tpu.region"() ({
        %run_scoped3A = tpu.sem_alloc : memref<!tpu.dma_semaphore, #tpu.memory_space<semaphore_mem>>
        %dma_start3A_57 = arith.constant 0 : i32
        %dma_start3A_58 = arith.constant 0 : i32
        %dma_start3A_59 = tpu.memref_slice %arg11[%dma_start3A_57, %dma_start3A_58] : memref<80x128xf32, #tpu.memory_space<vmem>> -> memref<80x128xf32, #tpu.memory_space<vmem>>
        %dma_start3A_60 = arith.constant 0 : i32
        %dma_start3A_61 = tpu.memref_slice %arg8[%add3A_26, %dma_start3A_60] : memref<10000x128xf32, #tpu.memory_space<vmem_shared>> -> memref<80x128xf32, #tpu.memory_space<vmem_shared>>
        %dma_start3A_62 = arith.constant 0 : i32
        %dma_start3A_63 = tpu.memref_slice %arg8[%add3A_26, %dma_start3A_62] : memref<10000x128xf32, #tpu.memory_space<vmem_shared>> -> memref<80x128xf32, #tpu.memory_space<vmem_shared>>
        %dma_start3A_64 = arith.constant 0 : i32
        %dma_start3A_65 = arith.constant 0 : i32
        %dma_start3A_66 = tpu.memref_slice %arg11[%dma_start3A_64, %dma_start3A_65] : memref<80x128xf32, #tpu.memory_space<vmem>> -> memref<80x128xf32, #tpu.memory_space<vmem>>
        tpu.enqueue_dma source(%dma_start3A_66 : memref<80x128xf32, #tpu.memory_space<vmem>>) target(%dma_start3A_63 : memref<80x128xf32, #tpu.memory_space<vmem_shared>>) target_semaphore(%run_scoped3A : memref<!tpu.dma_semaphore, #tpu.memory_space<semaphore_mem>>)
        %dma_wait3A = arith.constant 0 : i32
        %dma_wait3A_67 = arith.constant 0 : i32
        %dma_wait3A_68 = tpu.memref_slice %arg11[%dma_wait3A, %dma_wait3A_67] : memref<80x128xf32, #tpu.memory_space<vmem>> -> memref<80x128xf32, #tpu.memory_space<vmem>>
        %dma_wait3A_69 = arith.constant 0 : i32
        %dma_wait3A_70 = tpu.memref_slice %arg8[%add3A_26, %dma_wait3A_69] : memref<10000x128xf32, #tpu.memory_space<vmem_shared>> -> memref<80x128xf32, #tpu.memory_space<vmem_shared>>
        %dma_wait3A_71 = arith.constant 0 : i32
        %dma_wait3A_72 = tpu.memref_slice %arg8[%add3A_26, %dma_wait3A_71] : memref<10000x128xf32, #tpu.memory_space<vmem_shared>> -> memref<80x128xf32, #tpu.memory_space<vmem_shared>>
        %dma_wait3A_73 = arith.constant 0 : i32
        %dma_wait3A_74 = arith.constant 0 : i32
        %dma_wait3A_75 = tpu.memref_slice %arg11[%dma_wait3A_73, %dma_wait3A_74] : memref<80x128xf32, #tpu.memory_space<vmem>> -> memref<80x128xf32, #tpu.memory_space<vmem>>
        tpu.wait_dma2 semaphore(%run_scoped3A : memref<!tpu.dma_semaphore, #tpu.memory_space<semaphore_mem>>) src(%dma_wait3A_75 : memref<80x128xf32, #tpu.memory_space<vmem>>) dst(%dma_wait3A_72 : memref<80x128xf32, #tpu.memory_space<vmem_shared>>)
        tpu.yield
      }) : () -> ()
      %add3A_27 = arith.constant 480 : i32
      %add3A_28 = arith.addi %mul3A_15, %add3A_27 : i32
      "tpu.region"() ({
        %run_scoped3A = tpu.sem_alloc : memref<!tpu.dma_semaphore, #tpu.memory_space<semaphore_mem>>
        %dma_start3A_57 = arith.constant 0 : i32
        %dma_start3A_58 = arith.constant 0 : i32
        %dma_start3A_59 = tpu.memref_slice %arg11[%dma_start3A_57, %dma_start3A_58] : memref<80x128xf32, #tpu.memory_space<vmem>> -> memref<80x128xf32, #tpu.memory_space<vmem>>
        %dma_start3A_60 = arith.constant 0 : i32
        %dma_start3A_61 = tpu.memref_slice %arg8[%add3A_28, %dma_start3A_60] : memref<10000x128xf32, #tpu.memory_space<vmem_shared>> -> memref<80x128xf32, #tpu.memory_space<vmem_shared>>
        %dma_start3A_62 = arith.constant 0 : i32
        %dma_start3A_63 = tpu.memref_slice %arg8[%add3A_28, %dma_start3A_62] : memref<10000x128xf32, #tpu.memory_space<vmem_shared>> -> memref<80x128xf32, #tpu.memory_space<vmem_shared>>
        %dma_start3A_64 = arith.constant 0 : i32
        %dma_start3A_65 = arith.constant 0 : i32
        %dma_start3A_66 = tpu.memref_slice %arg11[%dma_start3A_64, %dma_start3A_65] : memref<80x128xf32, #tpu.memory_space<vmem>> -> memref<80x128xf32, #tpu.memory_space<vmem>>
        tpu.enqueue_dma source(%dma_start3A_66 : memref<80x128xf32, #tpu.memory_space<vmem>>) target(%dma_start3A_63 : memref<80x128xf32, #tpu.memory_space<vmem_shared>>) target_semaphore(%run_scoped3A : memref<!tpu.dma_semaphore, #tpu.memory_space<semaphore_mem>>)
        %dma_wait3A = arith.constant 0 : i32
        %dma_wait3A_67 = arith.constant 0 : i32
        %dma_wait3A_68 = tpu.memref_slice %arg11[%dma_wait3A, %dma_wait3A_67] : memref<80x128xf32, #tpu.memory_space<vmem>> -> memref<80x128xf32, #tpu.memory_space<vmem>>
        %dma_wait3A_69 = arith.constant 0 : i32
        %dma_wait3A_70 = tpu.memref_slice %arg8[%add3A_28, %dma_wait3A_69] : memref<10000x128xf32, #tpu.memory_space<vmem_shared>> -> memref<80x128xf32, #tpu.memory_space<vmem_shared>>
        %dma_wait3A_71 = arith.constant 0 : i32
        %dma_wait3A_72 = tpu.memref_slice %arg8[%add3A_28, %dma_wait3A_71] : memref<10000x128xf32, #tpu.memory_space<vmem_shared>> -> memref<80x128xf32, #tpu.memory_space<vmem_shared>>
        %dma_wait3A_73 = arith.constant 0 : i32
        %dma_wait3A_74 = arith.constant 0 : i32
        %dma_wait3A_75 = tpu.memref_slice %arg11[%dma_wait3A_73, %dma_wait3A_74] : memref<80x128xf32, #tpu.memory_space<vmem>> -> memref<80x128xf32, #tpu.memory_space<vmem>>
        tpu.wait_dma2 semaphore(%run_scoped3A : memref<!tpu.dma_semaphore, #tpu.memory_space<semaphore_mem>>) src(%dma_wait3A_75 : memref<80x128xf32, #tpu.memory_space<vmem>>) dst(%dma_wait3A_72 : memref<80x128xf32, #tpu.memory_space<vmem_shared>>)
        tpu.yield
      }) : () -> ()
      %add3A_29 = arith.constant 560 : i32
      %add3A_30 = arith.addi %mul3A_15, %add3A_29 : i32
      "tpu.region"() ({
        %run_scoped3A = tpu.sem_alloc : memref<!tpu.dma_semaphore, #tpu.memory_space<semaphore_mem>>
        %dma_start3A_57 = arith.constant 0 : i32
        %dma_start3A_58 = arith.constant 0 : i32
        %dma_start3A_59 = tpu.memref_slice %arg11[%dma_start3A_57, %dma_start3A_58] : memref<80x128xf32, #tpu.memory_space<vmem>> -> memref<64x128xf32, #tpu.memory_space<vmem>>
        %dma_start3A_60 = arith.constant 0 : i32
        %dma_start3A_61 = tpu.memref_slice %arg8[%add3A_30, %dma_start3A_60] : memref<10000x128xf32, #tpu.memory_space<vmem_shared>> -> memref<64x128xf32, #tpu.memory_space<vmem_shared>>
        %dma_start3A_62 = arith.constant 0 : i32
        %dma_start3A_63 = tpu.memref_slice %arg8[%add3A_30, %dma_start3A_62] : memref<10000x128xf32, #tpu.memory_space<vmem_shared>> -> memref<64x128xf32, #tpu.memory_space<vmem_shared>>
        %dma_start3A_64 = arith.constant 0 : i32
        %dma_start3A_65 = arith.constant 0 : i32
        %dma_start3A_66 = tpu.memref_slice %arg11[%dma_start3A_64, %dma_start3A_65] : memref<80x128xf32, #tpu.memory_space<vmem>> -> memref<64x128xf32, #tpu.memory_space<vmem>>
        tpu.enqueue_dma source(%dma_start3A_66 : memref<64x128xf32, #tpu.memory_space<vmem>>) target(%dma_start3A_63 : memref<64x128xf32, #tpu.memory_space<vmem_shared>>) target_semaphore(%run_scoped3A : memref<!tpu.dma_semaphore, #tpu.memory_space<semaphore_mem>>)
        %dma_wait3A = arith.constant 0 : i32
        %dma_wait3A_67 = arith.constant 0 : i32
        %dma_wait3A_68 = tpu.memref_slice %arg11[%dma_wait3A, %dma_wait3A_67] : memref<80x128xf32, #tpu.memory_space<vmem>> -> memref<64x128xf32, #tpu.memory_space<vmem>>
        %dma_wait3A_69 = arith.constant 0 : i32
        %dma_wait3A_70 = tpu.memref_slice %arg8[%add3A_30, %dma_wait3A_69] : memref<10000x128xf32, #tpu.memory_space<vmem_shared>> -> memref<64x128xf32, #tpu.memory_space<vmem_shared>>
        %dma_wait3A_71 = arith.constant 0 : i32
        %dma_wait3A_72 = tpu.memref_slice %arg8[%add3A_30, %dma_wait3A_71] : memref<10000x128xf32, #tpu.memory_space<vmem_shared>> -> memref<64x128xf32, #tpu.memory_space<vmem_shared>>
        %dma_wait3A_73 = arith.constant 0 : i32
        %dma_wait3A_74 = arith.constant 0 : i32
        %dma_wait3A_75 = tpu.memref_slice %arg11[%dma_wait3A_73, %dma_wait3A_74] : memref<80x128xf32, #tpu.memory_space<vmem>> -> memref<64x128xf32, #tpu.memory_space<vmem>>
        tpu.wait_dma2 semaphore(%run_scoped3A : memref<!tpu.dma_semaphore, #tpu.memory_space<semaphore_mem>>) src(%dma_wait3A_75 : memref<64x128xf32, #tpu.memory_space<vmem>>) dst(%dma_wait3A_72 : memref<64x128xf32, #tpu.memory_space<vmem_shared>>)
        tpu.yield
      }) : () -> ()
      %eq3A_31 = arith.constant 0 : i32
      %eq3A_32 = arith.cmpi eq, %arg1, %eq3A_31 : i32
      %convert_element_type3A_33 = arith.extui %eq3A_32 : i1 to i32
      %cond3A_34 = arith.constant 0 : i32
      %cond3A_35 = arith.cmpi ne, %convert_element_type3A_33, %cond3A_34 : i32
      scf.if %cond3A_35 {
        "tpu.region"() ({
          %run_scoped3A = tpu.sem_alloc : memref<!tpu.dma_semaphore, #tpu.memory_space<semaphore_mem>>
          %dma_start3A_57 = arith.constant 0 : i32
          %dma_start3A_58 = arith.constant 0 : i32
          %dma_start3A_59 = tpu.memref_slice %arg11[%dma_start3A_57, %dma_start3A_58] : memref<80x128xf32, #tpu.memory_space<vmem>> -> memref<16x128xf32, #tpu.memory_space<vmem>>
          %dma_start3A_60 = arith.constant 9984 : i32
          %dma_start3A_61 = arith.constant 0 : i32
          %dma_start3A_62 = tpu.memref_slice %arg8[%dma_start3A_60, %dma_start3A_61] : memref<10000x128xf32, #tpu.memory_space<vmem_shared>> -> memref<16x128xf32, #tpu.memory_space<vmem_shared>>
          %dma_start3A_63 = arith.constant 9984 : i32
          %dma_start3A_64 = arith.constant 0 : i32
          %dma_start3A_65 = tpu.memref_slice %arg8[%dma_start3A_63, %dma_start3A_64] : memref<10000x128xf32, #tpu.memory_space<vmem_shared>> -> memref<16x128xf32, #tpu.memory_space<vmem_shared>>
          %dma_start3A_66 = arith.constant 0 : i32
          %dma_start3A_67 = arith.constant 0 : i32
          %dma_start3A_68 = tpu.memref_slice %arg11[%dma_start3A_66, %dma_start3A_67] : memref<80x128xf32, #tpu.memory_space<vmem>> -> memref<16x128xf32, #tpu.memory_space<vmem>>
          tpu.enqueue_dma source(%dma_start3A_68 : memref<16x128xf32, #tpu.memory_space<vmem>>) target(%dma_start3A_65 : memref<16x128xf32, #tpu.memory_space<vmem_shared>>) target_semaphore(%run_scoped3A : memref<!tpu.dma_semaphore, #tpu.memory_space<semaphore_mem>>)
          %dma_wait3A = arith.constant 0 : i32
          %dma_wait3A_69 = arith.constant 0 : i32
          %dma_wait3A_70 = tpu.memref_slice %arg11[%dma_wait3A, %dma_wait3A_69] : memref<80x128xf32, #tpu.memory_space<vmem>> -> memref<16x128xf32, #tpu.memory_space<vmem>>
          %dma_wait3A_71 = arith.constant 9984 : i32
          %dma_wait3A_72 = arith.constant 0 : i32
          %dma_wait3A_73 = tpu.memref_slice %arg8[%dma_wait3A_71, %dma_wait3A_72] : memref<10000x128xf32, #tpu.memory_space<vmem_shared>> -> memref<16x128xf32, #tpu.memory_space<vmem_shared>>
          %dma_wait3A_74 = arith.constant 9984 : i32
          %dma_wait3A_75 = arith.constant 0 : i32
          %dma_wait3A_76 = tpu.memref_slice %arg8[%dma_wait3A_74, %dma_wait3A_75] : memref<10000x128xf32, #tpu.memory_space<vmem_shared>> -> memref<16x128xf32, #tpu.memory_space<vmem_shared>>
          %dma_wait3A_77 = arith.constant 0 : i32
          %dma_wait3A_78 = arith.constant 0 : i32
          %dma_wait3A_79 = tpu.memref_slice %arg11[%dma_wait3A_77, %dma_wait3A_78] : memref<80x128xf32, #tpu.memory_space<vmem>> -> memref<16x128xf32, #tpu.memory_space<vmem>>
          tpu.wait_dma2 semaphore(%run_scoped3A : memref<!tpu.dma_semaphore, #tpu.memory_space<semaphore_mem>>) src(%dma_wait3A_79 : memref<16x128xf32, #tpu.memory_space<vmem>>) dst(%dma_wait3A_76 : memref<16x128xf32, #tpu.memory_space<vmem_shared>>)
          tpu.yield
        }) : () -> ()
      } else {
      }
      %barrier3A = arith.constant 0 : index
      tpu.barrier barrier_id(%barrier3A)
      %dma_start3A = arith.constant 0 : i32
      %dma_start3A_36 = tpu.memref_slice %arg9[%dma_start3A] : memref<10000xi32, #tpu.memory_space<vmem>> -> memref<80xi32, #tpu.memory_space<vmem>>
      %dma_start3A_37 = arith.constant 0 : i32
      %dma_start3A_38 = arith.constant 0 : i32
      %dma_start3A_39 = tpu.memref_slice %arg2[%dma_start3A_37, %dma_start3A_38] : memref<10000x128xf32, #tpu.memory_space<hbm>> -> memref<10000x128xf32, #tpu.memory_space<hbm>>
      tpu.enqueue_indirect_dma source(%dma_start3A_39 : memref<10000x128xf32, #tpu.memory_space<hbm>>) target(%arg11 : memref<80x128xf32, #tpu.memory_space<vmem>>) offsets(%dma_start3A_36 : memref<80xi32, #tpu.memory_space<vmem>>) semaphore(%arg13 : memref<!tpu.dma_semaphore, #tpu.memory_space<semaphore_mem>>)
      %dma_start3A_40 = arith.constant 80 : i32
      %dma_start3A_41 = tpu.memref_slice %arg9[%dma_start3A_40] : memref<10000xi32, #tpu.memory_space<vmem>> -> memref<80xi32, #tpu.memory_space<vmem>>
      %dma_start3A_42 = arith.constant 0 : i32
      %dma_start3A_43 = arith.constant 0 : i32
      %dma_start3A_44 = tpu.memref_slice %arg2[%dma_start3A_42, %dma_start3A_43] : memref<10000x128xf32, #tpu.memory_space<hbm>> -> memref<10000x128xf32, #tpu.memory_space<hbm>>
      tpu.enqueue_indirect_dma source(%dma_start3A_44 : memref<10000x128xf32, #tpu.memory_space<hbm>>) target(%arg12 : memref<80x128xf32, #tpu.memory_space<vmem>>) offsets(%dma_start3A_41 : memref<80xi32, #tpu.memory_space<vmem>>) semaphore(%arg14 : memref<!tpu.dma_semaphore, #tpu.memory_space<semaphore_mem>>)
      %scan3A_45 = arith.constant 0 : i32
      %scan3A_46 = arith.constant 0 : i32
      %scan3A_47 = arith.constant 63 : i32
      %scan3A_48 = arith.addi %scan3A_46, %scan3A_47 : i32
      %scan3A_49 = arith.constant 1 : i32
      scf.for %scan3A_57 = %scan3A_46 to %scan3A_48 step %scan3A_49  : i32 {
        %mul3A_58 = arith.constant 2 : i32
        %mul3A_59 = arith.muli %mul3A_58, %scan3A_57 : i32
        %add3A_60 = arith.constant 0 : i32
        %add3A_61 = arith.addi %mul3A_59, %add3A_60 : i32
        %lt3A = arith.constant 125 : i32
        %lt3A_62 = arith.cmpi slt, %add3A_61, %lt3A : i32
        %convert_element_type3A_63 = arith.extui %lt3A_62 : i1 to i32
        %cond3A_64 = arith.constant 0 : i32
        %cond3A_65 = arith.cmpi ne, %convert_element_type3A_63, %cond3A_64 : i32
        scf.if %cond3A_65 {
          %dma_wait3A = arith.constant 0 : i32
          %dma_wait3A_75 = tpu.memref_slice %arg9[%dma_wait3A] : memref<10000xi32, #tpu.memory_space<vmem>> -> memref<80xi32, #tpu.memory_space<vmem>>
          %dma_wait3A_76 = arith.constant 0 : i32
          %dma_wait3A_77 = arith.constant 0 : i32
          %dma_wait3A_78 = tpu.memref_slice %arg2[%dma_wait3A_76, %dma_wait3A_77] : memref<10000x128xf32, #tpu.memory_space<hbm>> -> memref<10000x128xf32, #tpu.memory_space<hbm>>
          tpu.wait_indirect_dma semaphore(%arg13 : memref<!tpu.dma_semaphore, #tpu.memory_space<semaphore_mem>>) src(%dma_wait3A_78 : memref<10000x128xf32, #tpu.memory_space<hbm>>) dst(%arg11 : memref<80x128xf32, #tpu.memory_space<vmem>>)
          "tpu.region"() ({
            %run_scoped3A = tpu.sem_alloc : memref<!tpu.dma_semaphore, #tpu.memory_space<semaphore_mem>>
            %dma_start3A_86 = arith.constant 0 : i32
            %dma_start3A_87 = tpu.memref_slice %arg10[%add3A_61, %dma_start3A_86] : memref<125x80xi32, #tpu.memory_space<vmem>> -> memref<1x80xi32, #tpu.memory_space<vmem>>
            %dma_start3A_88 = tpu.memref_squeeze %dma_start3A_87 : memref<1x80xi32, #tpu.memory_space<vmem>> -> memref<80xi32, #tpu.memory_space<vmem>>
            %dma_start3A_89 = arith.constant 0 : i32
            %dma_start3A_90 = arith.constant 0 : i32
            %dma_start3A_91 = tpu.memref_slice %arg8[%dma_start3A_89, %dma_start3A_90] : memref<10000x128xf32, #tpu.memory_space<vmem_shared>> -> memref<10000x128xf32, #tpu.memory_space<vmem_shared>>
            tpu.enqueue_indirect_dma source(%arg11 : memref<80x128xf32, #tpu.memory_space<vmem>>) target(%dma_start3A_91 : memref<10000x128xf32, #tpu.memory_space<vmem_shared>>) offsets(%dma_start3A_88 : memref<80xi32, #tpu.memory_space<vmem>>) semaphore(%run_scoped3A : memref<!tpu.dma_semaphore, #tpu.memory_space<semaphore_mem>>) {add = true}
            %dma_wait3A_92 = arith.constant 0 : i32
            %dma_wait3A_93 = tpu.memref_slice %arg10[%add3A_61, %dma_wait3A_92] : memref<125x80xi32, #tpu.memory_space<vmem>> -> memref<1x80xi32, #tpu.memory_space<vmem>>
            %dma_wait3A_94 = tpu.memref_squeeze %dma_wait3A_93 : memref<1x80xi32, #tpu.memory_space<vmem>> -> memref<80xi32, #tpu.memory_space<vmem>>
            %dma_wait3A_95 = arith.constant 0 : i32
            %dma_wait3A_96 = arith.constant 0 : i32
            %dma_wait3A_97 = tpu.memref_slice %arg8[%dma_wait3A_95, %dma_wait3A_96] : memref<10000x128xf32, #tpu.memory_space<vmem_shared>> -> memref<10000x128xf32, #tpu.memory_space<vmem_shared>>
            tpu.wait_indirect_dma semaphore(%run_scoped3A : memref<!tpu.dma_semaphore, #tpu.memory_space<semaphore_mem>>) src(%arg11 : memref<80x128xf32, #tpu.memory_space<vmem>>) dst(%dma_wait3A_97 : memref<10000x128xf32, #tpu.memory_space<vmem_shared>>)
            tpu.yield
          }) : () -> ()
          %add3A_79 = arith.constant 2 : i32
          %add3A_80 = arith.addi %add3A_61, %add3A_79 : i32
          %lt3A_81 = arith.constant 125 : i32
          %lt3A_82 = arith.cmpi slt, %add3A_80, %lt3A_81 : i32
          %convert_element_type3A_83 = arith.extui %lt3A_82 : i1 to i32
          %cond3A_84 = arith.constant 0 : i32
          %cond3A_85 = arith.cmpi ne, %convert_element_type3A_83, %cond3A_84 : i32
          scf.if %cond3A_85 {
            %mul3A_86 = arith.constant 80 : i32
            %mul3A_87 = arith.muli %add3A_80, %mul3A_86 : i32
            %dma_start3A_88 = tpu.memref_slice %arg9[%mul3A_87] : memref<10000xi32, #tpu.memory_space<vmem>> -> memref<80xi32, #tpu.memory_space<vmem>>
            %dma_start3A_89 = arith.constant 0 : i32
            %dma_start3A_90 = arith.constant 0 : i32
            %dma_start3A_91 = tpu.memref_slice %arg2[%dma_start3A_89, %dma_start3A_90] : memref<10000x128xf32, #tpu.memory_space<hbm>> -> memref<10000x128xf32, #tpu.memory_space<hbm>>
            tpu.enqueue_indirect_dma source(%dma_start3A_91 : memref<10000x128xf32, #tpu.memory_space<hbm>>) target(%arg11 : memref<80x128xf32, #tpu.memory_space<vmem>>) offsets(%dma_start3A_88 : memref<80xi32, #tpu.memory_space<vmem>>) semaphore(%arg13 : memref<!tpu.dma_semaphore, #tpu.memory_space<semaphore_mem>>)
          } else {
          }
        } else {
        }
        %mul3A_66 = arith.constant 2 : i32
        %mul3A_67 = arith.muli %mul3A_66, %scan3A_57 : i32
        %add3A_68 = arith.constant 1 : i32
        %add3A_69 = arith.addi %mul3A_67, %add3A_68 : i32
        %lt3A_70 = arith.constant 125 : i32
        %lt3A_71 = arith.cmpi slt, %add3A_69, %lt3A_70 : i32
        %convert_element_type3A_72 = arith.extui %lt3A_71 : i1 to i32
        %cond3A_73 = arith.constant 0 : i32
        %cond3A_74 = arith.cmpi ne, %convert_element_type3A_72, %cond3A_73 : i32
        scf.if %cond3A_74 {
          %dma_wait3A = arith.constant 0 : i32
          %dma_wait3A_75 = tpu.memref_slice %arg9[%dma_wait3A] : memref<10000xi32, #tpu.memory_space<vmem>> -> memref<80xi32, #tpu.memory_space<vmem>>
          %dma_wait3A_76 = arith.constant 0 : i32
          %dma_wait3A_77 = arith.constant 0 : i32
          %dma_wait3A_78 = tpu.memref_slice %arg2[%dma_wait3A_76, %dma_wait3A_77] : memref<10000x128xf32, #tpu.memory_space<hbm>> -> memref<10000x128xf32, #tpu.memory_space<hbm>>
          tpu.wait_indirect_dma semaphore(%arg14 : memref<!tpu.dma_semaphore, #tpu.memory_space<semaphore_mem>>) src(%dma_wait3A_78 : memref<10000x128xf32, #tpu.memory_space<hbm>>) dst(%arg12 : memref<80x128xf32, #tpu.memory_space<vmem>>)
          "tpu.region"() ({
            %run_scoped3A = tpu.sem_alloc : memref<!tpu.dma_semaphore, #tpu.memory_space<semaphore_mem>>
            %dma_start3A_86 = arith.constant 0 : i32
            %dma_start3A_87 = tpu.memref_slice %arg10[%add3A_69, %dma_start3A_86] : memref<125x80xi32, #tpu.memory_space<vmem>> -> memref<1x80xi32, #tpu.memory_space<vmem>>
            %dma_start3A_88 = tpu.memref_squeeze %dma_start3A_87 : memref<1x80xi32, #tpu.memory_space<vmem>> -> memref<80xi32, #tpu.memory_space<vmem>>
            %dma_start3A_89 = arith.constant 0 : i32
            %dma_start3A_90 = arith.constant 0 : i32
            %dma_start3A_91 = tpu.memref_slice %arg8[%dma_start3A_89, %dma_start3A_90] : memref<10000x128xf32, #tpu.memory_space<vmem_shared>> -> memref<10000x128xf32, #tpu.memory_space<vmem_shared>>
            tpu.enqueue_indirect_dma source(%arg12 : memref<80x128xf32, #tpu.memory_space<vmem>>) target(%dma_start3A_91 : memref<10000x128xf32, #tpu.memory_space<vmem_shared>>) offsets(%dma_start3A_88 : memref<80xi32, #tpu.memory_space<vmem>>) semaphore(%run_scoped3A : memref<!tpu.dma_semaphore, #tpu.memory_space<semaphore_mem>>) {add = true}
            %dma_wait3A_92 = arith.constant 0 : i32
            %dma_wait3A_93 = tpu.memref_slice %arg10[%add3A_69, %dma_wait3A_92] : memref<125x80xi32, #tpu.memory_space<vmem>> -> memref<1x80xi32, #tpu.memory_space<vmem>>
            %dma_wait3A_94 = tpu.memref_squeeze %dma_wait3A_93 : memref<1x80xi32, #tpu.memory_space<vmem>> -> memref<80xi32, #tpu.memory_space<vmem>>
            %dma_wait3A_95 = arith.constant 0 : i32
            %dma_wait3A_96 = arith.constant 0 : i32
            %dma_wait3A_97 = tpu.memref_slice %arg8[%dma_wait3A_95, %dma_wait3A_96] : memref<10000x128xf32, #tpu.memory_space<vmem_shared>> -> memref<10000x128xf32, #tpu.memory_space<vmem_shared>>
            tpu.wait_indirect_dma semaphore(%run_scoped3A : memref<!tpu.dma_semaphore, #tpu.memory_space<semaphore_mem>>) src(%arg12 : memref<80x128xf32, #tpu.memory_space<vmem>>) dst(%dma_wait3A_97 : memref<10000x128xf32, #tpu.memory_space<vmem_shared>>)
            tpu.yield
          }) : () -> ()
          %add3A_79 = arith.constant 2 : i32
          %add3A_80 = arith.addi %add3A_69, %add3A_79 : i32
          %lt3A_81 = arith.constant 125 : i32
          %lt3A_82 = arith.cmpi slt, %add3A_80, %lt3A_81 : i32
          %convert_element_type3A_83 = arith.extui %lt3A_82 : i1 to i32
          %cond3A_84 = arith.constant 0 : i32
          %cond3A_85 = arith.cmpi ne, %convert_element_type3A_83, %cond3A_84 : i32
          scf.if %cond3A_85 {
            %mul3A_86 = arith.constant 80 : i32
            %mul3A_87 = arith.muli %add3A_80, %mul3A_86 : i32
            %dma_start3A_88 = tpu.memref_slice %arg9[%mul3A_87] : memref<10000xi32, #tpu.memory_space<vmem>> -> memref<80xi32, #tpu.memory_space<vmem>>
            %dma_start3A_89 = arith.constant 0 : i32
            %dma_start3A_90 = arith.constant 0 : i32
            %dma_start3A_91 = tpu.memref_slice %arg2[%dma_start3A_89, %dma_start3A_90] : memref<10000x128xf32, #tpu.memory_space<hbm>> -> memref<10000x128xf32, #tpu.memory_space<hbm>>
            tpu.enqueue_indirect_dma source(%dma_start3A_91 : memref<10000x128xf32, #tpu.memory_space<hbm>>) target(%arg12 : memref<80x128xf32, #tpu.memory_space<vmem>>) offsets(%dma_start3A_88 : memref<80xi32, #tpu.memory_space<vmem>>) semaphore(%arg14 : memref<!tpu.dma_semaphore, #tpu.memory_space<semaphore_mem>>)
          } else {
          }
        } else {
        }
      }
      %scan3A_50 = arith.constant 63 : i32
      %barrier3A_51 = arith.constant 0 : index
      tpu.barrier barrier_id(%barrier3A_51)
      "tpu.region"() ({
        %run_scoped3A = tpu.sem_alloc : memref<!tpu.dma_semaphore, #tpu.memory_space<semaphore_mem>>
        %dma_start3A_57 = arith.constant 0 : i32
        %dma_start3A_58 = tpu.memref_slice %arg6[%mul3A_15, %dma_start3A_57] : memref<10000x128xf32, #tpu.memory_space<hbm>> -> memref<624x128xf32, #tpu.memory_space<hbm>>
        %dma_start3A_59 = arith.constant 0 : i32
        %dma_start3A_60 = tpu.memref_slice %arg8[%mul3A_15, %dma_start3A_59] : memref<10000x128xf32, #tpu.memory_space<vmem_shared>> -> memref<624x128xf32, #tpu.memory_space<vmem_shared>>
        tpu.enqueue_dma source(%dma_start3A_60 : memref<624x128xf32, #tpu.memory_space<vmem_shared>>) target(%dma_start3A_58 : memref<624x128xf32, #tpu.memory_space<hbm>>) target_semaphore(%run_scoped3A : memref<!tpu.dma_semaphore, #tpu.memory_space<semaphore_mem>>)
        %dma_wait3A = arith.constant 0 : i32
        %dma_wait3A_61 = tpu.memref_slice %arg6[%mul3A_15, %dma_wait3A] : memref<10000x128xf32, #tpu.memory_space<hbm>> -> memref<624x128xf32, #tpu.memory_space<hbm>>
        %dma_wait3A_62 = arith.constant 0 : i32
        %dma_wait3A_63 = tpu.memref_slice %arg8[%mul3A_15, %dma_wait3A_62] : memref<10000x128xf32, #tpu.memory_space<vmem_shared>> -> memref<624x128xf32, #tpu.memory_space<vmem_shared>>
        tpu.wait_dma2 semaphore(%run_scoped3A : memref<!tpu.dma_semaphore, #tpu.memory_space<semaphore_mem>>) src(%dma_wait3A_63 : memref<624x128xf32, #tpu.memory_space<vmem_shared>>) dst(%dma_wait3A_61 : memref<624x128xf32, #tpu.memory_space<hbm>>)
        tpu.yield
      }) : () -> ()
      %eq3A_52 = arith.constant 0 : i32
      %eq3A_53 = arith.cmpi eq, %arg1, %eq3A_52 : i32
      %convert_element_type3A_54 = arith.extui %eq3A_53 : i1 to i32
      %cond3A_55 = arith.constant 0 : i32
      %cond3A_56 = arith.cmpi ne, %convert_element_type3A_54, %cond3A_55 : i32
      scf.if %cond3A_56 {
        "tpu.region"() ({
          %run_scoped3A = tpu.sem_alloc : memref<!tpu.dma_semaphore, #tpu.memory_space<semaphore_mem>>
          %dma_start3A_57 = arith.constant 9984 : i32
          %dma_start3A_58 = arith.constant 0 : i32
          %dma_start3A_59 = tpu.memref_slice %arg6[%dma_start3A_57, %dma_start3A_58] : memref<10000x128xf32, #tpu.memory_space<hbm>> -> memref<16x128xf32, #tpu.memory_space<hbm>>
          %dma_start3A_60 = arith.constant 9984 : i32
          %dma_start3A_61 = arith.constant 0 : i32
          %dma_start3A_62 = tpu.memref_slice %arg8[%dma_start3A_60, %dma_start3A_61] : memref<10000x128xf32, #tpu.memory_space<vmem_shared>> -> memref<16x128xf32, #tpu.memory_space<vmem_shared>>
          tpu.enqueue_dma source(%dma_start3A_62 : memref<16x128xf32, #tpu.memory_space<vmem_shared>>) target(%dma_start3A_59 : memref<16x128xf32, #tpu.memory_space<hbm>>) target_semaphore(%run_scoped3A : memref<!tpu.dma_semaphore, #tpu.memory_space<semaphore_mem>>)
          %dma_wait3A = arith.constant 9984 : i32
          %dma_wait3A_63 = arith.constant 0 : i32
          %dma_wait3A_64 = tpu.memref_slice %arg6[%dma_wait3A, %dma_wait3A_63] : memref<10000x128xf32, #tpu.memory_space<hbm>> -> memref<16x128xf32, #tpu.memory_space<hbm>>
          %dma_wait3A_65 = arith.constant 9984 : i32
          %dma_wait3A_66 = arith.constant 0 : i32
          %dma_wait3A_67 = tpu.memref_slice %arg8[%dma_wait3A_65, %dma_wait3A_66] : memref<10000x128xf32, #tpu.memory_space<vmem_shared>> -> memref<16x128xf32, #tpu.memory_space<vmem_shared>>
          tpu.wait_dma2 semaphore(%run_scoped3A : memref<!tpu.dma_semaphore, #tpu.memory_space<semaphore_mem>>) src(%dma_wait3A_67 : memref<16x128xf32, #tpu.memory_space<vmem_shared>>) dst(%dma_wait3A_64 : memref<16x128xf32, #tpu.memory_space<hbm>>)
          tpu.yield
        }) : () -> ()
      } else {
      }
    } else {
    }
    %eq3A_4 = arith.constant 1 : i32
    %eq3A_5 = arith.cmpi eq, %arg0, %eq3A_4 : i32
    %convert_element_type3A_6 = arith.extui %eq3A_5 : i1 to i32
    %cond3A_7 = arith.constant 0 : i32
    %cond3A_8 = arith.cmpi ne, %convert_element_type3A_6, %cond3A_7 : i32
    scf.if %cond3A_8 {
      %scan3A = arith.constant 0 : i32
      %scan3A_9 = arith.constant 0 : i32
      %scan3A_10 = arith.constant 80 : i32
      %scan3A_11 = arith.addi %scan3A_9, %scan3A_10 : i32
      %scan3A_12 = arith.constant 1 : i32
      scf.for %scan3A_57 = %scan3A_9 to %scan3A_11 step %scan3A_12  : i32 {
        %swap3A = arith.index_cast %scan3A_57 : i32 to index
        %swap3A_58 = arith.constant 0 : index
        %swap3A_59 = tpu.vector_load %arg11[%swap3A, %swap3A_58] {strides = array<i32>} : memref<80x128xf32, #tpu.memory_space<vmem>>, vector<1x16xf32>,
        %swap3A_60 = vector.shape_cast %swap3A_59 : vector<1x16xf32> to vector<16xf32>
        %swap3A_61 = vector.shape_cast %broadcast_in_dim3A_0 : vector<16xf32> to vector<1x16xf32>
        tpu.vector_store %arg11[%swap3A, %swap3A_58], %swap3A_61 {strides = array<i32>} : memref<80x128xf32, #tpu.memory_space<vmem>>, vector<1x16xf32>,
        %swap3A_62 = arith.index_cast %scan3A_57 : i32 to index
        %swap3A_63 = arith.constant 16 : index
        %swap3A_64 = tpu.vector_load %arg11[%swap3A_62, %swap3A_63] {strides = array<i32>} : memref<80x128xf32, #tpu.memory_space<vmem>>, vector<1x16xf32>,
        %swap3A_65 = vector.shape_cast %swap3A_64 : vector<1x16xf32> to vector<16xf32>
        %swap3A_66 = vector.shape_cast %broadcast_in_dim3A_0 : vector<16xf32> to vector<1x16xf32>
        tpu.vector_store %arg11[%swap3A_62, %swap3A_63], %swap3A_66 {strides = array<i32>} : memref<80x128xf32, #tpu.memory_space<vmem>>, vector<1x16xf32>,
        %swap3A_67 = arith.index_cast %scan3A_57 : i32 to index
        %swap3A_68 = arith.constant 32 : index
        %swap3A_69 = tpu.vector_load %arg11[%swap3A_67, %swap3A_68] {strides = array<i32>} : memref<80x128xf32, #tpu.memory_space<vmem>>, vector<1x16xf32>,
        %swap3A_70 = vector.shape_cast %swap3A_69 : vector<1x16xf32> to vector<16xf32>
        %swap3A_71 = vector.shape_cast %broadcast_in_dim3A_0 : vector<16xf32> to vector<1x16xf32>
        tpu.vector_store %arg11[%swap3A_67, %swap3A_68], %swap3A_71 {strides = array<i32>} : memref<80x128xf32, #tpu.memory_space<vmem>>, vector<1x16xf32>,
        %swap3A_72 = arith.index_cast %scan3A_57 : i32 to index
        %swap3A_73 = arith.constant 48 : index
        %swap3A_74 = tpu.vector_load %arg11[%swap3A_72, %swap3A_73] {strides = array<i32>} : memref<80x128xf32, #tpu.memory_space<vmem>>, vector<1x16xf32>,
        %swap3A_75 = vector.shape_cast %swap3A_74 : vector<1x16xf32> to vector<16xf32>
        %swap3A_76 = vector.shape_cast %broadcast_in_dim3A_0 : vector<16xf32> to vector<1x16xf32>
        tpu.vector_store %arg11[%swap3A_72, %swap3A_73], %swap3A_76 {strides = array<i32>} : memref<80x128xf32, #tpu.memory_space<vmem>>, vector<1x16xf32>,
        %swap3A_77 = arith.index_cast %scan3A_57 : i32 to index
        %swap3A_78 = arith.constant 64 : index
        %swap3A_79 = tpu.vector_load %arg11[%swap3A_77, %swap3A_78] {strides = array<i32>} : memref<80x128xf32, #tpu.memory_space<vmem>>, vector<1x16xf32>,
        %swap3A_80 = vector.shape_cast %swap3A_79 : vector<1x16xf32> to vector<16xf32>
        %swap3A_81 = vector.shape_cast %broadcast_in_dim3A_0 : vector<16xf32> to vector<1x16xf32>
        tpu.vector_store %arg11[%swap3A_77, %swap3A_78], %swap3A_81 {strides = array<i32>} : memref<80x128xf32, #tpu.memory_space<vmem>>, vector<1x16xf32>,
        %swap3A_82 = arith.index_cast %scan3A_57 : i32 to index
        %swap3A_83 = arith.constant 80 : index
        %swap3A_84 = tpu.vector_load %arg11[%swap3A_82, %swap3A_83] {strides = array<i32>} : memref<80x128xf32, #tpu.memory_space<vmem>>, vector<1x16xf32>,
        %swap3A_85 = vector.shape_cast %swap3A_84 : vector<1x16xf32> to vector<16xf32>
        %swap3A_86 = vector.shape_cast %broadcast_in_dim3A_0 : vector<16xf32> to vector<1x16xf32>
        tpu.vector_store %arg11[%swap3A_82, %swap3A_83], %swap3A_86 {strides = array<i32>} : memref<80x128xf32, #tpu.memory_space<vmem>>, vector<1x16xf32>,
        %swap3A_87 = arith.index_cast %scan3A_57 : i32 to index
        %swap3A_88 = arith.constant 96 : index
        %swap3A_89 = tpu.vector_load %arg11[%swap3A_87, %swap3A_88] {strides = array<i32>} : memref<80x128xf32, #tpu.memory_space<vmem>>, vector<1x16xf32>,
        %swap3A_90 = vector.shape_cast %swap3A_89 : vector<1x16xf32> to vector<16xf32>
        %swap3A_91 = vector.shape_cast %broadcast_in_dim3A_0 : vector<16xf32> to vector<1x16xf32>
        tpu.vector_store %arg11[%swap3A_87, %swap3A_88], %swap3A_91 {strides = array<i32>} : memref<80x128xf32, #tpu.memory_space<vmem>>, vector<1x16xf32>,
        %swap3A_92 = arith.index_cast %scan3A_57 : i32 to index
        %swap3A_93 = arith.constant 112 : index
        %swap3A_94 = tpu.vector_load %arg11[%swap3A_92, %swap3A_93] {strides = array<i32>} : memref<80x128xf32, #tpu.memory_space<vmem>>, vector<1x16xf32>,
        %swap3A_95 = vector.shape_cast %swap3A_94 : vector<1x16xf32> to vector<16xf32>
        %swap3A_96 = vector.shape_cast %broadcast_in_dim3A_0 : vector<16xf32> to vector<1x16xf32>
        tpu.vector_store %arg11[%swap3A_92, %swap3A_93], %swap3A_96 {strides = array<i32>} : memref<80x128xf32, #tpu.memory_space<vmem>>, vector<1x16xf32>,
      }
      %scan3A_13 = arith.constant 80 : i32
      %mul3A_14 = arith.constant 624 : i32
      %mul3A_15 = arith.muli %arg1, %mul3A_14 : i32
      %add3A = arith.constant 0 : i32
      %add3A_16 = arith.addi %mul3A_15, %add3A : i32
      "tpu.region"() ({
        %run_scoped3A = tpu.sem_alloc : memref<!tpu.dma_semaphore, #tpu.memory_space<semaphore_mem>>
        %dma_start3A_57 = arith.constant 0 : i32
        %dma_start3A_58 = arith.constant 0 : i32
        %dma_start3A_59 = tpu.memref_slice %arg11[%dma_start3A_57, %dma_start3A_58] : memref<80x128xf32, #tpu.memory_space<vmem>> -> memref<80x128xf32, #tpu.memory_space<vmem>>
        %dma_start3A_60 = arith.constant 0 : i32
        %dma_start3A_61 = tpu.memref_slice %arg8[%add3A_16, %dma_start3A_60] : memref<10000x128xf32, #tpu.memory_space<vmem_shared>> -> memref<80x128xf32, #tpu.memory_space<vmem_shared>>
        %dma_start3A_62 = arith.constant 0 : i32
        %dma_start3A_63 = tpu.memref_slice %arg8[%add3A_16, %dma_start3A_62] : memref<10000x128xf32, #tpu.memory_space<vmem_shared>> -> memref<80x128xf32, #tpu.memory_space<vmem_shared>>
        %dma_start3A_64 = arith.constant 0 : i32
        %dma_start3A_65 = arith.constant 0 : i32
        %dma_start3A_66 = tpu.memref_slice %arg11[%dma_start3A_64, %dma_start3A_65] : memref<80x128xf32, #tpu.memory_space<vmem>> -> memref<80x128xf32, #tpu.memory_space<vmem>>
        tpu.enqueue_dma source(%dma_start3A_66 : memref<80x128xf32, #tpu.memory_space<vmem>>) target(%dma_start3A_63 : memref<80x128xf32, #tpu.memory_space<vmem_shared>>) target_semaphore(%run_scoped3A : memref<!tpu.dma_semaphore, #tpu.memory_space<semaphore_mem>>)
        %dma_wait3A = arith.constant 0 : i32
        %dma_wait3A_67 = arith.constant 0 : i32
        %dma_wait3A_68 = tpu.memref_slice %arg11[%dma_wait3A, %dma_wait3A_67] : memref<80x128xf32, #tpu.memory_space<vmem>> -> memref<80x128xf32, #tpu.memory_space<vmem>>
        %dma_wait3A_69 = arith.constant 0 : i32
        %dma_wait3A_70 = tpu.memref_slice %arg8[%add3A_16, %dma_wait3A_69] : memref<10000x128xf32, #tpu.memory_space<vmem_shared>> -> memref<80x128xf32, #tpu.memory_space<vmem_shared>>
        %dma_wait3A_71 = arith.constant 0 : i32
        %dma_wait3A_72 = tpu.memref_slice %arg8[%add3A_16, %dma_wait3A_71] : memref<10000x128xf32, #tpu.memory_space<vmem_shared>> -> memref<80x128xf32, #tpu.memory_space<vmem_shared>>
        %dma_wait3A_73 = arith.constant 0 : i32
        %dma_wait3A_74 = arith.constant 0 : i32
        %dma_wait3A_75 = tpu.memref_slice %arg11[%dma_wait3A_73, %dma_wait3A_74] : memref<80x128xf32, #tpu.memory_space<vmem>> -> memref<80x128xf32, #tpu.memory_space<vmem>>
        tpu.wait_dma2 semaphore(%run_scoped3A : memref<!tpu.dma_semaphore, #tpu.memory_space<semaphore_mem>>) src(%dma_wait3A_75 : memref<80x128xf32, #tpu.memory_space<vmem>>) dst(%dma_wait3A_72 : memref<80x128xf32, #tpu.memory_space<vmem_shared>>)
        tpu.yield
      }) : () -> ()
      %add3A_17 = arith.constant 80 : i32
      %add3A_18 = arith.addi %mul3A_15, %add3A_17 : i32
      "tpu.region"() ({
        %run_scoped3A = tpu.sem_alloc : memref<!tpu.dma_semaphore, #tpu.memory_space<semaphore_mem>>
        %dma_start3A_57 = arith.constant 0 : i32
        %dma_start3A_58 = arith.constant 0 : i32
        %dma_start3A_59 = tpu.memref_slice %arg11[%dma_start3A_57, %dma_start3A_58] : memref<80x128xf32, #tpu.memory_space<vmem>> -> memref<80x128xf32, #tpu.memory_space<vmem>>
        %dma_start3A_60 = arith.constant 0 : i32
        %dma_start3A_61 = tpu.memref_slice %arg8[%add3A_18, %dma_start3A_60] : memref<10000x128xf32, #tpu.memory_space<vmem_shared>> -> memref<80x128xf32, #tpu.memory_space<vmem_shared>>
        %dma_start3A_62 = arith.constant 0 : i32
        %dma_start3A_63 = tpu.memref_slice %arg8[%add3A_18, %dma_start3A_62] : memref<10000x128xf32, #tpu.memory_space<vmem_shared>> -> memref<80x128xf32, #tpu.memory_space<vmem_shared>>
        %dma_start3A_64 = arith.constant 0 : i32
        %dma_start3A_65 = arith.constant 0 : i32
        %dma_start3A_66 = tpu.memref_slice %arg11[%dma_start3A_64, %dma_start3A_65] : memref<80x128xf32, #tpu.memory_space<vmem>> -> memref<80x128xf32, #tpu.memory_space<vmem>>
        tpu.enqueue_dma source(%dma_start3A_66 : memref<80x128xf32, #tpu.memory_space<vmem>>) target(%dma_start3A_63 : memref<80x128xf32, #tpu.memory_space<vmem_shared>>) target_semaphore(%run_scoped3A : memref<!tpu.dma_semaphore, #tpu.memory_space<semaphore_mem>>)
        %dma_wait3A = arith.constant 0 : i32
        %dma_wait3A_67 = arith.constant 0 : i32
        %dma_wait3A_68 = tpu.memref_slice %arg11[%dma_wait3A, %dma_wait3A_67] : memref<80x128xf32, #tpu.memory_space<vmem>> -> memref<80x128xf32, #tpu.memory_space<vmem>>
        %dma_wait3A_69 = arith.constant 0 : i32
        %dma_wait3A_70 = tpu.memref_slice %arg8[%add3A_18, %dma_wait3A_69] : memref<10000x128xf32, #tpu.memory_space<vmem_shared>> -> memref<80x128xf32, #tpu.memory_space<vmem_shared>>
        %dma_wait3A_71 = arith.constant 0 : i32
        %dma_wait3A_72 = tpu.memref_slice %arg8[%add3A_18, %dma_wait3A_71] : memref<10000x128xf32, #tpu.memory_space<vmem_shared>> -> memref<80x128xf32, #tpu.memory_space<vmem_shared>>
        %dma_wait3A_73 = arith.constant 0 : i32
        %dma_wait3A_74 = arith.constant 0 : i32
        %dma_wait3A_75 = tpu.memref_slice %arg11[%dma_wait3A_73, %dma_wait3A_74] : memref<80x128xf32, #tpu.memory_space<vmem>> -> memref<80x128xf32, #tpu.memory_space<vmem>>
        tpu.wait_dma2 semaphore(%run_scoped3A : memref<!tpu.dma_semaphore, #tpu.memory_space<semaphore_mem>>) src(%dma_wait3A_75 : memref<80x128xf32, #tpu.memory_space<vmem>>) dst(%dma_wait3A_72 : memref<80x128xf32, #tpu.memory_space<vmem_shared>>)
        tpu.yield
      }) : () -> ()
      %add3A_19 = arith.constant 160 : i32
      %add3A_20 = arith.addi %mul3A_15, %add3A_19 : i32
      "tpu.region"() ({
        %run_scoped3A = tpu.sem_alloc : memref<!tpu.dma_semaphore, #tpu.memory_space<semaphore_mem>>
        %dma_start3A_57 = arith.constant 0 : i32
        %dma_start3A_58 = arith.constant 0 : i32
        %dma_start3A_59 = tpu.memref_slice %arg11[%dma_start3A_57, %dma_start3A_58] : memref<80x128xf32, #tpu.memory_space<vmem>> -> memref<80x128xf32, #tpu.memory_space<vmem>>
        %dma_start3A_60 = arith.constant 0 : i32
        %dma_start3A_61 = tpu.memref_slice %arg8[%add3A_20, %dma_start3A_60] : memref<10000x128xf32, #tpu.memory_space<vmem_shared>> -> memref<80x128xf32, #tpu.memory_space<vmem_shared>>
        %dma_start3A_62 = arith.constant 0 : i32
        %dma_start3A_63 = tpu.memref_slice %arg8[%add3A_20, %dma_start3A_62] : memref<10000x128xf32, #tpu.memory_space<vmem_shared>> -> memref<80x128xf32, #tpu.memory_space<vmem_shared>>
        %dma_start3A_64 = arith.constant 0 : i32
        %dma_start3A_65 = arith.constant 0 : i32
        %dma_start3A_66 = tpu.memref_slice %arg11[%dma_start3A_64, %dma_start3A_65] : memref<80x128xf32, #tpu.memory_space<vmem>> -> memref<80x128xf32, #tpu.memory_space<vmem>>
        tpu.enqueue_dma source(%dma_start3A_66 : memref<80x128xf32, #tpu.memory_space<vmem>>) target(%dma_start3A_63 : memref<80x128xf32, #tpu.memory_space<vmem_shared>>) target_semaphore(%run_scoped3A : memref<!tpu.dma_semaphore, #tpu.memory_space<semaphore_mem>>)
        %dma_wait3A = arith.constant 0 : i32
        %dma_wait3A_67 = arith.constant 0 : i32
        %dma_wait3A_68 = tpu.memref_slice %arg11[%dma_wait3A, %dma_wait3A_67] : memref<80x128xf32, #tpu.memory_space<vmem>> -> memref<80x128xf32, #tpu.memory_space<vmem>>
        %dma_wait3A_69 = arith.constant 0 : i32
        %dma_wait3A_70 = tpu.memref_slice %arg8[%add3A_20, %dma_wait3A_69] : memref<10000x128xf32, #tpu.memory_space<vmem_shared>> -> memref<80x128xf32, #tpu.memory_space<vmem_shared>>
        %dma_wait3A_71 = arith.constant 0 : i32
        %dma_wait3A_72 = tpu.memref_slice %arg8[%add3A_20, %dma_wait3A_71] : memref<10000x128xf32, #tpu.memory_space<vmem_shared>> -> memref<80x128xf32, #tpu.memory_space<vmem_shared>>
        %dma_wait3A_73 = arith.constant 0 : i32
        %dma_wait3A_74 = arith.constant 0 : i32
        %dma_wait3A_75 = tpu.memref_slice %arg11[%dma_wait3A_73, %dma_wait3A_74] : memref<80x128xf32, #tpu.memory_space<vmem>> -> memref<80x128xf32, #tpu.memory_space<vmem>>
        tpu.wait_dma2 semaphore(%run_scoped3A : memref<!tpu.dma_semaphore, #tpu.memory_space<semaphore_mem>>) src(%dma_wait3A_75 : memref<80x128xf32, #tpu.memory_space<vmem>>) dst(%dma_wait3A_72 : memref<80x128xf32, #tpu.memory_space<vmem_shared>>)
        tpu.yield
      }) : () -> ()
      %add3A_21 = arith.constant 240 : i32
      %add3A_22 = arith.addi %mul3A_15, %add3A_21 : i32
      "tpu.region"() ({
        %run_scoped3A = tpu.sem_alloc : memref<!tpu.dma_semaphore, #tpu.memory_space<semaphore_mem>>
        %dma_start3A_57 = arith.constant 0 : i32
        %dma_start3A_58 = arith.constant 0 : i32
        %dma_start3A_59 = tpu.memref_slice %arg11[%dma_start3A_57, %dma_start3A_58] : memref<80x128xf32, #tpu.memory_space<vmem>> -> memref<80x128xf32, #tpu.memory_space<vmem>>
        %dma_start3A_60 = arith.constant 0 : i32
        %dma_start3A_61 = tpu.memref_slice %arg8[%add3A_22, %dma_start3A_60] : memref<10000x128xf32, #tpu.memory_space<vmem_shared>> -> memref<80x128xf32, #tpu.memory_space<vmem_shared>>
        %dma_start3A_62 = arith.constant 0 : i32
        %dma_start3A_63 = tpu.memref_slice %arg8[%add3A_22, %dma_start3A_62] : memref<10000x128xf32, #tpu.memory_space<vmem_shared>> -> memref<80x128xf32, #tpu.memory_space<vmem_shared>>
        %dma_start3A_64 = arith.constant 0 : i32
        %dma_start3A_65 = arith.constant 0 : i32
        %dma_start3A_66 = tpu.memref_slice %arg11[%dma_start3A_64, %dma_start3A_65] : memref<80x128xf32, #tpu.memory_space<vmem>> -> memref<80x128xf32, #tpu.memory_space<vmem>>
        tpu.enqueue_dma source(%dma_start3A_66 : memref<80x128xf32, #tpu.memory_space<vmem>>) target(%dma_start3A_63 : memref<80x128xf32, #tpu.memory_space<vmem_shared>>) target_semaphore(%run_scoped3A : memref<!tpu.dma_semaphore, #tpu.memory_space<semaphore_mem>>)
        %dma_wait3A = arith.constant 0 : i32
        %dma_wait3A_67 = arith.constant 0 : i32
        %dma_wait3A_68 = tpu.memref_slice %arg11[%dma_wait3A, %dma_wait3A_67] : memref<80x128xf32, #tpu.memory_space<vmem>> -> memref<80x128xf32, #tpu.memory_space<vmem>>
        %dma_wait3A_69 = arith.constant 0 : i32
        %dma_wait3A_70 = tpu.memref_slice %arg8[%add3A_22, %dma_wait3A_69] : memref<10000x128xf32, #tpu.memory_space<vmem_shared>> -> memref<80x128xf32, #tpu.memory_space<vmem_shared>>
        %dma_wait3A_71 = arith.constant 0 : i32
        %dma_wait3A_72 = tpu.memref_slice %arg8[%add3A_22, %dma_wait3A_71] : memref<10000x128xf32, #tpu.memory_space<vmem_shared>> -> memref<80x128xf32, #tpu.memory_space<vmem_shared>>
        %dma_wait3A_73 = arith.constant 0 : i32
        %dma_wait3A_74 = arith.constant 0 : i32
        %dma_wait3A_75 = tpu.memref_slice %arg11[%dma_wait3A_73, %dma_wait3A_74] : memref<80x128xf32, #tpu.memory_space<vmem>> -> memref<80x128xf32, #tpu.memory_space<vmem>>
        tpu.wait_dma2 semaphore(%run_scoped3A : memref<!tpu.dma_semaphore, #tpu.memory_space<semaphore_mem>>) src(%dma_wait3A_75 : memref<80x128xf32, #tpu.memory_space<vmem>>) dst(%dma_wait3A_72 : memref<80x128xf32, #tpu.memory_space<vmem_shared>>)
        tpu.yield
      }) : () -> ()
      %add3A_23 = arith.constant 320 : i32
      %add3A_24 = arith.addi %mul3A_15, %add3A_23 : i32
      "tpu.region"() ({
        %run_scoped3A = tpu.sem_alloc : memref<!tpu.dma_semaphore, #tpu.memory_space<semaphore_mem>>
        %dma_start3A_57 = arith.constant 0 : i32
        %dma_start3A_58 = arith.constant 0 : i32
        %dma_start3A_59 = tpu.memref_slice %arg11[%dma_start3A_57, %dma_start3A_58] : memref<80x128xf32, #tpu.memory_space<vmem>> -> memref<80x128xf32, #tpu.memory_space<vmem>>
        %dma_start3A_60 = arith.constant 0 : i32
        %dma_start3A_61 = tpu.memref_slice %arg8[%add3A_24, %dma_start3A_60] : memref<10000x128xf32, #tpu.memory_space<vmem_shared>> -> memref<80x128xf32, #tpu.memory_space<vmem_shared>>
        %dma_start3A_62 = arith.constant 0 : i32
        %dma_start3A_63 = tpu.memref_slice %arg8[%add3A_24, %dma_start3A_62] : memref<10000x128xf32, #tpu.memory_space<vmem_shared>> -> memref<80x128xf32, #tpu.memory_space<vmem_shared>>
        %dma_start3A_64 = arith.constant 0 : i32
        %dma_start3A_65 = arith.constant 0 : i32
        %dma_start3A_66 = tpu.memref_slice %arg11[%dma_start3A_64, %dma_start3A_65] : memref<80x128xf32, #tpu.memory_space<vmem>> -> memref<80x128xf32, #tpu.memory_space<vmem>>
        tpu.enqueue_dma source(%dma_start3A_66 : memref<80x128xf32, #tpu.memory_space<vmem>>) target(%dma_start3A_63 : memref<80x128xf32, #tpu.memory_space<vmem_shared>>) target_semaphore(%run_scoped3A : memref<!tpu.dma_semaphore, #tpu.memory_space<semaphore_mem>>)
        %dma_wait3A = arith.constant 0 : i32
        %dma_wait3A_67 = arith.constant 0 : i32
        %dma_wait3A_68 = tpu.memref_slice %arg11[%dma_wait3A, %dma_wait3A_67] : memref<80x128xf32, #tpu.memory_space<vmem>> -> memref<80x128xf32, #tpu.memory_space<vmem>>
        %dma_wait3A_69 = arith.constant 0 : i32
        %dma_wait3A_70 = tpu.memref_slice %arg8[%add3A_24, %dma_wait3A_69] : memref<10000x128xf32, #tpu.memory_space<vmem_shared>> -> memref<80x128xf32, #tpu.memory_space<vmem_shared>>
        %dma_wait3A_71 = arith.constant 0 : i32
        %dma_wait3A_72 = tpu.memref_slice %arg8[%add3A_24, %dma_wait3A_71] : memref<10000x128xf32, #tpu.memory_space<vmem_shared>> -> memref<80x128xf32, #tpu.memory_space<vmem_shared>>
        %dma_wait3A_73 = arith.constant 0 : i32
        %dma_wait3A_74 = arith.constant 0 : i32
        %dma_wait3A_75 = tpu.memref_slice %arg11[%dma_wait3A_73, %dma_wait3A_74] : memref<80x128xf32, #tpu.memory_space<vmem>> -> memref<80x128xf32, #tpu.memory_space<vmem>>
        tpu.wait_dma2 semaphore(%run_scoped3A : memref<!tpu.dma_semaphore, #tpu.memory_space<semaphore_mem>>) src(%dma_wait3A_75 : memref<80x128xf32, #tpu.memory_space<vmem>>) dst(%dma_wait3A_72 : memref<80x128xf32, #tpu.memory_space<vmem_shared>>)
        tpu.yield
      }) : () -> ()
      %add3A_25 = arith.constant 400 : i32
      %add3A_26 = arith.addi %mul3A_15, %add3A_25 : i32
      "tpu.region"() ({
        %run_scoped3A = tpu.sem_alloc : memref<!tpu.dma_semaphore, #tpu.memory_space<semaphore_mem>>
        %dma_start3A_57 = arith.constant 0 : i32
        %dma_start3A_58 = arith.constant 0 : i32
        %dma_start3A_59 = tpu.memref_slice %arg11[%dma_start3A_57, %dma_start3A_58] : memref<80x128xf32, #tpu.memory_space<vmem>> -> memref<80x128xf32, #tpu.memory_space<vmem>>
        %dma_start3A_60 = arith.constant 0 : i32
        %dma_start3A_61 = tpu.memref_slice %arg8[%add3A_26, %dma_start3A_60] : memref<10000x128xf32, #tpu.memory_space<vmem_shared>> -> memref<80x128xf32, #tpu.memory_space<vmem_shared>>
        %dma_start3A_62 = arith.constant 0 : i32
        %dma_start3A_63 = tpu.memref_slice %arg8[%add3A_26, %dma_start3A_62] : memref<10000x128xf32, #tpu.memory_space<vmem_shared>> -> memref<80x128xf32, #tpu.memory_space<vmem_shared>>
        %dma_start3A_64 = arith.constant 0 : i32
        %dma_start3A_65 = arith.constant 0 : i32
        %dma_start3A_66 = tpu.memref_slice %arg11[%dma_start3A_64, %dma_start3A_65] : memref<80x128xf32, #tpu.memory_space<vmem>> -> memref<80x128xf32, #tpu.memory_space<vmem>>
        tpu.enqueue_dma source(%dma_start3A_66 : memref<80x128xf32, #tpu.memory_space<vmem>>) target(%dma_start3A_63 : memref<80x128xf32, #tpu.memory_space<vmem_shared>>) target_semaphore(%run_scoped3A : memref<!tpu.dma_semaphore, #tpu.memory_space<semaphore_mem>>)
        %dma_wait3A = arith.constant 0 : i32
        %dma_wait3A_67 = arith.constant 0 : i32
        %dma_wait3A_68 = tpu.memref_slice %arg11[%dma_wait3A, %dma_wait3A_67] : memref<80x128xf32, #tpu.memory_space<vmem>> -> memref<80x128xf32, #tpu.memory_space<vmem>>
        %dma_wait3A_69 = arith.constant 0 : i32
        %dma_wait3A_70 = tpu.memref_slice %arg8[%add3A_26, %dma_wait3A_69] : memref<10000x128xf32, #tpu.memory_space<vmem_shared>> -> memref<80x128xf32, #tpu.memory_space<vmem_shared>>
        %dma_wait3A_71 = arith.constant 0 : i32
        %dma_wait3A_72 = tpu.memref_slice %arg8[%add3A_26, %dma_wait3A_71] : memref<10000x128xf32, #tpu.memory_space<vmem_shared>> -> memref<80x128xf32, #tpu.memory_space<vmem_shared>>
        %dma_wait3A_73 = arith.constant 0 : i32
        %dma_wait3A_74 = arith.constant 0 : i32
        %dma_wait3A_75 = tpu.memref_slice %arg11[%dma_wait3A_73, %dma_wait3A_74] : memref<80x128xf32, #tpu.memory_space<vmem>> -> memref<80x128xf32, #tpu.memory_space<vmem>>
        tpu.wait_dma2 semaphore(%run_scoped3A : memref<!tpu.dma_semaphore, #tpu.memory_space<semaphore_mem>>) src(%dma_wait3A_75 : memref<80x128xf32, #tpu.memory_space<vmem>>) dst(%dma_wait3A_72 : memref<80x128xf32, #tpu.memory_space<vmem_shared>>)
        tpu.yield
      }) : () -> ()
      %add3A_27 = arith.constant 480 : i32
      %add3A_28 = arith.addi %mul3A_15, %add3A_27 : i32
      "tpu.region"() ({
        %run_scoped3A = tpu.sem_alloc : memref<!tpu.dma_semaphore, #tpu.memory_space<semaphore_mem>>
        %dma_start3A_57 = arith.constant 0 : i32
        %dma_start3A_58 = arith.constant 0 : i32
        %dma_start3A_59 = tpu.memref_slice %arg11[%dma_start3A_57, %dma_start3A_58] : memref<80x128xf32, #tpu.memory_space<vmem>> -> memref<80x128xf32, #tpu.memory_space<vmem>>
        %dma_start3A_60 = arith.constant 0 : i32
        %dma_start3A_61 = tpu.memref_slice %arg8[%add3A_28, %dma_start3A_60] : memref<10000x128xf32, #tpu.memory_space<vmem_shared>> -> memref<80x128xf32, #tpu.memory_space<vmem_shared>>
        %dma_start3A_62 = arith.constant 0 : i32
        %dma_start3A_63 = tpu.memref_slice %arg8[%add3A_28, %dma_start3A_62] : memref<10000x128xf32, #tpu.memory_space<vmem_shared>> -> memref<80x128xf32, #tpu.memory_space<vmem_shared>>
        %dma_start3A_64 = arith.constant 0 : i32
        %dma_start3A_65 = arith.constant 0 : i32
        %dma_start3A_66 = tpu.memref_slice %arg11[%dma_start3A_64, %dma_start3A_65] : memref<80x128xf32, #tpu.memory_space<vmem>> -> memref<80x128xf32, #tpu.memory_space<vmem>>
        tpu.enqueue_dma source(%dma_start3A_66 : memref<80x128xf32, #tpu.memory_space<vmem>>) target(%dma_start3A_63 : memref<80x128xf32, #tpu.memory_space<vmem_shared>>) target_semaphore(%run_scoped3A : memref<!tpu.dma_semaphore, #tpu.memory_space<semaphore_mem>>)
        %dma_wait3A = arith.constant 0 : i32
        %dma_wait3A_67 = arith.constant 0 : i32
        %dma_wait3A_68 = tpu.memref_slice %arg11[%dma_wait3A, %dma_wait3A_67] : memref<80x128xf32, #tpu.memory_space<vmem>> -> memref<80x128xf32, #tpu.memory_space<vmem>>
        %dma_wait3A_69 = arith.constant 0 : i32
        %dma_wait3A_70 = tpu.memref_slice %arg8[%add3A_28, %dma_wait3A_69] : memref<10000x128xf32, #tpu.memory_space<vmem_shared>> -> memref<80x128xf32, #tpu.memory_space<vmem_shared>>
        %dma_wait3A_71 = arith.constant 0 : i32
        %dma_wait3A_72 = tpu.memref_slice %arg8[%add3A_28, %dma_wait3A_71] : memref<10000x128xf32, #tpu.memory_space<vmem_shared>> -> memref<80x128xf32, #tpu.memory_space<vmem_shared>>
        %dma_wait3A_73 = arith.constant 0 : i32
        %dma_wait3A_74 = arith.constant 0 : i32
        %dma_wait3A_75 = tpu.memref_slice %arg11[%dma_wait3A_73, %dma_wait3A_74] : memref<80x128xf32, #tpu.memory_space<vmem>> -> memref<80x128xf32, #tpu.memory_space<vmem>>
        tpu.wait_dma2 semaphore(%run_scoped3A : memref<!tpu.dma_semaphore, #tpu.memory_space<semaphore_mem>>) src(%dma_wait3A_75 : memref<80x128xf32, #tpu.memory_space<vmem>>) dst(%dma_wait3A_72 : memref<80x128xf32, #tpu.memory_space<vmem_shared>>)
        tpu.yield
      }) : () -> ()
      %add3A_29 = arith.constant 560 : i32
      %add3A_30 = arith.addi %mul3A_15, %add3A_29 : i32
      "tpu.region"() ({
        %run_scoped3A = tpu.sem_alloc : memref<!tpu.dma_semaphore, #tpu.memory_space<semaphore_mem>>
        %dma_start3A_57 = arith.constant 0 : i32
        %dma_start3A_58 = arith.constant 0 : i32
        %dma_start3A_59 = tpu.memref_slice %arg11[%dma_start3A_57, %dma_start3A_58] : memref<80x128xf32, #tpu.memory_space<vmem>> -> memref<64x128xf32, #tpu.memory_space<vmem>>
        %dma_start3A_60 = arith.constant 0 : i32
        %dma_start3A_61 = tpu.memref_slice %arg8[%add3A_30, %dma_start3A_60] : memref<10000x128xf32, #tpu.memory_space<vmem_shared>> -> memref<64x128xf32, #tpu.memory_space<vmem_shared>>
        %dma_start3A_62 = arith.constant 0 : i32
        %dma_start3A_63 = tpu.memref_slice %arg8[%add3A_30, %dma_start3A_62] : memref<10000x128xf32, #tpu.memory_space<vmem_shared>> -> memref<64x128xf32, #tpu.memory_space<vmem_shared>>
        %dma_start3A_64 = arith.constant 0 : i32
        %dma_start3A_65 = arith.constant 0 : i32
        %dma_start3A_66 = tpu.memref_slice %arg11[%dma_start3A_64, %dma_start3A_65] : memref<80x128xf32, #tpu.memory_space<vmem>> -> memref<64x128xf32, #tpu.memory_space<vmem>>
        tpu.enqueue_dma source(%dma_start3A_66 : memref<64x128xf32, #tpu.memory_space<vmem>>) target(%dma_start3A_63 : memref<64x128xf32, #tpu.memory_space<vmem_shared>>) target_semaphore(%run_scoped3A : memref<!tpu.dma_semaphore, #tpu.memory_space<semaphore_mem>>)
        %dma_wait3A = arith.constant 0 : i32
        %dma_wait3A_67 = arith.constant 0 : i32
        %dma_wait3A_68 = tpu.memref_slice %arg11[%dma_wait3A, %dma_wait3A_67] : memref<80x128xf32, #tpu.memory_space<vmem>> -> memref<64x128xf32, #tpu.memory_space<vmem>>
        %dma_wait3A_69 = arith.constant 0 : i32
        %dma_wait3A_70 = tpu.memref_slice %arg8[%add3A_30, %dma_wait3A_69] : memref<10000x128xf32, #tpu.memory_space<vmem_shared>> -> memref<64x128xf32, #tpu.memory_space<vmem_shared>>
        %dma_wait3A_71 = arith.constant 0 : i32
        %dma_wait3A_72 = tpu.memref_slice %arg8[%add3A_30, %dma_wait3A_71] : memref<10000x128xf32, #tpu.memory_space<vmem_shared>> -> memref<64x128xf32, #tpu.memory_space<vmem_shared>>
        %dma_wait3A_73 = arith.constant 0 : i32
        %dma_wait3A_74 = arith.constant 0 : i32
        %dma_wait3A_75 = tpu.memref_slice %arg11[%dma_wait3A_73, %dma_wait3A_74] : memref<80x128xf32, #tpu.memory_space<vmem>> -> memref<64x128xf32, #tpu.memory_space<vmem>>
        tpu.wait_dma2 semaphore(%run_scoped3A : memref<!tpu.dma_semaphore, #tpu.memory_space<semaphore_mem>>) src(%dma_wait3A_75 : memref<64x128xf32, #tpu.memory_space<vmem>>) dst(%dma_wait3A_72 : memref<64x128xf32, #tpu.memory_space<vmem_shared>>)
        tpu.yield
      }) : () -> ()
      %eq3A_31 = arith.constant 0 : i32
      %eq3A_32 = arith.cmpi eq, %arg1, %eq3A_31 : i32
      %convert_element_type3A_33 = arith.extui %eq3A_32 : i1 to i32
      %cond3A_34 = arith.constant 0 : i32
      %cond3A_35 = arith.cmpi ne, %convert_element_type3A_33, %cond3A_34 : i32
      scf.if %cond3A_35 {
        "tpu.region"() ({
          %run_scoped3A = tpu.sem_alloc : memref<!tpu.dma_semaphore, #tpu.memory_space<semaphore_mem>>
          %dma_start3A_57 = arith.constant 0 : i32
          %dma_start3A_58 = arith.constant 0 : i32
          %dma_start3A_59 = tpu.memref_slice %arg11[%dma_start3A_57, %dma_start3A_58] : memref<80x128xf32, #tpu.memory_space<vmem>> -> memref<16x128xf32, #tpu.memory_space<vmem>>
          %dma_start3A_60 = arith.constant 9984 : i32
          %dma_start3A_61 = arith.constant 0 : i32
          %dma_start3A_62 = tpu.memref_slice %arg8[%dma_start3A_60, %dma_start3A_61] : memref<10000x128xf32, #tpu.memory_space<vmem_shared>> -> memref<16x128xf32, #tpu.memory_space<vmem_shared>>
          %dma_start3A_63 = arith.constant 9984 : i32
          %dma_start3A_64 = arith.constant 0 : i32
          %dma_start3A_65 = tpu.memref_slice %arg8[%dma_start3A_63, %dma_start3A_64] : memref<10000x128xf32, #tpu.memory_space<vmem_shared>> -> memref<16x128xf32, #tpu.memory_space<vmem_shared>>
          %dma_start3A_66 = arith.constant 0 : i32
          %dma_start3A_67 = arith.constant 0 : i32
          %dma_start3A_68 = tpu.memref_slice %arg11[%dma_start3A_66, %dma_start3A_67] : memref<80x128xf32, #tpu.memory_space<vmem>> -> memref<16x128xf32, #tpu.memory_space<vmem>>
          tpu.enqueue_dma source(%dma_start3A_68 : memref<16x128xf32, #tpu.memory_space<vmem>>) target(%dma_start3A_65 : memref<16x128xf32, #tpu.memory_space<vmem_shared>>) target_semaphore(%run_scoped3A : memref<!tpu.dma_semaphore, #tpu.memory_space<semaphore_mem>>)
          %dma_wait3A = arith.constant 0 : i32
          %dma_wait3A_69 = arith.constant 0 : i32
          %dma_wait3A_70 = tpu.memref_slice %arg11[%dma_wait3A, %dma_wait3A_69] : memref<80x128xf32, #tpu.memory_space<vmem>> -> memref<16x128xf32, #tpu.memory_space<vmem>>
          %dma_wait3A_71 = arith.constant 9984 : i32
          %dma_wait3A_72 = arith.constant 0 : i32
          %dma_wait3A_73 = tpu.memref_slice %arg8[%dma_wait3A_71, %dma_wait3A_72] : memref<10000x128xf32, #tpu.memory_space<vmem_shared>> -> memref<16x128xf32, #tpu.memory_space<vmem_shared>>
          %dma_wait3A_74 = arith.constant 9984 : i32
          %dma_wait3A_75 = arith.constant 0 : i32
          %dma_wait3A_76 = tpu.memref_slice %arg8[%dma_wait3A_74, %dma_wait3A_75] : memref<10000x128xf32, #tpu.memory_space<vmem_shared>> -> memref<16x128xf32, #tpu.memory_space<vmem_shared>>
          %dma_wait3A_77 = arith.constant 0 : i32
          %dma_wait3A_78 = arith.constant 0 : i32
          %dma_wait3A_79 = tpu.memref_slice %arg11[%dma_wait3A_77, %dma_wait3A_78] : memref<80x128xf32, #tpu.memory_space<vmem>> -> memref<16x128xf32, #tpu.memory_space<vmem>>
          tpu.wait_dma2 semaphore(%run_scoped3A : memref<!tpu.dma_semaphore, #tpu.memory_space<semaphore_mem>>) src(%dma_wait3A_79 : memref<16x128xf32, #tpu.memory_space<vmem>>) dst(%dma_wait3A_76 : memref<16x128xf32, #tpu.memory_space<vmem_shared>>)
          tpu.yield
        }) : () -> ()
      } else {
      }
      %barrier3A = arith.constant 0 : index
      tpu.barrier barrier_id(%barrier3A)
      %dma_start3A = arith.constant 0 : i32
      %dma_start3A_36 = tpu.memref_slice %arg9[%dma_start3A] : memref<10000xi32, #tpu.memory_space<vmem>> -> memref<80xi32, #tpu.memory_space<vmem>>
      %dma_start3A_37 = arith.constant 0 : i32
      %dma_start3A_38 = arith.constant 0 : i32
      %dma_start3A_39 = tpu.memref_slice %arg3[%dma_start3A_37, %dma_start3A_38] : memref<10000x128xf32, #tpu.memory_space<hbm>> -> memref<10000x128xf32, #tpu.memory_space<hbm>>
      tpu.enqueue_indirect_dma source(%dma_start3A_39 : memref<10000x128xf32, #tpu.memory_space<hbm>>) target(%arg11 : memref<80x128xf32, #tpu.memory_space<vmem>>) offsets(%dma_start3A_36 : memref<80xi32, #tpu.memory_space<vmem>>) semaphore(%arg13 : memref<!tpu.dma_semaphore, #tpu.memory_space<semaphore_mem>>)
      %dma_start3A_40 = arith.constant 80 : i32
      %dma_start3A_41 = tpu.memref_slice %arg9[%dma_start3A_40] : memref<10000xi32, #tpu.memory_space<vmem>> -> memref<80xi32, #tpu.memory_space<vmem>>
      %dma_start3A_42 = arith.constant 0 : i32
      %dma_start3A_43 = arith.constant 0 : i32
      %dma_start3A_44 = tpu.memref_slice %arg3[%dma_start3A_42, %dma_start3A_43] : memref<10000x128xf32, #tpu.memory_space<hbm>> -> memref<10000x128xf32, #tpu.memory_space<hbm>>
      tpu.enqueue_indirect_dma source(%dma_start3A_44 : memref<10000x128xf32, #tpu.memory_space<hbm>>) target(%arg12 : memref<80x128xf32, #tpu.memory_space<vmem>>) offsets(%dma_start3A_41 : memref<80xi32, #tpu.memory_space<vmem>>) semaphore(%arg14 : memref<!tpu.dma_semaphore, #tpu.memory_space<semaphore_mem>>)
      %scan3A_45 = arith.constant 0 : i32
      %scan3A_46 = arith.constant 0 : i32
      %scan3A_47 = arith.constant 63 : i32
      %scan3A_48 = arith.addi %scan3A_46, %scan3A_47 : i32
      %scan3A_49 = arith.constant 1 : i32
      scf.for %scan3A_57 = %scan3A_46 to %scan3A_48 step %scan3A_49  : i32 {
        %mul3A_58 = arith.constant 2 : i32
        %mul3A_59 = arith.muli %mul3A_58, %scan3A_57 : i32
        %add3A_60 = arith.constant 0 : i32
        %add3A_61 = arith.addi %mul3A_59, %add3A_60 : i32
        %lt3A = arith.constant 125 : i32
        %lt3A_62 = arith.cmpi slt, %add3A_61, %lt3A : i32
        %convert_element_type3A_63 = arith.extui %lt3A_62 : i1 to i32
        %cond3A_64 = arith.constant 0 : i32
        %cond3A_65 = arith.cmpi ne, %convert_element_type3A_63, %cond3A_64 : i32
        scf.if %cond3A_65 {
          %dma_wait3A = arith.constant 0 : i32
          %dma_wait3A_75 = tpu.memref_slice %arg9[%dma_wait3A] : memref<10000xi32, #tpu.memory_space<vmem>> -> memref<80xi32, #tpu.memory_space<vmem>>
          %dma_wait3A_76 = arith.constant 0 : i32
          %dma_wait3A_77 = arith.constant 0 : i32
          %dma_wait3A_78 = tpu.memref_slice %arg3[%dma_wait3A_76, %dma_wait3A_77] : memref<10000x128xf32, #tpu.memory_space<hbm>> -> memref<10000x128xf32, #tpu.memory_space<hbm>>
          tpu.wait_indirect_dma semaphore(%arg13 : memref<!tpu.dma_semaphore, #tpu.memory_space<semaphore_mem>>) src(%dma_wait3A_78 : memref<10000x128xf32, #tpu.memory_space<hbm>>) dst(%arg11 : memref<80x128xf32, #tpu.memory_space<vmem>>)
          "tpu.region"() ({
            %run_scoped3A = tpu.sem_alloc : memref<!tpu.dma_semaphore, #tpu.memory_space<semaphore_mem>>
            %dma_start3A_86 = arith.constant 0 : i32
            %dma_start3A_87 = tpu.memref_slice %arg10[%add3A_61, %dma_start3A_86] : memref<125x80xi32, #tpu.memory_space<vmem>> -> memref<1x80xi32, #tpu.memory_space<vmem>>
            %dma_start3A_88 = tpu.memref_squeeze %dma_start3A_87 : memref<1x80xi32, #tpu.memory_space<vmem>> -> memref<80xi32, #tpu.memory_space<vmem>>
            %dma_start3A_89 = arith.constant 0 : i32
            %dma_start3A_90 = arith.constant 0 : i32
            %dma_start3A_91 = tpu.memref_slice %arg8[%dma_start3A_89, %dma_start3A_90] : memref<10000x128xf32, #tpu.memory_space<vmem_shared>> -> memref<10000x128xf32, #tpu.memory_space<vmem_shared>>
            tpu.enqueue_indirect_dma source(%arg11 : memref<80x128xf32, #tpu.memory_space<vmem>>) target(%dma_start3A_91 : memref<10000x128xf32, #tpu.memory_space<vmem_shared>>) offsets(%dma_start3A_88 : memref<80xi32, #tpu.memory_space<vmem>>) semaphore(%run_scoped3A : memref<!tpu.dma_semaphore, #tpu.memory_space<semaphore_mem>>) {add = true}
            %dma_wait3A_92 = arith.constant 0 : i32
            %dma_wait3A_93 = tpu.memref_slice %arg10[%add3A_61, %dma_wait3A_92] : memref<125x80xi32, #tpu.memory_space<vmem>> -> memref<1x80xi32, #tpu.memory_space<vmem>>
            %dma_wait3A_94 = tpu.memref_squeeze %dma_wait3A_93 : memref<1x80xi32, #tpu.memory_space<vmem>> -> memref<80xi32, #tpu.memory_space<vmem>>
            %dma_wait3A_95 = arith.constant 0 : i32
            %dma_wait3A_96 = arith.constant 0 : i32
            %dma_wait3A_97 = tpu.memref_slice %arg8[%dma_wait3A_95, %dma_wait3A_96] : memref<10000x128xf32, #tpu.memory_space<vmem_shared>> -> memref<10000x128xf32, #tpu.memory_space<vmem_shared>>
            tpu.wait_indirect_dma semaphore(%run_scoped3A : memref<!tpu.dma_semaphore, #tpu.memory_space<semaphore_mem>>) src(%arg11 : memref<80x128xf32, #tpu.memory_space<vmem>>) dst(%dma_wait3A_97 : memref<10000x128xf32, #tpu.memory_space<vmem_shared>>)
            tpu.yield
          }) : () -> ()
          %add3A_79 = arith.constant 2 : i32
          %add3A_80 = arith.addi %add3A_61, %add3A_79 : i32
          %lt3A_81 = arith.constant 125 : i32
          %lt3A_82 = arith.cmpi slt, %add3A_80, %lt3A_81 : i32
          %convert_element_type3A_83 = arith.extui %lt3A_82 : i1 to i32
          %cond3A_84 = arith.constant 0 : i32
          %cond3A_85 = arith.cmpi ne, %convert_element_type3A_83, %cond3A_84 : i32
          scf.if %cond3A_85 {
            %mul3A_86 = arith.constant 80 : i32
            %mul3A_87 = arith.muli %add3A_80, %mul3A_86 : i32
            %dma_start3A_88 = tpu.memref_slice %arg9[%mul3A_87] : memref<10000xi32, #tpu.memory_space<vmem>> -> memref<80xi32, #tpu.memory_space<vmem>>
            %dma_start3A_89 = arith.constant 0 : i32
            %dma_start3A_90 = arith.constant 0 : i32
            %dma_start3A_91 = tpu.memref_slice %arg3[%dma_start3A_89, %dma_start3A_90] : memref<10000x128xf32, #tpu.memory_space<hbm>> -> memref<10000x128xf32, #tpu.memory_space<hbm>>
            tpu.enqueue_indirect_dma source(%dma_start3A_91 : memref<10000x128xf32, #tpu.memory_space<hbm>>) target(%arg11 : memref<80x128xf32, #tpu.memory_space<vmem>>) offsets(%dma_start3A_88 : memref<80xi32, #tpu.memory_space<vmem>>) semaphore(%arg13 : memref<!tpu.dma_semaphore, #tpu.memory_space<semaphore_mem>>)
          } else {
          }
        } else {
        }
        %mul3A_66 = arith.constant 2 : i32
        %mul3A_67 = arith.muli %mul3A_66, %scan3A_57 : i32
        %add3A_68 = arith.constant 1 : i32
        %add3A_69 = arith.addi %mul3A_67, %add3A_68 : i32
        %lt3A_70 = arith.constant 125 : i32
        %lt3A_71 = arith.cmpi slt, %add3A_69, %lt3A_70 : i32
        %convert_element_type3A_72 = arith.extui %lt3A_71 : i1 to i32
        %cond3A_73 = arith.constant 0 : i32
        %cond3A_74 = arith.cmpi ne, %convert_element_type3A_72, %cond3A_73 : i32
        scf.if %cond3A_74 {
          %dma_wait3A = arith.constant 0 : i32
          %dma_wait3A_75 = tpu.memref_slice %arg9[%dma_wait3A] : memref<10000xi32, #tpu.memory_space<vmem>> -> memref<80xi32, #tpu.memory_space<vmem>>
          %dma_wait3A_76 = arith.constant 0 : i32
          %dma_wait3A_77 = arith.constant 0 : i32
          %dma_wait3A_78 = tpu.memref_slice %arg3[%dma_wait3A_76, %dma_wait3A_77] : memref<10000x128xf32, #tpu.memory_space<hbm>> -> memref<10000x128xf32, #tpu.memory_space<hbm>>
          tpu.wait_indirect_dma semaphore(%arg14 : memref<!tpu.dma_semaphore, #tpu.memory_space<semaphore_mem>>) src(%dma_wait3A_78 : memref<10000x128xf32, #tpu.memory_space<hbm>>) dst(%arg12 : memref<80x128xf32, #tpu.memory_space<vmem>>)
          "tpu.region"() ({
            %run_scoped3A = tpu.sem_alloc : memref<!tpu.dma_semaphore, #tpu.memory_space<semaphore_mem>>
            %dma_start3A_86 = arith.constant 0 : i32
            %dma_start3A_87 = tpu.memref_slice %arg10[%add3A_69, %dma_start3A_86] : memref<125x80xi32, #tpu.memory_space<vmem>> -> memref<1x80xi32, #tpu.memory_space<vmem>>
            %dma_start3A_88 = tpu.memref_squeeze %dma_start3A_87 : memref<1x80xi32, #tpu.memory_space<vmem>> -> memref<80xi32, #tpu.memory_space<vmem>>
            %dma_start3A_89 = arith.constant 0 : i32
            %dma_start3A_90 = arith.constant 0 : i32
            %dma_start3A_91 = tpu.memref_slice %arg8[%dma_start3A_89, %dma_start3A_90] : memref<10000x128xf32, #tpu.memory_space<vmem_shared>> -> memref<10000x128xf32, #tpu.memory_space<vmem_shared>>
            tpu.enqueue_indirect_dma source(%arg12 : memref<80x128xf32, #tpu.memory_space<vmem>>) target(%dma_start3A_91 : memref<10000x128xf32, #tpu.memory_space<vmem_shared>>) offsets(%dma_start3A_88 : memref<80xi32, #tpu.memory_space<vmem>>) semaphore(%run_scoped3A : memref<!tpu.dma_semaphore, #tpu.memory_space<semaphore_mem>>) {add = true}
            %dma_wait3A_92 = arith.constant 0 : i32
            %dma_wait3A_93 = tpu.memref_slice %arg10[%add3A_69, %dma_wait3A_92] : memref<125x80xi32, #tpu.memory_space<vmem>> -> memref<1x80xi32, #tpu.memory_space<vmem>>
            %dma_wait3A_94 = tpu.memref_squeeze %dma_wait3A_93 : memref<1x80xi32, #tpu.memory_space<vmem>> -> memref<80xi32, #tpu.memory_space<vmem>>
            %dma_wait3A_95 = arith.constant 0 : i32
            %dma_wait3A_96 = arith.constant 0 : i32
            %dma_wait3A_97 = tpu.memref_slice %arg8[%dma_wait3A_95, %dma_wait3A_96] : memref<10000x128xf32, #tpu.memory_space<vmem_shared>> -> memref<10000x128xf32, #tpu.memory_space<vmem_shared>>
            tpu.wait_indirect_dma semaphore(%run_scoped3A : memref<!tpu.dma_semaphore, #tpu.memory_space<semaphore_mem>>) src(%arg12 : memref<80x128xf32, #tpu.memory_space<vmem>>) dst(%dma_wait3A_97 : memref<10000x128xf32, #tpu.memory_space<vmem_shared>>)
            tpu.yield
          }) : () -> ()
          %add3A_79 = arith.constant 2 : i32
          %add3A_80 = arith.addi %add3A_69, %add3A_79 : i32
          %lt3A_81 = arith.constant 125 : i32
          %lt3A_82 = arith.cmpi slt, %add3A_80, %lt3A_81 : i32
          %convert_element_type3A_83 = arith.extui %lt3A_82 : i1 to i32
          %cond3A_84 = arith.constant 0 : i32
          %cond3A_85 = arith.cmpi ne, %convert_element_type3A_83, %cond3A_84 : i32
          scf.if %cond3A_85 {
            %mul3A_86 = arith.constant 80 : i32
            %mul3A_87 = arith.muli %add3A_80, %mul3A_86 : i32
            %dma_start3A_88 = tpu.memref_slice %arg9[%mul3A_87] : memref<10000xi32, #tpu.memory_space<vmem>> -> memref<80xi32, #tpu.memory_space<vmem>>
            %dma_start3A_89 = arith.constant 0 : i32
            %dma_start3A_90 = arith.constant 0 : i32
            %dma_start3A_91 = tpu.memref_slice %arg3[%dma_start3A_89, %dma_start3A_90] : memref<10000x128xf32, #tpu.memory_space<hbm>> -> memref<10000x128xf32, #tpu.memory_space<hbm>>
            tpu.enqueue_indirect_dma source(%dma_start3A_91 : memref<10000x128xf32, #tpu.memory_space<hbm>>) target(%arg12 : memref<80x128xf32, #tpu.memory_space<vmem>>) offsets(%dma_start3A_88 : memref<80xi32, #tpu.memory_space<vmem>>) semaphore(%arg14 : memref<!tpu.dma_semaphore, #tpu.memory_space<semaphore_mem>>)
          } else {
          }
        } else {
        }
      }
      %scan3A_50 = arith.constant 63 : i32
      %barrier3A_51 = arith.constant 0 : index
      tpu.barrier barrier_id(%barrier3A_51)
      "tpu.region"() ({
        %run_scoped3A = tpu.sem_alloc : memref<!tpu.dma_semaphore, #tpu.memory_space<semaphore_mem>>
        %dma_start3A_57 = arith.constant 0 : i32
        %dma_start3A_58 = tpu.memref_slice %arg7[%mul3A_15, %dma_start3A_57] : memref<10000x128xf32, #tpu.memory_space<hbm>> -> memref<624x128xf32, #tpu.memory_space<hbm>>
        %dma_start3A_59 = arith.constant 0 : i32
        %dma_start3A_60 = tpu.memref_slice %arg8[%mul3A_15, %dma_start3A_59] : memref<10000x128xf32, #tpu.memory_space<vmem_shared>> -> memref<624x128xf32, #tpu.memory_space<vmem_shared>>
        tpu.enqueue_dma source(%dma_start3A_60 : memref<624x128xf32, #tpu.memory_space<vmem_shared>>) target(%dma_start3A_58 : memref<624x128xf32, #tpu.memory_space<hbm>>) target_semaphore(%run_scoped3A : memref<!tpu.dma_semaphore, #tpu.memory_space<semaphore_mem>>)
        %dma_wait3A = arith.constant 0 : i32
        %dma_wait3A_61 = tpu.memref_slice %arg7[%mul3A_15, %dma_wait3A] : memref<10000x128xf32, #tpu.memory_space<hbm>> -> memref<624x128xf32, #tpu.memory_space<hbm>>
        %dma_wait3A_62 = arith.constant 0 : i32
        %dma_wait3A_63 = tpu.memref_slice %arg8[%mul3A_15, %dma_wait3A_62] : memref<10000x128xf32, #tpu.memory_space<vmem_shared>> -> memref<624x128xf32, #tpu.memory_space<vmem_shared>>
        tpu.wait_dma2 semaphore(%run_scoped3A : memref<!tpu.dma_semaphore, #tpu.memory_space<semaphore_mem>>) src(%dma_wait3A_63 : memref<624x128xf32, #tpu.memory_space<vmem_shared>>) dst(%dma_wait3A_61 : memref<624x128xf32, #tpu.memory_space<hbm>>)
        tpu.yield
      }) : () -> ()
      %eq3A_52 = arith.constant 0 : i32
      %eq3A_53 = arith.cmpi eq, %arg1, %eq3A_52 : i32
      %convert_element_type3A_54 = arith.extui %eq3A_53 : i1 to i32
      %cond3A_55 = arith.constant 0 : i32
      %cond3A_56 = arith.cmpi ne, %convert_element_type3A_54, %cond3A_55 : i32
      scf.if %cond3A_56 {
        "tpu.region"() ({
          %run_scoped3A = tpu.sem_alloc : memref<!tpu.dma_semaphore, #tpu.memory_space<semaphore_mem>>
          %dma_start3A_57 = arith.constant 9984 : i32
          %dma_start3A_58 = arith.constant 0 : i32
          %dma_start3A_59 = tpu.memref_slice %arg7[%dma_start3A_57, %dma_start3A_58] : memref<10000x128xf32, #tpu.memory_space<hbm>> -> memref<16x128xf32, #tpu.memory_space<hbm>>
          %dma_start3A_60 = arith.constant 9984 : i32
          %dma_start3A_61 = arith.constant 0 : i32
          %dma_start3A_62 = tpu.memref_slice %arg8[%dma_start3A_60, %dma_start3A_61] : memref<10000x128xf32, #tpu.memory_space<vmem_shared>> -> memref<16x128xf32, #tpu.memory_space<vmem_shared>>
          tpu.enqueue_dma source(%dma_start3A_62 : memref<16x128xf32, #tpu.memory_space<vmem_shared>>) target(%dma_start3A_59 : memref<16x128xf32, #tpu.memory_space<hbm>>) target_semaphore(%run_scoped3A : memref<!tpu.dma_semaphore, #tpu.memory_space<semaphore_mem>>)
          %dma_wait3A = arith.constant 9984 : i32
          %dma_wait3A_63 = arith.constant 0 : i32
          %dma_wait3A_64 = tpu.memref_slice %arg7[%dma_wait3A, %dma_wait3A_63] : memref<10000x128xf32, #tpu.memory_space<hbm>> -> memref<16x128xf32, #tpu.memory_space<hbm>>
          %dma_wait3A_65 = arith.constant 9984 : i32
          %dma_wait3A_66 = arith.constant 0 : i32
          %dma_wait3A_67 = tpu.memref_slice %arg8[%dma_wait3A_65, %dma_wait3A_66] : memref<10000x128xf32, #tpu.memory_space<vmem_shared>> -> memref<16x128xf32, #tpu.memory_space<vmem_shared>>
          tpu.wait_dma2 semaphore(%run_scoped3A : memref<!tpu.dma_semaphore, #tpu.memory_space<semaphore_mem>>) src(%dma_wait3A_67 : memref<16x128xf32, #tpu.memory_space<vmem_shared>>) dst(%dma_wait3A_64 : memref<16x128xf32, #tpu.memory_space<hbm>>)
          tpu.yield
        }) : () -> ()
      } else {
      }
    } else {
    }
    return
  }
}

#map = affine_map<(d0, d1) -> (0, 0)>
#map1 = affine_map<(d0, d1) -> (0)>
module attributes {stable_mosaic.version = 14 : i64} {
  func.func @body(%arg0: i32, %arg1: i32, %arg2: memref<10000x256xf32, #tpu.memory_space<hbm>>, %arg3: memref<10000x256xf32, #tpu.memory_space<hbm>>, %arg4: memref<160000xi32, #tpu.memory_space<hbm>>, %arg5: memref<160000xi32, #tpu.memory_space<hbm>>, %arg6: memref<160000x256xf32, #tpu.memory_space<hbm>>, %arg7: memref<5000xi32, #tpu.memory_space<vmem>>, %arg8: memref<5000xi32, #tpu.memory_space<vmem>>, %arg9: memref<40x256xf32, #tpu.memory_space<vmem>>, %arg10: memref<40x256xf32, #tpu.memory_space<vmem>>, %arg11: memref<40x256xf32, #tpu.memory_space<vmem>>, %arg12: memref<40x256xf32, #tpu.memory_space<vmem>>, %arg13: memref<!tpu.dma_semaphore, #tpu.memory_space<semaphore_mem>>, %arg14: memref<!tpu.dma_semaphore, #tpu.memory_space<semaphore_mem>>, %arg15: memref<!tpu.dma_semaphore, #tpu.memory_space<semaphore_mem>>, %arg16: memref<!tpu.dma_semaphore, #tpu.memory_space<semaphore_mem>>) attributes {dimension_semantics = [#tpu.dimension_semantics<core_parallel>, #tpu.dimension_semantics<subcore_parallel>], iteration_bounds = array<i64: 2, 16>, scalar_prefetch = 0 : i64, scratch_operands = 10 : i64, tpu.core_type = #tpu.core_type<sc_vector_subcore>, window_params = [{transform_indices = #map}, {transform_indices = #map}, {transform_indices = #map1}, {transform_indices = #map1}, {transform_indices = #map}]} {
    %mul3A = arith.constant 2 : i32
    %mul3A_0 = arith.muli %arg1, %mul3A : i32
    %add3A = arith.addi %mul3A_0, %arg0 : i32
    %mul3A_1 = arith.constant 5000 : i32
    %mul3A_2 = arith.muli %add3A, %mul3A_1 : i32
    "tpu.region"() ({
      %run_scoped3A = tpu.sem_alloc : memref<!tpu.dma_semaphore, #tpu.memory_space<semaphore_mem>>
      %dma_start3A_34 = tpu.memref_slice %arg4[%mul3A_2] : memref<160000xi32, #tpu.memory_space<hbm>> -> memref<5000xi32, #tpu.memory_space<hbm>>
      %dma_start3A_35 = tpu.memref_slice %arg4[%mul3A_2] : memref<160000xi32, #tpu.memory_space<hbm>> -> memref<5000xi32, #tpu.memory_space<hbm>>
      tpu.enqueue_dma source(%dma_start3A_35 : memref<5000xi32, #tpu.memory_space<hbm>>) target(%arg7 : memref<5000xi32, #tpu.memory_space<vmem>>) target_semaphore(%run_scoped3A : memref<!tpu.dma_semaphore, #tpu.memory_space<semaphore_mem>>)
      %dma_wait3A_36 = tpu.memref_slice %arg4[%mul3A_2] : memref<160000xi32, #tpu.memory_space<hbm>> -> memref<5000xi32, #tpu.memory_space<hbm>>
      %dma_wait3A_37 = tpu.memref_slice %arg4[%mul3A_2] : memref<160000xi32, #tpu.memory_space<hbm>> -> memref<5000xi32, #tpu.memory_space<hbm>>
      tpu.wait_dma2 semaphore(%run_scoped3A : memref<!tpu.dma_semaphore, #tpu.memory_space<semaphore_mem>>) src(%dma_wait3A_37 : memref<5000xi32, #tpu.memory_space<hbm>>) dst(%arg7 : memref<5000xi32, #tpu.memory_space<vmem>>)
      tpu.yield
    }) : () -> ()
    "tpu.region"() ({
      %run_scoped3A = tpu.sem_alloc : memref<!tpu.dma_semaphore, #tpu.memory_space<semaphore_mem>>
      %dma_start3A_34 = tpu.memref_slice %arg5[%mul3A_2] : memref<160000xi32, #tpu.memory_space<hbm>> -> memref<5000xi32, #tpu.memory_space<hbm>>
      %dma_start3A_35 = tpu.memref_slice %arg5[%mul3A_2] : memref<160000xi32, #tpu.memory_space<hbm>> -> memref<5000xi32, #tpu.memory_space<hbm>>
      tpu.enqueue_dma source(%dma_start3A_35 : memref<5000xi32, #tpu.memory_space<hbm>>) target(%arg8 : memref<5000xi32, #tpu.memory_space<vmem>>) target_semaphore(%run_scoped3A : memref<!tpu.dma_semaphore, #tpu.memory_space<semaphore_mem>>)
      %dma_wait3A_36 = tpu.memref_slice %arg5[%mul3A_2] : memref<160000xi32, #tpu.memory_space<hbm>> -> memref<5000xi32, #tpu.memory_space<hbm>>
      %dma_wait3A_37 = tpu.memref_slice %arg5[%mul3A_2] : memref<160000xi32, #tpu.memory_space<hbm>> -> memref<5000xi32, #tpu.memory_space<hbm>>
      tpu.wait_dma2 semaphore(%run_scoped3A : memref<!tpu.dma_semaphore, #tpu.memory_space<semaphore_mem>>) src(%dma_wait3A_37 : memref<5000xi32, #tpu.memory_space<hbm>>) dst(%arg8 : memref<5000xi32, #tpu.memory_space<vmem>>)
      tpu.yield
    }) : () -> ()
    %dma_start3A = arith.constant 0 : i32
    %dma_start3A_3 = tpu.memref_slice %arg7[%dma_start3A] : memref<5000xi32, #tpu.memory_space<vmem>> -> memref<40xi32, #tpu.memory_space<vmem>>
    %dma_start3A_4 = arith.constant 0 : i32
    %dma_start3A_5 = arith.constant 0 : i32
    %dma_start3A_6 = tpu.memref_slice %arg2[%dma_start3A_4, %dma_start3A_5] : memref<10000x256xf32, #tpu.memory_space<hbm>> -> memref<10000x256xf32, #tpu.memory_space<hbm>>
    tpu.enqueue_indirect_dma source(%dma_start3A_6 : memref<10000x256xf32, #tpu.memory_space<hbm>>) target(%arg9 : memref<40x256xf32, #tpu.memory_space<vmem>>) offsets(%dma_start3A_3 : memref<40xi32, #tpu.memory_space<vmem>>) semaphore(%arg13 : memref<!tpu.dma_semaphore, #tpu.memory_space<semaphore_mem>>)
    %dma_start3A_7 = arith.constant 0 : i32
    %dma_start3A_8 = tpu.memref_slice %arg8[%dma_start3A_7] : memref<5000xi32, #tpu.memory_space<vmem>> -> memref<40xi32, #tpu.memory_space<vmem>>
    %dma_start3A_9 = arith.constant 0 : i32
    %dma_start3A_10 = arith.constant 0 : i32
    %dma_start3A_11 = tpu.memref_slice %arg3[%dma_start3A_9, %dma_start3A_10] : memref<10000x256xf32, #tpu.memory_space<hbm>> -> memref<10000x256xf32, #tpu.memory_space<hbm>>
    tpu.enqueue_indirect_dma source(%dma_start3A_11 : memref<10000x256xf32, #tpu.memory_space<hbm>>) target(%arg11 : memref<40x256xf32, #tpu.memory_space<vmem>>) offsets(%dma_start3A_8 : memref<40xi32, #tpu.memory_space<vmem>>) semaphore(%arg13 : memref<!tpu.dma_semaphore, #tpu.memory_space<semaphore_mem>>)
    %dma_start3A_12 = arith.constant 40 : i32
    %dma_start3A_13 = tpu.memref_slice %arg7[%dma_start3A_12] : memref<5000xi32, #tpu.memory_space<vmem>> -> memref<40xi32, #tpu.memory_space<vmem>>
    %dma_start3A_14 = arith.constant 0 : i32
    %dma_start3A_15 = arith.constant 0 : i32
    %dma_start3A_16 = tpu.memref_slice %arg2[%dma_start3A_14, %dma_start3A_15] : memref<10000x256xf32, #tpu.memory_space<hbm>> -> memref<10000x256xf32, #tpu.memory_space<hbm>>
    tpu.enqueue_indirect_dma source(%dma_start3A_16 : memref<10000x256xf32, #tpu.memory_space<hbm>>) target(%arg10 : memref<40x256xf32, #tpu.memory_space<vmem>>) offsets(%dma_start3A_13 : memref<40xi32, #tpu.memory_space<vmem>>) semaphore(%arg14 : memref<!tpu.dma_semaphore, #tpu.memory_space<semaphore_mem>>)
    %dma_start3A_17 = arith.constant 40 : i32
    %dma_start3A_18 = tpu.memref_slice %arg8[%dma_start3A_17] : memref<5000xi32, #tpu.memory_space<vmem>> -> memref<40xi32, #tpu.memory_space<vmem>>
    %dma_start3A_19 = arith.constant 0 : i32
    %dma_start3A_20 = arith.constant 0 : i32
    %dma_start3A_21 = tpu.memref_slice %arg3[%dma_start3A_19, %dma_start3A_20] : memref<10000x256xf32, #tpu.memory_space<hbm>> -> memref<10000x256xf32, #tpu.memory_space<hbm>>
    tpu.enqueue_indirect_dma source(%dma_start3A_21 : memref<10000x256xf32, #tpu.memory_space<hbm>>) target(%arg12 : memref<40x256xf32, #tpu.memory_space<vmem>>) offsets(%dma_start3A_18 : memref<40xi32, #tpu.memory_space<vmem>>) semaphore(%arg14 : memref<!tpu.dma_semaphore, #tpu.memory_space<semaphore_mem>>)
    %scan3A = arith.constant 0 : i32
    %scan3A_22 = arith.constant 0 : i32
    %scan3A_23 = arith.constant 63 : i32
    %scan3A_24 = arith.addi %scan3A_22, %scan3A_23 : i32
    %scan3A_25 = arith.constant 1 : i32
    scf.for %scan3A_34 = %scan3A_22 to %scan3A_24 step %scan3A_25  : i32 {
      %mul3A_35 = arith.constant 2 : i32
      %mul3A_36 = arith.muli %mul3A_35, %scan3A_34 : i32
      %add3A_37 = arith.constant 0 : i32
      %add3A_38 = arith.addi %mul3A_36, %add3A_37 : i32
      %lt3A = arith.constant 125 : i32
      %lt3A_39 = arith.cmpi slt, %add3A_38, %lt3A : i32
      %convert_element_type3A = arith.extui %lt3A_39 : i1 to i32
      %cond3A = arith.constant 0 : i32
      %cond3A_40 = arith.cmpi ne, %convert_element_type3A, %cond3A : i32
      scf.if %cond3A_40 {
        %dma_wait3A_50 = arith.constant 0 : i32
        %dma_wait3A_51 = tpu.memref_slice %arg7[%dma_wait3A_50] : memref<5000xi32, #tpu.memory_space<vmem>> -> memref<40xi32, #tpu.memory_space<vmem>>
        %dma_wait3A_52 = arith.constant 0 : i32
        %dma_wait3A_53 = arith.constant 0 : i32
        %dma_wait3A_54 = tpu.memref_slice %arg2[%dma_wait3A_52, %dma_wait3A_53] : memref<10000x256xf32, #tpu.memory_space<hbm>> -> memref<10000x256xf32, #tpu.memory_space<hbm>>
        tpu.wait_indirect_dma semaphore(%arg13 : memref<!tpu.dma_semaphore, #tpu.memory_space<semaphore_mem>>) src(%dma_wait3A_54 : memref<10000x256xf32, #tpu.memory_space<hbm>>) dst(%arg9 : memref<40x256xf32, #tpu.memory_space<vmem>>)
        %dma_wait3A_55 = arith.constant 0 : i32
        %dma_wait3A_56 = tpu.memref_slice %arg8[%dma_wait3A_55] : memref<5000xi32, #tpu.memory_space<vmem>> -> memref<40xi32, #tpu.memory_space<vmem>>
        %dma_wait3A_57 = arith.constant 0 : i32
        %dma_wait3A_58 = arith.constant 0 : i32
        %dma_wait3A_59 = tpu.memref_slice %arg3[%dma_wait3A_57, %dma_wait3A_58] : memref<10000x256xf32, #tpu.memory_space<hbm>> -> memref<10000x256xf32, #tpu.memory_space<hbm>>
        tpu.wait_indirect_dma semaphore(%arg13 : memref<!tpu.dma_semaphore, #tpu.memory_space<semaphore_mem>>) src(%dma_wait3A_59 : memref<10000x256xf32, #tpu.memory_space<hbm>>) dst(%arg11 : memref<40x256xf32, #tpu.memory_space<vmem>>)
        %scan3A_60 = arith.constant 0 : i32
        %scan3A_61 = arith.constant 0 : i32
        %scan3A_62 = arith.constant 40 : i32
        %scan3A_63 = arith.addi %scan3A_61, %scan3A_62 : i32
        %scan3A_64 = arith.constant 1 : i32
        scf.for %scan3A_80 = %scan3A_61 to %scan3A_63 step %scan3A_64  : i32 {
          %get3A = arith.index_cast %scan3A_80 : i32 to index
          %get3A_81 = arith.constant 0 : index
          %get3A_82 = tpu.vector_load %arg9[%get3A, %get3A_81] {strides = array<i32>} : memref<40x256xf32, #tpu.memory_space<vmem>>, vector<1x16xf32>,
          %get3A_83 = vector.shape_cast %get3A_82 : vector<1x16xf32> to vector<16xf32>
          %swap3A = arith.index_cast %scan3A_80 : i32 to index
          %swap3A_84 = arith.constant 0 : index
          %swap3A_85 = tpu.vector_load %arg11[%swap3A, %swap3A_84] {strides = array<i32>} : memref<40x256xf32, #tpu.memory_space<vmem>>, vector<1x16xf32>,
          %swap3A_86 = vector.shape_cast %swap3A_85 : vector<1x16xf32> to vector<16xf32>
          %swap3A_87 = vector.shape_cast %get3A_83 : vector<16xf32> to vector<1x16xf32>
          tpu.vector_store %arg11[%swap3A, %swap3A_84], %swap3A_87 {add = true, strides = array<i32>} : memref<40x256xf32, #tpu.memory_space<vmem>>, vector<1x16xf32>,
          %get3A_88 = arith.index_cast %scan3A_80 : i32 to index
          %get3A_89 = arith.constant 16 : index
          %get3A_90 = tpu.vector_load %arg9[%get3A_88, %get3A_89] {strides = array<i32>} : memref<40x256xf32, #tpu.memory_space<vmem>>, vector<1x16xf32>,
          %get3A_91 = vector.shape_cast %get3A_90 : vector<1x16xf32> to vector<16xf32>
          %swap3A_92 = arith.index_cast %scan3A_80 : i32 to index
          %swap3A_93 = arith.constant 16 : index
          %swap3A_94 = tpu.vector_load %arg11[%swap3A_92, %swap3A_93] {strides = array<i32>} : memref<40x256xf32, #tpu.memory_space<vmem>>, vector<1x16xf32>,
          %swap3A_95 = vector.shape_cast %swap3A_94 : vector<1x16xf32> to vector<16xf32>
          %swap3A_96 = vector.shape_cast %get3A_91 : vector<16xf32> to vector<1x16xf32>
          tpu.vector_store %arg11[%swap3A_92, %swap3A_93], %swap3A_96 {add = true, strides = array<i32>} : memref<40x256xf32, #tpu.memory_space<vmem>>, vector<1x16xf32>,
          %get3A_97 = arith.index_cast %scan3A_80 : i32 to index
          %get3A_98 = arith.constant 32 : index
          %get3A_99 = tpu.vector_load %arg9[%get3A_97, %get3A_98] {strides = array<i32>} : memref<40x256xf32, #tpu.memory_space<vmem>>, vector<1x16xf32>,
          %get3A_100 = vector.shape_cast %get3A_99 : vector<1x16xf32> to vector<16xf32>
          %swap3A_101 = arith.index_cast %scan3A_80 : i32 to index
          %swap3A_102 = arith.constant 32 : index
          %swap3A_103 = tpu.vector_load %arg11[%swap3A_101, %swap3A_102] {strides = array<i32>} : memref<40x256xf32, #tpu.memory_space<vmem>>, vector<1x16xf32>,
          %swap3A_104 = vector.shape_cast %swap3A_103 : vector<1x16xf32> to vector<16xf32>
          %swap3A_105 = vector.shape_cast %get3A_100 : vector<16xf32> to vector<1x16xf32>
          tpu.vector_store %arg11[%swap3A_101, %swap3A_102], %swap3A_105 {add = true, strides = array<i32>} : memref<40x256xf32, #tpu.memory_space<vmem>>, vector<1x16xf32>,
          %get3A_106 = arith.index_cast %scan3A_80 : i32 to index
          %get3A_107 = arith.constant 48 : index
          %get3A_108 = tpu.vector_load %arg9[%get3A_106, %get3A_107] {strides = array<i32>} : memref<40x256xf32, #tpu.memory_space<vmem>>, vector<1x16xf32>,
          %get3A_109 = vector.shape_cast %get3A_108 : vector<1x16xf32> to vector<16xf32>
          %swap3A_110 = arith.index_cast %scan3A_80 : i32 to index
          %swap3A_111 = arith.constant 48 : index
          %swap3A_112 = tpu.vector_load %arg11[%swap3A_110, %swap3A_111] {strides = array<i32>} : memref<40x256xf32, #tpu.memory_space<vmem>>, vector<1x16xf32>,
          %swap3A_113 = vector.shape_cast %swap3A_112 : vector<1x16xf32> to vector<16xf32>
          %swap3A_114 = vector.shape_cast %get3A_109 : vector<16xf32> to vector<1x16xf32>
          tpu.vector_store %arg11[%swap3A_110, %swap3A_111], %swap3A_114 {add = true, strides = array<i32>} : memref<40x256xf32, #tpu.memory_space<vmem>>, vector<1x16xf32>,
          %get3A_115 = arith.index_cast %scan3A_80 : i32 to index
          %get3A_116 = arith.constant 64 : index
          %get3A_117 = tpu.vector_load %arg9[%get3A_115, %get3A_116] {strides = array<i32>} : memref<40x256xf32, #tpu.memory_space<vmem>>, vector<1x16xf32>,
          %get3A_118 = vector.shape_cast %get3A_117 : vector<1x16xf32> to vector<16xf32>
          %swap3A_119 = arith.index_cast %scan3A_80 : i32 to index
          %swap3A_120 = arith.constant 64 : index
          %swap3A_121 = tpu.vector_load %arg11[%swap3A_119, %swap3A_120] {strides = array<i32>} : memref<40x256xf32, #tpu.memory_space<vmem>>, vector<1x16xf32>,
          %swap3A_122 = vector.shape_cast %swap3A_121 : vector<1x16xf32> to vector<16xf32>
          %swap3A_123 = vector.shape_cast %get3A_118 : vector<16xf32> to vector<1x16xf32>
          tpu.vector_store %arg11[%swap3A_119, %swap3A_120], %swap3A_123 {add = true, strides = array<i32>} : memref<40x256xf32, #tpu.memory_space<vmem>>, vector<1x16xf32>,
          %get3A_124 = arith.index_cast %scan3A_80 : i32 to index
          %get3A_125 = arith.constant 80 : index
          %get3A_126 = tpu.vector_load %arg9[%get3A_124, %get3A_125] {strides = array<i32>} : memref<40x256xf32, #tpu.memory_space<vmem>>, vector<1x16xf32>,
          %get3A_127 = vector.shape_cast %get3A_126 : vector<1x16xf32> to vector<16xf32>
          %swap3A_128 = arith.index_cast %scan3A_80 : i32 to index
          %swap3A_129 = arith.constant 80 : index
          %swap3A_130 = tpu.vector_load %arg11[%swap3A_128, %swap3A_129] {strides = array<i32>} : memref<40x256xf32, #tpu.memory_space<vmem>>, vector<1x16xf32>,
          %swap3A_131 = vector.shape_cast %swap3A_130 : vector<1x16xf32> to vector<16xf32>
          %swap3A_132 = vector.shape_cast %get3A_127 : vector<16xf32> to vector<1x16xf32>
          tpu.vector_store %arg11[%swap3A_128, %swap3A_129], %swap3A_132 {add = true, strides = array<i32>} : memref<40x256xf32, #tpu.memory_space<vmem>>, vector<1x16xf32>,
          %get3A_133 = arith.index_cast %scan3A_80 : i32 to index
          %get3A_134 = arith.constant 96 : index
          %get3A_135 = tpu.vector_load %arg9[%get3A_133, %get3A_134] {strides = array<i32>} : memref<40x256xf32, #tpu.memory_space<vmem>>, vector<1x16xf32>,
          %get3A_136 = vector.shape_cast %get3A_135 : vector<1x16xf32> to vector<16xf32>
          %swap3A_137 = arith.index_cast %scan3A_80 : i32 to index
          %swap3A_138 = arith.constant 96 : index
          %swap3A_139 = tpu.vector_load %arg11[%swap3A_137, %swap3A_138] {strides = array<i32>} : memref<40x256xf32, #tpu.memory_space<vmem>>, vector<1x16xf32>,
          %swap3A_140 = vector.shape_cast %swap3A_139 : vector<1x16xf32> to vector<16xf32>
          %swap3A_141 = vector.shape_cast %get3A_136 : vector<16xf32> to vector<1x16xf32>
          tpu.vector_store %arg11[%swap3A_137, %swap3A_138], %swap3A_141 {add = true, strides = array<i32>} : memref<40x256xf32, #tpu.memory_space<vmem>>, vector<1x16xf32>,
          %get3A_142 = arith.index_cast %scan3A_80 : i32 to index
          %get3A_143 = arith.constant 112 : index
          %get3A_144 = tpu.vector_load %arg9[%get3A_142, %get3A_143] {strides = array<i32>} : memref<40x256xf32, #tpu.memory_space<vmem>>, vector<1x16xf32>,
          %get3A_145 = vector.shape_cast %get3A_144 : vector<1x16xf32> to vector<16xf32>
          %swap3A_146 = arith.index_cast %scan3A_80 : i32 to index
          %swap3A_147 = arith.constant 112 : index
          %swap3A_148 = tpu.vector_load %arg11[%swap3A_146, %swap3A_147] {strides = array<i32>} : memref<40x256xf32, #tpu.memory_space<vmem>>, vector<1x16xf32>,
          %swap3A_149 = vector.shape_cast %swap3A_148 : vector<1x16xf32> to vector<16xf32>
          %swap3A_150 = vector.shape_cast %get3A_145 : vector<16xf32> to vector<1x16xf32>
          tpu.vector_store %arg11[%swap3A_146, %swap3A_147], %swap3A_150 {add = true, strides = array<i32>} : memref<40x256xf32, #tpu.memory_space<vmem>>, vector<1x16xf32>,
          %get3A_151 = arith.index_cast %scan3A_80 : i32 to index
          %get3A_152 = arith.constant 128 : index
          %get3A_153 = tpu.vector_load %arg9[%get3A_151, %get3A_152] {strides = array<i32>} : memref<40x256xf32, #tpu.memory_space<vmem>>, vector<1x16xf32>,
          %get3A_154 = vector.shape_cast %get3A_153 : vector<1x16xf32> to vector<16xf32>
          %swap3A_155 = arith.index_cast %scan3A_80 : i32 to index
          %swap3A_156 = arith.constant 128 : index
          %swap3A_157 = tpu.vector_load %arg11[%swap3A_155, %swap3A_156] {strides = array<i32>} : memref<40x256xf32, #tpu.memory_space<vmem>>, vector<1x16xf32>,
          %swap3A_158 = vector.shape_cast %swap3A_157 : vector<1x16xf32> to vector<16xf32>
          %swap3A_159 = vector.shape_cast %get3A_154 : vector<16xf32> to vector<1x16xf32>
          tpu.vector_store %arg11[%swap3A_155, %swap3A_156], %swap3A_159 {add = true, strides = array<i32>} : memref<40x256xf32, #tpu.memory_space<vmem>>, vector<1x16xf32>,
          %get3A_160 = arith.index_cast %scan3A_80 : i32 to index
          %get3A_161 = arith.constant 144 : index
          %get3A_162 = tpu.vector_load %arg9[%get3A_160, %get3A_161] {strides = array<i32>} : memref<40x256xf32, #tpu.memory_space<vmem>>, vector<1x16xf32>,
          %get3A_163 = vector.shape_cast %get3A_162 : vector<1x16xf32> to vector<16xf32>
          %swap3A_164 = arith.index_cast %scan3A_80 : i32 to index
          %swap3A_165 = arith.constant 144 : index
          %swap3A_166 = tpu.vector_load %arg11[%swap3A_164, %swap3A_165] {strides = array<i32>} : memref<40x256xf32, #tpu.memory_space<vmem>>, vector<1x16xf32>,
          %swap3A_167 = vector.shape_cast %swap3A_166 : vector<1x16xf32> to vector<16xf32>
          %swap3A_168 = vector.shape_cast %get3A_163 : vector<16xf32> to vector<1x16xf32>
          tpu.vector_store %arg11[%swap3A_164, %swap3A_165], %swap3A_168 {add = true, strides = array<i32>} : memref<40x256xf32, #tpu.memory_space<vmem>>, vector<1x16xf32>,
          %get3A_169 = arith.index_cast %scan3A_80 : i32 to index
          %get3A_170 = arith.constant 160 : index
          %get3A_171 = tpu.vector_load %arg9[%get3A_169, %get3A_170] {strides = array<i32>} : memref<40x256xf32, #tpu.memory_space<vmem>>, vector<1x16xf32>,
          %get3A_172 = vector.shape_cast %get3A_171 : vector<1x16xf32> to vector<16xf32>
          %swap3A_173 = arith.index_cast %scan3A_80 : i32 to index
          %swap3A_174 = arith.constant 160 : index
          %swap3A_175 = tpu.vector_load %arg11[%swap3A_173, %swap3A_174] {strides = array<i32>} : memref<40x256xf32, #tpu.memory_space<vmem>>, vector<1x16xf32>,
          %swap3A_176 = vector.shape_cast %swap3A_175 : vector<1x16xf32> to vector<16xf32>
          %swap3A_177 = vector.shape_cast %get3A_172 : vector<16xf32> to vector<1x16xf32>
          tpu.vector_store %arg11[%swap3A_173, %swap3A_174], %swap3A_177 {add = true, strides = array<i32>} : memref<40x256xf32, #tpu.memory_space<vmem>>, vector<1x16xf32>,
          %get3A_178 = arith.index_cast %scan3A_80 : i32 to index
          %get3A_179 = arith.constant 176 : index
          %get3A_180 = tpu.vector_load %arg9[%get3A_178, %get3A_179] {strides = array<i32>} : memref<40x256xf32, #tpu.memory_space<vmem>>, vector<1x16xf32>,
          %get3A_181 = vector.shape_cast %get3A_180 : vector<1x16xf32> to vector<16xf32>
          %swap3A_182 = arith.index_cast %scan3A_80 : i32 to index
          %swap3A_183 = arith.constant 176 : index
          %swap3A_184 = tpu.vector_load %arg11[%swap3A_182, %swap3A_183] {strides = array<i32>} : memref<40x256xf32, #tpu.memory_space<vmem>>, vector<1x16xf32>,
          %swap3A_185 = vector.shape_cast %swap3A_184 : vector<1x16xf32> to vector<16xf32>
          %swap3A_186 = vector.shape_cast %get3A_181 : vector<16xf32> to vector<1x16xf32>
          tpu.vector_store %arg11[%swap3A_182, %swap3A_183], %swap3A_186 {add = true, strides = array<i32>} : memref<40x256xf32, #tpu.memory_space<vmem>>, vector<1x16xf32>,
          %get3A_187 = arith.index_cast %scan3A_80 : i32 to index
          %get3A_188 = arith.constant 192 : index
          %get3A_189 = tpu.vector_load %arg9[%get3A_187, %get3A_188] {strides = array<i32>} : memref<40x256xf32, #tpu.memory_space<vmem>>, vector<1x16xf32>,
          %get3A_190 = vector.shape_cast %get3A_189 : vector<1x16xf32> to vector<16xf32>
          %swap3A_191 = arith.index_cast %scan3A_80 : i32 to index
          %swap3A_192 = arith.constant 192 : index
          %swap3A_193 = tpu.vector_load %arg11[%swap3A_191, %swap3A_192] {strides = array<i32>} : memref<40x256xf32, #tpu.memory_space<vmem>>, vector<1x16xf32>,
          %swap3A_194 = vector.shape_cast %swap3A_193 : vector<1x16xf32> to vector<16xf32>
          %swap3A_195 = vector.shape_cast %get3A_190 : vector<16xf32> to vector<1x16xf32>
          tpu.vector_store %arg11[%swap3A_191, %swap3A_192], %swap3A_195 {add = true, strides = array<i32>} : memref<40x256xf32, #tpu.memory_space<vmem>>, vector<1x16xf32>,
          %get3A_196 = arith.index_cast %scan3A_80 : i32 to index
          %get3A_197 = arith.constant 208 : index
          %get3A_198 = tpu.vector_load %arg9[%get3A_196, %get3A_197] {strides = array<i32>} : memref<40x256xf32, #tpu.memory_space<vmem>>, vector<1x16xf32>,
          %get3A_199 = vector.shape_cast %get3A_198 : vector<1x16xf32> to vector<16xf32>
          %swap3A_200 = arith.index_cast %scan3A_80 : i32 to index
          %swap3A_201 = arith.constant 208 : index
          %swap3A_202 = tpu.vector_load %arg11[%swap3A_200, %swap3A_201] {strides = array<i32>} : memref<40x256xf32, #tpu.memory_space<vmem>>, vector<1x16xf32>,
          %swap3A_203 = vector.shape_cast %swap3A_202 : vector<1x16xf32> to vector<16xf32>
          %swap3A_204 = vector.shape_cast %get3A_199 : vector<16xf32> to vector<1x16xf32>
          tpu.vector_store %arg11[%swap3A_200, %swap3A_201], %swap3A_204 {add = true, strides = array<i32>} : memref<40x256xf32, #tpu.memory_space<vmem>>, vector<1x16xf32>,
          %get3A_205 = arith.index_cast %scan3A_80 : i32 to index
          %get3A_206 = arith.constant 224 : index
          %get3A_207 = tpu.vector_load %arg9[%get3A_205, %get3A_206] {strides = array<i32>} : memref<40x256xf32, #tpu.memory_space<vmem>>, vector<1x16xf32>,
          %get3A_208 = vector.shape_cast %get3A_207 : vector<1x16xf32> to vector<16xf32>
          %swap3A_209 = arith.index_cast %scan3A_80 : i32 to index
          %swap3A_210 = arith.constant 224 : index
          %swap3A_211 = tpu.vector_load %arg11[%swap3A_209, %swap3A_210] {strides = array<i32>} : memref<40x256xf32, #tpu.memory_space<vmem>>, vector<1x16xf32>,
          %swap3A_212 = vector.shape_cast %swap3A_211 : vector<1x16xf32> to vector<16xf32>
          %swap3A_213 = vector.shape_cast %get3A_208 : vector<16xf32> to vector<1x16xf32>
          tpu.vector_store %arg11[%swap3A_209, %swap3A_210], %swap3A_213 {add = true, strides = array<i32>} : memref<40x256xf32, #tpu.memory_space<vmem>>, vector<1x16xf32>,
          %get3A_214 = arith.index_cast %scan3A_80 : i32 to index
          %get3A_215 = arith.constant 240 : index
          %get3A_216 = tpu.vector_load %arg9[%get3A_214, %get3A_215] {strides = array<i32>} : memref<40x256xf32, #tpu.memory_space<vmem>>, vector<1x16xf32>,
          %get3A_217 = vector.shape_cast %get3A_216 : vector<1x16xf32> to vector<16xf32>
          %swap3A_218 = arith.index_cast %scan3A_80 : i32 to index
          %swap3A_219 = arith.constant 240 : index
          %swap3A_220 = tpu.vector_load %arg11[%swap3A_218, %swap3A_219] {strides = array<i32>} : memref<40x256xf32, #tpu.memory_space<vmem>>, vector<1x16xf32>,
          %swap3A_221 = vector.shape_cast %swap3A_220 : vector<1x16xf32> to vector<16xf32>
          %swap3A_222 = vector.shape_cast %get3A_217 : vector<16xf32> to vector<1x16xf32>
          tpu.vector_store %arg11[%swap3A_218, %swap3A_219], %swap3A_222 {add = true, strides = array<i32>} : memref<40x256xf32, #tpu.memory_space<vmem>>, vector<1x16xf32>,
        }
        %scan3A_65 = arith.constant 40 : i32
        %mul3A_66 = arith.constant 40 : i32
        %mul3A_67 = arith.muli %add3A_38, %mul3A_66 : i32
        %add3A_68 = arith.addi %mul3A_2, %mul3A_67 : i32
        %dma_start3A_69 = arith.constant 0 : i32
        %dma_start3A_70 = tpu.memref_slice %arg6[%add3A_68, %dma_start3A_69] : memref<160000x256xf32, #tpu.memory_space<hbm>> -> memref<40x256xf32, #tpu.memory_space<hbm>>
        %dma_start3A_71 = arith.constant 0 : i32
        %dma_start3A_72 = tpu.memref_slice %arg6[%add3A_68, %dma_start3A_71] : memref<160000x256xf32, #tpu.memory_space<hbm>> -> memref<40x256xf32, #tpu.memory_space<hbm>>
        tpu.enqueue_dma source(%arg11 : memref<40x256xf32, #tpu.memory_space<vmem>>) target(%dma_start3A_72 : memref<40x256xf32, #tpu.memory_space<hbm>>) target_semaphore(%arg15 : memref<!tpu.dma_semaphore, #tpu.memory_space<semaphore_mem>>)
        %add3A_73 = arith.constant 2 : i32
        %add3A_74 = arith.addi %add3A_38, %add3A_73 : i32
        %lt3A_75 = arith.constant 125 : i32
        %lt3A_76 = arith.cmpi slt, %add3A_74, %lt3A_75 : i32
        %convert_element_type3A_77 = arith.extui %lt3A_76 : i1 to i32
        %cond3A_78 = arith.constant 0 : i32
        %cond3A_79 = arith.cmpi ne, %convert_element_type3A_77, %cond3A_78 : i32
        scf.if %cond3A_79 {
          %mul3A_80 = arith.constant 40 : i32
          %mul3A_81 = arith.muli %add3A_74, %mul3A_80 : i32
          %dma_start3A_82 = tpu.memref_slice %arg7[%mul3A_81] : memref<5000xi32, #tpu.memory_space<vmem>> -> memref<40xi32, #tpu.memory_space<vmem>>
          %dma_start3A_83 = arith.constant 0 : i32
          %dma_start3A_84 = arith.constant 0 : i32
          %dma_start3A_85 = tpu.memref_slice %arg2[%dma_start3A_83, %dma_start3A_84] : memref<10000x256xf32, #tpu.memory_space<hbm>> -> memref<10000x256xf32, #tpu.memory_space<hbm>>
          tpu.enqueue_indirect_dma source(%dma_start3A_85 : memref<10000x256xf32, #tpu.memory_space<hbm>>) target(%arg9 : memref<40x256xf32, #tpu.memory_space<vmem>>) offsets(%dma_start3A_82 : memref<40xi32, #tpu.memory_space<vmem>>) semaphore(%arg13 : memref<!tpu.dma_semaphore, #tpu.memory_space<semaphore_mem>>)
          %dma_wait3A_86 = arith.constant 0 : i32
          %dma_wait3A_87 = tpu.memref_slice %arg6[%mul3A_2, %dma_wait3A_86] : memref<160000x256xf32, #tpu.memory_space<hbm>> -> memref<40x256xf32, #tpu.memory_space<hbm>>
          %dma_wait3A_88 = arith.constant 0 : i32
          %dma_wait3A_89 = tpu.memref_slice %arg6[%mul3A_2, %dma_wait3A_88] : memref<160000x256xf32, #tpu.memory_space<hbm>> -> memref<40x256xf32, #tpu.memory_space<hbm>>
          tpu.wait_dma2 semaphore(%arg15 : memref<!tpu.dma_semaphore, #tpu.memory_space<semaphore_mem>>) src(%arg11 : memref<40x256xf32, #tpu.memory_space<vmem>>) dst(%dma_wait3A_89 : memref<40x256xf32, #tpu.memory_space<hbm>>)
          %mul3A_90 = arith.constant 40 : i32
          %mul3A_91 = arith.muli %add3A_74, %mul3A_90 : i32
          %dma_start3A_92 = tpu.memref_slice %arg8[%mul3A_91] : memref<5000xi32, #tpu.memory_space<vmem>> -> memref<40xi32, #tpu.memory_space<vmem>>
          %dma_start3A_93 = arith.constant 0 : i32
          %dma_start3A_94 = arith.constant 0 : i32
          %dma_start3A_95 = tpu.memref_slice %arg3[%dma_start3A_93, %dma_start3A_94] : memref<10000x256xf32, #tpu.memory_space<hbm>> -> memref<10000x256xf32, #tpu.memory_space<hbm>>
          tpu.enqueue_indirect_dma source(%dma_start3A_95 : memref<10000x256xf32, #tpu.memory_space<hbm>>) target(%arg11 : memref<40x256xf32, #tpu.memory_space<vmem>>) offsets(%dma_start3A_92 : memref<40xi32, #tpu.memory_space<vmem>>) semaphore(%arg13 : memref<!tpu.dma_semaphore, #tpu.memory_space<semaphore_mem>>)
        } else {
        }
      } else {
      }
      %mul3A_41 = arith.constant 2 : i32
      %mul3A_42 = arith.muli %mul3A_41, %scan3A_34 : i32
      %add3A_43 = arith.constant 1 : i32
      %add3A_44 = arith.addi %mul3A_42, %add3A_43 : i32
      %lt3A_45 = arith.constant 125 : i32
      %lt3A_46 = arith.cmpi slt, %add3A_44, %lt3A_45 : i32
      %convert_element_type3A_47 = arith.extui %lt3A_46 : i1 to i32
      %cond3A_48 = arith.constant 0 : i32
      %cond3A_49 = arith.cmpi ne, %convert_element_type3A_47, %cond3A_48 : i32
      scf.if %cond3A_49 {
        %dma_wait3A_50 = arith.constant 0 : i32
        %dma_wait3A_51 = tpu.memref_slice %arg7[%dma_wait3A_50] : memref<5000xi32, #tpu.memory_space<vmem>> -> memref<40xi32, #tpu.memory_space<vmem>>
        %dma_wait3A_52 = arith.constant 0 : i32
        %dma_wait3A_53 = arith.constant 0 : i32
        %dma_wait3A_54 = tpu.memref_slice %arg2[%dma_wait3A_52, %dma_wait3A_53] : memref<10000x256xf32, #tpu.memory_space<hbm>> -> memref<10000x256xf32, #tpu.memory_space<hbm>>
        tpu.wait_indirect_dma semaphore(%arg14 : memref<!tpu.dma_semaphore, #tpu.memory_space<semaphore_mem>>) src(%dma_wait3A_54 : memref<10000x256xf32, #tpu.memory_space<hbm>>) dst(%arg10 : memref<40x256xf32, #tpu.memory_space<vmem>>)
        %dma_wait3A_55 = arith.constant 0 : i32
        %dma_wait3A_56 = tpu.memref_slice %arg8[%dma_wait3A_55] : memref<5000xi32, #tpu.memory_space<vmem>> -> memref<40xi32, #tpu.memory_space<vmem>>
        %dma_wait3A_57 = arith.constant 0 : i32
        %dma_wait3A_58 = arith.constant 0 : i32
        %dma_wait3A_59 = tpu.memref_slice %arg3[%dma_wait3A_57, %dma_wait3A_58] : memref<10000x256xf32, #tpu.memory_space<hbm>> -> memref<10000x256xf32, #tpu.memory_space<hbm>>
        tpu.wait_indirect_dma semaphore(%arg14 : memref<!tpu.dma_semaphore, #tpu.memory_space<semaphore_mem>>) src(%dma_wait3A_59 : memref<10000x256xf32, #tpu.memory_space<hbm>>) dst(%arg12 : memref<40x256xf32, #tpu.memory_space<vmem>>)
        %scan3A_60 = arith.constant 0 : i32
        %scan3A_61 = arith.constant 0 : i32
        %scan3A_62 = arith.constant 40 : i32
        %scan3A_63 = arith.addi %scan3A_61, %scan3A_62 : i32
        %scan3A_64 = arith.constant 1 : i32
        scf.for %scan3A_80 = %scan3A_61 to %scan3A_63 step %scan3A_64  : i32 {
          %get3A = arith.index_cast %scan3A_80 : i32 to index
          %get3A_81 = arith.constant 0 : index
          %get3A_82 = tpu.vector_load %arg10[%get3A, %get3A_81] {strides = array<i32>} : memref<40x256xf32, #tpu.memory_space<vmem>>, vector<1x16xf32>,
          %get3A_83 = vector.shape_cast %get3A_82 : vector<1x16xf32> to vector<16xf32>
          %swap3A = arith.index_cast %scan3A_80 : i32 to index
          %swap3A_84 = arith.constant 0 : index
          %swap3A_85 = tpu.vector_load %arg12[%swap3A, %swap3A_84] {strides = array<i32>} : memref<40x256xf32, #tpu.memory_space<vmem>>, vector<1x16xf32>,
          %swap3A_86 = vector.shape_cast %swap3A_85 : vector<1x16xf32> to vector<16xf32>
          %swap3A_87 = vector.shape_cast %get3A_83 : vector<16xf32> to vector<1x16xf32>
          tpu.vector_store %arg12[%swap3A, %swap3A_84], %swap3A_87 {add = true, strides = array<i32>} : memref<40x256xf32, #tpu.memory_space<vmem>>, vector<1x16xf32>,
          %get3A_88 = arith.index_cast %scan3A_80 : i32 to index
          %get3A_89 = arith.constant 16 : index
          %get3A_90 = tpu.vector_load %arg10[%get3A_88, %get3A_89] {strides = array<i32>} : memref<40x256xf32, #tpu.memory_space<vmem>>, vector<1x16xf32>,
          %get3A_91 = vector.shape_cast %get3A_90 : vector<1x16xf32> to vector<16xf32>
          %swap3A_92 = arith.index_cast %scan3A_80 : i32 to index
          %swap3A_93 = arith.constant 16 : index
          %swap3A_94 = tpu.vector_load %arg12[%swap3A_92, %swap3A_93] {strides = array<i32>} : memref<40x256xf32, #tpu.memory_space<vmem>>, vector<1x16xf32>,
          %swap3A_95 = vector.shape_cast %swap3A_94 : vector<1x16xf32> to vector<16xf32>
          %swap3A_96 = vector.shape_cast %get3A_91 : vector<16xf32> to vector<1x16xf32>
          tpu.vector_store %arg12[%swap3A_92, %swap3A_93], %swap3A_96 {add = true, strides = array<i32>} : memref<40x256xf32, #tpu.memory_space<vmem>>, vector<1x16xf32>,
          %get3A_97 = arith.index_cast %scan3A_80 : i32 to index
          %get3A_98 = arith.constant 32 : index
          %get3A_99 = tpu.vector_load %arg10[%get3A_97, %get3A_98] {strides = array<i32>} : memref<40x256xf32, #tpu.memory_space<vmem>>, vector<1x16xf32>,
          %get3A_100 = vector.shape_cast %get3A_99 : vector<1x16xf32> to vector<16xf32>
          %swap3A_101 = arith.index_cast %scan3A_80 : i32 to index
          %swap3A_102 = arith.constant 32 : index
          %swap3A_103 = tpu.vector_load %arg12[%swap3A_101, %swap3A_102] {strides = array<i32>} : memref<40x256xf32, #tpu.memory_space<vmem>>, vector<1x16xf32>,
          %swap3A_104 = vector.shape_cast %swap3A_103 : vector<1x16xf32> to vector<16xf32>
          %swap3A_105 = vector.shape_cast %get3A_100 : vector<16xf32> to vector<1x16xf32>
          tpu.vector_store %arg12[%swap3A_101, %swap3A_102], %swap3A_105 {add = true, strides = array<i32>} : memref<40x256xf32, #tpu.memory_space<vmem>>, vector<1x16xf32>,
          %get3A_106 = arith.index_cast %scan3A_80 : i32 to index
          %get3A_107 = arith.constant 48 : index
          %get3A_108 = tpu.vector_load %arg10[%get3A_106, %get3A_107] {strides = array<i32>} : memref<40x256xf32, #tpu.memory_space<vmem>>, vector<1x16xf32>,
          %get3A_109 = vector.shape_cast %get3A_108 : vector<1x16xf32> to vector<16xf32>
          %swap3A_110 = arith.index_cast %scan3A_80 : i32 to index
          %swap3A_111 = arith.constant 48 : index
          %swap3A_112 = tpu.vector_load %arg12[%swap3A_110, %swap3A_111] {strides = array<i32>} : memref<40x256xf32, #tpu.memory_space<vmem>>, vector<1x16xf32>,
          %swap3A_113 = vector.shape_cast %swap3A_112 : vector<1x16xf32> to vector<16xf32>
          %swap3A_114 = vector.shape_cast %get3A_109 : vector<16xf32> to vector<1x16xf32>
          tpu.vector_store %arg12[%swap3A_110, %swap3A_111], %swap3A_114 {add = true, strides = array<i32>} : memref<40x256xf32, #tpu.memory_space<vmem>>, vector<1x16xf32>,
          %get3A_115 = arith.index_cast %scan3A_80 : i32 to index
          %get3A_116 = arith.constant 64 : index
          %get3A_117 = tpu.vector_load %arg10[%get3A_115, %get3A_116] {strides = array<i32>} : memref<40x256xf32, #tpu.memory_space<vmem>>, vector<1x16xf32>,
          %get3A_118 = vector.shape_cast %get3A_117 : vector<1x16xf32> to vector<16xf32>
          %swap3A_119 = arith.index_cast %scan3A_80 : i32 to index
          %swap3A_120 = arith.constant 64 : index
          %swap3A_121 = tpu.vector_load %arg12[%swap3A_119, %swap3A_120] {strides = array<i32>} : memref<40x256xf32, #tpu.memory_space<vmem>>, vector<1x16xf32>,
          %swap3A_122 = vector.shape_cast %swap3A_121 : vector<1x16xf32> to vector<16xf32>
          %swap3A_123 = vector.shape_cast %get3A_118 : vector<16xf32> to vector<1x16xf32>
          tpu.vector_store %arg12[%swap3A_119, %swap3A_120], %swap3A_123 {add = true, strides = array<i32>} : memref<40x256xf32, #tpu.memory_space<vmem>>, vector<1x16xf32>,
          %get3A_124 = arith.index_cast %scan3A_80 : i32 to index
          %get3A_125 = arith.constant 80 : index
          %get3A_126 = tpu.vector_load %arg10[%get3A_124, %get3A_125] {strides = array<i32>} : memref<40x256xf32, #tpu.memory_space<vmem>>, vector<1x16xf32>,
          %get3A_127 = vector.shape_cast %get3A_126 : vector<1x16xf32> to vector<16xf32>
          %swap3A_128 = arith.index_cast %scan3A_80 : i32 to index
          %swap3A_129 = arith.constant 80 : index
          %swap3A_130 = tpu.vector_load %arg12[%swap3A_128, %swap3A_129] {strides = array<i32>} : memref<40x256xf32, #tpu.memory_space<vmem>>, vector<1x16xf32>,
          %swap3A_131 = vector.shape_cast %swap3A_130 : vector<1x16xf32> to vector<16xf32>
          %swap3A_132 = vector.shape_cast %get3A_127 : vector<16xf32> to vector<1x16xf32>
          tpu.vector_store %arg12[%swap3A_128, %swap3A_129], %swap3A_132 {add = true, strides = array<i32>} : memref<40x256xf32, #tpu.memory_space<vmem>>, vector<1x16xf32>,
          %get3A_133 = arith.index_cast %scan3A_80 : i32 to index
          %get3A_134 = arith.constant 96 : index
          %get3A_135 = tpu.vector_load %arg10[%get3A_133, %get3A_134] {strides = array<i32>} : memref<40x256xf32, #tpu.memory_space<vmem>>, vector<1x16xf32>,
          %get3A_136 = vector.shape_cast %get3A_135 : vector<1x16xf32> to vector<16xf32>
          %swap3A_137 = arith.index_cast %scan3A_80 : i32 to index
          %swap3A_138 = arith.constant 96 : index
          %swap3A_139 = tpu.vector_load %arg12[%swap3A_137, %swap3A_138] {strides = array<i32>} : memref<40x256xf32, #tpu.memory_space<vmem>>, vector<1x16xf32>,
          %swap3A_140 = vector.shape_cast %swap3A_139 : vector<1x16xf32> to vector<16xf32>
          %swap3A_141 = vector.shape_cast %get3A_136 : vector<16xf32> to vector<1x16xf32>
          tpu.vector_store %arg12[%swap3A_137, %swap3A_138], %swap3A_141 {add = true, strides = array<i32>} : memref<40x256xf32, #tpu.memory_space<vmem>>, vector<1x16xf32>,
          %get3A_142 = arith.index_cast %scan3A_80 : i32 to index
          %get3A_143 = arith.constant 112 : index
          %get3A_144 = tpu.vector_load %arg10[%get3A_142, %get3A_143] {strides = array<i32>} : memref<40x256xf32, #tpu.memory_space<vmem>>, vector<1x16xf32>,
          %get3A_145 = vector.shape_cast %get3A_144 : vector<1x16xf32> to vector<16xf32>
          %swap3A_146 = arith.index_cast %scan3A_80 : i32 to index
          %swap3A_147 = arith.constant 112 : index
          %swap3A_148 = tpu.vector_load %arg12[%swap3A_146, %swap3A_147] {strides = array<i32>} : memref<40x256xf32, #tpu.memory_space<vmem>>, vector<1x16xf32>,
          %swap3A_149 = vector.shape_cast %swap3A_148 : vector<1x16xf32> to vector<16xf32>
          %swap3A_150 = vector.shape_cast %get3A_145 : vector<16xf32> to vector<1x16xf32>
          tpu.vector_store %arg12[%swap3A_146, %swap3A_147], %swap3A_150 {add = true, strides = array<i32>} : memref<40x256xf32, #tpu.memory_space<vmem>>, vector<1x16xf32>,
          %get3A_151 = arith.index_cast %scan3A_80 : i32 to index
          %get3A_152 = arith.constant 128 : index
          %get3A_153 = tpu.vector_load %arg10[%get3A_151, %get3A_152] {strides = array<i32>} : memref<40x256xf32, #tpu.memory_space<vmem>>, vector<1x16xf32>,
          %get3A_154 = vector.shape_cast %get3A_153 : vector<1x16xf32> to vector<16xf32>
          %swap3A_155 = arith.index_cast %scan3A_80 : i32 to index
          %swap3A_156 = arith.constant 128 : index
          %swap3A_157 = tpu.vector_load %arg12[%swap3A_155, %swap3A_156] {strides = array<i32>} : memref<40x256xf32, #tpu.memory_space<vmem>>, vector<1x16xf32>,
          %swap3A_158 = vector.shape_cast %swap3A_157 : vector<1x16xf32> to vector<16xf32>
          %swap3A_159 = vector.shape_cast %get3A_154 : vector<16xf32> to vector<1x16xf32>
          tpu.vector_store %arg12[%swap3A_155, %swap3A_156], %swap3A_159 {add = true, strides = array<i32>} : memref<40x256xf32, #tpu.memory_space<vmem>>, vector<1x16xf32>,
          %get3A_160 = arith.index_cast %scan3A_80 : i32 to index
          %get3A_161 = arith.constant 144 : index
          %get3A_162 = tpu.vector_load %arg10[%get3A_160, %get3A_161] {strides = array<i32>} : memref<40x256xf32, #tpu.memory_space<vmem>>, vector<1x16xf32>,
          %get3A_163 = vector.shape_cast %get3A_162 : vector<1x16xf32> to vector<16xf32>
          %swap3A_164 = arith.index_cast %scan3A_80 : i32 to index
          %swap3A_165 = arith.constant 144 : index
          %swap3A_166 = tpu.vector_load %arg12[%swap3A_164, %swap3A_165] {strides = array<i32>} : memref<40x256xf32, #tpu.memory_space<vmem>>, vector<1x16xf32>,
          %swap3A_167 = vector.shape_cast %swap3A_166 : vector<1x16xf32> to vector<16xf32>
          %swap3A_168 = vector.shape_cast %get3A_163 : vector<16xf32> to vector<1x16xf32>
          tpu.vector_store %arg12[%swap3A_164, %swap3A_165], %swap3A_168 {add = true, strides = array<i32>} : memref<40x256xf32, #tpu.memory_space<vmem>>, vector<1x16xf32>,
          %get3A_169 = arith.index_cast %scan3A_80 : i32 to index
          %get3A_170 = arith.constant 160 : index
          %get3A_171 = tpu.vector_load %arg10[%get3A_169, %get3A_170] {strides = array<i32>} : memref<40x256xf32, #tpu.memory_space<vmem>>, vector<1x16xf32>,
          %get3A_172 = vector.shape_cast %get3A_171 : vector<1x16xf32> to vector<16xf32>
          %swap3A_173 = arith.index_cast %scan3A_80 : i32 to index
          %swap3A_174 = arith.constant 160 : index
          %swap3A_175 = tpu.vector_load %arg12[%swap3A_173, %swap3A_174] {strides = array<i32>} : memref<40x256xf32, #tpu.memory_space<vmem>>, vector<1x16xf32>,
          %swap3A_176 = vector.shape_cast %swap3A_175 : vector<1x16xf32> to vector<16xf32>
          %swap3A_177 = vector.shape_cast %get3A_172 : vector<16xf32> to vector<1x16xf32>
          tpu.vector_store %arg12[%swap3A_173, %swap3A_174], %swap3A_177 {add = true, strides = array<i32>} : memref<40x256xf32, #tpu.memory_space<vmem>>, vector<1x16xf32>,
          %get3A_178 = arith.index_cast %scan3A_80 : i32 to index
          %get3A_179 = arith.constant 176 : index
          %get3A_180 = tpu.vector_load %arg10[%get3A_178, %get3A_179] {strides = array<i32>} : memref<40x256xf32, #tpu.memory_space<vmem>>, vector<1x16xf32>,
          %get3A_181 = vector.shape_cast %get3A_180 : vector<1x16xf32> to vector<16xf32>
          %swap3A_182 = arith.index_cast %scan3A_80 : i32 to index
          %swap3A_183 = arith.constant 176 : index
          %swap3A_184 = tpu.vector_load %arg12[%swap3A_182, %swap3A_183] {strides = array<i32>} : memref<40x256xf32, #tpu.memory_space<vmem>>, vector<1x16xf32>,
          %swap3A_185 = vector.shape_cast %swap3A_184 : vector<1x16xf32> to vector<16xf32>
          %swap3A_186 = vector.shape_cast %get3A_181 : vector<16xf32> to vector<1x16xf32>
          tpu.vector_store %arg12[%swap3A_182, %swap3A_183], %swap3A_186 {add = true, strides = array<i32>} : memref<40x256xf32, #tpu.memory_space<vmem>>, vector<1x16xf32>,
          %get3A_187 = arith.index_cast %scan3A_80 : i32 to index
          %get3A_188 = arith.constant 192 : index
          %get3A_189 = tpu.vector_load %arg10[%get3A_187, %get3A_188] {strides = array<i32>} : memref<40x256xf32, #tpu.memory_space<vmem>>, vector<1x16xf32>,
          %get3A_190 = vector.shape_cast %get3A_189 : vector<1x16xf32> to vector<16xf32>
          %swap3A_191 = arith.index_cast %scan3A_80 : i32 to index
          %swap3A_192 = arith.constant 192 : index
          %swap3A_193 = tpu.vector_load %arg12[%swap3A_191, %swap3A_192] {strides = array<i32>} : memref<40x256xf32, #tpu.memory_space<vmem>>, vector<1x16xf32>,
          %swap3A_194 = vector.shape_cast %swap3A_193 : vector<1x16xf32> to vector<16xf32>
          %swap3A_195 = vector.shape_cast %get3A_190 : vector<16xf32> to vector<1x16xf32>
          tpu.vector_store %arg12[%swap3A_191, %swap3A_192], %swap3A_195 {add = true, strides = array<i32>} : memref<40x256xf32, #tpu.memory_space<vmem>>, vector<1x16xf32>,
          %get3A_196 = arith.index_cast %scan3A_80 : i32 to index
          %get3A_197 = arith.constant 208 : index
          %get3A_198 = tpu.vector_load %arg10[%get3A_196, %get3A_197] {strides = array<i32>} : memref<40x256xf32, #tpu.memory_space<vmem>>, vector<1x16xf32>,
          %get3A_199 = vector.shape_cast %get3A_198 : vector<1x16xf32> to vector<16xf32>
          %swap3A_200 = arith.index_cast %scan3A_80 : i32 to index
          %swap3A_201 = arith.constant 208 : index
          %swap3A_202 = tpu.vector_load %arg12[%swap3A_200, %swap3A_201] {strides = array<i32>} : memref<40x256xf32, #tpu.memory_space<vmem>>, vector<1x16xf32>,
          %swap3A_203 = vector.shape_cast %swap3A_202 : vector<1x16xf32> to vector<16xf32>
          %swap3A_204 = vector.shape_cast %get3A_199 : vector<16xf32> to vector<1x16xf32>
          tpu.vector_store %arg12[%swap3A_200, %swap3A_201], %swap3A_204 {add = true, strides = array<i32>} : memref<40x256xf32, #tpu.memory_space<vmem>>, vector<1x16xf32>,
          %get3A_205 = arith.index_cast %scan3A_80 : i32 to index
          %get3A_206 = arith.constant 224 : index
          %get3A_207 = tpu.vector_load %arg10[%get3A_205, %get3A_206] {strides = array<i32>} : memref<40x256xf32, #tpu.memory_space<vmem>>, vector<1x16xf32>,
          %get3A_208 = vector.shape_cast %get3A_207 : vector<1x16xf32> to vector<16xf32>
          %swap3A_209 = arith.index_cast %scan3A_80 : i32 to index
          %swap3A_210 = arith.constant 224 : index
          %swap3A_211 = tpu.vector_load %arg12[%swap3A_209, %swap3A_210] {strides = array<i32>} : memref<40x256xf32, #tpu.memory_space<vmem>>, vector<1x16xf32>,
          %swap3A_212 = vector.shape_cast %swap3A_211 : vector<1x16xf32> to vector<16xf32>
          %swap3A_213 = vector.shape_cast %get3A_208 : vector<16xf32> to vector<1x16xf32>
          tpu.vector_store %arg12[%swap3A_209, %swap3A_210], %swap3A_213 {add = true, strides = array<i32>} : memref<40x256xf32, #tpu.memory_space<vmem>>, vector<1x16xf32>,
          %get3A_214 = arith.index_cast %scan3A_80 : i32 to index
          %get3A_215 = arith.constant 240 : index
          %get3A_216 = tpu.vector_load %arg10[%get3A_214, %get3A_215] {strides = array<i32>} : memref<40x256xf32, #tpu.memory_space<vmem>>, vector<1x16xf32>,
          %get3A_217 = vector.shape_cast %get3A_216 : vector<1x16xf32> to vector<16xf32>
          %swap3A_218 = arith.index_cast %scan3A_80 : i32 to index
          %swap3A_219 = arith.constant 240 : index
          %swap3A_220 = tpu.vector_load %arg12[%swap3A_218, %swap3A_219] {strides = array<i32>} : memref<40x256xf32, #tpu.memory_space<vmem>>, vector<1x16xf32>,
          %swap3A_221 = vector.shape_cast %swap3A_220 : vector<1x16xf32> to vector<16xf32>
          %swap3A_222 = vector.shape_cast %get3A_217 : vector<16xf32> to vector<1x16xf32>
          tpu.vector_store %arg12[%swap3A_218, %swap3A_219], %swap3A_222 {add = true, strides = array<i32>} : memref<40x256xf32, #tpu.memory_space<vmem>>, vector<1x16xf32>,
        }
        %scan3A_65 = arith.constant 40 : i32
        %mul3A_66 = arith.constant 40 : i32
        %mul3A_67 = arith.muli %add3A_44, %mul3A_66 : i32
        %add3A_68 = arith.addi %mul3A_2, %mul3A_67 : i32
        %dma_start3A_69 = arith.constant 0 : i32
        %dma_start3A_70 = tpu.memref_slice %arg6[%add3A_68, %dma_start3A_69] : memref<160000x256xf32, #tpu.memory_space<hbm>> -> memref<40x256xf32, #tpu.memory_space<hbm>>
        %dma_start3A_71 = arith.constant 0 : i32
        %dma_start3A_72 = tpu.memref_slice %arg6[%add3A_68, %dma_start3A_71] : memref<160000x256xf32, #tpu.memory_space<hbm>> -> memref<40x256xf32, #tpu.memory_space<hbm>>
        tpu.enqueue_dma source(%arg12 : memref<40x256xf32, #tpu.memory_space<vmem>>) target(%dma_start3A_72 : memref<40x256xf32, #tpu.memory_space<hbm>>) target_semaphore(%arg16 : memref<!tpu.dma_semaphore, #tpu.memory_space<semaphore_mem>>)
        %add3A_73 = arith.constant 2 : i32
        %add3A_74 = arith.addi %add3A_44, %add3A_73 : i32
        %lt3A_75 = arith.constant 125 : i32
        %lt3A_76 = arith.cmpi slt, %add3A_74, %lt3A_75 : i32
        %convert_element_type3A_77 = arith.extui %lt3A_76 : i1 to i32
        %cond3A_78 = arith.constant 0 : i32
        %cond3A_79 = arith.cmpi ne, %convert_element_type3A_77, %cond3A_78 : i32
        scf.if %cond3A_79 {
          %mul3A_80 = arith.constant 40 : i32
          %mul3A_81 = arith.muli %add3A_74, %mul3A_80 : i32
          %dma_start3A_82 = tpu.memref_slice %arg7[%mul3A_81] : memref<5000xi32, #tpu.memory_space<vmem>> -> memref<40xi32, #tpu.memory_space<vmem>>
          %dma_start3A_83 = arith.constant 0 : i32
          %dma_start3A_84 = arith.constant 0 : i32
          %dma_start3A_85 = tpu.memref_slice %arg2[%dma_start3A_83, %dma_start3A_84] : memref<10000x256xf32, #tpu.memory_space<hbm>> -> memref<10000x256xf32, #tpu.memory_space<hbm>>
          tpu.enqueue_indirect_dma source(%dma_start3A_85 : memref<10000x256xf32, #tpu.memory_space<hbm>>) target(%arg10 : memref<40x256xf32, #tpu.memory_space<vmem>>) offsets(%dma_start3A_82 : memref<40xi32, #tpu.memory_space<vmem>>) semaphore(%arg14 : memref<!tpu.dma_semaphore, #tpu.memory_space<semaphore_mem>>)
          %dma_wait3A_86 = arith.constant 0 : i32
          %dma_wait3A_87 = tpu.memref_slice %arg6[%mul3A_2, %dma_wait3A_86] : memref<160000x256xf32, #tpu.memory_space<hbm>> -> memref<40x256xf32, #tpu.memory_space<hbm>>
          %dma_wait3A_88 = arith.constant 0 : i32
          %dma_wait3A_89 = tpu.memref_slice %arg6[%mul3A_2, %dma_wait3A_88] : memref<160000x256xf32, #tpu.memory_space<hbm>> -> memref<40x256xf32, #tpu.memory_space<hbm>>
          tpu.wait_dma2 semaphore(%arg16 : memref<!tpu.dma_semaphore, #tpu.memory_space<semaphore_mem>>) src(%arg12 : memref<40x256xf32, #tpu.memory_space<vmem>>) dst(%dma_wait3A_89 : memref<40x256xf32, #tpu.memory_space<hbm>>)
          %mul3A_90 = arith.constant 40 : i32
          %mul3A_91 = arith.muli %add3A_74, %mul3A_90 : i32
          %dma_start3A_92 = tpu.memref_slice %arg8[%mul3A_91] : memref<5000xi32, #tpu.memory_space<vmem>> -> memref<40xi32, #tpu.memory_space<vmem>>
          %dma_start3A_93 = arith.constant 0 : i32
          %dma_start3A_94 = arith.constant 0 : i32
          %dma_start3A_95 = tpu.memref_slice %arg3[%dma_start3A_93, %dma_start3A_94] : memref<10000x256xf32, #tpu.memory_space<hbm>> -> memref<10000x256xf32, #tpu.memory_space<hbm>>
          tpu.enqueue_indirect_dma source(%dma_start3A_95 : memref<10000x256xf32, #tpu.memory_space<hbm>>) target(%arg12 : memref<40x256xf32, #tpu.memory_space<vmem>>) offsets(%dma_start3A_92 : memref<40xi32, #tpu.memory_space<vmem>>) semaphore(%arg14 : memref<!tpu.dma_semaphore, #tpu.memory_space<semaphore_mem>>)
        } else {
        }
      } else {
      }
    }
    %scan3A_26 = arith.constant 63 : i32
    %dma_wait3A = arith.constant 0 : i32
    %dma_wait3A_27 = tpu.memref_slice %arg6[%mul3A_2, %dma_wait3A] : memref<160000x256xf32, #tpu.memory_space<hbm>> -> memref<40x256xf32, #tpu.memory_space<hbm>>
    %dma_wait3A_28 = arith.constant 0 : i32
    %dma_wait3A_29 = tpu.memref_slice %arg6[%mul3A_2, %dma_wait3A_28] : memref<160000x256xf32, #tpu.memory_space<hbm>> -> memref<40x256xf32, #tpu.memory_space<hbm>>
    tpu.wait_dma2 semaphore(%arg15 : memref<!tpu.dma_semaphore, #tpu.memory_space<semaphore_mem>>) src(%arg11 : memref<40x256xf32, #tpu.memory_space<vmem>>) dst(%dma_wait3A_29 : memref<40x256xf32, #tpu.memory_space<hbm>>)
    %dma_wait3A_30 = arith.constant 0 : i32
    %dma_wait3A_31 = tpu.memref_slice %arg6[%mul3A_2, %dma_wait3A_30] : memref<160000x256xf32, #tpu.memory_space<hbm>> -> memref<40x256xf32, #tpu.memory_space<hbm>>
    %dma_wait3A_32 = arith.constant 0 : i32
    %dma_wait3A_33 = tpu.memref_slice %arg6[%mul3A_2, %dma_wait3A_32] : memref<160000x256xf32, #tpu.memory_space<hbm>> -> memref<40x256xf32, #tpu.memory_space<hbm>>
    tpu.wait_dma2 semaphore(%arg16 : memref<!tpu.dma_semaphore, #tpu.memory_space<semaphore_mem>>) src(%arg12 : memref<40x256xf32, #tpu.memory_space<vmem>>) dst(%dma_wait3A_33 : memref<40x256xf32, #tpu.memory_space<hbm>>)
    return
  }
}

#map = affine_map<(d0, d1) -> (0, 0)>
#map1 = affine_map<(d0, d1) -> (0)>
#map2 = affine_map<(d0, d1) -> (0, 0, 0)>
module attributes {stable_mosaic.version = 14 : i64} {
  func.func @body(%arg0: i32, %arg1: i32, %arg2: memref<10000x128xf32, #tpu.memory_space<hbm>>, %arg3: memref<10000x128xf32, #tpu.memory_space<hbm>>, %arg4: memref<10000x128xf32, #tpu.memory_space<hbm>>, %arg5: memref<10000x128xf32, #tpu.memory_space<hbm>>, %arg6: memref<160000xi32, #tpu.memory_space<hbm>>, %arg7: memref<16x125x80xi32, #tpu.memory_space<hbm>>, %arg8: memref<10000x128xf32, #tpu.memory_space<hbm>>, %arg9: memref<10000x128xf32, #tpu.memory_space<hbm>>, %arg10: memref<10000x128xf32, #tpu.memory_space<hbm>>, %arg11: memref<10000x128xf32, #tpu.memory_space<hbm>>, %arg12: memref<10000x128xf32, #tpu.memory_space<vmem_shared>>, %arg13: memref<10000xi32, #tpu.memory_space<vmem>>, %arg14: memref<125x80xi32, #tpu.memory_space<vmem>>, %arg15: memref<80x128xf32, #tpu.memory_space<vmem>>, %arg16: memref<80x128xf32, #tpu.memory_space<vmem>>, %arg17: memref<!tpu.dma_semaphore, #tpu.memory_space<semaphore_mem>>, %arg18: memref<!tpu.dma_semaphore, #tpu.memory_space<semaphore_mem>>) attributes {dimension_semantics = [#tpu.dimension_semantics<core_parallel>, #tpu.dimension_semantics<subcore_parallel>], iteration_bounds = array<i64: 2, 16>, scalar_prefetch = 0 : i64, scratch_operands = 7 : i64, tpu.core_type = #tpu.core_type<sc_vector_subcore>, window_params = [{transform_indices = #map}, {transform_indices = #map}, {transform_indices = #map}, {transform_indices = #map}, {transform_indices = #map1}, {transform_indices = #map2}, {transform_indices = #map}, {transform_indices = #map}, {transform_indices = #map}, {transform_indices = #map}]} {
    %broadcast_in_dim3A = arith.constant 0.000000e+00 : f32
    %broadcast_in_dim3A_0 = vector.broadcast %broadcast_in_dim3A : f32 to vector<16xf32>
    %mul3A = arith.constant 10000 : i32
    %mul3A_1 = arith.muli %arg1, %mul3A : i32
    "tpu.region"() ({
      %run_scoped3A = tpu.sem_alloc : memref<!tpu.dma_semaphore, #tpu.memory_space<semaphore_mem>>
      %dma_start3A = tpu.memref_slice %arg6[%mul3A_1] : memref<160000xi32, #tpu.memory_space<hbm>> -> memref<10000xi32, #tpu.memory_space<hbm>>
      %dma_start3A_9 = tpu.memref_slice %arg6[%mul3A_1] : memref<160000xi32, #tpu.memory_space<hbm>> -> memref<10000xi32, #tpu.memory_space<hbm>>
      tpu.enqueue_dma source(%dma_start3A_9 : memref<10000xi32, #tpu.memory_space<hbm>>) target(%arg13 : memref<10000xi32, #tpu.memory_space<vmem>>) target_semaphore(%run_scoped3A : memref<!tpu.dma_semaphore, #tpu.memory_space<semaphore_mem>>)
      %dma_wait3A = tpu.memref_slice %arg6[%mul3A_1] : memref<160000xi32, #tpu.memory_space<hbm>> -> memref<10000xi32, #tpu.memory_space<hbm>>
      %dma_wait3A_10 = tpu.memref_slice %arg6[%mul3A_1] : memref<160000xi32, #tpu.memory_space<hbm>> -> memref<10000xi32, #tpu.memory_space<hbm>>
      tpu.wait_dma2 semaphore(%run_scoped3A : memref<!tpu.dma_semaphore, #tpu.memory_space<semaphore_mem>>) src(%dma_wait3A_10 : memref<10000xi32, #tpu.memory_space<hbm>>) dst(%arg13 : memref<10000xi32, #tpu.memory_space<vmem>>)
      tpu.yield
    }) : () -> ()
    "tpu.region"() ({
      %run_scoped3A = tpu.sem_alloc : memref<!tpu.dma_semaphore, #tpu.memory_space<semaphore_mem>>
      %dma_start3A = arith.constant 0 : i32
      %dma_start3A_9 = arith.constant 0 : i32
      %dma_start3A_10 = tpu.memref_slice %arg7[%arg1, %dma_start3A, %dma_start3A_9] : memref<16x125x80xi32, #tpu.memory_space<hbm>> -> memref<1x125x80xi32, #tpu.memory_space<hbm>>
      %dma_start3A_11 = tpu.memref_squeeze %dma_start3A_10 : memref<1x125x80xi32, #tpu.memory_space<hbm>> -> memref<125x80xi32, #tpu.memory_space<hbm>>
      %dma_start3A_12 = arith.constant 0 : i32
      %dma_start3A_13 = arith.constant 0 : i32
      %dma_start3A_14 = tpu.memref_slice %arg7[%arg1, %dma_start3A_12, %dma_start3A_13] : memref<16x125x80xi32, #tpu.memory_space<hbm>> -> memref<1x125x80xi32, #tpu.memory_space<hbm>>
      %dma_start3A_15 = tpu.memref_squeeze %dma_start3A_14 : memref<1x125x80xi32, #tpu.memory_space<hbm>> -> memref<125x80xi32, #tpu.memory_space<hbm>>
      tpu.enqueue_dma source(%dma_start3A_15 : memref<125x80xi32, #tpu.memory_space<hbm>>) target(%arg14 : memref<125x80xi32, #tpu.memory_space<vmem>>) target_semaphore(%run_scoped3A : memref<!tpu.dma_semaphore, #tpu.memory_space<semaphore_mem>>)
      %dma_wait3A = arith.constant 0 : i32
      %dma_wait3A_16 = arith.constant 0 : i32
      %dma_wait3A_17 = tpu.memref_slice %arg7[%arg1, %dma_wait3A, %dma_wait3A_16] : memref<16x125x80xi32, #tpu.memory_space<hbm>> -> memref<1x125x80xi32, #tpu.memory_space<hbm>>
      %dma_wait3A_18 = tpu.memref_squeeze %dma_wait3A_17 : memref<1x125x80xi32, #tpu.memory_space<hbm>> -> memref<125x80xi32, #tpu.memory_space<hbm>>
      %dma_wait3A_19 = arith.constant 0 : i32
      %dma_wait3A_20 = arith.constant 0 : i32
      %dma_wait3A_21 = tpu.memref_slice %arg7[%arg1, %dma_wait3A_19, %dma_wait3A_20] : memref<16x125x80xi32, #tpu.memory_space<hbm>> -> memref<1x125x80xi32, #tpu.memory_space<hbm>>
      %dma_wait3A_22 = tpu.memref_squeeze %dma_wait3A_21 : memref<1x125x80xi32, #tpu.memory_space<hbm>> -> memref<125x80xi32, #tpu.memory_space<hbm>>
      tpu.wait_dma2 semaphore(%run_scoped3A : memref<!tpu.dma_semaphore, #tpu.memory_space<semaphore_mem>>) src(%dma_wait3A_22 : memref<125x80xi32, #tpu.memory_space<hbm>>) dst(%arg14 : memref<125x80xi32, #tpu.memory_space<vmem>>)
      tpu.yield
    }) : () -> ()
    %eq3A = arith.constant 0 : i32
    %eq3A_2 = arith.cmpi eq, %arg0, %eq3A : i32
    %convert_element_type3A = arith.extui %eq3A_2 : i1 to i32
    %cond3A = arith.constant 0 : i32
    %cond3A_3 = arith.cmpi ne, %convert_element_type3A, %cond3A : i32
    scf.if %cond3A_3 {
      %scan3A = arith.constant 0 : i32
      %scan3A_9 = arith.constant 0 : i32
      %scan3A_10 = arith.constant 80 : i32
      %scan3A_11 = arith.addi %scan3A_9, %scan3A_10 : i32
      %scan3A_12 = arith.constant 1 : i32
      scf.for %scan3A_109 = %scan3A_9 to %scan3A_11 step %scan3A_12  : i32 {
        %swap3A = arith.index_cast %scan3A_109 : i32 to index
        %swap3A_110 = arith.constant 0 : index
        %swap3A_111 = tpu.vector_load %arg15[%swap3A, %swap3A_110] {strides = array<i32>} : memref<80x128xf32, #tpu.memory_space<vmem>>, vector<1x16xf32>,
        %swap3A_112 = vector.shape_cast %swap3A_111 : vector<1x16xf32> to vector<16xf32>
        %swap3A_113 = vector.shape_cast %broadcast_in_dim3A_0 : vector<16xf32> to vector<1x16xf32>
        tpu.vector_store %arg15[%swap3A, %swap3A_110], %swap3A_113 {strides = array<i32>} : memref<80x128xf32, #tpu.memory_space<vmem>>, vector<1x16xf32>,
        %swap3A_114 = arith.index_cast %scan3A_109 : i32 to index
        %swap3A_115 = arith.constant 16 : index
        %swap3A_116 = tpu.vector_load %arg15[%swap3A_114, %swap3A_115] {strides = array<i32>} : memref<80x128xf32, #tpu.memory_space<vmem>>, vector<1x16xf32>,
        %swap3A_117 = vector.shape_cast %swap3A_116 : vector<1x16xf32> to vector<16xf32>
        %swap3A_118 = vector.shape_cast %broadcast_in_dim3A_0 : vector<16xf32> to vector<1x16xf32>
        tpu.vector_store %arg15[%swap3A_114, %swap3A_115], %swap3A_118 {strides = array<i32>} : memref<80x128xf32, #tpu.memory_space<vmem>>, vector<1x16xf32>,
        %swap3A_119 = arith.index_cast %scan3A_109 : i32 to index
        %swap3A_120 = arith.constant 32 : index
        %swap3A_121 = tpu.vector_load %arg15[%swap3A_119, %swap3A_120] {strides = array<i32>} : memref<80x128xf32, #tpu.memory_space<vmem>>, vector<1x16xf32>,
        %swap3A_122 = vector.shape_cast %swap3A_121 : vector<1x16xf32> to vector<16xf32>
        %swap3A_123 = vector.shape_cast %broadcast_in_dim3A_0 : vector<16xf32> to vector<1x16xf32>
        tpu.vector_store %arg15[%swap3A_119, %swap3A_120], %swap3A_123 {strides = array<i32>} : memref<80x128xf32, #tpu.memory_space<vmem>>, vector<1x16xf32>,
        %swap3A_124 = arith.index_cast %scan3A_109 : i32 to index
        %swap3A_125 = arith.constant 48 : index
        %swap3A_126 = tpu.vector_load %arg15[%swap3A_124, %swap3A_125] {strides = array<i32>} : memref<80x128xf32, #tpu.memory_space<vmem>>, vector<1x16xf32>,
        %swap3A_127 = vector.shape_cast %swap3A_126 : vector<1x16xf32> to vector<16xf32>
        %swap3A_128 = vector.shape_cast %broadcast_in_dim3A_0 : vector<16xf32> to vector<1x16xf32>
        tpu.vector_store %arg15[%swap3A_124, %swap3A_125], %swap3A_128 {strides = array<i32>} : memref<80x128xf32, #tpu.memory_space<vmem>>, vector<1x16xf32>,
        %swap3A_129 = arith.index_cast %scan3A_109 : i32 to index
        %swap3A_130 = arith.constant 64 : index
        %swap3A_131 = tpu.vector_load %arg15[%swap3A_129, %swap3A_130] {strides = array<i32>} : memref<80x128xf32, #tpu.memory_space<vmem>>, vector<1x16xf32>,
        %swap3A_132 = vector.shape_cast %swap3A_131 : vector<1x16xf32> to vector<16xf32>
        %swap3A_133 = vector.shape_cast %broadcast_in_dim3A_0 : vector<16xf32> to vector<1x16xf32>
        tpu.vector_store %arg15[%swap3A_129, %swap3A_130], %swap3A_133 {strides = array<i32>} : memref<80x128xf32, #tpu.memory_space<vmem>>, vector<1x16xf32>,
        %swap3A_134 = arith.index_cast %scan3A_109 : i32 to index
        %swap3A_135 = arith.constant 80 : index
        %swap3A_136 = tpu.vector_load %arg15[%swap3A_134, %swap3A_135] {strides = array<i32>} : memref<80x128xf32, #tpu.memory_space<vmem>>, vector<1x16xf32>,
        %swap3A_137 = vector.shape_cast %swap3A_136 : vector<1x16xf32> to vector<16xf32>
        %swap3A_138 = vector.shape_cast %broadcast_in_dim3A_0 : vector<16xf32> to vector<1x16xf32>
        tpu.vector_store %arg15[%swap3A_134, %swap3A_135], %swap3A_138 {strides = array<i32>} : memref<80x128xf32, #tpu.memory_space<vmem>>, vector<1x16xf32>,
        %swap3A_139 = arith.index_cast %scan3A_109 : i32 to index
        %swap3A_140 = arith.constant 96 : index
        %swap3A_141 = tpu.vector_load %arg15[%swap3A_139, %swap3A_140] {strides = array<i32>} : memref<80x128xf32, #tpu.memory_space<vmem>>, vector<1x16xf32>,
        %swap3A_142 = vector.shape_cast %swap3A_141 : vector<1x16xf32> to vector<16xf32>
        %swap3A_143 = vector.shape_cast %broadcast_in_dim3A_0 : vector<16xf32> to vector<1x16xf32>
        tpu.vector_store %arg15[%swap3A_139, %swap3A_140], %swap3A_143 {strides = array<i32>} : memref<80x128xf32, #tpu.memory_space<vmem>>, vector<1x16xf32>,
        %swap3A_144 = arith.index_cast %scan3A_109 : i32 to index
        %swap3A_145 = arith.constant 112 : index
        %swap3A_146 = tpu.vector_load %arg15[%swap3A_144, %swap3A_145] {strides = array<i32>} : memref<80x128xf32, #tpu.memory_space<vmem>>, vector<1x16xf32>,
        %swap3A_147 = vector.shape_cast %swap3A_146 : vector<1x16xf32> to vector<16xf32>
        %swap3A_148 = vector.shape_cast %broadcast_in_dim3A_0 : vector<16xf32> to vector<1x16xf32>
        tpu.vector_store %arg15[%swap3A_144, %swap3A_145], %swap3A_148 {strides = array<i32>} : memref<80x128xf32, #tpu.memory_space<vmem>>, vector<1x16xf32>,
      }
      %scan3A_13 = arith.constant 80 : i32
      %mul3A_14 = arith.constant 624 : i32
      %mul3A_15 = arith.muli %arg1, %mul3A_14 : i32
      %add3A = arith.constant 0 : i32
      %add3A_16 = arith.addi %mul3A_15, %add3A : i32
      "tpu.region"() ({
        %run_scoped3A = tpu.sem_alloc : memref<!tpu.dma_semaphore, #tpu.memory_space<semaphore_mem>>
        %dma_start3A_109 = arith.constant 0 : i32
        %dma_start3A_110 = arith.constant 0 : i32
        %dma_start3A_111 = tpu.memref_slice %arg15[%dma_start3A_109, %dma_start3A_110] : memref<80x128xf32, #tpu.memory_space<vmem>> -> memref<80x128xf32, #tpu.memory_space<vmem>>
        %dma_start3A_112 = arith.constant 0 : i32
        %dma_start3A_113 = tpu.memref_slice %arg12[%add3A_16, %dma_start3A_112] : memref<10000x128xf32, #tpu.memory_space<vmem_shared>> -> memref<80x128xf32, #tpu.memory_space<vmem_shared>>
        %dma_start3A_114 = arith.constant 0 : i32
        %dma_start3A_115 = tpu.memref_slice %arg12[%add3A_16, %dma_start3A_114] : memref<10000x128xf32, #tpu.memory_space<vmem_shared>> -> memref<80x128xf32, #tpu.memory_space<vmem_shared>>
        %dma_start3A_116 = arith.constant 0 : i32
        %dma_start3A_117 = arith.constant 0 : i32
        %dma_start3A_118 = tpu.memref_slice %arg15[%dma_start3A_116, %dma_start3A_117] : memref<80x128xf32, #tpu.memory_space<vmem>> -> memref<80x128xf32, #tpu.memory_space<vmem>>
        tpu.enqueue_dma source(%dma_start3A_118 : memref<80x128xf32, #tpu.memory_space<vmem>>) target(%dma_start3A_115 : memref<80x128xf32, #tpu.memory_space<vmem_shared>>) target_semaphore(%run_scoped3A : memref<!tpu.dma_semaphore, #tpu.memory_space<semaphore_mem>>)
        %dma_wait3A = arith.constant 0 : i32
        %dma_wait3A_119 = arith.constant 0 : i32
        %dma_wait3A_120 = tpu.memref_slice %arg15[%dma_wait3A, %dma_wait3A_119] : memref<80x128xf32, #tpu.memory_space<vmem>> -> memref<80x128xf32, #tpu.memory_space<vmem>>
        %dma_wait3A_121 = arith.constant 0 : i32
        %dma_wait3A_122 = tpu.memref_slice %arg12[%add3A_16, %dma_wait3A_121] : memref<10000x128xf32, #tpu.memory_space<vmem_shared>> -> memref<80x128xf32, #tpu.memory_space<vmem_shared>>
        %dma_wait3A_123 = arith.constant 0 : i32
        %dma_wait3A_124 = tpu.memref_slice %arg12[%add3A_16, %dma_wait3A_123] : memref<10000x128xf32, #tpu.memory_space<vmem_shared>> -> memref<80x128xf32, #tpu.memory_space<vmem_shared>>
        %dma_wait3A_125 = arith.constant 0 : i32
        %dma_wait3A_126 = arith.constant 0 : i32
        %dma_wait3A_127 = tpu.memref_slice %arg15[%dma_wait3A_125, %dma_wait3A_126] : memref<80x128xf32, #tpu.memory_space<vmem>> -> memref<80x128xf32, #tpu.memory_space<vmem>>
        tpu.wait_dma2 semaphore(%run_scoped3A : memref<!tpu.dma_semaphore, #tpu.memory_space<semaphore_mem>>) src(%dma_wait3A_127 : memref<80x128xf32, #tpu.memory_space<vmem>>) dst(%dma_wait3A_124 : memref<80x128xf32, #tpu.memory_space<vmem_shared>>)
        tpu.yield
      }) : () -> ()
      %add3A_17 = arith.constant 80 : i32
      %add3A_18 = arith.addi %mul3A_15, %add3A_17 : i32
      "tpu.region"() ({
        %run_scoped3A = tpu.sem_alloc : memref<!tpu.dma_semaphore, #tpu.memory_space<semaphore_mem>>
        %dma_start3A_109 = arith.constant 0 : i32
        %dma_start3A_110 = arith.constant 0 : i32
        %dma_start3A_111 = tpu.memref_slice %arg15[%dma_start3A_109, %dma_start3A_110] : memref<80x128xf32, #tpu.memory_space<vmem>> -> memref<80x128xf32, #tpu.memory_space<vmem>>
        %dma_start3A_112 = arith.constant 0 : i32
        %dma_start3A_113 = tpu.memref_slice %arg12[%add3A_18, %dma_start3A_112] : memref<10000x128xf32, #tpu.memory_space<vmem_shared>> -> memref<80x128xf32, #tpu.memory_space<vmem_shared>>
        %dma_start3A_114 = arith.constant 0 : i32
        %dma_start3A_115 = tpu.memref_slice %arg12[%add3A_18, %dma_start3A_114] : memref<10000x128xf32, #tpu.memory_space<vmem_shared>> -> memref<80x128xf32, #tpu.memory_space<vmem_shared>>
        %dma_start3A_116 = arith.constant 0 : i32
        %dma_start3A_117 = arith.constant 0 : i32
        %dma_start3A_118 = tpu.memref_slice %arg15[%dma_start3A_116, %dma_start3A_117] : memref<80x128xf32, #tpu.memory_space<vmem>> -> memref<80x128xf32, #tpu.memory_space<vmem>>
        tpu.enqueue_dma source(%dma_start3A_118 : memref<80x128xf32, #tpu.memory_space<vmem>>) target(%dma_start3A_115 : memref<80x128xf32, #tpu.memory_space<vmem_shared>>) target_semaphore(%run_scoped3A : memref<!tpu.dma_semaphore, #tpu.memory_space<semaphore_mem>>)
        %dma_wait3A = arith.constant 0 : i32
        %dma_wait3A_119 = arith.constant 0 : i32
        %dma_wait3A_120 = tpu.memref_slice %arg15[%dma_wait3A, %dma_wait3A_119] : memref<80x128xf32, #tpu.memory_space<vmem>> -> memref<80x128xf32, #tpu.memory_space<vmem>>
        %dma_wait3A_121 = arith.constant 0 : i32
        %dma_wait3A_122 = tpu.memref_slice %arg12[%add3A_18, %dma_wait3A_121] : memref<10000x128xf32, #tpu.memory_space<vmem_shared>> -> memref<80x128xf32, #tpu.memory_space<vmem_shared>>
        %dma_wait3A_123 = arith.constant 0 : i32
        %dma_wait3A_124 = tpu.memref_slice %arg12[%add3A_18, %dma_wait3A_123] : memref<10000x128xf32, #tpu.memory_space<vmem_shared>> -> memref<80x128xf32, #tpu.memory_space<vmem_shared>>
        %dma_wait3A_125 = arith.constant 0 : i32
        %dma_wait3A_126 = arith.constant 0 : i32
        %dma_wait3A_127 = tpu.memref_slice %arg15[%dma_wait3A_125, %dma_wait3A_126] : memref<80x128xf32, #tpu.memory_space<vmem>> -> memref<80x128xf32, #tpu.memory_space<vmem>>
        tpu.wait_dma2 semaphore(%run_scoped3A : memref<!tpu.dma_semaphore, #tpu.memory_space<semaphore_mem>>) src(%dma_wait3A_127 : memref<80x128xf32, #tpu.memory_space<vmem>>) dst(%dma_wait3A_124 : memref<80x128xf32, #tpu.memory_space<vmem_shared>>)
        tpu.yield
      }) : () -> ()
      %add3A_19 = arith.constant 160 : i32
      %add3A_20 = arith.addi %mul3A_15, %add3A_19 : i32
      "tpu.region"() ({
        %run_scoped3A = tpu.sem_alloc : memref<!tpu.dma_semaphore, #tpu.memory_space<semaphore_mem>>
        %dma_start3A_109 = arith.constant 0 : i32
        %dma_start3A_110 = arith.constant 0 : i32
        %dma_start3A_111 = tpu.memref_slice %arg15[%dma_start3A_109, %dma_start3A_110] : memref<80x128xf32, #tpu.memory_space<vmem>> -> memref<80x128xf32, #tpu.memory_space<vmem>>
        %dma_start3A_112 = arith.constant 0 : i32
        %dma_start3A_113 = tpu.memref_slice %arg12[%add3A_20, %dma_start3A_112] : memref<10000x128xf32, #tpu.memory_space<vmem_shared>> -> memref<80x128xf32, #tpu.memory_space<vmem_shared>>
        %dma_start3A_114 = arith.constant 0 : i32
        %dma_start3A_115 = tpu.memref_slice %arg12[%add3A_20, %dma_start3A_114] : memref<10000x128xf32, #tpu.memory_space<vmem_shared>> -> memref<80x128xf32, #tpu.memory_space<vmem_shared>>
        %dma_start3A_116 = arith.constant 0 : i32
        %dma_start3A_117 = arith.constant 0 : i32
        %dma_start3A_118 = tpu.memref_slice %arg15[%dma_start3A_116, %dma_start3A_117] : memref<80x128xf32, #tpu.memory_space<vmem>> -> memref<80x128xf32, #tpu.memory_space<vmem>>
        tpu.enqueue_dma source(%dma_start3A_118 : memref<80x128xf32, #tpu.memory_space<vmem>>) target(%dma_start3A_115 : memref<80x128xf32, #tpu.memory_space<vmem_shared>>) target_semaphore(%run_scoped3A : memref<!tpu.dma_semaphore, #tpu.memory_space<semaphore_mem>>)
        %dma_wait3A = arith.constant 0 : i32
        %dma_wait3A_119 = arith.constant 0 : i32
        %dma_wait3A_120 = tpu.memref_slice %arg15[%dma_wait3A, %dma_wait3A_119] : memref<80x128xf32, #tpu.memory_space<vmem>> -> memref<80x128xf32, #tpu.memory_space<vmem>>
        %dma_wait3A_121 = arith.constant 0 : i32
        %dma_wait3A_122 = tpu.memref_slice %arg12[%add3A_20, %dma_wait3A_121] : memref<10000x128xf32, #tpu.memory_space<vmem_shared>> -> memref<80x128xf32, #tpu.memory_space<vmem_shared>>
        %dma_wait3A_123 = arith.constant 0 : i32
        %dma_wait3A_124 = tpu.memref_slice %arg12[%add3A_20, %dma_wait3A_123] : memref<10000x128xf32, #tpu.memory_space<vmem_shared>> -> memref<80x128xf32, #tpu.memory_space<vmem_shared>>
        %dma_wait3A_125 = arith.constant 0 : i32
        %dma_wait3A_126 = arith.constant 0 : i32
        %dma_wait3A_127 = tpu.memref_slice %arg15[%dma_wait3A_125, %dma_wait3A_126] : memref<80x128xf32, #tpu.memory_space<vmem>> -> memref<80x128xf32, #tpu.memory_space<vmem>>
        tpu.wait_dma2 semaphore(%run_scoped3A : memref<!tpu.dma_semaphore, #tpu.memory_space<semaphore_mem>>) src(%dma_wait3A_127 : memref<80x128xf32, #tpu.memory_space<vmem>>) dst(%dma_wait3A_124 : memref<80x128xf32, #tpu.memory_space<vmem_shared>>)
        tpu.yield
      }) : () -> ()
      %add3A_21 = arith.constant 240 : i32
      %add3A_22 = arith.addi %mul3A_15, %add3A_21 : i32
      "tpu.region"() ({
        %run_scoped3A = tpu.sem_alloc : memref<!tpu.dma_semaphore, #tpu.memory_space<semaphore_mem>>
        %dma_start3A_109 = arith.constant 0 : i32
        %dma_start3A_110 = arith.constant 0 : i32
        %dma_start3A_111 = tpu.memref_slice %arg15[%dma_start3A_109, %dma_start3A_110] : memref<80x128xf32, #tpu.memory_space<vmem>> -> memref<80x128xf32, #tpu.memory_space<vmem>>
        %dma_start3A_112 = arith.constant 0 : i32
        %dma_start3A_113 = tpu.memref_slice %arg12[%add3A_22, %dma_start3A_112] : memref<10000x128xf32, #tpu.memory_space<vmem_shared>> -> memref<80x128xf32, #tpu.memory_space<vmem_shared>>
        %dma_start3A_114 = arith.constant 0 : i32
        %dma_start3A_115 = tpu.memref_slice %arg12[%add3A_22, %dma_start3A_114] : memref<10000x128xf32, #tpu.memory_space<vmem_shared>> -> memref<80x128xf32, #tpu.memory_space<vmem_shared>>
        %dma_start3A_116 = arith.constant 0 : i32
        %dma_start3A_117 = arith.constant 0 : i32
        %dma_start3A_118 = tpu.memref_slice %arg15[%dma_start3A_116, %dma_start3A_117] : memref<80x128xf32, #tpu.memory_space<vmem>> -> memref<80x128xf32, #tpu.memory_space<vmem>>
        tpu.enqueue_dma source(%dma_start3A_118 : memref<80x128xf32, #tpu.memory_space<vmem>>) target(%dma_start3A_115 : memref<80x128xf32, #tpu.memory_space<vmem_shared>>) target_semaphore(%run_scoped3A : memref<!tpu.dma_semaphore, #tpu.memory_space<semaphore_mem>>)
        %dma_wait3A = arith.constant 0 : i32
        %dma_wait3A_119 = arith.constant 0 : i32
        %dma_wait3A_120 = tpu.memref_slice %arg15[%dma_wait3A, %dma_wait3A_119] : memref<80x128xf32, #tpu.memory_space<vmem>> -> memref<80x128xf32, #tpu.memory_space<vmem>>
        %dma_wait3A_121 = arith.constant 0 : i32
        %dma_wait3A_122 = tpu.memref_slice %arg12[%add3A_22, %dma_wait3A_121] : memref<10000x128xf32, #tpu.memory_space<vmem_shared>> -> memref<80x128xf32, #tpu.memory_space<vmem_shared>>
        %dma_wait3A_123 = arith.constant 0 : i32
        %dma_wait3A_124 = tpu.memref_slice %arg12[%add3A_22, %dma_wait3A_123] : memref<10000x128xf32, #tpu.memory_space<vmem_shared>> -> memref<80x128xf32, #tpu.memory_space<vmem_shared>>
        %dma_wait3A_125 = arith.constant 0 : i32
        %dma_wait3A_126 = arith.constant 0 : i32
        %dma_wait3A_127 = tpu.memref_slice %arg15[%dma_wait3A_125, %dma_wait3A_126] : memref<80x128xf32, #tpu.memory_space<vmem>> -> memref<80x128xf32, #tpu.memory_space<vmem>>
        tpu.wait_dma2 semaphore(%run_scoped3A : memref<!tpu.dma_semaphore, #tpu.memory_space<semaphore_mem>>) src(%dma_wait3A_127 : memref<80x128xf32, #tpu.memory_space<vmem>>) dst(%dma_wait3A_124 : memref<80x128xf32, #tpu.memory_space<vmem_shared>>)
        tpu.yield
      }) : () -> ()
      %add3A_23 = arith.constant 320 : i32
      %add3A_24 = arith.addi %mul3A_15, %add3A_23 : i32
      "tpu.region"() ({
        %run_scoped3A = tpu.sem_alloc : memref<!tpu.dma_semaphore, #tpu.memory_space<semaphore_mem>>
        %dma_start3A_109 = arith.constant 0 : i32
        %dma_start3A_110 = arith.constant 0 : i32
        %dma_start3A_111 = tpu.memref_slice %arg15[%dma_start3A_109, %dma_start3A_110] : memref<80x128xf32, #tpu.memory_space<vmem>> -> memref<80x128xf32, #tpu.memory_space<vmem>>
        %dma_start3A_112 = arith.constant 0 : i32
        %dma_start3A_113 = tpu.memref_slice %arg12[%add3A_24, %dma_start3A_112] : memref<10000x128xf32, #tpu.memory_space<vmem_shared>> -> memref<80x128xf32, #tpu.memory_space<vmem_shared>>
        %dma_start3A_114 = arith.constant 0 : i32
        %dma_start3A_115 = tpu.memref_slice %arg12[%add3A_24, %dma_start3A_114] : memref<10000x128xf32, #tpu.memory_space<vmem_shared>> -> memref<80x128xf32, #tpu.memory_space<vmem_shared>>
        %dma_start3A_116 = arith.constant 0 : i32
        %dma_start3A_117 = arith.constant 0 : i32
        %dma_start3A_118 = tpu.memref_slice %arg15[%dma_start3A_116, %dma_start3A_117] : memref<80x128xf32, #tpu.memory_space<vmem>> -> memref<80x128xf32, #tpu.memory_space<vmem>>
        tpu.enqueue_dma source(%dma_start3A_118 : memref<80x128xf32, #tpu.memory_space<vmem>>) target(%dma_start3A_115 : memref<80x128xf32, #tpu.memory_space<vmem_shared>>) target_semaphore(%run_scoped3A : memref<!tpu.dma_semaphore, #tpu.memory_space<semaphore_mem>>)
        %dma_wait3A = arith.constant 0 : i32
        %dma_wait3A_119 = arith.constant 0 : i32
        %dma_wait3A_120 = tpu.memref_slice %arg15[%dma_wait3A, %dma_wait3A_119] : memref<80x128xf32, #tpu.memory_space<vmem>> -> memref<80x128xf32, #tpu.memory_space<vmem>>
        %dma_wait3A_121 = arith.constant 0 : i32
        %dma_wait3A_122 = tpu.memref_slice %arg12[%add3A_24, %dma_wait3A_121] : memref<10000x128xf32, #tpu.memory_space<vmem_shared>> -> memref<80x128xf32, #tpu.memory_space<vmem_shared>>
        %dma_wait3A_123 = arith.constant 0 : i32
        %dma_wait3A_124 = tpu.memref_slice %arg12[%add3A_24, %dma_wait3A_123] : memref<10000x128xf32, #tpu.memory_space<vmem_shared>> -> memref<80x128xf32, #tpu.memory_space<vmem_shared>>
        %dma_wait3A_125 = arith.constant 0 : i32
        %dma_wait3A_126 = arith.constant 0 : i32
        %dma_wait3A_127 = tpu.memref_slice %arg15[%dma_wait3A_125, %dma_wait3A_126] : memref<80x128xf32, #tpu.memory_space<vmem>> -> memref<80x128xf32, #tpu.memory_space<vmem>>
        tpu.wait_dma2 semaphore(%run_scoped3A : memref<!tpu.dma_semaphore, #tpu.memory_space<semaphore_mem>>) src(%dma_wait3A_127 : memref<80x128xf32, #tpu.memory_space<vmem>>) dst(%dma_wait3A_124 : memref<80x128xf32, #tpu.memory_space<vmem_shared>>)
        tpu.yield
      }) : () -> ()
      %add3A_25 = arith.constant 400 : i32
      %add3A_26 = arith.addi %mul3A_15, %add3A_25 : i32
      "tpu.region"() ({
        %run_scoped3A = tpu.sem_alloc : memref<!tpu.dma_semaphore, #tpu.memory_space<semaphore_mem>>
        %dma_start3A_109 = arith.constant 0 : i32
        %dma_start3A_110 = arith.constant 0 : i32
        %dma_start3A_111 = tpu.memref_slice %arg15[%dma_start3A_109, %dma_start3A_110] : memref<80x128xf32, #tpu.memory_space<vmem>> -> memref<80x128xf32, #tpu.memory_space<vmem>>
        %dma_start3A_112 = arith.constant 0 : i32
        %dma_start3A_113 = tpu.memref_slice %arg12[%add3A_26, %dma_start3A_112] : memref<10000x128xf32, #tpu.memory_space<vmem_shared>> -> memref<80x128xf32, #tpu.memory_space<vmem_shared>>
        %dma_start3A_114 = arith.constant 0 : i32
        %dma_start3A_115 = tpu.memref_slice %arg12[%add3A_26, %dma_start3A_114] : memref<10000x128xf32, #tpu.memory_space<vmem_shared>> -> memref<80x128xf32, #tpu.memory_space<vmem_shared>>
        %dma_start3A_116 = arith.constant 0 : i32
        %dma_start3A_117 = arith.constant 0 : i32
        %dma_start3A_118 = tpu.memref_slice %arg15[%dma_start3A_116, %dma_start3A_117] : memref<80x128xf32, #tpu.memory_space<vmem>> -> memref<80x128xf32, #tpu.memory_space<vmem>>
        tpu.enqueue_dma source(%dma_start3A_118 : memref<80x128xf32, #tpu.memory_space<vmem>>) target(%dma_start3A_115 : memref<80x128xf32, #tpu.memory_space<vmem_shared>>) target_semaphore(%run_scoped3A : memref<!tpu.dma_semaphore, #tpu.memory_space<semaphore_mem>>)
        %dma_wait3A = arith.constant 0 : i32
        %dma_wait3A_119 = arith.constant 0 : i32
        %dma_wait3A_120 = tpu.memref_slice %arg15[%dma_wait3A, %dma_wait3A_119] : memref<80x128xf32, #tpu.memory_space<vmem>> -> memref<80x128xf32, #tpu.memory_space<vmem>>
        %dma_wait3A_121 = arith.constant 0 : i32
        %dma_wait3A_122 = tpu.memref_slice %arg12[%add3A_26, %dma_wait3A_121] : memref<10000x128xf32, #tpu.memory_space<vmem_shared>> -> memref<80x128xf32, #tpu.memory_space<vmem_shared>>
        %dma_wait3A_123 = arith.constant 0 : i32
        %dma_wait3A_124 = tpu.memref_slice %arg12[%add3A_26, %dma_wait3A_123] : memref<10000x128xf32, #tpu.memory_space<vmem_shared>> -> memref<80x128xf32, #tpu.memory_space<vmem_shared>>
        %dma_wait3A_125 = arith.constant 0 : i32
        %dma_wait3A_126 = arith.constant 0 : i32
        %dma_wait3A_127 = tpu.memref_slice %arg15[%dma_wait3A_125, %dma_wait3A_126] : memref<80x128xf32, #tpu.memory_space<vmem>> -> memref<80x128xf32, #tpu.memory_space<vmem>>
        tpu.wait_dma2 semaphore(%run_scoped3A : memref<!tpu.dma_semaphore, #tpu.memory_space<semaphore_mem>>) src(%dma_wait3A_127 : memref<80x128xf32, #tpu.memory_space<vmem>>) dst(%dma_wait3A_124 : memref<80x128xf32, #tpu.memory_space<vmem_shared>>)
        tpu.yield
      }) : () -> ()
      %add3A_27 = arith.constant 480 : i32
      %add3A_28 = arith.addi %mul3A_15, %add3A_27 : i32
      "tpu.region"() ({
        %run_scoped3A = tpu.sem_alloc : memref<!tpu.dma_semaphore, #tpu.memory_space<semaphore_mem>>
        %dma_start3A_109 = arith.constant 0 : i32
        %dma_start3A_110 = arith.constant 0 : i32
        %dma_start3A_111 = tpu.memref_slice %arg15[%dma_start3A_109, %dma_start3A_110] : memref<80x128xf32, #tpu.memory_space<vmem>> -> memref<80x128xf32, #tpu.memory_space<vmem>>
        %dma_start3A_112 = arith.constant 0 : i32
        %dma_start3A_113 = tpu.memref_slice %arg12[%add3A_28, %dma_start3A_112] : memref<10000x128xf32, #tpu.memory_space<vmem_shared>> -> memref<80x128xf32, #tpu.memory_space<vmem_shared>>
        %dma_start3A_114 = arith.constant 0 : i32
        %dma_start3A_115 = tpu.memref_slice %arg12[%add3A_28, %dma_start3A_114] : memref<10000x128xf32, #tpu.memory_space<vmem_shared>> -> memref<80x128xf32, #tpu.memory_space<vmem_shared>>
        %dma_start3A_116 = arith.constant 0 : i32
        %dma_start3A_117 = arith.constant 0 : i32
        %dma_start3A_118 = tpu.memref_slice %arg15[%dma_start3A_116, %dma_start3A_117] : memref<80x128xf32, #tpu.memory_space<vmem>> -> memref<80x128xf32, #tpu.memory_space<vmem>>
        tpu.enqueue_dma source(%dma_start3A_118 : memref<80x128xf32, #tpu.memory_space<vmem>>) target(%dma_start3A_115 : memref<80x128xf32, #tpu.memory_space<vmem_shared>>) target_semaphore(%run_scoped3A : memref<!tpu.dma_semaphore, #tpu.memory_space<semaphore_mem>>)
        %dma_wait3A = arith.constant 0 : i32
        %dma_wait3A_119 = arith.constant 0 : i32
        %dma_wait3A_120 = tpu.memref_slice %arg15[%dma_wait3A, %dma_wait3A_119] : memref<80x128xf32, #tpu.memory_space<vmem>> -> memref<80x128xf32, #tpu.memory_space<vmem>>
        %dma_wait3A_121 = arith.constant 0 : i32
        %dma_wait3A_122 = tpu.memref_slice %arg12[%add3A_28, %dma_wait3A_121] : memref<10000x128xf32, #tpu.memory_space<vmem_shared>> -> memref<80x128xf32, #tpu.memory_space<vmem_shared>>
        %dma_wait3A_123 = arith.constant 0 : i32
        %dma_wait3A_124 = tpu.memref_slice %arg12[%add3A_28, %dma_wait3A_123] : memref<10000x128xf32, #tpu.memory_space<vmem_shared>> -> memref<80x128xf32, #tpu.memory_space<vmem_shared>>
        %dma_wait3A_125 = arith.constant 0 : i32
        %dma_wait3A_126 = arith.constant 0 : i32
        %dma_wait3A_127 = tpu.memref_slice %arg15[%dma_wait3A_125, %dma_wait3A_126] : memref<80x128xf32, #tpu.memory_space<vmem>> -> memref<80x128xf32, #tpu.memory_space<vmem>>
        tpu.wait_dma2 semaphore(%run_scoped3A : memref<!tpu.dma_semaphore, #tpu.memory_space<semaphore_mem>>) src(%dma_wait3A_127 : memref<80x128xf32, #tpu.memory_space<vmem>>) dst(%dma_wait3A_124 : memref<80x128xf32, #tpu.memory_space<vmem_shared>>)
        tpu.yield
      }) : () -> ()
      %add3A_29 = arith.constant 560 : i32
      %add3A_30 = arith.addi %mul3A_15, %add3A_29 : i32
      "tpu.region"() ({
        %run_scoped3A = tpu.sem_alloc : memref<!tpu.dma_semaphore, #tpu.memory_space<semaphore_mem>>
        %dma_start3A_109 = arith.constant 0 : i32
        %dma_start3A_110 = arith.constant 0 : i32
        %dma_start3A_111 = tpu.memref_slice %arg15[%dma_start3A_109, %dma_start3A_110] : memref<80x128xf32, #tpu.memory_space<vmem>> -> memref<64x128xf32, #tpu.memory_space<vmem>>
        %dma_start3A_112 = arith.constant 0 : i32
        %dma_start3A_113 = tpu.memref_slice %arg12[%add3A_30, %dma_start3A_112] : memref<10000x128xf32, #tpu.memory_space<vmem_shared>> -> memref<64x128xf32, #tpu.memory_space<vmem_shared>>
        %dma_start3A_114 = arith.constant 0 : i32
        %dma_start3A_115 = tpu.memref_slice %arg12[%add3A_30, %dma_start3A_114] : memref<10000x128xf32, #tpu.memory_space<vmem_shared>> -> memref<64x128xf32, #tpu.memory_space<vmem_shared>>
        %dma_start3A_116 = arith.constant 0 : i32
        %dma_start3A_117 = arith.constant 0 : i32
        %dma_start3A_118 = tpu.memref_slice %arg15[%dma_start3A_116, %dma_start3A_117] : memref<80x128xf32, #tpu.memory_space<vmem>> -> memref<64x128xf32, #tpu.memory_space<vmem>>
        tpu.enqueue_dma source(%dma_start3A_118 : memref<64x128xf32, #tpu.memory_space<vmem>>) target(%dma_start3A_115 : memref<64x128xf32, #tpu.memory_space<vmem_shared>>) target_semaphore(%run_scoped3A : memref<!tpu.dma_semaphore, #tpu.memory_space<semaphore_mem>>)
        %dma_wait3A = arith.constant 0 : i32
        %dma_wait3A_119 = arith.constant 0 : i32
        %dma_wait3A_120 = tpu.memref_slice %arg15[%dma_wait3A, %dma_wait3A_119] : memref<80x128xf32, #tpu.memory_space<vmem>> -> memref<64x128xf32, #tpu.memory_space<vmem>>
        %dma_wait3A_121 = arith.constant 0 : i32
        %dma_wait3A_122 = tpu.memref_slice %arg12[%add3A_30, %dma_wait3A_121] : memref<10000x128xf32, #tpu.memory_space<vmem_shared>> -> memref<64x128xf32, #tpu.memory_space<vmem_shared>>
        %dma_wait3A_123 = arith.constant 0 : i32
        %dma_wait3A_124 = tpu.memref_slice %arg12[%add3A_30, %dma_wait3A_123] : memref<10000x128xf32, #tpu.memory_space<vmem_shared>> -> memref<64x128xf32, #tpu.memory_space<vmem_shared>>
        %dma_wait3A_125 = arith.constant 0 : i32
        %dma_wait3A_126 = arith.constant 0 : i32
        %dma_wait3A_127 = tpu.memref_slice %arg15[%dma_wait3A_125, %dma_wait3A_126] : memref<80x128xf32, #tpu.memory_space<vmem>> -> memref<64x128xf32, #tpu.memory_space<vmem>>
        tpu.wait_dma2 semaphore(%run_scoped3A : memref<!tpu.dma_semaphore, #tpu.memory_space<semaphore_mem>>) src(%dma_wait3A_127 : memref<64x128xf32, #tpu.memory_space<vmem>>) dst(%dma_wait3A_124 : memref<64x128xf32, #tpu.memory_space<vmem_shared>>)
        tpu.yield
      }) : () -> ()
      %eq3A_31 = arith.constant 0 : i32
      %eq3A_32 = arith.cmpi eq, %arg1, %eq3A_31 : i32
      %convert_element_type3A_33 = arith.extui %eq3A_32 : i1 to i32
      %cond3A_34 = arith.constant 0 : i32
      %cond3A_35 = arith.cmpi ne, %convert_element_type3A_33, %cond3A_34 : i32
      scf.if %cond3A_35 {
        "tpu.region"() ({
          %run_scoped3A = tpu.sem_alloc : memref<!tpu.dma_semaphore, #tpu.memory_space<semaphore_mem>>
          %dma_start3A_109 = arith.constant 0 : i32
          %dma_start3A_110 = arith.constant 0 : i32
          %dma_start3A_111 = tpu.memref_slice %arg15[%dma_start3A_109, %dma_start3A_110] : memref<80x128xf32, #tpu.memory_space<vmem>> -> memref<16x128xf32, #tpu.memory_space<vmem>>
          %dma_start3A_112 = arith.constant 9984 : i32
          %dma_start3A_113 = arith.constant 0 : i32
          %dma_start3A_114 = tpu.memref_slice %arg12[%dma_start3A_112, %dma_start3A_113] : memref<10000x128xf32, #tpu.memory_space<vmem_shared>> -> memref<16x128xf32, #tpu.memory_space<vmem_shared>>
          %dma_start3A_115 = arith.constant 9984 : i32
          %dma_start3A_116 = arith.constant 0 : i32
          %dma_start3A_117 = tpu.memref_slice %arg12[%dma_start3A_115, %dma_start3A_116] : memref<10000x128xf32, #tpu.memory_space<vmem_shared>> -> memref<16x128xf32, #tpu.memory_space<vmem_shared>>
          %dma_start3A_118 = arith.constant 0 : i32
          %dma_start3A_119 = arith.constant 0 : i32
          %dma_start3A_120 = tpu.memref_slice %arg15[%dma_start3A_118, %dma_start3A_119] : memref<80x128xf32, #tpu.memory_space<vmem>> -> memref<16x128xf32, #tpu.memory_space<vmem>>
          tpu.enqueue_dma source(%dma_start3A_120 : memref<16x128xf32, #tpu.memory_space<vmem>>) target(%dma_start3A_117 : memref<16x128xf32, #tpu.memory_space<vmem_shared>>) target_semaphore(%run_scoped3A : memref<!tpu.dma_semaphore, #tpu.memory_space<semaphore_mem>>)
          %dma_wait3A = arith.constant 0 : i32
          %dma_wait3A_121 = arith.constant 0 : i32
          %dma_wait3A_122 = tpu.memref_slice %arg15[%dma_wait3A, %dma_wait3A_121] : memref<80x128xf32, #tpu.memory_space<vmem>> -> memref<16x128xf32, #tpu.memory_space<vmem>>
          %dma_wait3A_123 = arith.constant 9984 : i32
          %dma_wait3A_124 = arith.constant 0 : i32
          %dma_wait3A_125 = tpu.memref_slice %arg12[%dma_wait3A_123, %dma_wait3A_124] : memref<10000x128xf32, #tpu.memory_space<vmem_shared>> -> memref<16x128xf32, #tpu.memory_space<vmem_shared>>
          %dma_wait3A_126 = arith.constant 9984 : i32
          %dma_wait3A_127 = arith.constant 0 : i32
          %dma_wait3A_128 = tpu.memref_slice %arg12[%dma_wait3A_126, %dma_wait3A_127] : memref<10000x128xf32, #tpu.memory_space<vmem_shared>> -> memref<16x128xf32, #tpu.memory_space<vmem_shared>>
          %dma_wait3A_129 = arith.constant 0 : i32
          %dma_wait3A_130 = arith.constant 0 : i32
          %dma_wait3A_131 = tpu.memref_slice %arg15[%dma_wait3A_129, %dma_wait3A_130] : memref<80x128xf32, #tpu.memory_space<vmem>> -> memref<16x128xf32, #tpu.memory_space<vmem>>
          tpu.wait_dma2 semaphore(%run_scoped3A : memref<!tpu.dma_semaphore, #tpu.memory_space<semaphore_mem>>) src(%dma_wait3A_131 : memref<16x128xf32, #tpu.memory_space<vmem>>) dst(%dma_wait3A_128 : memref<16x128xf32, #tpu.memory_space<vmem_shared>>)
          tpu.yield
        }) : () -> ()
      } else {
      }
      %barrier3A = arith.constant 0 : index
      tpu.barrier barrier_id(%barrier3A)
      %dma_start3A = arith.constant 0 : i32
      %dma_start3A_36 = tpu.memref_slice %arg13[%dma_start3A] : memref<10000xi32, #tpu.memory_space<vmem>> -> memref<80xi32, #tpu.memory_space<vmem>>
      %dma_start3A_37 = arith.constant 0 : i32
      %dma_start3A_38 = arith.constant 0 : i32
      %dma_start3A_39 = tpu.memref_slice %arg2[%dma_start3A_37, %dma_start3A_38] : memref<10000x128xf32, #tpu.memory_space<hbm>> -> memref<10000x128xf32, #tpu.memory_space<hbm>>
      tpu.enqueue_indirect_dma source(%dma_start3A_39 : memref<10000x128xf32, #tpu.memory_space<hbm>>) target(%arg15 : memref<80x128xf32, #tpu.memory_space<vmem>>) offsets(%dma_start3A_36 : memref<80xi32, #tpu.memory_space<vmem>>) semaphore(%arg17 : memref<!tpu.dma_semaphore, #tpu.memory_space<semaphore_mem>>)
      %dma_start3A_40 = arith.constant 80 : i32
      %dma_start3A_41 = tpu.memref_slice %arg13[%dma_start3A_40] : memref<10000xi32, #tpu.memory_space<vmem>> -> memref<80xi32, #tpu.memory_space<vmem>>
      %dma_start3A_42 = arith.constant 0 : i32
      %dma_start3A_43 = arith.constant 0 : i32
      %dma_start3A_44 = tpu.memref_slice %arg2[%dma_start3A_42, %dma_start3A_43] : memref<10000x128xf32, #tpu.memory_space<hbm>> -> memref<10000x128xf32, #tpu.memory_space<hbm>>
      tpu.enqueue_indirect_dma source(%dma_start3A_44 : memref<10000x128xf32, #tpu.memory_space<hbm>>) target(%arg16 : memref<80x128xf32, #tpu.memory_space<vmem>>) offsets(%dma_start3A_41 : memref<80xi32, #tpu.memory_space<vmem>>) semaphore(%arg18 : memref<!tpu.dma_semaphore, #tpu.memory_space<semaphore_mem>>)
      %scan3A_45 = arith.constant 0 : i32
      %scan3A_46 = arith.constant 0 : i32
      %scan3A_47 = arith.constant 63 : i32
      %scan3A_48 = arith.addi %scan3A_46, %scan3A_47 : i32
      %scan3A_49 = arith.constant 1 : i32
      scf.for %scan3A_109 = %scan3A_46 to %scan3A_48 step %scan3A_49  : i32 {
        %mul3A_110 = arith.constant 2 : i32
        %mul3A_111 = arith.muli %mul3A_110, %scan3A_109 : i32
        %add3A_112 = arith.constant 0 : i32
        %add3A_113 = arith.addi %mul3A_111, %add3A_112 : i32
        %lt3A = arith.constant 125 : i32
        %lt3A_114 = arith.cmpi slt, %add3A_113, %lt3A : i32
        %convert_element_type3A_115 = arith.extui %lt3A_114 : i1 to i32
        %cond3A_116 = arith.constant 0 : i32
        %cond3A_117 = arith.cmpi ne, %convert_element_type3A_115, %cond3A_116 : i32
        scf.if %cond3A_117 {
          %dma_wait3A = arith.constant 0 : i32
          %dma_wait3A_127 = tpu.memref_slice %arg13[%dma_wait3A] : memref<10000xi32, #tpu.memory_space<vmem>> -> memref<80xi32, #tpu.memory_space<vmem>>
          %dma_wait3A_128 = arith.constant 0 : i32
          %dma_wait3A_129 = arith.constant 0 : i32
          %dma_wait3A_130 = tpu.memref_slice %arg2[%dma_wait3A_128, %dma_wait3A_129] : memref<10000x128xf32, #tpu.memory_space<hbm>> -> memref<10000x128xf32, #tpu.memory_space<hbm>>
          tpu.wait_indirect_dma semaphore(%arg17 : memref<!tpu.dma_semaphore, #tpu.memory_space<semaphore_mem>>) src(%dma_wait3A_130 : memref<10000x128xf32, #tpu.memory_space<hbm>>) dst(%arg15 : memref<80x128xf32, #tpu.memory_space<vmem>>)
          "tpu.region"() ({
            %run_scoped3A = tpu.sem_alloc : memref<!tpu.dma_semaphore, #tpu.memory_space<semaphore_mem>>
            %dma_start3A_138 = arith.constant 0 : i32
            %dma_start3A_139 = tpu.memref_slice %arg14[%add3A_113, %dma_start3A_138] : memref<125x80xi32, #tpu.memory_space<vmem>> -> memref<1x80xi32, #tpu.memory_space<vmem>>
            %dma_start3A_140 = tpu.memref_squeeze %dma_start3A_139 : memref<1x80xi32, #tpu.memory_space<vmem>> -> memref<80xi32, #tpu.memory_space<vmem>>
            %dma_start3A_141 = arith.constant 0 : i32
            %dma_start3A_142 = arith.constant 0 : i32
            %dma_start3A_143 = tpu.memref_slice %arg12[%dma_start3A_141, %dma_start3A_142] : memref<10000x128xf32, #tpu.memory_space<vmem_shared>> -> memref<10000x128xf32, #tpu.memory_space<vmem_shared>>
            tpu.enqueue_indirect_dma source(%arg15 : memref<80x128xf32, #tpu.memory_space<vmem>>) target(%dma_start3A_143 : memref<10000x128xf32, #tpu.memory_space<vmem_shared>>) offsets(%dma_start3A_140 : memref<80xi32, #tpu.memory_space<vmem>>) semaphore(%run_scoped3A : memref<!tpu.dma_semaphore, #tpu.memory_space<semaphore_mem>>) {add = true}
            %dma_wait3A_144 = arith.constant 0 : i32
            %dma_wait3A_145 = tpu.memref_slice %arg14[%add3A_113, %dma_wait3A_144] : memref<125x80xi32, #tpu.memory_space<vmem>> -> memref<1x80xi32, #tpu.memory_space<vmem>>
            %dma_wait3A_146 = tpu.memref_squeeze %dma_wait3A_145 : memref<1x80xi32, #tpu.memory_space<vmem>> -> memref<80xi32, #tpu.memory_space<vmem>>
            %dma_wait3A_147 = arith.constant 0 : i32
            %dma_wait3A_148 = arith.constant 0 : i32
            %dma_wait3A_149 = tpu.memref_slice %arg12[%dma_wait3A_147, %dma_wait3A_148] : memref<10000x128xf32, #tpu.memory_space<vmem_shared>> -> memref<10000x128xf32, #tpu.memory_space<vmem_shared>>
            tpu.wait_indirect_dma semaphore(%run_scoped3A : memref<!tpu.dma_semaphore, #tpu.memory_space<semaphore_mem>>) src(%arg15 : memref<80x128xf32, #tpu.memory_space<vmem>>) dst(%dma_wait3A_149 : memref<10000x128xf32, #tpu.memory_space<vmem_shared>>)
            tpu.yield
          }) : () -> ()
          %add3A_131 = arith.constant 2 : i32
          %add3A_132 = arith.addi %add3A_113, %add3A_131 : i32
          %lt3A_133 = arith.constant 125 : i32
          %lt3A_134 = arith.cmpi slt, %add3A_132, %lt3A_133 : i32
          %convert_element_type3A_135 = arith.extui %lt3A_134 : i1 to i32
          %cond3A_136 = arith.constant 0 : i32
          %cond3A_137 = arith.cmpi ne, %convert_element_type3A_135, %cond3A_136 : i32
          scf.if %cond3A_137 {
            %mul3A_138 = arith.constant 80 : i32
            %mul3A_139 = arith.muli %add3A_132, %mul3A_138 : i32
            %dma_start3A_140 = tpu.memref_slice %arg13[%mul3A_139] : memref<10000xi32, #tpu.memory_space<vmem>> -> memref<80xi32, #tpu.memory_space<vmem>>
            %dma_start3A_141 = arith.constant 0 : i32
            %dma_start3A_142 = arith.constant 0 : i32
            %dma_start3A_143 = tpu.memref_slice %arg2[%dma_start3A_141, %dma_start3A_142] : memref<10000x128xf32, #tpu.memory_space<hbm>> -> memref<10000x128xf32, #tpu.memory_space<hbm>>
            tpu.enqueue_indirect_dma source(%dma_start3A_143 : memref<10000x128xf32, #tpu.memory_space<hbm>>) target(%arg15 : memref<80x128xf32, #tpu.memory_space<vmem>>) offsets(%dma_start3A_140 : memref<80xi32, #tpu.memory_space<vmem>>) semaphore(%arg17 : memref<!tpu.dma_semaphore, #tpu.memory_space<semaphore_mem>>)
          } else {
          }
        } else {
        }
        %mul3A_118 = arith.constant 2 : i32
        %mul3A_119 = arith.muli %mul3A_118, %scan3A_109 : i32
        %add3A_120 = arith.constant 1 : i32
        %add3A_121 = arith.addi %mul3A_119, %add3A_120 : i32
        %lt3A_122 = arith.constant 125 : i32
        %lt3A_123 = arith.cmpi slt, %add3A_121, %lt3A_122 : i32
        %convert_element_type3A_124 = arith.extui %lt3A_123 : i1 to i32
        %cond3A_125 = arith.constant 0 : i32
        %cond3A_126 = arith.cmpi ne, %convert_element_type3A_124, %cond3A_125 : i32
        scf.if %cond3A_126 {
          %dma_wait3A = arith.constant 0 : i32
          %dma_wait3A_127 = tpu.memref_slice %arg13[%dma_wait3A] : memref<10000xi32, #tpu.memory_space<vmem>> -> memref<80xi32, #tpu.memory_space<vmem>>
          %dma_wait3A_128 = arith.constant 0 : i32
          %dma_wait3A_129 = arith.constant 0 : i32
          %dma_wait3A_130 = tpu.memref_slice %arg2[%dma_wait3A_128, %dma_wait3A_129] : memref<10000x128xf32, #tpu.memory_space<hbm>> -> memref<10000x128xf32, #tpu.memory_space<hbm>>
          tpu.wait_indirect_dma semaphore(%arg18 : memref<!tpu.dma_semaphore, #tpu.memory_space<semaphore_mem>>) src(%dma_wait3A_130 : memref<10000x128xf32, #tpu.memory_space<hbm>>) dst(%arg16 : memref<80x128xf32, #tpu.memory_space<vmem>>)
          "tpu.region"() ({
            %run_scoped3A = tpu.sem_alloc : memref<!tpu.dma_semaphore, #tpu.memory_space<semaphore_mem>>
            %dma_start3A_138 = arith.constant 0 : i32
            %dma_start3A_139 = tpu.memref_slice %arg14[%add3A_121, %dma_start3A_138] : memref<125x80xi32, #tpu.memory_space<vmem>> -> memref<1x80xi32, #tpu.memory_space<vmem>>
            %dma_start3A_140 = tpu.memref_squeeze %dma_start3A_139 : memref<1x80xi32, #tpu.memory_space<vmem>> -> memref<80xi32, #tpu.memory_space<vmem>>
            %dma_start3A_141 = arith.constant 0 : i32
            %dma_start3A_142 = arith.constant 0 : i32
            %dma_start3A_143 = tpu.memref_slice %arg12[%dma_start3A_141, %dma_start3A_142] : memref<10000x128xf32, #tpu.memory_space<vmem_shared>> -> memref<10000x128xf32, #tpu.memory_space<vmem_shared>>
            tpu.enqueue_indirect_dma source(%arg16 : memref<80x128xf32, #tpu.memory_space<vmem>>) target(%dma_start3A_143 : memref<10000x128xf32, #tpu.memory_space<vmem_shared>>) offsets(%dma_start3A_140 : memref<80xi32, #tpu.memory_space<vmem>>) semaphore(%run_scoped3A : memref<!tpu.dma_semaphore, #tpu.memory_space<semaphore_mem>>) {add = true}
            %dma_wait3A_144 = arith.constant 0 : i32
            %dma_wait3A_145 = tpu.memref_slice %arg14[%add3A_121, %dma_wait3A_144] : memref<125x80xi32, #tpu.memory_space<vmem>> -> memref<1x80xi32, #tpu.memory_space<vmem>>
            %dma_wait3A_146 = tpu.memref_squeeze %dma_wait3A_145 : memref<1x80xi32, #tpu.memory_space<vmem>> -> memref<80xi32, #tpu.memory_space<vmem>>
            %dma_wait3A_147 = arith.constant 0 : i32
            %dma_wait3A_148 = arith.constant 0 : i32
            %dma_wait3A_149 = tpu.memref_slice %arg12[%dma_wait3A_147, %dma_wait3A_148] : memref<10000x128xf32, #tpu.memory_space<vmem_shared>> -> memref<10000x128xf32, #tpu.memory_space<vmem_shared>>
            tpu.wait_indirect_dma semaphore(%run_scoped3A : memref<!tpu.dma_semaphore, #tpu.memory_space<semaphore_mem>>) src(%arg16 : memref<80x128xf32, #tpu.memory_space<vmem>>) dst(%dma_wait3A_149 : memref<10000x128xf32, #tpu.memory_space<vmem_shared>>)
            tpu.yield
          }) : () -> ()
          %add3A_131 = arith.constant 2 : i32
          %add3A_132 = arith.addi %add3A_121, %add3A_131 : i32
          %lt3A_133 = arith.constant 125 : i32
          %lt3A_134 = arith.cmpi slt, %add3A_132, %lt3A_133 : i32
          %convert_element_type3A_135 = arith.extui %lt3A_134 : i1 to i32
          %cond3A_136 = arith.constant 0 : i32
          %cond3A_137 = arith.cmpi ne, %convert_element_type3A_135, %cond3A_136 : i32
          scf.if %cond3A_137 {
            %mul3A_138 = arith.constant 80 : i32
            %mul3A_139 = arith.muli %add3A_132, %mul3A_138 : i32
            %dma_start3A_140 = tpu.memref_slice %arg13[%mul3A_139] : memref<10000xi32, #tpu.memory_space<vmem>> -> memref<80xi32, #tpu.memory_space<vmem>>
            %dma_start3A_141 = arith.constant 0 : i32
            %dma_start3A_142 = arith.constant 0 : i32
            %dma_start3A_143 = tpu.memref_slice %arg2[%dma_start3A_141, %dma_start3A_142] : memref<10000x128xf32, #tpu.memory_space<hbm>> -> memref<10000x128xf32, #tpu.memory_space<hbm>>
            tpu.enqueue_indirect_dma source(%dma_start3A_143 : memref<10000x128xf32, #tpu.memory_space<hbm>>) target(%arg16 : memref<80x128xf32, #tpu.memory_space<vmem>>) offsets(%dma_start3A_140 : memref<80xi32, #tpu.memory_space<vmem>>) semaphore(%arg18 : memref<!tpu.dma_semaphore, #tpu.memory_space<semaphore_mem>>)
          } else {
          }
        } else {
        }
      }
      %scan3A_50 = arith.constant 63 : i32
      %barrier3A_51 = arith.constant 0 : index
      tpu.barrier barrier_id(%barrier3A_51)
      "tpu.region"() ({
        %run_scoped3A = tpu.sem_alloc : memref<!tpu.dma_semaphore, #tpu.memory_space<semaphore_mem>>
        %dma_start3A_109 = arith.constant 0 : i32
        %dma_start3A_110 = tpu.memref_slice %arg8[%mul3A_15, %dma_start3A_109] : memref<10000x128xf32, #tpu.memory_space<hbm>> -> memref<624x128xf32, #tpu.memory_space<hbm>>
        %dma_start3A_111 = arith.constant 0 : i32
        %dma_start3A_112 = tpu.memref_slice %arg12[%mul3A_15, %dma_start3A_111] : memref<10000x128xf32, #tpu.memory_space<vmem_shared>> -> memref<624x128xf32, #tpu.memory_space<vmem_shared>>
        tpu.enqueue_dma source(%dma_start3A_112 : memref<624x128xf32, #tpu.memory_space<vmem_shared>>) target(%dma_start3A_110 : memref<624x128xf32, #tpu.memory_space<hbm>>) target_semaphore(%run_scoped3A : memref<!tpu.dma_semaphore, #tpu.memory_space<semaphore_mem>>)
        %dma_wait3A = arith.constant 0 : i32
        %dma_wait3A_113 = tpu.memref_slice %arg8[%mul3A_15, %dma_wait3A] : memref<10000x128xf32, #tpu.memory_space<hbm>> -> memref<624x128xf32, #tpu.memory_space<hbm>>
        %dma_wait3A_114 = arith.constant 0 : i32
        %dma_wait3A_115 = tpu.memref_slice %arg12[%mul3A_15, %dma_wait3A_114] : memref<10000x128xf32, #tpu.memory_space<vmem_shared>> -> memref<624x128xf32, #tpu.memory_space<vmem_shared>>
        tpu.wait_dma2 semaphore(%run_scoped3A : memref<!tpu.dma_semaphore, #tpu.memory_space<semaphore_mem>>) src(%dma_wait3A_115 : memref<624x128xf32, #tpu.memory_space<vmem_shared>>) dst(%dma_wait3A_113 : memref<624x128xf32, #tpu.memory_space<hbm>>)
        tpu.yield
      }) : () -> ()
      %eq3A_52 = arith.constant 0 : i32
      %eq3A_53 = arith.cmpi eq, %arg1, %eq3A_52 : i32
      %convert_element_type3A_54 = arith.extui %eq3A_53 : i1 to i32
      %cond3A_55 = arith.constant 0 : i32
      %cond3A_56 = arith.cmpi ne, %convert_element_type3A_54, %cond3A_55 : i32
      scf.if %cond3A_56 {
        "tpu.region"() ({
          %run_scoped3A = tpu.sem_alloc : memref<!tpu.dma_semaphore, #tpu.memory_space<semaphore_mem>>
          %dma_start3A_109 = arith.constant 9984 : i32
          %dma_start3A_110 = arith.constant 0 : i32
          %dma_start3A_111 = tpu.memref_slice %arg8[%dma_start3A_109, %dma_start3A_110] : memref<10000x128xf32, #tpu.memory_space<hbm>> -> memref<16x128xf32, #tpu.memory_space<hbm>>
          %dma_start3A_112 = arith.constant 9984 : i32
          %dma_start3A_113 = arith.constant 0 : i32
          %dma_start3A_114 = tpu.memref_slice %arg12[%dma_start3A_112, %dma_start3A_113] : memref<10000x128xf32, #tpu.memory_space<vmem_shared>> -> memref<16x128xf32, #tpu.memory_space<vmem_shared>>
          tpu.enqueue_dma source(%dma_start3A_114 : memref<16x128xf32, #tpu.memory_space<vmem_shared>>) target(%dma_start3A_111 : memref<16x128xf32, #tpu.memory_space<hbm>>) target_semaphore(%run_scoped3A : memref<!tpu.dma_semaphore, #tpu.memory_space<semaphore_mem>>)
          %dma_wait3A = arith.constant 9984 : i32
          %dma_wait3A_115 = arith.constant 0 : i32
          %dma_wait3A_116 = tpu.memref_slice %arg8[%dma_wait3A, %dma_wait3A_115] : memref<10000x128xf32, #tpu.memory_space<hbm>> -> memref<16x128xf32, #tpu.memory_space<hbm>>
          %dma_wait3A_117 = arith.constant 9984 : i32
          %dma_wait3A_118 = arith.constant 0 : i32
          %dma_wait3A_119 = tpu.memref_slice %arg12[%dma_wait3A_117, %dma_wait3A_118] : memref<10000x128xf32, #tpu.memory_space<vmem_shared>> -> memref<16x128xf32, #tpu.memory_space<vmem_shared>>
          tpu.wait_dma2 semaphore(%run_scoped3A : memref<!tpu.dma_semaphore, #tpu.memory_space<semaphore_mem>>) src(%dma_wait3A_119 : memref<16x128xf32, #tpu.memory_space<vmem_shared>>) dst(%dma_wait3A_116 : memref<16x128xf32, #tpu.memory_space<hbm>>)
          tpu.yield
        }) : () -> ()
      } else {
      }
      %scan3A_57 = arith.constant 0 : i32
      %scan3A_58 = arith.constant 0 : i32
      %scan3A_59 = arith.constant 80 : i32
      %scan3A_60 = arith.addi %scan3A_58, %scan3A_59 : i32
      %scan3A_61 = arith.constant 1 : i32
      scf.for %scan3A_109 = %scan3A_58 to %scan3A_60 step %scan3A_61  : i32 {
        %swap3A = arith.index_cast %scan3A_109 : i32 to index
        %swap3A_110 = arith.constant 0 : index
        %swap3A_111 = tpu.vector_load %arg15[%swap3A, %swap3A_110] {strides = array<i32>} : memref<80x128xf32, #tpu.memory_space<vmem>>, vector<1x16xf32>,
        %swap3A_112 = vector.shape_cast %swap3A_111 : vector<1x16xf32> to vector<16xf32>
        %swap3A_113 = vector.shape_cast %broadcast_in_dim3A_0 : vector<16xf32> to vector<1x16xf32>
        tpu.vector_store %arg15[%swap3A, %swap3A_110], %swap3A_113 {strides = array<i32>} : memref<80x128xf32, #tpu.memory_space<vmem>>, vector<1x16xf32>,
        %swap3A_114 = arith.index_cast %scan3A_109 : i32 to index
        %swap3A_115 = arith.constant 16 : index
        %swap3A_116 = tpu.vector_load %arg15[%swap3A_114, %swap3A_115] {strides = array<i32>} : memref<80x128xf32, #tpu.memory_space<vmem>>, vector<1x16xf32>,
        %swap3A_117 = vector.shape_cast %swap3A_116 : vector<1x16xf32> to vector<16xf32>
        %swap3A_118 = vector.shape_cast %broadcast_in_dim3A_0 : vector<16xf32> to vector<1x16xf32>
        tpu.vector_store %arg15[%swap3A_114, %swap3A_115], %swap3A_118 {strides = array<i32>} : memref<80x128xf32, #tpu.memory_space<vmem>>, vector<1x16xf32>,
        %swap3A_119 = arith.index_cast %scan3A_109 : i32 to index
        %swap3A_120 = arith.constant 32 : index
        %swap3A_121 = tpu.vector_load %arg15[%swap3A_119, %swap3A_120] {strides = array<i32>} : memref<80x128xf32, #tpu.memory_space<vmem>>, vector<1x16xf32>,
        %swap3A_122 = vector.shape_cast %swap3A_121 : vector<1x16xf32> to vector<16xf32>
        %swap3A_123 = vector.shape_cast %broadcast_in_dim3A_0 : vector<16xf32> to vector<1x16xf32>
        tpu.vector_store %arg15[%swap3A_119, %swap3A_120], %swap3A_123 {strides = array<i32>} : memref<80x128xf32, #tpu.memory_space<vmem>>, vector<1x16xf32>,
        %swap3A_124 = arith.index_cast %scan3A_109 : i32 to index
        %swap3A_125 = arith.constant 48 : index
        %swap3A_126 = tpu.vector_load %arg15[%swap3A_124, %swap3A_125] {strides = array<i32>} : memref<80x128xf32, #tpu.memory_space<vmem>>, vector<1x16xf32>,
        %swap3A_127 = vector.shape_cast %swap3A_126 : vector<1x16xf32> to vector<16xf32>
        %swap3A_128 = vector.shape_cast %broadcast_in_dim3A_0 : vector<16xf32> to vector<1x16xf32>
        tpu.vector_store %arg15[%swap3A_124, %swap3A_125], %swap3A_128 {strides = array<i32>} : memref<80x128xf32, #tpu.memory_space<vmem>>, vector<1x16xf32>,
        %swap3A_129 = arith.index_cast %scan3A_109 : i32 to index
        %swap3A_130 = arith.constant 64 : index
        %swap3A_131 = tpu.vector_load %arg15[%swap3A_129, %swap3A_130] {strides = array<i32>} : memref<80x128xf32, #tpu.memory_space<vmem>>, vector<1x16xf32>,
        %swap3A_132 = vector.shape_cast %swap3A_131 : vector<1x16xf32> to vector<16xf32>
        %swap3A_133 = vector.shape_cast %broadcast_in_dim3A_0 : vector<16xf32> to vector<1x16xf32>
        tpu.vector_store %arg15[%swap3A_129, %swap3A_130], %swap3A_133 {strides = array<i32>} : memref<80x128xf32, #tpu.memory_space<vmem>>, vector<1x16xf32>,
        %swap3A_134 = arith.index_cast %scan3A_109 : i32 to index
        %swap3A_135 = arith.constant 80 : index
        %swap3A_136 = tpu.vector_load %arg15[%swap3A_134, %swap3A_135] {strides = array<i32>} : memref<80x128xf32, #tpu.memory_space<vmem>>, vector<1x16xf32>,
        %swap3A_137 = vector.shape_cast %swap3A_136 : vector<1x16xf32> to vector<16xf32>
        %swap3A_138 = vector.shape_cast %broadcast_in_dim3A_0 : vector<16xf32> to vector<1x16xf32>
        tpu.vector_store %arg15[%swap3A_134, %swap3A_135], %swap3A_138 {strides = array<i32>} : memref<80x128xf32, #tpu.memory_space<vmem>>, vector<1x16xf32>,
        %swap3A_139 = arith.index_cast %scan3A_109 : i32 to index
        %swap3A_140 = arith.constant 96 : index
        %swap3A_141 = tpu.vector_load %arg15[%swap3A_139, %swap3A_140] {strides = array<i32>} : memref<80x128xf32, #tpu.memory_space<vmem>>, vector<1x16xf32>,
        %swap3A_142 = vector.shape_cast %swap3A_141 : vector<1x16xf32> to vector<16xf32>
        %swap3A_143 = vector.shape_cast %broadcast_in_dim3A_0 : vector<16xf32> to vector<1x16xf32>
        tpu.vector_store %arg15[%swap3A_139, %swap3A_140], %swap3A_143 {strides = array<i32>} : memref<80x128xf32, #tpu.memory_space<vmem>>, vector<1x16xf32>,
        %swap3A_144 = arith.index_cast %scan3A_109 : i32 to index
        %swap3A_145 = arith.constant 112 : index
        %swap3A_146 = tpu.vector_load %arg15[%swap3A_144, %swap3A_145] {strides = array<i32>} : memref<80x128xf32, #tpu.memory_space<vmem>>, vector<1x16xf32>,
        %swap3A_147 = vector.shape_cast %swap3A_146 : vector<1x16xf32> to vector<16xf32>
        %swap3A_148 = vector.shape_cast %broadcast_in_dim3A_0 : vector<16xf32> to vector<1x16xf32>
        tpu.vector_store %arg15[%swap3A_144, %swap3A_145], %swap3A_148 {strides = array<i32>} : memref<80x128xf32, #tpu.memory_space<vmem>>, vector<1x16xf32>,
      }
      %scan3A_62 = arith.constant 80 : i32
      %mul3A_63 = arith.constant 624 : i32
      %mul3A_64 = arith.muli %arg1, %mul3A_63 : i32
      %add3A_65 = arith.constant 0 : i32
      %add3A_66 = arith.addi %mul3A_64, %add3A_65 : i32
      "tpu.region"() ({
        %run_scoped3A = tpu.sem_alloc : memref<!tpu.dma_semaphore, #tpu.memory_space<semaphore_mem>>
        %dma_start3A_109 = arith.constant 0 : i32
        %dma_start3A_110 = arith.constant 0 : i32
        %dma_start3A_111 = tpu.memref_slice %arg15[%dma_start3A_109, %dma_start3A_110] : memref<80x128xf32, #tpu.memory_space<vmem>> -> memref<80x128xf32, #tpu.memory_space<vmem>>
        %dma_start3A_112 = arith.constant 0 : i32
        %dma_start3A_113 = tpu.memref_slice %arg12[%add3A_66, %dma_start3A_112] : memref<10000x128xf32, #tpu.memory_space<vmem_shared>> -> memref<80x128xf32, #tpu.memory_space<vmem_shared>>
        %dma_start3A_114 = arith.constant 0 : i32
        %dma_start3A_115 = tpu.memref_slice %arg12[%add3A_66, %dma_start3A_114] : memref<10000x128xf32, #tpu.memory_space<vmem_shared>> -> memref<80x128xf32, #tpu.memory_space<vmem_shared>>
        %dma_start3A_116 = arith.constant 0 : i32
        %dma_start3A_117 = arith.constant 0 : i32
        %dma_start3A_118 = tpu.memref_slice %arg15[%dma_start3A_116, %dma_start3A_117] : memref<80x128xf32, #tpu.memory_space<vmem>> -> memref<80x128xf32, #tpu.memory_space<vmem>>
        tpu.enqueue_dma source(%dma_start3A_118 : memref<80x128xf32, #tpu.memory_space<vmem>>) target(%dma_start3A_115 : memref<80x128xf32, #tpu.memory_space<vmem_shared>>) target_semaphore(%run_scoped3A : memref<!tpu.dma_semaphore, #tpu.memory_space<semaphore_mem>>)
        %dma_wait3A = arith.constant 0 : i32
        %dma_wait3A_119 = arith.constant 0 : i32
        %dma_wait3A_120 = tpu.memref_slice %arg15[%dma_wait3A, %dma_wait3A_119] : memref<80x128xf32, #tpu.memory_space<vmem>> -> memref<80x128xf32, #tpu.memory_space<vmem>>
        %dma_wait3A_121 = arith.constant 0 : i32
        %dma_wait3A_122 = tpu.memref_slice %arg12[%add3A_66, %dma_wait3A_121] : memref<10000x128xf32, #tpu.memory_space<vmem_shared>> -> memref<80x128xf32, #tpu.memory_space<vmem_shared>>
        %dma_wait3A_123 = arith.constant 0 : i32
        %dma_wait3A_124 = tpu.memref_slice %arg12[%add3A_66, %dma_wait3A_123] : memref<10000x128xf32, #tpu.memory_space<vmem_shared>> -> memref<80x128xf32, #tpu.memory_space<vmem_shared>>
        %dma_wait3A_125 = arith.constant 0 : i32
        %dma_wait3A_126 = arith.constant 0 : i32
        %dma_wait3A_127 = tpu.memref_slice %arg15[%dma_wait3A_125, %dma_wait3A_126] : memref<80x128xf32, #tpu.memory_space<vmem>> -> memref<80x128xf32, #tpu.memory_space<vmem>>
        tpu.wait_dma2 semaphore(%run_scoped3A : memref<!tpu.dma_semaphore, #tpu.memory_space<semaphore_mem>>) src(%dma_wait3A_127 : memref<80x128xf32, #tpu.memory_space<vmem>>) dst(%dma_wait3A_124 : memref<80x128xf32, #tpu.memory_space<vmem_shared>>)
        tpu.yield
      }) : () -> ()
      %add3A_67 = arith.constant 80 : i32
      %add3A_68 = arith.addi %mul3A_64, %add3A_67 : i32
      "tpu.region"() ({
        %run_scoped3A = tpu.sem_alloc : memref<!tpu.dma_semaphore, #tpu.memory_space<semaphore_mem>>
        %dma_start3A_109 = arith.constant 0 : i32
        %dma_start3A_110 = arith.constant 0 : i32
        %dma_start3A_111 = tpu.memref_slice %arg15[%dma_start3A_109, %dma_start3A_110] : memref<80x128xf32, #tpu.memory_space<vmem>> -> memref<80x128xf32, #tpu.memory_space<vmem>>
        %dma_start3A_112 = arith.constant 0 : i32
        %dma_start3A_113 = tpu.memref_slice %arg12[%add3A_68, %dma_start3A_112] : memref<10000x128xf32, #tpu.memory_space<vmem_shared>> -> memref<80x128xf32, #tpu.memory_space<vmem_shared>>
        %dma_start3A_114 = arith.constant 0 : i32
        %dma_start3A_115 = tpu.memref_slice %arg12[%add3A_68, %dma_start3A_114] : memref<10000x128xf32, #tpu.memory_space<vmem_shared>> -> memref<80x128xf32, #tpu.memory_space<vmem_shared>>
        %dma_start3A_116 = arith.constant 0 : i32
        %dma_start3A_117 = arith.constant 0 : i32
        %dma_start3A_118 = tpu.memref_slice %arg15[%dma_start3A_116, %dma_start3A_117] : memref<80x128xf32, #tpu.memory_space<vmem>> -> memref<80x128xf32, #tpu.memory_space<vmem>>
        tpu.enqueue_dma source(%dma_start3A_118 : memref<80x128xf32, #tpu.memory_space<vmem>>) target(%dma_start3A_115 : memref<80x128xf32, #tpu.memory_space<vmem_shared>>) target_semaphore(%run_scoped3A : memref<!tpu.dma_semaphore, #tpu.memory_space<semaphore_mem>>)
        %dma_wait3A = arith.constant 0 : i32
        %dma_wait3A_119 = arith.constant 0 : i32
        %dma_wait3A_120 = tpu.memref_slice %arg15[%dma_wait3A, %dma_wait3A_119] : memref<80x128xf32, #tpu.memory_space<vmem>> -> memref<80x128xf32, #tpu.memory_space<vmem>>
        %dma_wait3A_121 = arith.constant 0 : i32
        %dma_wait3A_122 = tpu.memref_slice %arg12[%add3A_68, %dma_wait3A_121] : memref<10000x128xf32, #tpu.memory_space<vmem_shared>> -> memref<80x128xf32, #tpu.memory_space<vmem_shared>>
        %dma_wait3A_123 = arith.constant 0 : i32
        %dma_wait3A_124 = tpu.memref_slice %arg12[%add3A_68, %dma_wait3A_123] : memref<10000x128xf32, #tpu.memory_space<vmem_shared>> -> memref<80x128xf32, #tpu.memory_space<vmem_shared>>
        %dma_wait3A_125 = arith.constant 0 : i32
        %dma_wait3A_126 = arith.constant 0 : i32
        %dma_wait3A_127 = tpu.memref_slice %arg15[%dma_wait3A_125, %dma_wait3A_126] : memref<80x128xf32, #tpu.memory_space<vmem>> -> memref<80x128xf32, #tpu.memory_space<vmem>>
        tpu.wait_dma2 semaphore(%run_scoped3A : memref<!tpu.dma_semaphore, #tpu.memory_space<semaphore_mem>>) src(%dma_wait3A_127 : memref<80x128xf32, #tpu.memory_space<vmem>>) dst(%dma_wait3A_124 : memref<80x128xf32, #tpu.memory_space<vmem_shared>>)
        tpu.yield
      }) : () -> ()
      %add3A_69 = arith.constant 160 : i32
      %add3A_70 = arith.addi %mul3A_64, %add3A_69 : i32
      "tpu.region"() ({
        %run_scoped3A = tpu.sem_alloc : memref<!tpu.dma_semaphore, #tpu.memory_space<semaphore_mem>>
        %dma_start3A_109 = arith.constant 0 : i32
        %dma_start3A_110 = arith.constant 0 : i32
        %dma_start3A_111 = tpu.memref_slice %arg15[%dma_start3A_109, %dma_start3A_110] : memref<80x128xf32, #tpu.memory_space<vmem>> -> memref<80x128xf32, #tpu.memory_space<vmem>>
        %dma_start3A_112 = arith.constant 0 : i32
        %dma_start3A_113 = tpu.memref_slice %arg12[%add3A_70, %dma_start3A_112] : memref<10000x128xf32, #tpu.memory_space<vmem_shared>> -> memref<80x128xf32, #tpu.memory_space<vmem_shared>>
        %dma_start3A_114 = arith.constant 0 : i32
        %dma_start3A_115 = tpu.memref_slice %arg12[%add3A_70, %dma_start3A_114] : memref<10000x128xf32, #tpu.memory_space<vmem_shared>> -> memref<80x128xf32, #tpu.memory_space<vmem_shared>>
        %dma_start3A_116 = arith.constant 0 : i32
        %dma_start3A_117 = arith.constant 0 : i32
        %dma_start3A_118 = tpu.memref_slice %arg15[%dma_start3A_116, %dma_start3A_117] : memref<80x128xf32, #tpu.memory_space<vmem>> -> memref<80x128xf32, #tpu.memory_space<vmem>>
        tpu.enqueue_dma source(%dma_start3A_118 : memref<80x128xf32, #tpu.memory_space<vmem>>) target(%dma_start3A_115 : memref<80x128xf32, #tpu.memory_space<vmem_shared>>) target_semaphore(%run_scoped3A : memref<!tpu.dma_semaphore, #tpu.memory_space<semaphore_mem>>)
        %dma_wait3A = arith.constant 0 : i32
        %dma_wait3A_119 = arith.constant 0 : i32
        %dma_wait3A_120 = tpu.memref_slice %arg15[%dma_wait3A, %dma_wait3A_119] : memref<80x128xf32, #tpu.memory_space<vmem>> -> memref<80x128xf32, #tpu.memory_space<vmem>>
        %dma_wait3A_121 = arith.constant 0 : i32
        %dma_wait3A_122 = tpu.memref_slice %arg12[%add3A_70, %dma_wait3A_121] : memref<10000x128xf32, #tpu.memory_space<vmem_shared>> -> memref<80x128xf32, #tpu.memory_space<vmem_shared>>
        %dma_wait3A_123 = arith.constant 0 : i32
        %dma_wait3A_124 = tpu.memref_slice %arg12[%add3A_70, %dma_wait3A_123] : memref<10000x128xf32, #tpu.memory_space<vmem_shared>> -> memref<80x128xf32, #tpu.memory_space<vmem_shared>>
        %dma_wait3A_125 = arith.constant 0 : i32
        %dma_wait3A_126 = arith.constant 0 : i32
        %dma_wait3A_127 = tpu.memref_slice %arg15[%dma_wait3A_125, %dma_wait3A_126] : memref<80x128xf32, #tpu.memory_space<vmem>> -> memref<80x128xf32, #tpu.memory_space<vmem>>
        tpu.wait_dma2 semaphore(%run_scoped3A : memref<!tpu.dma_semaphore, #tpu.memory_space<semaphore_mem>>) src(%dma_wait3A_127 : memref<80x128xf32, #tpu.memory_space<vmem>>) dst(%dma_wait3A_124 : memref<80x128xf32, #tpu.memory_space<vmem_shared>>)
        tpu.yield
      }) : () -> ()
      %add3A_71 = arith.constant 240 : i32
      %add3A_72 = arith.addi %mul3A_64, %add3A_71 : i32
      "tpu.region"() ({
        %run_scoped3A = tpu.sem_alloc : memref<!tpu.dma_semaphore, #tpu.memory_space<semaphore_mem>>
        %dma_start3A_109 = arith.constant 0 : i32
        %dma_start3A_110 = arith.constant 0 : i32
        %dma_start3A_111 = tpu.memref_slice %arg15[%dma_start3A_109, %dma_start3A_110] : memref<80x128xf32, #tpu.memory_space<vmem>> -> memref<80x128xf32, #tpu.memory_space<vmem>>
        %dma_start3A_112 = arith.constant 0 : i32
        %dma_start3A_113 = tpu.memref_slice %arg12[%add3A_72, %dma_start3A_112] : memref<10000x128xf32, #tpu.memory_space<vmem_shared>> -> memref<80x128xf32, #tpu.memory_space<vmem_shared>>
        %dma_start3A_114 = arith.constant 0 : i32
        %dma_start3A_115 = tpu.memref_slice %arg12[%add3A_72, %dma_start3A_114] : memref<10000x128xf32, #tpu.memory_space<vmem_shared>> -> memref<80x128xf32, #tpu.memory_space<vmem_shared>>
        %dma_start3A_116 = arith.constant 0 : i32
        %dma_start3A_117 = arith.constant 0 : i32
        %dma_start3A_118 = tpu.memref_slice %arg15[%dma_start3A_116, %dma_start3A_117] : memref<80x128xf32, #tpu.memory_space<vmem>> -> memref<80x128xf32, #tpu.memory_space<vmem>>
        tpu.enqueue_dma source(%dma_start3A_118 : memref<80x128xf32, #tpu.memory_space<vmem>>) target(%dma_start3A_115 : memref<80x128xf32, #tpu.memory_space<vmem_shared>>) target_semaphore(%run_scoped3A : memref<!tpu.dma_semaphore, #tpu.memory_space<semaphore_mem>>)
        %dma_wait3A = arith.constant 0 : i32
        %dma_wait3A_119 = arith.constant 0 : i32
        %dma_wait3A_120 = tpu.memref_slice %arg15[%dma_wait3A, %dma_wait3A_119] : memref<80x128xf32, #tpu.memory_space<vmem>> -> memref<80x128xf32, #tpu.memory_space<vmem>>
        %dma_wait3A_121 = arith.constant 0 : i32
        %dma_wait3A_122 = tpu.memref_slice %arg12[%add3A_72, %dma_wait3A_121] : memref<10000x128xf32, #tpu.memory_space<vmem_shared>> -> memref<80x128xf32, #tpu.memory_space<vmem_shared>>
        %dma_wait3A_123 = arith.constant 0 : i32
        %dma_wait3A_124 = tpu.memref_slice %arg12[%add3A_72, %dma_wait3A_123] : memref<10000x128xf32, #tpu.memory_space<vmem_shared>> -> memref<80x128xf32, #tpu.memory_space<vmem_shared>>
        %dma_wait3A_125 = arith.constant 0 : i32
        %dma_wait3A_126 = arith.constant 0 : i32
        %dma_wait3A_127 = tpu.memref_slice %arg15[%dma_wait3A_125, %dma_wait3A_126] : memref<80x128xf32, #tpu.memory_space<vmem>> -> memref<80x128xf32, #tpu.memory_space<vmem>>
        tpu.wait_dma2 semaphore(%run_scoped3A : memref<!tpu.dma_semaphore, #tpu.memory_space<semaphore_mem>>) src(%dma_wait3A_127 : memref<80x128xf32, #tpu.memory_space<vmem>>) dst(%dma_wait3A_124 : memref<80x128xf32, #tpu.memory_space<vmem_shared>>)
        tpu.yield
      }) : () -> ()
      %add3A_73 = arith.constant 320 : i32
      %add3A_74 = arith.addi %mul3A_64, %add3A_73 : i32
      "tpu.region"() ({
        %run_scoped3A = tpu.sem_alloc : memref<!tpu.dma_semaphore, #tpu.memory_space<semaphore_mem>>
        %dma_start3A_109 = arith.constant 0 : i32
        %dma_start3A_110 = arith.constant 0 : i32
        %dma_start3A_111 = tpu.memref_slice %arg15[%dma_start3A_109, %dma_start3A_110] : memref<80x128xf32, #tpu.memory_space<vmem>> -> memref<80x128xf32, #tpu.memory_space<vmem>>
        %dma_start3A_112 = arith.constant 0 : i32
        %dma_start3A_113 = tpu.memref_slice %arg12[%add3A_74, %dma_start3A_112] : memref<10000x128xf32, #tpu.memory_space<vmem_shared>> -> memref<80x128xf32, #tpu.memory_space<vmem_shared>>
        %dma_start3A_114 = arith.constant 0 : i32
        %dma_start3A_115 = tpu.memref_slice %arg12[%add3A_74, %dma_start3A_114] : memref<10000x128xf32, #tpu.memory_space<vmem_shared>> -> memref<80x128xf32, #tpu.memory_space<vmem_shared>>
        %dma_start3A_116 = arith.constant 0 : i32
        %dma_start3A_117 = arith.constant 0 : i32
        %dma_start3A_118 = tpu.memref_slice %arg15[%dma_start3A_116, %dma_start3A_117] : memref<80x128xf32, #tpu.memory_space<vmem>> -> memref<80x128xf32, #tpu.memory_space<vmem>>
        tpu.enqueue_dma source(%dma_start3A_118 : memref<80x128xf32, #tpu.memory_space<vmem>>) target(%dma_start3A_115 : memref<80x128xf32, #tpu.memory_space<vmem_shared>>) target_semaphore(%run_scoped3A : memref<!tpu.dma_semaphore, #tpu.memory_space<semaphore_mem>>)
        %dma_wait3A = arith.constant 0 : i32
        %dma_wait3A_119 = arith.constant 0 : i32
        %dma_wait3A_120 = tpu.memref_slice %arg15[%dma_wait3A, %dma_wait3A_119] : memref<80x128xf32, #tpu.memory_space<vmem>> -> memref<80x128xf32, #tpu.memory_space<vmem>>
        %dma_wait3A_121 = arith.constant 0 : i32
        %dma_wait3A_122 = tpu.memref_slice %arg12[%add3A_74, %dma_wait3A_121] : memref<10000x128xf32, #tpu.memory_space<vmem_shared>> -> memref<80x128xf32, #tpu.memory_space<vmem_shared>>
        %dma_wait3A_123 = arith.constant 0 : i32
        %dma_wait3A_124 = tpu.memref_slice %arg12[%add3A_74, %dma_wait3A_123] : memref<10000x128xf32, #tpu.memory_space<vmem_shared>> -> memref<80x128xf32, #tpu.memory_space<vmem_shared>>
        %dma_wait3A_125 = arith.constant 0 : i32
        %dma_wait3A_126 = arith.constant 0 : i32
        %dma_wait3A_127 = tpu.memref_slice %arg15[%dma_wait3A_125, %dma_wait3A_126] : memref<80x128xf32, #tpu.memory_space<vmem>> -> memref<80x128xf32, #tpu.memory_space<vmem>>
        tpu.wait_dma2 semaphore(%run_scoped3A : memref<!tpu.dma_semaphore, #tpu.memory_space<semaphore_mem>>) src(%dma_wait3A_127 : memref<80x128xf32, #tpu.memory_space<vmem>>) dst(%dma_wait3A_124 : memref<80x128xf32, #tpu.memory_space<vmem_shared>>)
        tpu.yield
      }) : () -> ()
      %add3A_75 = arith.constant 400 : i32
      %add3A_76 = arith.addi %mul3A_64, %add3A_75 : i32
      "tpu.region"() ({
        %run_scoped3A = tpu.sem_alloc : memref<!tpu.dma_semaphore, #tpu.memory_space<semaphore_mem>>
        %dma_start3A_109 = arith.constant 0 : i32
        %dma_start3A_110 = arith.constant 0 : i32
        %dma_start3A_111 = tpu.memref_slice %arg15[%dma_start3A_109, %dma_start3A_110] : memref<80x128xf32, #tpu.memory_space<vmem>> -> memref<80x128xf32, #tpu.memory_space<vmem>>
        %dma_start3A_112 = arith.constant 0 : i32
        %dma_start3A_113 = tpu.memref_slice %arg12[%add3A_76, %dma_start3A_112] : memref<10000x128xf32, #tpu.memory_space<vmem_shared>> -> memref<80x128xf32, #tpu.memory_space<vmem_shared>>
        %dma_start3A_114 = arith.constant 0 : i32
        %dma_start3A_115 = tpu.memref_slice %arg12[%add3A_76, %dma_start3A_114] : memref<10000x128xf32, #tpu.memory_space<vmem_shared>> -> memref<80x128xf32, #tpu.memory_space<vmem_shared>>
        %dma_start3A_116 = arith.constant 0 : i32
        %dma_start3A_117 = arith.constant 0 : i32
        %dma_start3A_118 = tpu.memref_slice %arg15[%dma_start3A_116, %dma_start3A_117] : memref<80x128xf32, #tpu.memory_space<vmem>> -> memref<80x128xf32, #tpu.memory_space<vmem>>
        tpu.enqueue_dma source(%dma_start3A_118 : memref<80x128xf32, #tpu.memory_space<vmem>>) target(%dma_start3A_115 : memref<80x128xf32, #tpu.memory_space<vmem_shared>>) target_semaphore(%run_scoped3A : memref<!tpu.dma_semaphore, #tpu.memory_space<semaphore_mem>>)
        %dma_wait3A = arith.constant 0 : i32
        %dma_wait3A_119 = arith.constant 0 : i32
        %dma_wait3A_120 = tpu.memref_slice %arg15[%dma_wait3A, %dma_wait3A_119] : memref<80x128xf32, #tpu.memory_space<vmem>> -> memref<80x128xf32, #tpu.memory_space<vmem>>
        %dma_wait3A_121 = arith.constant 0 : i32
        %dma_wait3A_122 = tpu.memref_slice %arg12[%add3A_76, %dma_wait3A_121] : memref<10000x128xf32, #tpu.memory_space<vmem_shared>> -> memref<80x128xf32, #tpu.memory_space<vmem_shared>>
        %dma_wait3A_123 = arith.constant 0 : i32
        %dma_wait3A_124 = tpu.memref_slice %arg12[%add3A_76, %dma_wait3A_123] : memref<10000x128xf32, #tpu.memory_space<vmem_shared>> -> memref<80x128xf32, #tpu.memory_space<vmem_shared>>
        %dma_wait3A_125 = arith.constant 0 : i32
        %dma_wait3A_126 = arith.constant 0 : i32
        %dma_wait3A_127 = tpu.memref_slice %arg15[%dma_wait3A_125, %dma_wait3A_126] : memref<80x128xf32, #tpu.memory_space<vmem>> -> memref<80x128xf32, #tpu.memory_space<vmem>>
        tpu.wait_dma2 semaphore(%run_scoped3A : memref<!tpu.dma_semaphore, #tpu.memory_space<semaphore_mem>>) src(%dma_wait3A_127 : memref<80x128xf32, #tpu.memory_space<vmem>>) dst(%dma_wait3A_124 : memref<80x128xf32, #tpu.memory_space<vmem_shared>>)
        tpu.yield
      }) : () -> ()
      %add3A_77 = arith.constant 480 : i32
      %add3A_78 = arith.addi %mul3A_64, %add3A_77 : i32
      "tpu.region"() ({
        %run_scoped3A = tpu.sem_alloc : memref<!tpu.dma_semaphore, #tpu.memory_space<semaphore_mem>>
        %dma_start3A_109 = arith.constant 0 : i32
        %dma_start3A_110 = arith.constant 0 : i32
        %dma_start3A_111 = tpu.memref_slice %arg15[%dma_start3A_109, %dma_start3A_110] : memref<80x128xf32, #tpu.memory_space<vmem>> -> memref<80x128xf32, #tpu.memory_space<vmem>>
        %dma_start3A_112 = arith.constant 0 : i32
        %dma_start3A_113 = tpu.memref_slice %arg12[%add3A_78, %dma_start3A_112] : memref<10000x128xf32, #tpu.memory_space<vmem_shared>> -> memref<80x128xf32, #tpu.memory_space<vmem_shared>>
        %dma_start3A_114 = arith.constant 0 : i32
        %dma_start3A_115 = tpu.memref_slice %arg12[%add3A_78, %dma_start3A_114] : memref<10000x128xf32, #tpu.memory_space<vmem_shared>> -> memref<80x128xf32, #tpu.memory_space<vmem_shared>>
        %dma_start3A_116 = arith.constant 0 : i32
        %dma_start3A_117 = arith.constant 0 : i32
        %dma_start3A_118 = tpu.memref_slice %arg15[%dma_start3A_116, %dma_start3A_117] : memref<80x128xf32, #tpu.memory_space<vmem>> -> memref<80x128xf32, #tpu.memory_space<vmem>>
        tpu.enqueue_dma source(%dma_start3A_118 : memref<80x128xf32, #tpu.memory_space<vmem>>) target(%dma_start3A_115 : memref<80x128xf32, #tpu.memory_space<vmem_shared>>) target_semaphore(%run_scoped3A : memref<!tpu.dma_semaphore, #tpu.memory_space<semaphore_mem>>)
        %dma_wait3A = arith.constant 0 : i32
        %dma_wait3A_119 = arith.constant 0 : i32
        %dma_wait3A_120 = tpu.memref_slice %arg15[%dma_wait3A, %dma_wait3A_119] : memref<80x128xf32, #tpu.memory_space<vmem>> -> memref<80x128xf32, #tpu.memory_space<vmem>>
        %dma_wait3A_121 = arith.constant 0 : i32
        %dma_wait3A_122 = tpu.memref_slice %arg12[%add3A_78, %dma_wait3A_121] : memref<10000x128xf32, #tpu.memory_space<vmem_shared>> -> memref<80x128xf32, #tpu.memory_space<vmem_shared>>
        %dma_wait3A_123 = arith.constant 0 : i32
        %dma_wait3A_124 = tpu.memref_slice %arg12[%add3A_78, %dma_wait3A_123] : memref<10000x128xf32, #tpu.memory_space<vmem_shared>> -> memref<80x128xf32, #tpu.memory_space<vmem_shared>>
        %dma_wait3A_125 = arith.constant 0 : i32
        %dma_wait3A_126 = arith.constant 0 : i32
        %dma_wait3A_127 = tpu.memref_slice %arg15[%dma_wait3A_125, %dma_wait3A_126] : memref<80x128xf32, #tpu.memory_space<vmem>> -> memref<80x128xf32, #tpu.memory_space<vmem>>
        tpu.wait_dma2 semaphore(%run_scoped3A : memref<!tpu.dma_semaphore, #tpu.memory_space<semaphore_mem>>) src(%dma_wait3A_127 : memref<80x128xf32, #tpu.memory_space<vmem>>) dst(%dma_wait3A_124 : memref<80x128xf32, #tpu.memory_space<vmem_shared>>)
        tpu.yield
      }) : () -> ()
      %add3A_79 = arith.constant 560 : i32
      %add3A_80 = arith.addi %mul3A_64, %add3A_79 : i32
      "tpu.region"() ({
        %run_scoped3A = tpu.sem_alloc : memref<!tpu.dma_semaphore, #tpu.memory_space<semaphore_mem>>
        %dma_start3A_109 = arith.constant 0 : i32
        %dma_start3A_110 = arith.constant 0 : i32
        %dma_start3A_111 = tpu.memref_slice %arg15[%dma_start3A_109, %dma_start3A_110] : memref<80x128xf32, #tpu.memory_space<vmem>> -> memref<64x128xf32, #tpu.memory_space<vmem>>
        %dma_start3A_112 = arith.constant 0 : i32
        %dma_start3A_113 = tpu.memref_slice %arg12[%add3A_80, %dma_start3A_112] : memref<10000x128xf32, #tpu.memory_space<vmem_shared>> -> memref<64x128xf32, #tpu.memory_space<vmem_shared>>
        %dma_start3A_114 = arith.constant 0 : i32
        %dma_start3A_115 = tpu.memref_slice %arg12[%add3A_80, %dma_start3A_114] : memref<10000x128xf32, #tpu.memory_space<vmem_shared>> -> memref<64x128xf32, #tpu.memory_space<vmem_shared>>
        %dma_start3A_116 = arith.constant 0 : i32
        %dma_start3A_117 = arith.constant 0 : i32
        %dma_start3A_118 = tpu.memref_slice %arg15[%dma_start3A_116, %dma_start3A_117] : memref<80x128xf32, #tpu.memory_space<vmem>> -> memref<64x128xf32, #tpu.memory_space<vmem>>
        tpu.enqueue_dma source(%dma_start3A_118 : memref<64x128xf32, #tpu.memory_space<vmem>>) target(%dma_start3A_115 : memref<64x128xf32, #tpu.memory_space<vmem_shared>>) target_semaphore(%run_scoped3A : memref<!tpu.dma_semaphore, #tpu.memory_space<semaphore_mem>>)
        %dma_wait3A = arith.constant 0 : i32
        %dma_wait3A_119 = arith.constant 0 : i32
        %dma_wait3A_120 = tpu.memref_slice %arg15[%dma_wait3A, %dma_wait3A_119] : memref<80x128xf32, #tpu.memory_space<vmem>> -> memref<64x128xf32, #tpu.memory_space<vmem>>
        %dma_wait3A_121 = arith.constant 0 : i32
        %dma_wait3A_122 = tpu.memref_slice %arg12[%add3A_80, %dma_wait3A_121] : memref<10000x128xf32, #tpu.memory_space<vmem_shared>> -> memref<64x128xf32, #tpu.memory_space<vmem_shared>>
        %dma_wait3A_123 = arith.constant 0 : i32
        %dma_wait3A_124 = tpu.memref_slice %arg12[%add3A_80, %dma_wait3A_123] : memref<10000x128xf32, #tpu.memory_space<vmem_shared>> -> memref<64x128xf32, #tpu.memory_space<vmem_shared>>
        %dma_wait3A_125 = arith.constant 0 : i32
        %dma_wait3A_126 = arith.constant 0 : i32
        %dma_wait3A_127 = tpu.memref_slice %arg15[%dma_wait3A_125, %dma_wait3A_126] : memref<80x128xf32, #tpu.memory_space<vmem>> -> memref<64x128xf32, #tpu.memory_space<vmem>>
        tpu.wait_dma2 semaphore(%run_scoped3A : memref<!tpu.dma_semaphore, #tpu.memory_space<semaphore_mem>>) src(%dma_wait3A_127 : memref<64x128xf32, #tpu.memory_space<vmem>>) dst(%dma_wait3A_124 : memref<64x128xf32, #tpu.memory_space<vmem_shared>>)
        tpu.yield
      }) : () -> ()
      %eq3A_81 = arith.constant 0 : i32
      %eq3A_82 = arith.cmpi eq, %arg1, %eq3A_81 : i32
      %convert_element_type3A_83 = arith.extui %eq3A_82 : i1 to i32
      %cond3A_84 = arith.constant 0 : i32
      %cond3A_85 = arith.cmpi ne, %convert_element_type3A_83, %cond3A_84 : i32
      scf.if %cond3A_85 {
        "tpu.region"() ({
          %run_scoped3A = tpu.sem_alloc : memref<!tpu.dma_semaphore, #tpu.memory_space<semaphore_mem>>
          %dma_start3A_109 = arith.constant 0 : i32
          %dma_start3A_110 = arith.constant 0 : i32
          %dma_start3A_111 = tpu.memref_slice %arg15[%dma_start3A_109, %dma_start3A_110] : memref<80x128xf32, #tpu.memory_space<vmem>> -> memref<16x128xf32, #tpu.memory_space<vmem>>
          %dma_start3A_112 = arith.constant 9984 : i32
          %dma_start3A_113 = arith.constant 0 : i32
          %dma_start3A_114 = tpu.memref_slice %arg12[%dma_start3A_112, %dma_start3A_113] : memref<10000x128xf32, #tpu.memory_space<vmem_shared>> -> memref<16x128xf32, #tpu.memory_space<vmem_shared>>
          %dma_start3A_115 = arith.constant 9984 : i32
          %dma_start3A_116 = arith.constant 0 : i32
          %dma_start3A_117 = tpu.memref_slice %arg12[%dma_start3A_115, %dma_start3A_116] : memref<10000x128xf32, #tpu.memory_space<vmem_shared>> -> memref<16x128xf32, #tpu.memory_space<vmem_shared>>
          %dma_start3A_118 = arith.constant 0 : i32
          %dma_start3A_119 = arith.constant 0 : i32
          %dma_start3A_120 = tpu.memref_slice %arg15[%dma_start3A_118, %dma_start3A_119] : memref<80x128xf32, #tpu.memory_space<vmem>> -> memref<16x128xf32, #tpu.memory_space<vmem>>
          tpu.enqueue_dma source(%dma_start3A_120 : memref<16x128xf32, #tpu.memory_space<vmem>>) target(%dma_start3A_117 : memref<16x128xf32, #tpu.memory_space<vmem_shared>>) target_semaphore(%run_scoped3A : memref<!tpu.dma_semaphore, #tpu.memory_space<semaphore_mem>>)
          %dma_wait3A = arith.constant 0 : i32
          %dma_wait3A_121 = arith.constant 0 : i32
          %dma_wait3A_122 = tpu.memref_slice %arg15[%dma_wait3A, %dma_wait3A_121] : memref<80x128xf32, #tpu.memory_space<vmem>> -> memref<16x128xf32, #tpu.memory_space<vmem>>
          %dma_wait3A_123 = arith.constant 9984 : i32
          %dma_wait3A_124 = arith.constant 0 : i32
          %dma_wait3A_125 = tpu.memref_slice %arg12[%dma_wait3A_123, %dma_wait3A_124] : memref<10000x128xf32, #tpu.memory_space<vmem_shared>> -> memref<16x128xf32, #tpu.memory_space<vmem_shared>>
          %dma_wait3A_126 = arith.constant 9984 : i32
          %dma_wait3A_127 = arith.constant 0 : i32
          %dma_wait3A_128 = tpu.memref_slice %arg12[%dma_wait3A_126, %dma_wait3A_127] : memref<10000x128xf32, #tpu.memory_space<vmem_shared>> -> memref<16x128xf32, #tpu.memory_space<vmem_shared>>
          %dma_wait3A_129 = arith.constant 0 : i32
          %dma_wait3A_130 = arith.constant 0 : i32
          %dma_wait3A_131 = tpu.memref_slice %arg15[%dma_wait3A_129, %dma_wait3A_130] : memref<80x128xf32, #tpu.memory_space<vmem>> -> memref<16x128xf32, #tpu.memory_space<vmem>>
          tpu.wait_dma2 semaphore(%run_scoped3A : memref<!tpu.dma_semaphore, #tpu.memory_space<semaphore_mem>>) src(%dma_wait3A_131 : memref<16x128xf32, #tpu.memory_space<vmem>>) dst(%dma_wait3A_128 : memref<16x128xf32, #tpu.memory_space<vmem_shared>>)
          tpu.yield
        }) : () -> ()
      } else {
      }
      %barrier3A_86 = arith.constant 0 : index
      tpu.barrier barrier_id(%barrier3A_86)
      %dma_start3A_87 = arith.constant 0 : i32
      %dma_start3A_88 = tpu.memref_slice %arg13[%dma_start3A_87] : memref<10000xi32, #tpu.memory_space<vmem>> -> memref<80xi32, #tpu.memory_space<vmem>>
      %dma_start3A_89 = arith.constant 0 : i32
      %dma_start3A_90 = arith.constant 0 : i32
      %dma_start3A_91 = tpu.memref_slice %arg3[%dma_start3A_89, %dma_start3A_90] : memref<10000x128xf32, #tpu.memory_space<hbm>> -> memref<10000x128xf32, #tpu.memory_space<hbm>>
      tpu.enqueue_indirect_dma source(%dma_start3A_91 : memref<10000x128xf32, #tpu.memory_space<hbm>>) target(%arg15 : memref<80x128xf32, #tpu.memory_space<vmem>>) offsets(%dma_start3A_88 : memref<80xi32, #tpu.memory_space<vmem>>) semaphore(%arg17 : memref<!tpu.dma_semaphore, #tpu.memory_space<semaphore_mem>>)
      %dma_start3A_92 = arith.constant 80 : i32
      %dma_start3A_93 = tpu.memref_slice %arg13[%dma_start3A_92] : memref<10000xi32, #tpu.memory_space<vmem>> -> memref<80xi32, #tpu.memory_space<vmem>>
      %dma_start3A_94 = arith.constant 0 : i32
      %dma_start3A_95 = arith.constant 0 : i32
      %dma_start3A_96 = tpu.memref_slice %arg3[%dma_start3A_94, %dma_start3A_95] : memref<10000x128xf32, #tpu.memory_space<hbm>> -> memref<10000x128xf32, #tpu.memory_space<hbm>>
      tpu.enqueue_indirect_dma source(%dma_start3A_96 : memref<10000x128xf32, #tpu.memory_space<hbm>>) target(%arg16 : memref<80x128xf32, #tpu.memory_space<vmem>>) offsets(%dma_start3A_93 : memref<80xi32, #tpu.memory_space<vmem>>) semaphore(%arg18 : memref<!tpu.dma_semaphore, #tpu.memory_space<semaphore_mem>>)
      %scan3A_97 = arith.constant 0 : i32
      %scan3A_98 = arith.constant 0 : i32
      %scan3A_99 = arith.constant 63 : i32
      %scan3A_100 = arith.addi %scan3A_98, %scan3A_99 : i32
      %scan3A_101 = arith.constant 1 : i32
      scf.for %scan3A_109 = %scan3A_98 to %scan3A_100 step %scan3A_101  : i32 {
        %mul3A_110 = arith.constant 2 : i32
        %mul3A_111 = arith.muli %mul3A_110, %scan3A_109 : i32
        %add3A_112 = arith.constant 0 : i32
        %add3A_113 = arith.addi %mul3A_111, %add3A_112 : i32
        %lt3A = arith.constant 125 : i32
        %lt3A_114 = arith.cmpi slt, %add3A_113, %lt3A : i32
        %convert_element_type3A_115 = arith.extui %lt3A_114 : i1 to i32
        %cond3A_116 = arith.constant 0 : i32
        %cond3A_117 = arith.cmpi ne, %convert_element_type3A_115, %cond3A_116 : i32
        scf.if %cond3A_117 {
          %dma_wait3A = arith.constant 0 : i32
          %dma_wait3A_127 = tpu.memref_slice %arg13[%dma_wait3A] : memref<10000xi32, #tpu.memory_space<vmem>> -> memref<80xi32, #tpu.memory_space<vmem>>
          %dma_wait3A_128 = arith.constant 0 : i32
          %dma_wait3A_129 = arith.constant 0 : i32
          %dma_wait3A_130 = tpu.memref_slice %arg3[%dma_wait3A_128, %dma_wait3A_129] : memref<10000x128xf32, #tpu.memory_space<hbm>> -> memref<10000x128xf32, #tpu.memory_space<hbm>>
          tpu.wait_indirect_dma semaphore(%arg17 : memref<!tpu.dma_semaphore, #tpu.memory_space<semaphore_mem>>) src(%dma_wait3A_130 : memref<10000x128xf32, #tpu.memory_space<hbm>>) dst(%arg15 : memref<80x128xf32, #tpu.memory_space<vmem>>)
          "tpu.region"() ({
            %run_scoped3A = tpu.sem_alloc : memref<!tpu.dma_semaphore, #tpu.memory_space<semaphore_mem>>
            %dma_start3A_138 = arith.constant 0 : i32
            %dma_start3A_139 = tpu.memref_slice %arg14[%add3A_113, %dma_start3A_138] : memref<125x80xi32, #tpu.memory_space<vmem>> -> memref<1x80xi32, #tpu.memory_space<vmem>>
            %dma_start3A_140 = tpu.memref_squeeze %dma_start3A_139 : memref<1x80xi32, #tpu.memory_space<vmem>> -> memref<80xi32, #tpu.memory_space<vmem>>
            %dma_start3A_141 = arith.constant 0 : i32
            %dma_start3A_142 = arith.constant 0 : i32
            %dma_start3A_143 = tpu.memref_slice %arg12[%dma_start3A_141, %dma_start3A_142] : memref<10000x128xf32, #tpu.memory_space<vmem_shared>> -> memref<10000x128xf32, #tpu.memory_space<vmem_shared>>
            tpu.enqueue_indirect_dma source(%arg15 : memref<80x128xf32, #tpu.memory_space<vmem>>) target(%dma_start3A_143 : memref<10000x128xf32, #tpu.memory_space<vmem_shared>>) offsets(%dma_start3A_140 : memref<80xi32, #tpu.memory_space<vmem>>) semaphore(%run_scoped3A : memref<!tpu.dma_semaphore, #tpu.memory_space<semaphore_mem>>) {add = true}
            %dma_wait3A_144 = arith.constant 0 : i32
            %dma_wait3A_145 = tpu.memref_slice %arg14[%add3A_113, %dma_wait3A_144] : memref<125x80xi32, #tpu.memory_space<vmem>> -> memref<1x80xi32, #tpu.memory_space<vmem>>
            %dma_wait3A_146 = tpu.memref_squeeze %dma_wait3A_145 : memref<1x80xi32, #tpu.memory_space<vmem>> -> memref<80xi32, #tpu.memory_space<vmem>>
            %dma_wait3A_147 = arith.constant 0 : i32
            %dma_wait3A_148 = arith.constant 0 : i32
            %dma_wait3A_149 = tpu.memref_slice %arg12[%dma_wait3A_147, %dma_wait3A_148] : memref<10000x128xf32, #tpu.memory_space<vmem_shared>> -> memref<10000x128xf32, #tpu.memory_space<vmem_shared>>
            tpu.wait_indirect_dma semaphore(%run_scoped3A : memref<!tpu.dma_semaphore, #tpu.memory_space<semaphore_mem>>) src(%arg15 : memref<80x128xf32, #tpu.memory_space<vmem>>) dst(%dma_wait3A_149 : memref<10000x128xf32, #tpu.memory_space<vmem_shared>>)
            tpu.yield
          }) : () -> ()
          %add3A_131 = arith.constant 2 : i32
          %add3A_132 = arith.addi %add3A_113, %add3A_131 : i32
          %lt3A_133 = arith.constant 125 : i32
          %lt3A_134 = arith.cmpi slt, %add3A_132, %lt3A_133 : i32
          %convert_element_type3A_135 = arith.extui %lt3A_134 : i1 to i32
          %cond3A_136 = arith.constant 0 : i32
          %cond3A_137 = arith.cmpi ne, %convert_element_type3A_135, %cond3A_136 : i32
          scf.if %cond3A_137 {
            %mul3A_138 = arith.constant 80 : i32
            %mul3A_139 = arith.muli %add3A_132, %mul3A_138 : i32
            %dma_start3A_140 = tpu.memref_slice %arg13[%mul3A_139] : memref<10000xi32, #tpu.memory_space<vmem>> -> memref<80xi32, #tpu.memory_space<vmem>>
            %dma_start3A_141 = arith.constant 0 : i32
            %dma_start3A_142 = arith.constant 0 : i32
            %dma_start3A_143 = tpu.memref_slice %arg3[%dma_start3A_141, %dma_start3A_142] : memref<10000x128xf32, #tpu.memory_space<hbm>> -> memref<10000x128xf32, #tpu.memory_space<hbm>>
            tpu.enqueue_indirect_dma source(%dma_start3A_143 : memref<10000x128xf32, #tpu.memory_space<hbm>>) target(%arg15 : memref<80x128xf32, #tpu.memory_space<vmem>>) offsets(%dma_start3A_140 : memref<80xi32, #tpu.memory_space<vmem>>) semaphore(%arg17 : memref<!tpu.dma_semaphore, #tpu.memory_space<semaphore_mem>>)
          } else {
          }
        } else {
        }
        %mul3A_118 = arith.constant 2 : i32
        %mul3A_119 = arith.muli %mul3A_118, %scan3A_109 : i32
        %add3A_120 = arith.constant 1 : i32
        %add3A_121 = arith.addi %mul3A_119, %add3A_120 : i32
        %lt3A_122 = arith.constant 125 : i32
        %lt3A_123 = arith.cmpi slt, %add3A_121, %lt3A_122 : i32
        %convert_element_type3A_124 = arith.extui %lt3A_123 : i1 to i32
        %cond3A_125 = arith.constant 0 : i32
        %cond3A_126 = arith.cmpi ne, %convert_element_type3A_124, %cond3A_125 : i32
        scf.if %cond3A_126 {
          %dma_wait3A = arith.constant 0 : i32
          %dma_wait3A_127 = tpu.memref_slice %arg13[%dma_wait3A] : memref<10000xi32, #tpu.memory_space<vmem>> -> memref<80xi32, #tpu.memory_space<vmem>>
          %dma_wait3A_128 = arith.constant 0 : i32
          %dma_wait3A_129 = arith.constant 0 : i32
          %dma_wait3A_130 = tpu.memref_slice %arg3[%dma_wait3A_128, %dma_wait3A_129] : memref<10000x128xf32, #tpu.memory_space<hbm>> -> memref<10000x128xf32, #tpu.memory_space<hbm>>
          tpu.wait_indirect_dma semaphore(%arg18 : memref<!tpu.dma_semaphore, #tpu.memory_space<semaphore_mem>>) src(%dma_wait3A_130 : memref<10000x128xf32, #tpu.memory_space<hbm>>) dst(%arg16 : memref<80x128xf32, #tpu.memory_space<vmem>>)
          "tpu.region"() ({
            %run_scoped3A = tpu.sem_alloc : memref<!tpu.dma_semaphore, #tpu.memory_space<semaphore_mem>>
            %dma_start3A_138 = arith.constant 0 : i32
            %dma_start3A_139 = tpu.memref_slice %arg14[%add3A_121, %dma_start3A_138] : memref<125x80xi32, #tpu.memory_space<vmem>> -> memref<1x80xi32, #tpu.memory_space<vmem>>
            %dma_start3A_140 = tpu.memref_squeeze %dma_start3A_139 : memref<1x80xi32, #tpu.memory_space<vmem>> -> memref<80xi32, #tpu.memory_space<vmem>>
            %dma_start3A_141 = arith.constant 0 : i32
            %dma_start3A_142 = arith.constant 0 : i32
            %dma_start3A_143 = tpu.memref_slice %arg12[%dma_start3A_141, %dma_start3A_142] : memref<10000x128xf32, #tpu.memory_space<vmem_shared>> -> memref<10000x128xf32, #tpu.memory_space<vmem_shared>>
            tpu.enqueue_indirect_dma source(%arg16 : memref<80x128xf32, #tpu.memory_space<vmem>>) target(%dma_start3A_143 : memref<10000x128xf32, #tpu.memory_space<vmem_shared>>) offsets(%dma_start3A_140 : memref<80xi32, #tpu.memory_space<vmem>>) semaphore(%run_scoped3A : memref<!tpu.dma_semaphore, #tpu.memory_space<semaphore_mem>>) {add = true}
            %dma_wait3A_144 = arith.constant 0 : i32
            %dma_wait3A_145 = tpu.memref_slice %arg14[%add3A_121, %dma_wait3A_144] : memref<125x80xi32, #tpu.memory_space<vmem>> -> memref<1x80xi32, #tpu.memory_space<vmem>>
            %dma_wait3A_146 = tpu.memref_squeeze %dma_wait3A_145 : memref<1x80xi32, #tpu.memory_space<vmem>> -> memref<80xi32, #tpu.memory_space<vmem>>
            %dma_wait3A_147 = arith.constant 0 : i32
            %dma_wait3A_148 = arith.constant 0 : i32
            %dma_wait3A_149 = tpu.memref_slice %arg12[%dma_wait3A_147, %dma_wait3A_148] : memref<10000x128xf32, #tpu.memory_space<vmem_shared>> -> memref<10000x128xf32, #tpu.memory_space<vmem_shared>>
            tpu.wait_indirect_dma semaphore(%run_scoped3A : memref<!tpu.dma_semaphore, #tpu.memory_space<semaphore_mem>>) src(%arg16 : memref<80x128xf32, #tpu.memory_space<vmem>>) dst(%dma_wait3A_149 : memref<10000x128xf32, #tpu.memory_space<vmem_shared>>)
            tpu.yield
          }) : () -> ()
          %add3A_131 = arith.constant 2 : i32
          %add3A_132 = arith.addi %add3A_121, %add3A_131 : i32
          %lt3A_133 = arith.constant 125 : i32
          %lt3A_134 = arith.cmpi slt, %add3A_132, %lt3A_133 : i32
          %convert_element_type3A_135 = arith.extui %lt3A_134 : i1 to i32
          %cond3A_136 = arith.constant 0 : i32
          %cond3A_137 = arith.cmpi ne, %convert_element_type3A_135, %cond3A_136 : i32
          scf.if %cond3A_137 {
            %mul3A_138 = arith.constant 80 : i32
            %mul3A_139 = arith.muli %add3A_132, %mul3A_138 : i32
            %dma_start3A_140 = tpu.memref_slice %arg13[%mul3A_139] : memref<10000xi32, #tpu.memory_space<vmem>> -> memref<80xi32, #tpu.memory_space<vmem>>
            %dma_start3A_141 = arith.constant 0 : i32
            %dma_start3A_142 = arith.constant 0 : i32
            %dma_start3A_143 = tpu.memref_slice %arg3[%dma_start3A_141, %dma_start3A_142] : memref<10000x128xf32, #tpu.memory_space<hbm>> -> memref<10000x128xf32, #tpu.memory_space<hbm>>
            tpu.enqueue_indirect_dma source(%dma_start3A_143 : memref<10000x128xf32, #tpu.memory_space<hbm>>) target(%arg16 : memref<80x128xf32, #tpu.memory_space<vmem>>) offsets(%dma_start3A_140 : memref<80xi32, #tpu.memory_space<vmem>>) semaphore(%arg18 : memref<!tpu.dma_semaphore, #tpu.memory_space<semaphore_mem>>)
          } else {
          }
        } else {
        }
      }
      %scan3A_102 = arith.constant 63 : i32
      %barrier3A_103 = arith.constant 0 : index
      tpu.barrier barrier_id(%barrier3A_103)
      "tpu.region"() ({
        %run_scoped3A = tpu.sem_alloc : memref<!tpu.dma_semaphore, #tpu.memory_space<semaphore_mem>>
        %dma_start3A_109 = arith.constant 0 : i32
        %dma_start3A_110 = tpu.memref_slice %arg9[%mul3A_64, %dma_start3A_109] : memref<10000x128xf32, #tpu.memory_space<hbm>> -> memref<624x128xf32, #tpu.memory_space<hbm>>
        %dma_start3A_111 = arith.constant 0 : i32
        %dma_start3A_112 = tpu.memref_slice %arg12[%mul3A_64, %dma_start3A_111] : memref<10000x128xf32, #tpu.memory_space<vmem_shared>> -> memref<624x128xf32, #tpu.memory_space<vmem_shared>>
        tpu.enqueue_dma source(%dma_start3A_112 : memref<624x128xf32, #tpu.memory_space<vmem_shared>>) target(%dma_start3A_110 : memref<624x128xf32, #tpu.memory_space<hbm>>) target_semaphore(%run_scoped3A : memref<!tpu.dma_semaphore, #tpu.memory_space<semaphore_mem>>)
        %dma_wait3A = arith.constant 0 : i32
        %dma_wait3A_113 = tpu.memref_slice %arg9[%mul3A_64, %dma_wait3A] : memref<10000x128xf32, #tpu.memory_space<hbm>> -> memref<624x128xf32, #tpu.memory_space<hbm>>
        %dma_wait3A_114 = arith.constant 0 : i32
        %dma_wait3A_115 = tpu.memref_slice %arg12[%mul3A_64, %dma_wait3A_114] : memref<10000x128xf32, #tpu.memory_space<vmem_shared>> -> memref<624x128xf32, #tpu.memory_space<vmem_shared>>
        tpu.wait_dma2 semaphore(%run_scoped3A : memref<!tpu.dma_semaphore, #tpu.memory_space<semaphore_mem>>) src(%dma_wait3A_115 : memref<624x128xf32, #tpu.memory_space<vmem_shared>>) dst(%dma_wait3A_113 : memref<624x128xf32, #tpu.memory_space<hbm>>)
        tpu.yield
      }) : () -> ()
      %eq3A_104 = arith.constant 0 : i32
      %eq3A_105 = arith.cmpi eq, %arg1, %eq3A_104 : i32
      %convert_element_type3A_106 = arith.extui %eq3A_105 : i1 to i32
      %cond3A_107 = arith.constant 0 : i32
      %cond3A_108 = arith.cmpi ne, %convert_element_type3A_106, %cond3A_107 : i32
      scf.if %cond3A_108 {
        "tpu.region"() ({
          %run_scoped3A = tpu.sem_alloc : memref<!tpu.dma_semaphore, #tpu.memory_space<semaphore_mem>>
          %dma_start3A_109 = arith.constant 9984 : i32
          %dma_start3A_110 = arith.constant 0 : i32
          %dma_start3A_111 = tpu.memref_slice %arg9[%dma_start3A_109, %dma_start3A_110] : memref<10000x128xf32, #tpu.memory_space<hbm>> -> memref<16x128xf32, #tpu.memory_space<hbm>>
          %dma_start3A_112 = arith.constant 9984 : i32
          %dma_start3A_113 = arith.constant 0 : i32
          %dma_start3A_114 = tpu.memref_slice %arg12[%dma_start3A_112, %dma_start3A_113] : memref<10000x128xf32, #tpu.memory_space<vmem_shared>> -> memref<16x128xf32, #tpu.memory_space<vmem_shared>>
          tpu.enqueue_dma source(%dma_start3A_114 : memref<16x128xf32, #tpu.memory_space<vmem_shared>>) target(%dma_start3A_111 : memref<16x128xf32, #tpu.memory_space<hbm>>) target_semaphore(%run_scoped3A : memref<!tpu.dma_semaphore, #tpu.memory_space<semaphore_mem>>)
          %dma_wait3A = arith.constant 9984 : i32
          %dma_wait3A_115 = arith.constant 0 : i32
          %dma_wait3A_116 = tpu.memref_slice %arg9[%dma_wait3A, %dma_wait3A_115] : memref<10000x128xf32, #tpu.memory_space<hbm>> -> memref<16x128xf32, #tpu.memory_space<hbm>>
          %dma_wait3A_117 = arith.constant 9984 : i32
          %dma_wait3A_118 = arith.constant 0 : i32
          %dma_wait3A_119 = tpu.memref_slice %arg12[%dma_wait3A_117, %dma_wait3A_118] : memref<10000x128xf32, #tpu.memory_space<vmem_shared>> -> memref<16x128xf32, #tpu.memory_space<vmem_shared>>
          tpu.wait_dma2 semaphore(%run_scoped3A : memref<!tpu.dma_semaphore, #tpu.memory_space<semaphore_mem>>) src(%dma_wait3A_119 : memref<16x128xf32, #tpu.memory_space<vmem_shared>>) dst(%dma_wait3A_116 : memref<16x128xf32, #tpu.memory_space<hbm>>)
          tpu.yield
        }) : () -> ()
      } else {
      }
    } else {
    }
    %eq3A_4 = arith.constant 1 : i32
    %eq3A_5 = arith.cmpi eq, %arg0, %eq3A_4 : i32
    %convert_element_type3A_6 = arith.extui %eq3A_5 : i1 to i32
    %cond3A_7 = arith.constant 0 : i32
    %cond3A_8 = arith.cmpi ne, %convert_element_type3A_6, %cond3A_7 : i32
    scf.if %cond3A_8 {
      %scan3A = arith.constant 0 : i32
      %scan3A_9 = arith.constant 0 : i32
      %scan3A_10 = arith.constant 80 : i32
      %scan3A_11 = arith.addi %scan3A_9, %scan3A_10 : i32
      %scan3A_12 = arith.constant 1 : i32
      scf.for %scan3A_109 = %scan3A_9 to %scan3A_11 step %scan3A_12  : i32 {
        %swap3A = arith.index_cast %scan3A_109 : i32 to index
        %swap3A_110 = arith.constant 0 : index
        %swap3A_111 = tpu.vector_load %arg15[%swap3A, %swap3A_110] {strides = array<i32>} : memref<80x128xf32, #tpu.memory_space<vmem>>, vector<1x16xf32>,
        %swap3A_112 = vector.shape_cast %swap3A_111 : vector<1x16xf32> to vector<16xf32>
        %swap3A_113 = vector.shape_cast %broadcast_in_dim3A_0 : vector<16xf32> to vector<1x16xf32>
        tpu.vector_store %arg15[%swap3A, %swap3A_110], %swap3A_113 {strides = array<i32>} : memref<80x128xf32, #tpu.memory_space<vmem>>, vector<1x16xf32>,
        %swap3A_114 = arith.index_cast %scan3A_109 : i32 to index
        %swap3A_115 = arith.constant 16 : index
        %swap3A_116 = tpu.vector_load %arg15[%swap3A_114, %swap3A_115] {strides = array<i32>} : memref<80x128xf32, #tpu.memory_space<vmem>>, vector<1x16xf32>,
        %swap3A_117 = vector.shape_cast %swap3A_116 : vector<1x16xf32> to vector<16xf32>
        %swap3A_118 = vector.shape_cast %broadcast_in_dim3A_0 : vector<16xf32> to vector<1x16xf32>
        tpu.vector_store %arg15[%swap3A_114, %swap3A_115], %swap3A_118 {strides = array<i32>} : memref<80x128xf32, #tpu.memory_space<vmem>>, vector<1x16xf32>,
        %swap3A_119 = arith.index_cast %scan3A_109 : i32 to index
        %swap3A_120 = arith.constant 32 : index
        %swap3A_121 = tpu.vector_load %arg15[%swap3A_119, %swap3A_120] {strides = array<i32>} : memref<80x128xf32, #tpu.memory_space<vmem>>, vector<1x16xf32>,
        %swap3A_122 = vector.shape_cast %swap3A_121 : vector<1x16xf32> to vector<16xf32>
        %swap3A_123 = vector.shape_cast %broadcast_in_dim3A_0 : vector<16xf32> to vector<1x16xf32>
        tpu.vector_store %arg15[%swap3A_119, %swap3A_120], %swap3A_123 {strides = array<i32>} : memref<80x128xf32, #tpu.memory_space<vmem>>, vector<1x16xf32>,
        %swap3A_124 = arith.index_cast %scan3A_109 : i32 to index
        %swap3A_125 = arith.constant 48 : index
        %swap3A_126 = tpu.vector_load %arg15[%swap3A_124, %swap3A_125] {strides = array<i32>} : memref<80x128xf32, #tpu.memory_space<vmem>>, vector<1x16xf32>,
        %swap3A_127 = vector.shape_cast %swap3A_126 : vector<1x16xf32> to vector<16xf32>
        %swap3A_128 = vector.shape_cast %broadcast_in_dim3A_0 : vector<16xf32> to vector<1x16xf32>
        tpu.vector_store %arg15[%swap3A_124, %swap3A_125], %swap3A_128 {strides = array<i32>} : memref<80x128xf32, #tpu.memory_space<vmem>>, vector<1x16xf32>,
        %swap3A_129 = arith.index_cast %scan3A_109 : i32 to index
        %swap3A_130 = arith.constant 64 : index
        %swap3A_131 = tpu.vector_load %arg15[%swap3A_129, %swap3A_130] {strides = array<i32>} : memref<80x128xf32, #tpu.memory_space<vmem>>, vector<1x16xf32>,
        %swap3A_132 = vector.shape_cast %swap3A_131 : vector<1x16xf32> to vector<16xf32>
        %swap3A_133 = vector.shape_cast %broadcast_in_dim3A_0 : vector<16xf32> to vector<1x16xf32>
        tpu.vector_store %arg15[%swap3A_129, %swap3A_130], %swap3A_133 {strides = array<i32>} : memref<80x128xf32, #tpu.memory_space<vmem>>, vector<1x16xf32>,
        %swap3A_134 = arith.index_cast %scan3A_109 : i32 to index
        %swap3A_135 = arith.constant 80 : index
        %swap3A_136 = tpu.vector_load %arg15[%swap3A_134, %swap3A_135] {strides = array<i32>} : memref<80x128xf32, #tpu.memory_space<vmem>>, vector<1x16xf32>,
        %swap3A_137 = vector.shape_cast %swap3A_136 : vector<1x16xf32> to vector<16xf32>
        %swap3A_138 = vector.shape_cast %broadcast_in_dim3A_0 : vector<16xf32> to vector<1x16xf32>
        tpu.vector_store %arg15[%swap3A_134, %swap3A_135], %swap3A_138 {strides = array<i32>} : memref<80x128xf32, #tpu.memory_space<vmem>>, vector<1x16xf32>,
        %swap3A_139 = arith.index_cast %scan3A_109 : i32 to index
        %swap3A_140 = arith.constant 96 : index
        %swap3A_141 = tpu.vector_load %arg15[%swap3A_139, %swap3A_140] {strides = array<i32>} : memref<80x128xf32, #tpu.memory_space<vmem>>, vector<1x16xf32>,
        %swap3A_142 = vector.shape_cast %swap3A_141 : vector<1x16xf32> to vector<16xf32>
        %swap3A_143 = vector.shape_cast %broadcast_in_dim3A_0 : vector<16xf32> to vector<1x16xf32>
        tpu.vector_store %arg15[%swap3A_139, %swap3A_140], %swap3A_143 {strides = array<i32>} : memref<80x128xf32, #tpu.memory_space<vmem>>, vector<1x16xf32>,
        %swap3A_144 = arith.index_cast %scan3A_109 : i32 to index
        %swap3A_145 = arith.constant 112 : index
        %swap3A_146 = tpu.vector_load %arg15[%swap3A_144, %swap3A_145] {strides = array<i32>} : memref<80x128xf32, #tpu.memory_space<vmem>>, vector<1x16xf32>,
        %swap3A_147 = vector.shape_cast %swap3A_146 : vector<1x16xf32> to vector<16xf32>
        %swap3A_148 = vector.shape_cast %broadcast_in_dim3A_0 : vector<16xf32> to vector<1x16xf32>
        tpu.vector_store %arg15[%swap3A_144, %swap3A_145], %swap3A_148 {strides = array<i32>} : memref<80x128xf32, #tpu.memory_space<vmem>>, vector<1x16xf32>,
      }
      %scan3A_13 = arith.constant 80 : i32
      %mul3A_14 = arith.constant 624 : i32
      %mul3A_15 = arith.muli %arg1, %mul3A_14 : i32
      %add3A = arith.constant 0 : i32
      %add3A_16 = arith.addi %mul3A_15, %add3A : i32
      "tpu.region"() ({
        %run_scoped3A = tpu.sem_alloc : memref<!tpu.dma_semaphore, #tpu.memory_space<semaphore_mem>>
        %dma_start3A_109 = arith.constant 0 : i32
        %dma_start3A_110 = arith.constant 0 : i32
        %dma_start3A_111 = tpu.memref_slice %arg15[%dma_start3A_109, %dma_start3A_110] : memref<80x128xf32, #tpu.memory_space<vmem>> -> memref<80x128xf32, #tpu.memory_space<vmem>>
        %dma_start3A_112 = arith.constant 0 : i32
        %dma_start3A_113 = tpu.memref_slice %arg12[%add3A_16, %dma_start3A_112] : memref<10000x128xf32, #tpu.memory_space<vmem_shared>> -> memref<80x128xf32, #tpu.memory_space<vmem_shared>>
        %dma_start3A_114 = arith.constant 0 : i32
        %dma_start3A_115 = tpu.memref_slice %arg12[%add3A_16, %dma_start3A_114] : memref<10000x128xf32, #tpu.memory_space<vmem_shared>> -> memref<80x128xf32, #tpu.memory_space<vmem_shared>>
        %dma_start3A_116 = arith.constant 0 : i32
        %dma_start3A_117 = arith.constant 0 : i32
        %dma_start3A_118 = tpu.memref_slice %arg15[%dma_start3A_116, %dma_start3A_117] : memref<80x128xf32, #tpu.memory_space<vmem>> -> memref<80x128xf32, #tpu.memory_space<vmem>>
        tpu.enqueue_dma source(%dma_start3A_118 : memref<80x128xf32, #tpu.memory_space<vmem>>) target(%dma_start3A_115 : memref<80x128xf32, #tpu.memory_space<vmem_shared>>) target_semaphore(%run_scoped3A : memref<!tpu.dma_semaphore, #tpu.memory_space<semaphore_mem>>)
        %dma_wait3A = arith.constant 0 : i32
        %dma_wait3A_119 = arith.constant 0 : i32
        %dma_wait3A_120 = tpu.memref_slice %arg15[%dma_wait3A, %dma_wait3A_119] : memref<80x128xf32, #tpu.memory_space<vmem>> -> memref<80x128xf32, #tpu.memory_space<vmem>>
        %dma_wait3A_121 = arith.constant 0 : i32
        %dma_wait3A_122 = tpu.memref_slice %arg12[%add3A_16, %dma_wait3A_121] : memref<10000x128xf32, #tpu.memory_space<vmem_shared>> -> memref<80x128xf32, #tpu.memory_space<vmem_shared>>
        %dma_wait3A_123 = arith.constant 0 : i32
        %dma_wait3A_124 = tpu.memref_slice %arg12[%add3A_16, %dma_wait3A_123] : memref<10000x128xf32, #tpu.memory_space<vmem_shared>> -> memref<80x128xf32, #tpu.memory_space<vmem_shared>>
        %dma_wait3A_125 = arith.constant 0 : i32
        %dma_wait3A_126 = arith.constant 0 : i32
        %dma_wait3A_127 = tpu.memref_slice %arg15[%dma_wait3A_125, %dma_wait3A_126] : memref<80x128xf32, #tpu.memory_space<vmem>> -> memref<80x128xf32, #tpu.memory_space<vmem>>
        tpu.wait_dma2 semaphore(%run_scoped3A : memref<!tpu.dma_semaphore, #tpu.memory_space<semaphore_mem>>) src(%dma_wait3A_127 : memref<80x128xf32, #tpu.memory_space<vmem>>) dst(%dma_wait3A_124 : memref<80x128xf32, #tpu.memory_space<vmem_shared>>)
        tpu.yield
      }) : () -> ()
      %add3A_17 = arith.constant 80 : i32
      %add3A_18 = arith.addi %mul3A_15, %add3A_17 : i32
      "tpu.region"() ({
        %run_scoped3A = tpu.sem_alloc : memref<!tpu.dma_semaphore, #tpu.memory_space<semaphore_mem>>
        %dma_start3A_109 = arith.constant 0 : i32
        %dma_start3A_110 = arith.constant 0 : i32
        %dma_start3A_111 = tpu.memref_slice %arg15[%dma_start3A_109, %dma_start3A_110] : memref<80x128xf32, #tpu.memory_space<vmem>> -> memref<80x128xf32, #tpu.memory_space<vmem>>
        %dma_start3A_112 = arith.constant 0 : i32
        %dma_start3A_113 = tpu.memref_slice %arg12[%add3A_18, %dma_start3A_112] : memref<10000x128xf32, #tpu.memory_space<vmem_shared>> -> memref<80x128xf32, #tpu.memory_space<vmem_shared>>
        %dma_start3A_114 = arith.constant 0 : i32
        %dma_start3A_115 = tpu.memref_slice %arg12[%add3A_18, %dma_start3A_114] : memref<10000x128xf32, #tpu.memory_space<vmem_shared>> -> memref<80x128xf32, #tpu.memory_space<vmem_shared>>
        %dma_start3A_116 = arith.constant 0 : i32
        %dma_start3A_117 = arith.constant 0 : i32
        %dma_start3A_118 = tpu.memref_slice %arg15[%dma_start3A_116, %dma_start3A_117] : memref<80x128xf32, #tpu.memory_space<vmem>> -> memref<80x128xf32, #tpu.memory_space<vmem>>
        tpu.enqueue_dma source(%dma_start3A_118 : memref<80x128xf32, #tpu.memory_space<vmem>>) target(%dma_start3A_115 : memref<80x128xf32, #tpu.memory_space<vmem_shared>>) target_semaphore(%run_scoped3A : memref<!tpu.dma_semaphore, #tpu.memory_space<semaphore_mem>>)
        %dma_wait3A = arith.constant 0 : i32
        %dma_wait3A_119 = arith.constant 0 : i32
        %dma_wait3A_120 = tpu.memref_slice %arg15[%dma_wait3A, %dma_wait3A_119] : memref<80x128xf32, #tpu.memory_space<vmem>> -> memref<80x128xf32, #tpu.memory_space<vmem>>
        %dma_wait3A_121 = arith.constant 0 : i32
        %dma_wait3A_122 = tpu.memref_slice %arg12[%add3A_18, %dma_wait3A_121] : memref<10000x128xf32, #tpu.memory_space<vmem_shared>> -> memref<80x128xf32, #tpu.memory_space<vmem_shared>>
        %dma_wait3A_123 = arith.constant 0 : i32
        %dma_wait3A_124 = tpu.memref_slice %arg12[%add3A_18, %dma_wait3A_123] : memref<10000x128xf32, #tpu.memory_space<vmem_shared>> -> memref<80x128xf32, #tpu.memory_space<vmem_shared>>
        %dma_wait3A_125 = arith.constant 0 : i32
        %dma_wait3A_126 = arith.constant 0 : i32
        %dma_wait3A_127 = tpu.memref_slice %arg15[%dma_wait3A_125, %dma_wait3A_126] : memref<80x128xf32, #tpu.memory_space<vmem>> -> memref<80x128xf32, #tpu.memory_space<vmem>>
        tpu.wait_dma2 semaphore(%run_scoped3A : memref<!tpu.dma_semaphore, #tpu.memory_space<semaphore_mem>>) src(%dma_wait3A_127 : memref<80x128xf32, #tpu.memory_space<vmem>>) dst(%dma_wait3A_124 : memref<80x128xf32, #tpu.memory_space<vmem_shared>>)
        tpu.yield
      }) : () -> ()
      %add3A_19 = arith.constant 160 : i32
      %add3A_20 = arith.addi %mul3A_15, %add3A_19 : i32
      "tpu.region"() ({
        %run_scoped3A = tpu.sem_alloc : memref<!tpu.dma_semaphore, #tpu.memory_space<semaphore_mem>>
        %dma_start3A_109 = arith.constant 0 : i32
        %dma_start3A_110 = arith.constant 0 : i32
        %dma_start3A_111 = tpu.memref_slice %arg15[%dma_start3A_109, %dma_start3A_110] : memref<80x128xf32, #tpu.memory_space<vmem>> -> memref<80x128xf32, #tpu.memory_space<vmem>>
        %dma_start3A_112 = arith.constant 0 : i32
        %dma_start3A_113 = tpu.memref_slice %arg12[%add3A_20, %dma_start3A_112] : memref<10000x128xf32, #tpu.memory_space<vmem_shared>> -> memref<80x128xf32, #tpu.memory_space<vmem_shared>>
        %dma_start3A_114 = arith.constant 0 : i32
        %dma_start3A_115 = tpu.memref_slice %arg12[%add3A_20, %dma_start3A_114] : memref<10000x128xf32, #tpu.memory_space<vmem_shared>> -> memref<80x128xf32, #tpu.memory_space<vmem_shared>>
        %dma_start3A_116 = arith.constant 0 : i32
        %dma_start3A_117 = arith.constant 0 : i32
        %dma_start3A_118 = tpu.memref_slice %arg15[%dma_start3A_116, %dma_start3A_117] : memref<80x128xf32, #tpu.memory_space<vmem>> -> memref<80x128xf32, #tpu.memory_space<vmem>>
        tpu.enqueue_dma source(%dma_start3A_118 : memref<80x128xf32, #tpu.memory_space<vmem>>) target(%dma_start3A_115 : memref<80x128xf32, #tpu.memory_space<vmem_shared>>) target_semaphore(%run_scoped3A : memref<!tpu.dma_semaphore, #tpu.memory_space<semaphore_mem>>)
        %dma_wait3A = arith.constant 0 : i32
        %dma_wait3A_119 = arith.constant 0 : i32
        %dma_wait3A_120 = tpu.memref_slice %arg15[%dma_wait3A, %dma_wait3A_119] : memref<80x128xf32, #tpu.memory_space<vmem>> -> memref<80x128xf32, #tpu.memory_space<vmem>>
        %dma_wait3A_121 = arith.constant 0 : i32
        %dma_wait3A_122 = tpu.memref_slice %arg12[%add3A_20, %dma_wait3A_121] : memref<10000x128xf32, #tpu.memory_space<vmem_shared>> -> memref<80x128xf32, #tpu.memory_space<vmem_shared>>
        %dma_wait3A_123 = arith.constant 0 : i32
        %dma_wait3A_124 = tpu.memref_slice %arg12[%add3A_20, %dma_wait3A_123] : memref<10000x128xf32, #tpu.memory_space<vmem_shared>> -> memref<80x128xf32, #tpu.memory_space<vmem_shared>>
        %dma_wait3A_125 = arith.constant 0 : i32
        %dma_wait3A_126 = arith.constant 0 : i32
        %dma_wait3A_127 = tpu.memref_slice %arg15[%dma_wait3A_125, %dma_wait3A_126] : memref<80x128xf32, #tpu.memory_space<vmem>> -> memref<80x128xf32, #tpu.memory_space<vmem>>
        tpu.wait_dma2 semaphore(%run_scoped3A : memref<!tpu.dma_semaphore, #tpu.memory_space<semaphore_mem>>) src(%dma_wait3A_127 : memref<80x128xf32, #tpu.memory_space<vmem>>) dst(%dma_wait3A_124 : memref<80x128xf32, #tpu.memory_space<vmem_shared>>)
        tpu.yield
      }) : () -> ()
      %add3A_21 = arith.constant 240 : i32
      %add3A_22 = arith.addi %mul3A_15, %add3A_21 : i32
      "tpu.region"() ({
        %run_scoped3A = tpu.sem_alloc : memref<!tpu.dma_semaphore, #tpu.memory_space<semaphore_mem>>
        %dma_start3A_109 = arith.constant 0 : i32
        %dma_start3A_110 = arith.constant 0 : i32
        %dma_start3A_111 = tpu.memref_slice %arg15[%dma_start3A_109, %dma_start3A_110] : memref<80x128xf32, #tpu.memory_space<vmem>> -> memref<80x128xf32, #tpu.memory_space<vmem>>
        %dma_start3A_112 = arith.constant 0 : i32
        %dma_start3A_113 = tpu.memref_slice %arg12[%add3A_22, %dma_start3A_112] : memref<10000x128xf32, #tpu.memory_space<vmem_shared>> -> memref<80x128xf32, #tpu.memory_space<vmem_shared>>
        %dma_start3A_114 = arith.constant 0 : i32
        %dma_start3A_115 = tpu.memref_slice %arg12[%add3A_22, %dma_start3A_114] : memref<10000x128xf32, #tpu.memory_space<vmem_shared>> -> memref<80x128xf32, #tpu.memory_space<vmem_shared>>
        %dma_start3A_116 = arith.constant 0 : i32
        %dma_start3A_117 = arith.constant 0 : i32
        %dma_start3A_118 = tpu.memref_slice %arg15[%dma_start3A_116, %dma_start3A_117] : memref<80x128xf32, #tpu.memory_space<vmem>> -> memref<80x128xf32, #tpu.memory_space<vmem>>
        tpu.enqueue_dma source(%dma_start3A_118 : memref<80x128xf32, #tpu.memory_space<vmem>>) target(%dma_start3A_115 : memref<80x128xf32, #tpu.memory_space<vmem_shared>>) target_semaphore(%run_scoped3A : memref<!tpu.dma_semaphore, #tpu.memory_space<semaphore_mem>>)
        %dma_wait3A = arith.constant 0 : i32
        %dma_wait3A_119 = arith.constant 0 : i32
        %dma_wait3A_120 = tpu.memref_slice %arg15[%dma_wait3A, %dma_wait3A_119] : memref<80x128xf32, #tpu.memory_space<vmem>> -> memref<80x128xf32, #tpu.memory_space<vmem>>
        %dma_wait3A_121 = arith.constant 0 : i32
        %dma_wait3A_122 = tpu.memref_slice %arg12[%add3A_22, %dma_wait3A_121] : memref<10000x128xf32, #tpu.memory_space<vmem_shared>> -> memref<80x128xf32, #tpu.memory_space<vmem_shared>>
        %dma_wait3A_123 = arith.constant 0 : i32
        %dma_wait3A_124 = tpu.memref_slice %arg12[%add3A_22, %dma_wait3A_123] : memref<10000x128xf32, #tpu.memory_space<vmem_shared>> -> memref<80x128xf32, #tpu.memory_space<vmem_shared>>
        %dma_wait3A_125 = arith.constant 0 : i32
        %dma_wait3A_126 = arith.constant 0 : i32
        %dma_wait3A_127 = tpu.memref_slice %arg15[%dma_wait3A_125, %dma_wait3A_126] : memref<80x128xf32, #tpu.memory_space<vmem>> -> memref<80x128xf32, #tpu.memory_space<vmem>>
        tpu.wait_dma2 semaphore(%run_scoped3A : memref<!tpu.dma_semaphore, #tpu.memory_space<semaphore_mem>>) src(%dma_wait3A_127 : memref<80x128xf32, #tpu.memory_space<vmem>>) dst(%dma_wait3A_124 : memref<80x128xf32, #tpu.memory_space<vmem_shared>>)
        tpu.yield
      }) : () -> ()
      %add3A_23 = arith.constant 320 : i32
      %add3A_24 = arith.addi %mul3A_15, %add3A_23 : i32
      "tpu.region"() ({
        %run_scoped3A = tpu.sem_alloc : memref<!tpu.dma_semaphore, #tpu.memory_space<semaphore_mem>>
        %dma_start3A_109 = arith.constant 0 : i32
        %dma_start3A_110 = arith.constant 0 : i32
        %dma_start3A_111 = tpu.memref_slice %arg15[%dma_start3A_109, %dma_start3A_110] : memref<80x128xf32, #tpu.memory_space<vmem>> -> memref<80x128xf32, #tpu.memory_space<vmem>>
        %dma_start3A_112 = arith.constant 0 : i32
        %dma_start3A_113 = tpu.memref_slice %arg12[%add3A_24, %dma_start3A_112] : memref<10000x128xf32, #tpu.memory_space<vmem_shared>> -> memref<80x128xf32, #tpu.memory_space<vmem_shared>>
        %dma_start3A_114 = arith.constant 0 : i32
        %dma_start3A_115 = tpu.memref_slice %arg12[%add3A_24, %dma_start3A_114] : memref<10000x128xf32, #tpu.memory_space<vmem_shared>> -> memref<80x128xf32, #tpu.memory_space<vmem_shared>>
        %dma_start3A_116 = arith.constant 0 : i32
        %dma_start3A_117 = arith.constant 0 : i32
        %dma_start3A_118 = tpu.memref_slice %arg15[%dma_start3A_116, %dma_start3A_117] : memref<80x128xf32, #tpu.memory_space<vmem>> -> memref<80x128xf32, #tpu.memory_space<vmem>>
        tpu.enqueue_dma source(%dma_start3A_118 : memref<80x128xf32, #tpu.memory_space<vmem>>) target(%dma_start3A_115 : memref<80x128xf32, #tpu.memory_space<vmem_shared>>) target_semaphore(%run_scoped3A : memref<!tpu.dma_semaphore, #tpu.memory_space<semaphore_mem>>)
        %dma_wait3A = arith.constant 0 : i32
        %dma_wait3A_119 = arith.constant 0 : i32
        %dma_wait3A_120 = tpu.memref_slice %arg15[%dma_wait3A, %dma_wait3A_119] : memref<80x128xf32, #tpu.memory_space<vmem>> -> memref<80x128xf32, #tpu.memory_space<vmem>>
        %dma_wait3A_121 = arith.constant 0 : i32
        %dma_wait3A_122 = tpu.memref_slice %arg12[%add3A_24, %dma_wait3A_121] : memref<10000x128xf32, #tpu.memory_space<vmem_shared>> -> memref<80x128xf32, #tpu.memory_space<vmem_shared>>
        %dma_wait3A_123 = arith.constant 0 : i32
        %dma_wait3A_124 = tpu.memref_slice %arg12[%add3A_24, %dma_wait3A_123] : memref<10000x128xf32, #tpu.memory_space<vmem_shared>> -> memref<80x128xf32, #tpu.memory_space<vmem_shared>>
        %dma_wait3A_125 = arith.constant 0 : i32
        %dma_wait3A_126 = arith.constant 0 : i32
        %dma_wait3A_127 = tpu.memref_slice %arg15[%dma_wait3A_125, %dma_wait3A_126] : memref<80x128xf32, #tpu.memory_space<vmem>> -> memref<80x128xf32, #tpu.memory_space<vmem>>
        tpu.wait_dma2 semaphore(%run_scoped3A : memref<!tpu.dma_semaphore, #tpu.memory_space<semaphore_mem>>) src(%dma_wait3A_127 : memref<80x128xf32, #tpu.memory_space<vmem>>) dst(%dma_wait3A_124 : memref<80x128xf32, #tpu.memory_space<vmem_shared>>)
        tpu.yield
      }) : () -> ()
      %add3A_25 = arith.constant 400 : i32
      %add3A_26 = arith.addi %mul3A_15, %add3A_25 : i32
      "tpu.region"() ({
        %run_scoped3A = tpu.sem_alloc : memref<!tpu.dma_semaphore, #tpu.memory_space<semaphore_mem>>
        %dma_start3A_109 = arith.constant 0 : i32
        %dma_start3A_110 = arith.constant 0 : i32
        %dma_start3A_111 = tpu.memref_slice %arg15[%dma_start3A_109, %dma_start3A_110] : memref<80x128xf32, #tpu.memory_space<vmem>> -> memref<80x128xf32, #tpu.memory_space<vmem>>
        %dma_start3A_112 = arith.constant 0 : i32
        %dma_start3A_113 = tpu.memref_slice %arg12[%add3A_26, %dma_start3A_112] : memref<10000x128xf32, #tpu.memory_space<vmem_shared>> -> memref<80x128xf32, #tpu.memory_space<vmem_shared>>
        %dma_start3A_114 = arith.constant 0 : i32
        %dma_start3A_115 = tpu.memref_slice %arg12[%add3A_26, %dma_start3A_114] : memref<10000x128xf32, #tpu.memory_space<vmem_shared>> -> memref<80x128xf32, #tpu.memory_space<vmem_shared>>
        %dma_start3A_116 = arith.constant 0 : i32
        %dma_start3A_117 = arith.constant 0 : i32
        %dma_start3A_118 = tpu.memref_slice %arg15[%dma_start3A_116, %dma_start3A_117] : memref<80x128xf32, #tpu.memory_space<vmem>> -> memref<80x128xf32, #tpu.memory_space<vmem>>
        tpu.enqueue_dma source(%dma_start3A_118 : memref<80x128xf32, #tpu.memory_space<vmem>>) target(%dma_start3A_115 : memref<80x128xf32, #tpu.memory_space<vmem_shared>>) target_semaphore(%run_scoped3A : memref<!tpu.dma_semaphore, #tpu.memory_space<semaphore_mem>>)
        %dma_wait3A = arith.constant 0 : i32
        %dma_wait3A_119 = arith.constant 0 : i32
        %dma_wait3A_120 = tpu.memref_slice %arg15[%dma_wait3A, %dma_wait3A_119] : memref<80x128xf32, #tpu.memory_space<vmem>> -> memref<80x128xf32, #tpu.memory_space<vmem>>
        %dma_wait3A_121 = arith.constant 0 : i32
        %dma_wait3A_122 = tpu.memref_slice %arg12[%add3A_26, %dma_wait3A_121] : memref<10000x128xf32, #tpu.memory_space<vmem_shared>> -> memref<80x128xf32, #tpu.memory_space<vmem_shared>>
        %dma_wait3A_123 = arith.constant 0 : i32
        %dma_wait3A_124 = tpu.memref_slice %arg12[%add3A_26, %dma_wait3A_123] : memref<10000x128xf32, #tpu.memory_space<vmem_shared>> -> memref<80x128xf32, #tpu.memory_space<vmem_shared>>
        %dma_wait3A_125 = arith.constant 0 : i32
        %dma_wait3A_126 = arith.constant 0 : i32
        %dma_wait3A_127 = tpu.memref_slice %arg15[%dma_wait3A_125, %dma_wait3A_126] : memref<80x128xf32, #tpu.memory_space<vmem>> -> memref<80x128xf32, #tpu.memory_space<vmem>>
        tpu.wait_dma2 semaphore(%run_scoped3A : memref<!tpu.dma_semaphore, #tpu.memory_space<semaphore_mem>>) src(%dma_wait3A_127 : memref<80x128xf32, #tpu.memory_space<vmem>>) dst(%dma_wait3A_124 : memref<80x128xf32, #tpu.memory_space<vmem_shared>>)
        tpu.yield
      }) : () -> ()
      %add3A_27 = arith.constant 480 : i32
      %add3A_28 = arith.addi %mul3A_15, %add3A_27 : i32
      "tpu.region"() ({
        %run_scoped3A = tpu.sem_alloc : memref<!tpu.dma_semaphore, #tpu.memory_space<semaphore_mem>>
        %dma_start3A_109 = arith.constant 0 : i32
        %dma_start3A_110 = arith.constant 0 : i32
        %dma_start3A_111 = tpu.memref_slice %arg15[%dma_start3A_109, %dma_start3A_110] : memref<80x128xf32, #tpu.memory_space<vmem>> -> memref<80x128xf32, #tpu.memory_space<vmem>>
        %dma_start3A_112 = arith.constant 0 : i32
        %dma_start3A_113 = tpu.memref_slice %arg12[%add3A_28, %dma_start3A_112] : memref<10000x128xf32, #tpu.memory_space<vmem_shared>> -> memref<80x128xf32, #tpu.memory_space<vmem_shared>>
        %dma_start3A_114 = arith.constant 0 : i32
        %dma_start3A_115 = tpu.memref_slice %arg12[%add3A_28, %dma_start3A_114] : memref<10000x128xf32, #tpu.memory_space<vmem_shared>> -> memref<80x128xf32, #tpu.memory_space<vmem_shared>>
        %dma_start3A_116 = arith.constant 0 : i32
        %dma_start3A_117 = arith.constant 0 : i32
        %dma_start3A_118 = tpu.memref_slice %arg15[%dma_start3A_116, %dma_start3A_117] : memref<80x128xf32, #tpu.memory_space<vmem>> -> memref<80x128xf32, #tpu.memory_space<vmem>>
        tpu.enqueue_dma source(%dma_start3A_118 : memref<80x128xf32, #tpu.memory_space<vmem>>) target(%dma_start3A_115 : memref<80x128xf32, #tpu.memory_space<vmem_shared>>) target_semaphore(%run_scoped3A : memref<!tpu.dma_semaphore, #tpu.memory_space<semaphore_mem>>)
        %dma_wait3A = arith.constant 0 : i32
        %dma_wait3A_119 = arith.constant 0 : i32
        %dma_wait3A_120 = tpu.memref_slice %arg15[%dma_wait3A, %dma_wait3A_119] : memref<80x128xf32, #tpu.memory_space<vmem>> -> memref<80x128xf32, #tpu.memory_space<vmem>>
        %dma_wait3A_121 = arith.constant 0 : i32
        %dma_wait3A_122 = tpu.memref_slice %arg12[%add3A_28, %dma_wait3A_121] : memref<10000x128xf32, #tpu.memory_space<vmem_shared>> -> memref<80x128xf32, #tpu.memory_space<vmem_shared>>
        %dma_wait3A_123 = arith.constant 0 : i32
        %dma_wait3A_124 = tpu.memref_slice %arg12[%add3A_28, %dma_wait3A_123] : memref<10000x128xf32, #tpu.memory_space<vmem_shared>> -> memref<80x128xf32, #tpu.memory_space<vmem_shared>>
        %dma_wait3A_125 = arith.constant 0 : i32
        %dma_wait3A_126 = arith.constant 0 : i32
        %dma_wait3A_127 = tpu.memref_slice %arg15[%dma_wait3A_125, %dma_wait3A_126] : memref<80x128xf32, #tpu.memory_space<vmem>> -> memref<80x128xf32, #tpu.memory_space<vmem>>
        tpu.wait_dma2 semaphore(%run_scoped3A : memref<!tpu.dma_semaphore, #tpu.memory_space<semaphore_mem>>) src(%dma_wait3A_127 : memref<80x128xf32, #tpu.memory_space<vmem>>) dst(%dma_wait3A_124 : memref<80x128xf32, #tpu.memory_space<vmem_shared>>)
        tpu.yield
      }) : () -> ()
      %add3A_29 = arith.constant 560 : i32
      %add3A_30 = arith.addi %mul3A_15, %add3A_29 : i32
      "tpu.region"() ({
        %run_scoped3A = tpu.sem_alloc : memref<!tpu.dma_semaphore, #tpu.memory_space<semaphore_mem>>
        %dma_start3A_109 = arith.constant 0 : i32
        %dma_start3A_110 = arith.constant 0 : i32
        %dma_start3A_111 = tpu.memref_slice %arg15[%dma_start3A_109, %dma_start3A_110] : memref<80x128xf32, #tpu.memory_space<vmem>> -> memref<64x128xf32, #tpu.memory_space<vmem>>
        %dma_start3A_112 = arith.constant 0 : i32
        %dma_start3A_113 = tpu.memref_slice %arg12[%add3A_30, %dma_start3A_112] : memref<10000x128xf32, #tpu.memory_space<vmem_shared>> -> memref<64x128xf32, #tpu.memory_space<vmem_shared>>
        %dma_start3A_114 = arith.constant 0 : i32
        %dma_start3A_115 = tpu.memref_slice %arg12[%add3A_30, %dma_start3A_114] : memref<10000x128xf32, #tpu.memory_space<vmem_shared>> -> memref<64x128xf32, #tpu.memory_space<vmem_shared>>
        %dma_start3A_116 = arith.constant 0 : i32
        %dma_start3A_117 = arith.constant 0 : i32
        %dma_start3A_118 = tpu.memref_slice %arg15[%dma_start3A_116, %dma_start3A_117] : memref<80x128xf32, #tpu.memory_space<vmem>> -> memref<64x128xf32, #tpu.memory_space<vmem>>
        tpu.enqueue_dma source(%dma_start3A_118 : memref<64x128xf32, #tpu.memory_space<vmem>>) target(%dma_start3A_115 : memref<64x128xf32, #tpu.memory_space<vmem_shared>>) target_semaphore(%run_scoped3A : memref<!tpu.dma_semaphore, #tpu.memory_space<semaphore_mem>>)
        %dma_wait3A = arith.constant 0 : i32
        %dma_wait3A_119 = arith.constant 0 : i32
        %dma_wait3A_120 = tpu.memref_slice %arg15[%dma_wait3A, %dma_wait3A_119] : memref<80x128xf32, #tpu.memory_space<vmem>> -> memref<64x128xf32, #tpu.memory_space<vmem>>
        %dma_wait3A_121 = arith.constant 0 : i32
        %dma_wait3A_122 = tpu.memref_slice %arg12[%add3A_30, %dma_wait3A_121] : memref<10000x128xf32, #tpu.memory_space<vmem_shared>> -> memref<64x128xf32, #tpu.memory_space<vmem_shared>>
        %dma_wait3A_123 = arith.constant 0 : i32
        %dma_wait3A_124 = tpu.memref_slice %arg12[%add3A_30, %dma_wait3A_123] : memref<10000x128xf32, #tpu.memory_space<vmem_shared>> -> memref<64x128xf32, #tpu.memory_space<vmem_shared>>
        %dma_wait3A_125 = arith.constant 0 : i32
        %dma_wait3A_126 = arith.constant 0 : i32
        %dma_wait3A_127 = tpu.memref_slice %arg15[%dma_wait3A_125, %dma_wait3A_126] : memref<80x128xf32, #tpu.memory_space<vmem>> -> memref<64x128xf32, #tpu.memory_space<vmem>>
        tpu.wait_dma2 semaphore(%run_scoped3A : memref<!tpu.dma_semaphore, #tpu.memory_space<semaphore_mem>>) src(%dma_wait3A_127 : memref<64x128xf32, #tpu.memory_space<vmem>>) dst(%dma_wait3A_124 : memref<64x128xf32, #tpu.memory_space<vmem_shared>>)
        tpu.yield
      }) : () -> ()
      %eq3A_31 = arith.constant 0 : i32
      %eq3A_32 = arith.cmpi eq, %arg1, %eq3A_31 : i32
      %convert_element_type3A_33 = arith.extui %eq3A_32 : i1 to i32
      %cond3A_34 = arith.constant 0 : i32
      %cond3A_35 = arith.cmpi ne, %convert_element_type3A_33, %cond3A_34 : i32
      scf.if %cond3A_35 {
        "tpu.region"() ({
          %run_scoped3A = tpu.sem_alloc : memref<!tpu.dma_semaphore, #tpu.memory_space<semaphore_mem>>
          %dma_start3A_109 = arith.constant 0 : i32
          %dma_start3A_110 = arith.constant 0 : i32
          %dma_start3A_111 = tpu.memref_slice %arg15[%dma_start3A_109, %dma_start3A_110] : memref<80x128xf32, #tpu.memory_space<vmem>> -> memref<16x128xf32, #tpu.memory_space<vmem>>
          %dma_start3A_112 = arith.constant 9984 : i32
          %dma_start3A_113 = arith.constant 0 : i32
          %dma_start3A_114 = tpu.memref_slice %arg12[%dma_start3A_112, %dma_start3A_113] : memref<10000x128xf32, #tpu.memory_space<vmem_shared>> -> memref<16x128xf32, #tpu.memory_space<vmem_shared>>
          %dma_start3A_115 = arith.constant 9984 : i32
          %dma_start3A_116 = arith.constant 0 : i32
          %dma_start3A_117 = tpu.memref_slice %arg12[%dma_start3A_115, %dma_start3A_116] : memref<10000x128xf32, #tpu.memory_space<vmem_shared>> -> memref<16x128xf32, #tpu.memory_space<vmem_shared>>
          %dma_start3A_118 = arith.constant 0 : i32
          %dma_start3A_119 = arith.constant 0 : i32
          %dma_start3A_120 = tpu.memref_slice %arg15[%dma_start3A_118, %dma_start3A_119] : memref<80x128xf32, #tpu.memory_space<vmem>> -> memref<16x128xf32, #tpu.memory_space<vmem>>
          tpu.enqueue_dma source(%dma_start3A_120 : memref<16x128xf32, #tpu.memory_space<vmem>>) target(%dma_start3A_117 : memref<16x128xf32, #tpu.memory_space<vmem_shared>>) target_semaphore(%run_scoped3A : memref<!tpu.dma_semaphore, #tpu.memory_space<semaphore_mem>>)
          %dma_wait3A = arith.constant 0 : i32
          %dma_wait3A_121 = arith.constant 0 : i32
          %dma_wait3A_122 = tpu.memref_slice %arg15[%dma_wait3A, %dma_wait3A_121] : memref<80x128xf32, #tpu.memory_space<vmem>> -> memref<16x128xf32, #tpu.memory_space<vmem>>
          %dma_wait3A_123 = arith.constant 9984 : i32
          %dma_wait3A_124 = arith.constant 0 : i32
          %dma_wait3A_125 = tpu.memref_slice %arg12[%dma_wait3A_123, %dma_wait3A_124] : memref<10000x128xf32, #tpu.memory_space<vmem_shared>> -> memref<16x128xf32, #tpu.memory_space<vmem_shared>>
          %dma_wait3A_126 = arith.constant 9984 : i32
          %dma_wait3A_127 = arith.constant 0 : i32
          %dma_wait3A_128 = tpu.memref_slice %arg12[%dma_wait3A_126, %dma_wait3A_127] : memref<10000x128xf32, #tpu.memory_space<vmem_shared>> -> memref<16x128xf32, #tpu.memory_space<vmem_shared>>
          %dma_wait3A_129 = arith.constant 0 : i32
          %dma_wait3A_130 = arith.constant 0 : i32
          %dma_wait3A_131 = tpu.memref_slice %arg15[%dma_wait3A_129, %dma_wait3A_130] : memref<80x128xf32, #tpu.memory_space<vmem>> -> memref<16x128xf32, #tpu.memory_space<vmem>>
          tpu.wait_dma2 semaphore(%run_scoped3A : memref<!tpu.dma_semaphore, #tpu.memory_space<semaphore_mem>>) src(%dma_wait3A_131 : memref<16x128xf32, #tpu.memory_space<vmem>>) dst(%dma_wait3A_128 : memref<16x128xf32, #tpu.memory_space<vmem_shared>>)
          tpu.yield
        }) : () -> ()
      } else {
      }
      %barrier3A = arith.constant 0 : index
      tpu.barrier barrier_id(%barrier3A)
      %dma_start3A = arith.constant 0 : i32
      %dma_start3A_36 = tpu.memref_slice %arg13[%dma_start3A] : memref<10000xi32, #tpu.memory_space<vmem>> -> memref<80xi32, #tpu.memory_space<vmem>>
      %dma_start3A_37 = arith.constant 0 : i32
      %dma_start3A_38 = arith.constant 0 : i32
      %dma_start3A_39 = tpu.memref_slice %arg4[%dma_start3A_37, %dma_start3A_38] : memref<10000x128xf32, #tpu.memory_space<hbm>> -> memref<10000x128xf32, #tpu.memory_space<hbm>>
      tpu.enqueue_indirect_dma source(%dma_start3A_39 : memref<10000x128xf32, #tpu.memory_space<hbm>>) target(%arg15 : memref<80x128xf32, #tpu.memory_space<vmem>>) offsets(%dma_start3A_36 : memref<80xi32, #tpu.memory_space<vmem>>) semaphore(%arg17 : memref<!tpu.dma_semaphore, #tpu.memory_space<semaphore_mem>>)
      %dma_start3A_40 = arith.constant 80 : i32
      %dma_start3A_41 = tpu.memref_slice %arg13[%dma_start3A_40] : memref<10000xi32, #tpu.memory_space<vmem>> -> memref<80xi32, #tpu.memory_space<vmem>>
      %dma_start3A_42 = arith.constant 0 : i32
      %dma_start3A_43 = arith.constant 0 : i32
      %dma_start3A_44 = tpu.memref_slice %arg4[%dma_start3A_42, %dma_start3A_43] : memref<10000x128xf32, #tpu.memory_space<hbm>> -> memref<10000x128xf32, #tpu.memory_space<hbm>>
      tpu.enqueue_indirect_dma source(%dma_start3A_44 : memref<10000x128xf32, #tpu.memory_space<hbm>>) target(%arg16 : memref<80x128xf32, #tpu.memory_space<vmem>>) offsets(%dma_start3A_41 : memref<80xi32, #tpu.memory_space<vmem>>) semaphore(%arg18 : memref<!tpu.dma_semaphore, #tpu.memory_space<semaphore_mem>>)
      %scan3A_45 = arith.constant 0 : i32
      %scan3A_46 = arith.constant 0 : i32
      %scan3A_47 = arith.constant 63 : i32
      %scan3A_48 = arith.addi %scan3A_46, %scan3A_47 : i32
      %scan3A_49 = arith.constant 1 : i32
      scf.for %scan3A_109 = %scan3A_46 to %scan3A_48 step %scan3A_49  : i32 {
        %mul3A_110 = arith.constant 2 : i32
        %mul3A_111 = arith.muli %mul3A_110, %scan3A_109 : i32
        %add3A_112 = arith.constant 0 : i32
        %add3A_113 = arith.addi %mul3A_111, %add3A_112 : i32
        %lt3A = arith.constant 125 : i32
        %lt3A_114 = arith.cmpi slt, %add3A_113, %lt3A : i32
        %convert_element_type3A_115 = arith.extui %lt3A_114 : i1 to i32
        %cond3A_116 = arith.constant 0 : i32
        %cond3A_117 = arith.cmpi ne, %convert_element_type3A_115, %cond3A_116 : i32
        scf.if %cond3A_117 {
          %dma_wait3A = arith.constant 0 : i32
          %dma_wait3A_127 = tpu.memref_slice %arg13[%dma_wait3A] : memref<10000xi32, #tpu.memory_space<vmem>> -> memref<80xi32, #tpu.memory_space<vmem>>
          %dma_wait3A_128 = arith.constant 0 : i32
          %dma_wait3A_129 = arith.constant 0 : i32
          %dma_wait3A_130 = tpu.memref_slice %arg4[%dma_wait3A_128, %dma_wait3A_129] : memref<10000x128xf32, #tpu.memory_space<hbm>> -> memref<10000x128xf32, #tpu.memory_space<hbm>>
          tpu.wait_indirect_dma semaphore(%arg17 : memref<!tpu.dma_semaphore, #tpu.memory_space<semaphore_mem>>) src(%dma_wait3A_130 : memref<10000x128xf32, #tpu.memory_space<hbm>>) dst(%arg15 : memref<80x128xf32, #tpu.memory_space<vmem>>)
          "tpu.region"() ({
            %run_scoped3A = tpu.sem_alloc : memref<!tpu.dma_semaphore, #tpu.memory_space<semaphore_mem>>
            %dma_start3A_138 = arith.constant 0 : i32
            %dma_start3A_139 = tpu.memref_slice %arg14[%add3A_113, %dma_start3A_138] : memref<125x80xi32, #tpu.memory_space<vmem>> -> memref<1x80xi32, #tpu.memory_space<vmem>>
            %dma_start3A_140 = tpu.memref_squeeze %dma_start3A_139 : memref<1x80xi32, #tpu.memory_space<vmem>> -> memref<80xi32, #tpu.memory_space<vmem>>
            %dma_start3A_141 = arith.constant 0 : i32
            %dma_start3A_142 = arith.constant 0 : i32
            %dma_start3A_143 = tpu.memref_slice %arg12[%dma_start3A_141, %dma_start3A_142] : memref<10000x128xf32, #tpu.memory_space<vmem_shared>> -> memref<10000x128xf32, #tpu.memory_space<vmem_shared>>
            tpu.enqueue_indirect_dma source(%arg15 : memref<80x128xf32, #tpu.memory_space<vmem>>) target(%dma_start3A_143 : memref<10000x128xf32, #tpu.memory_space<vmem_shared>>) offsets(%dma_start3A_140 : memref<80xi32, #tpu.memory_space<vmem>>) semaphore(%run_scoped3A : memref<!tpu.dma_semaphore, #tpu.memory_space<semaphore_mem>>) {add = true}
            %dma_wait3A_144 = arith.constant 0 : i32
            %dma_wait3A_145 = tpu.memref_slice %arg14[%add3A_113, %dma_wait3A_144] : memref<125x80xi32, #tpu.memory_space<vmem>> -> memref<1x80xi32, #tpu.memory_space<vmem>>
            %dma_wait3A_146 = tpu.memref_squeeze %dma_wait3A_145 : memref<1x80xi32, #tpu.memory_space<vmem>> -> memref<80xi32, #tpu.memory_space<vmem>>
            %dma_wait3A_147 = arith.constant 0 : i32
            %dma_wait3A_148 = arith.constant 0 : i32
            %dma_wait3A_149 = tpu.memref_slice %arg12[%dma_wait3A_147, %dma_wait3A_148] : memref<10000x128xf32, #tpu.memory_space<vmem_shared>> -> memref<10000x128xf32, #tpu.memory_space<vmem_shared>>
            tpu.wait_indirect_dma semaphore(%run_scoped3A : memref<!tpu.dma_semaphore, #tpu.memory_space<semaphore_mem>>) src(%arg15 : memref<80x128xf32, #tpu.memory_space<vmem>>) dst(%dma_wait3A_149 : memref<10000x128xf32, #tpu.memory_space<vmem_shared>>)
            tpu.yield
          }) : () -> ()
          %add3A_131 = arith.constant 2 : i32
          %add3A_132 = arith.addi %add3A_113, %add3A_131 : i32
          %lt3A_133 = arith.constant 125 : i32
          %lt3A_134 = arith.cmpi slt, %add3A_132, %lt3A_133 : i32
          %convert_element_type3A_135 = arith.extui %lt3A_134 : i1 to i32
          %cond3A_136 = arith.constant 0 : i32
          %cond3A_137 = arith.cmpi ne, %convert_element_type3A_135, %cond3A_136 : i32
          scf.if %cond3A_137 {
            %mul3A_138 = arith.constant 80 : i32
            %mul3A_139 = arith.muli %add3A_132, %mul3A_138 : i32
            %dma_start3A_140 = tpu.memref_slice %arg13[%mul3A_139] : memref<10000xi32, #tpu.memory_space<vmem>> -> memref<80xi32, #tpu.memory_space<vmem>>
            %dma_start3A_141 = arith.constant 0 : i32
            %dma_start3A_142 = arith.constant 0 : i32
            %dma_start3A_143 = tpu.memref_slice %arg4[%dma_start3A_141, %dma_start3A_142] : memref<10000x128xf32, #tpu.memory_space<hbm>> -> memref<10000x128xf32, #tpu.memory_space<hbm>>
            tpu.enqueue_indirect_dma source(%dma_start3A_143 : memref<10000x128xf32, #tpu.memory_space<hbm>>) target(%arg15 : memref<80x128xf32, #tpu.memory_space<vmem>>) offsets(%dma_start3A_140 : memref<80xi32, #tpu.memory_space<vmem>>) semaphore(%arg17 : memref<!tpu.dma_semaphore, #tpu.memory_space<semaphore_mem>>)
          } else {
          }
        } else {
        }
        %mul3A_118 = arith.constant 2 : i32
        %mul3A_119 = arith.muli %mul3A_118, %scan3A_109 : i32
        %add3A_120 = arith.constant 1 : i32
        %add3A_121 = arith.addi %mul3A_119, %add3A_120 : i32
        %lt3A_122 = arith.constant 125 : i32
        %lt3A_123 = arith.cmpi slt, %add3A_121, %lt3A_122 : i32
        %convert_element_type3A_124 = arith.extui %lt3A_123 : i1 to i32
        %cond3A_125 = arith.constant 0 : i32
        %cond3A_126 = arith.cmpi ne, %convert_element_type3A_124, %cond3A_125 : i32
        scf.if %cond3A_126 {
          %dma_wait3A = arith.constant 0 : i32
          %dma_wait3A_127 = tpu.memref_slice %arg13[%dma_wait3A] : memref<10000xi32, #tpu.memory_space<vmem>> -> memref<80xi32, #tpu.memory_space<vmem>>
          %dma_wait3A_128 = arith.constant 0 : i32
          %dma_wait3A_129 = arith.constant 0 : i32
          %dma_wait3A_130 = tpu.memref_slice %arg4[%dma_wait3A_128, %dma_wait3A_129] : memref<10000x128xf32, #tpu.memory_space<hbm>> -> memref<10000x128xf32, #tpu.memory_space<hbm>>
          tpu.wait_indirect_dma semaphore(%arg18 : memref<!tpu.dma_semaphore, #tpu.memory_space<semaphore_mem>>) src(%dma_wait3A_130 : memref<10000x128xf32, #tpu.memory_space<hbm>>) dst(%arg16 : memref<80x128xf32, #tpu.memory_space<vmem>>)
          "tpu.region"() ({
            %run_scoped3A = tpu.sem_alloc : memref<!tpu.dma_semaphore, #tpu.memory_space<semaphore_mem>>
            %dma_start3A_138 = arith.constant 0 : i32
            %dma_start3A_139 = tpu.memref_slice %arg14[%add3A_121, %dma_start3A_138] : memref<125x80xi32, #tpu.memory_space<vmem>> -> memref<1x80xi32, #tpu.memory_space<vmem>>
            %dma_start3A_140 = tpu.memref_squeeze %dma_start3A_139 : memref<1x80xi32, #tpu.memory_space<vmem>> -> memref<80xi32, #tpu.memory_space<vmem>>
            %dma_start3A_141 = arith.constant 0 : i32
            %dma_start3A_142 = arith.constant 0 : i32
            %dma_start3A_143 = tpu.memref_slice %arg12[%dma_start3A_141, %dma_start3A_142] : memref<10000x128xf32, #tpu.memory_space<vmem_shared>> -> memref<10000x128xf32, #tpu.memory_space<vmem_shared>>
            tpu.enqueue_indirect_dma source(%arg16 : memref<80x128xf32, #tpu.memory_space<vmem>>) target(%dma_start3A_143 : memref<10000x128xf32, #tpu.memory_space<vmem_shared>>) offsets(%dma_start3A_140 : memref<80xi32, #tpu.memory_space<vmem>>) semaphore(%run_scoped3A : memref<!tpu.dma_semaphore, #tpu.memory_space<semaphore_mem>>) {add = true}
            %dma_wait3A_144 = arith.constant 0 : i32
            %dma_wait3A_145 = tpu.memref_slice %arg14[%add3A_121, %dma_wait3A_144] : memref<125x80xi32, #tpu.memory_space<vmem>> -> memref<1x80xi32, #tpu.memory_space<vmem>>
            %dma_wait3A_146 = tpu.memref_squeeze %dma_wait3A_145 : memref<1x80xi32, #tpu.memory_space<vmem>> -> memref<80xi32, #tpu.memory_space<vmem>>
            %dma_wait3A_147 = arith.constant 0 : i32
            %dma_wait3A_148 = arith.constant 0 : i32
            %dma_wait3A_149 = tpu.memref_slice %arg12[%dma_wait3A_147, %dma_wait3A_148] : memref<10000x128xf32, #tpu.memory_space<vmem_shared>> -> memref<10000x128xf32, #tpu.memory_space<vmem_shared>>
            tpu.wait_indirect_dma semaphore(%run_scoped3A : memref<!tpu.dma_semaphore, #tpu.memory_space<semaphore_mem>>) src(%arg16 : memref<80x128xf32, #tpu.memory_space<vmem>>) dst(%dma_wait3A_149 : memref<10000x128xf32, #tpu.memory_space<vmem_shared>>)
            tpu.yield
          }) : () -> ()
          %add3A_131 = arith.constant 2 : i32
          %add3A_132 = arith.addi %add3A_121, %add3A_131 : i32
          %lt3A_133 = arith.constant 125 : i32
          %lt3A_134 = arith.cmpi slt, %add3A_132, %lt3A_133 : i32
          %convert_element_type3A_135 = arith.extui %lt3A_134 : i1 to i32
          %cond3A_136 = arith.constant 0 : i32
          %cond3A_137 = arith.cmpi ne, %convert_element_type3A_135, %cond3A_136 : i32
          scf.if %cond3A_137 {
            %mul3A_138 = arith.constant 80 : i32
            %mul3A_139 = arith.muli %add3A_132, %mul3A_138 : i32
            %dma_start3A_140 = tpu.memref_slice %arg13[%mul3A_139] : memref<10000xi32, #tpu.memory_space<vmem>> -> memref<80xi32, #tpu.memory_space<vmem>>
            %dma_start3A_141 = arith.constant 0 : i32
            %dma_start3A_142 = arith.constant 0 : i32
            %dma_start3A_143 = tpu.memref_slice %arg4[%dma_start3A_141, %dma_start3A_142] : memref<10000x128xf32, #tpu.memory_space<hbm>> -> memref<10000x128xf32, #tpu.memory_space<hbm>>
            tpu.enqueue_indirect_dma source(%dma_start3A_143 : memref<10000x128xf32, #tpu.memory_space<hbm>>) target(%arg16 : memref<80x128xf32, #tpu.memory_space<vmem>>) offsets(%dma_start3A_140 : memref<80xi32, #tpu.memory_space<vmem>>) semaphore(%arg18 : memref<!tpu.dma_semaphore, #tpu.memory_space<semaphore_mem>>)
          } else {
          }
        } else {
        }
      }
      %scan3A_50 = arith.constant 63 : i32
      %barrier3A_51 = arith.constant 0 : index
      tpu.barrier barrier_id(%barrier3A_51)
      "tpu.region"() ({
        %run_scoped3A = tpu.sem_alloc : memref<!tpu.dma_semaphore, #tpu.memory_space<semaphore_mem>>
        %dma_start3A_109 = arith.constant 0 : i32
        %dma_start3A_110 = tpu.memref_slice %arg10[%mul3A_15, %dma_start3A_109] : memref<10000x128xf32, #tpu.memory_space<hbm>> -> memref<624x128xf32, #tpu.memory_space<hbm>>
        %dma_start3A_111 = arith.constant 0 : i32
        %dma_start3A_112 = tpu.memref_slice %arg12[%mul3A_15, %dma_start3A_111] : memref<10000x128xf32, #tpu.memory_space<vmem_shared>> -> memref<624x128xf32, #tpu.memory_space<vmem_shared>>
        tpu.enqueue_dma source(%dma_start3A_112 : memref<624x128xf32, #tpu.memory_space<vmem_shared>>) target(%dma_start3A_110 : memref<624x128xf32, #tpu.memory_space<hbm>>) target_semaphore(%run_scoped3A : memref<!tpu.dma_semaphore, #tpu.memory_space<semaphore_mem>>)
        %dma_wait3A = arith.constant 0 : i32
        %dma_wait3A_113 = tpu.memref_slice %arg10[%mul3A_15, %dma_wait3A] : memref<10000x128xf32, #tpu.memory_space<hbm>> -> memref<624x128xf32, #tpu.memory_space<hbm>>
        %dma_wait3A_114 = arith.constant 0 : i32
        %dma_wait3A_115 = tpu.memref_slice %arg12[%mul3A_15, %dma_wait3A_114] : memref<10000x128xf32, #tpu.memory_space<vmem_shared>> -> memref<624x128xf32, #tpu.memory_space<vmem_shared>>
        tpu.wait_dma2 semaphore(%run_scoped3A : memref<!tpu.dma_semaphore, #tpu.memory_space<semaphore_mem>>) src(%dma_wait3A_115 : memref<624x128xf32, #tpu.memory_space<vmem_shared>>) dst(%dma_wait3A_113 : memref<624x128xf32, #tpu.memory_space<hbm>>)
        tpu.yield
      }) : () -> ()
      %eq3A_52 = arith.constant 0 : i32
      %eq3A_53 = arith.cmpi eq, %arg1, %eq3A_52 : i32
      %convert_element_type3A_54 = arith.extui %eq3A_53 : i1 to i32
      %cond3A_55 = arith.constant 0 : i32
      %cond3A_56 = arith.cmpi ne, %convert_element_type3A_54, %cond3A_55 : i32
      scf.if %cond3A_56 {
        "tpu.region"() ({
          %run_scoped3A = tpu.sem_alloc : memref<!tpu.dma_semaphore, #tpu.memory_space<semaphore_mem>>
          %dma_start3A_109 = arith.constant 9984 : i32
          %dma_start3A_110 = arith.constant 0 : i32
          %dma_start3A_111 = tpu.memref_slice %arg10[%dma_start3A_109, %dma_start3A_110] : memref<10000x128xf32, #tpu.memory_space<hbm>> -> memref<16x128xf32, #tpu.memory_space<hbm>>
          %dma_start3A_112 = arith.constant 9984 : i32
          %dma_start3A_113 = arith.constant 0 : i32
          %dma_start3A_114 = tpu.memref_slice %arg12[%dma_start3A_112, %dma_start3A_113] : memref<10000x128xf32, #tpu.memory_space<vmem_shared>> -> memref<16x128xf32, #tpu.memory_space<vmem_shared>>
          tpu.enqueue_dma source(%dma_start3A_114 : memref<16x128xf32, #tpu.memory_space<vmem_shared>>) target(%dma_start3A_111 : memref<16x128xf32, #tpu.memory_space<hbm>>) target_semaphore(%run_scoped3A : memref<!tpu.dma_semaphore, #tpu.memory_space<semaphore_mem>>)
          %dma_wait3A = arith.constant 9984 : i32
          %dma_wait3A_115 = arith.constant 0 : i32
          %dma_wait3A_116 = tpu.memref_slice %arg10[%dma_wait3A, %dma_wait3A_115] : memref<10000x128xf32, #tpu.memory_space<hbm>> -> memref<16x128xf32, #tpu.memory_space<hbm>>
          %dma_wait3A_117 = arith.constant 9984 : i32
          %dma_wait3A_118 = arith.constant 0 : i32
          %dma_wait3A_119 = tpu.memref_slice %arg12[%dma_wait3A_117, %dma_wait3A_118] : memref<10000x128xf32, #tpu.memory_space<vmem_shared>> -> memref<16x128xf32, #tpu.memory_space<vmem_shared>>
          tpu.wait_dma2 semaphore(%run_scoped3A : memref<!tpu.dma_semaphore, #tpu.memory_space<semaphore_mem>>) src(%dma_wait3A_119 : memref<16x128xf32, #tpu.memory_space<vmem_shared>>) dst(%dma_wait3A_116 : memref<16x128xf32, #tpu.memory_space<hbm>>)
          tpu.yield
        }) : () -> ()
      } else {
      }
      %scan3A_57 = arith.constant 0 : i32
      %scan3A_58 = arith.constant 0 : i32
      %scan3A_59 = arith.constant 80 : i32
      %scan3A_60 = arith.addi %scan3A_58, %scan3A_59 : i32
      %scan3A_61 = arith.constant 1 : i32
      scf.for %scan3A_109 = %scan3A_58 to %scan3A_60 step %scan3A_61  : i32 {
        %swap3A = arith.index_cast %scan3A_109 : i32 to index
        %swap3A_110 = arith.constant 0 : index
        %swap3A_111 = tpu.vector_load %arg15[%swap3A, %swap3A_110] {strides = array<i32>} : memref<80x128xf32, #tpu.memory_space<vmem>>, vector<1x16xf32>,
        %swap3A_112 = vector.shape_cast %swap3A_111 : vector<1x16xf32> to vector<16xf32>
        %swap3A_113 = vector.shape_cast %broadcast_in_dim3A_0 : vector<16xf32> to vector<1x16xf32>
        tpu.vector_store %arg15[%swap3A, %swap3A_110], %swap3A_113 {strides = array<i32>} : memref<80x128xf32, #tpu.memory_space<vmem>>, vector<1x16xf32>,
        %swap3A_114 = arith.index_cast %scan3A_109 : i32 to index
        %swap3A_115 = arith.constant 16 : index
        %swap3A_116 = tpu.vector_load %arg15[%swap3A_114, %swap3A_115] {strides = array<i32>} : memref<80x128xf32, #tpu.memory_space<vmem>>, vector<1x16xf32>,
        %swap3A_117 = vector.shape_cast %swap3A_116 : vector<1x16xf32> to vector<16xf32>
        %swap3A_118 = vector.shape_cast %broadcast_in_dim3A_0 : vector<16xf32> to vector<1x16xf32>
        tpu.vector_store %arg15[%swap3A_114, %swap3A_115], %swap3A_118 {strides = array<i32>} : memref<80x128xf32, #tpu.memory_space<vmem>>, vector<1x16xf32>,
        %swap3A_119 = arith.index_cast %scan3A_109 : i32 to index
        %swap3A_120 = arith.constant 32 : index
        %swap3A_121 = tpu.vector_load %arg15[%swap3A_119, %swap3A_120] {strides = array<i32>} : memref<80x128xf32, #tpu.memory_space<vmem>>, vector<1x16xf32>,
        %swap3A_122 = vector.shape_cast %swap3A_121 : vector<1x16xf32> to vector<16xf32>
        %swap3A_123 = vector.shape_cast %broadcast_in_dim3A_0 : vector<16xf32> to vector<1x16xf32>
        tpu.vector_store %arg15[%swap3A_119, %swap3A_120], %swap3A_123 {strides = array<i32>} : memref<80x128xf32, #tpu.memory_space<vmem>>, vector<1x16xf32>,
        %swap3A_124 = arith.index_cast %scan3A_109 : i32 to index
        %swap3A_125 = arith.constant 48 : index
        %swap3A_126 = tpu.vector_load %arg15[%swap3A_124, %swap3A_125] {strides = array<i32>} : memref<80x128xf32, #tpu.memory_space<vmem>>, vector<1x16xf32>,
        %swap3A_127 = vector.shape_cast %swap3A_126 : vector<1x16xf32> to vector<16xf32>
        %swap3A_128 = vector.shape_cast %broadcast_in_dim3A_0 : vector<16xf32> to vector<1x16xf32>
        tpu.vector_store %arg15[%swap3A_124, %swap3A_125], %swap3A_128 {strides = array<i32>} : memref<80x128xf32, #tpu.memory_space<vmem>>, vector<1x16xf32>,
        %swap3A_129 = arith.index_cast %scan3A_109 : i32 to index
        %swap3A_130 = arith.constant 64 : index
        %swap3A_131 = tpu.vector_load %arg15[%swap3A_129, %swap3A_130] {strides = array<i32>} : memref<80x128xf32, #tpu.memory_space<vmem>>, vector<1x16xf32>,
        %swap3A_132 = vector.shape_cast %swap3A_131 : vector<1x16xf32> to vector<16xf32>
        %swap3A_133 = vector.shape_cast %broadcast_in_dim3A_0 : vector<16xf32> to vector<1x16xf32>
        tpu.vector_store %arg15[%swap3A_129, %swap3A_130], %swap3A_133 {strides = array<i32>} : memref<80x128xf32, #tpu.memory_space<vmem>>, vector<1x16xf32>,
        %swap3A_134 = arith.index_cast %scan3A_109 : i32 to index
        %swap3A_135 = arith.constant 80 : index
        %swap3A_136 = tpu.vector_load %arg15[%swap3A_134, %swap3A_135] {strides = array<i32>} : memref<80x128xf32, #tpu.memory_space<vmem>>, vector<1x16xf32>,
        %swap3A_137 = vector.shape_cast %swap3A_136 : vector<1x16xf32> to vector<16xf32>
        %swap3A_138 = vector.shape_cast %broadcast_in_dim3A_0 : vector<16xf32> to vector<1x16xf32>
        tpu.vector_store %arg15[%swap3A_134, %swap3A_135], %swap3A_138 {strides = array<i32>} : memref<80x128xf32, #tpu.memory_space<vmem>>, vector<1x16xf32>,
        %swap3A_139 = arith.index_cast %scan3A_109 : i32 to index
        %swap3A_140 = arith.constant 96 : index
        %swap3A_141 = tpu.vector_load %arg15[%swap3A_139, %swap3A_140] {strides = array<i32>} : memref<80x128xf32, #tpu.memory_space<vmem>>, vector<1x16xf32>,
        %swap3A_142 = vector.shape_cast %swap3A_141 : vector<1x16xf32> to vector<16xf32>
        %swap3A_143 = vector.shape_cast %broadcast_in_dim3A_0 : vector<16xf32> to vector<1x16xf32>
        tpu.vector_store %arg15[%swap3A_139, %swap3A_140], %swap3A_143 {strides = array<i32>} : memref<80x128xf32, #tpu.memory_space<vmem>>, vector<1x16xf32>,
        %swap3A_144 = arith.index_cast %scan3A_109 : i32 to index
        %swap3A_145 = arith.constant 112 : index
        %swap3A_146 = tpu.vector_load %arg15[%swap3A_144, %swap3A_145] {strides = array<i32>} : memref<80x128xf32, #tpu.memory_space<vmem>>, vector<1x16xf32>,
        %swap3A_147 = vector.shape_cast %swap3A_146 : vector<1x16xf32> to vector<16xf32>
        %swap3A_148 = vector.shape_cast %broadcast_in_dim3A_0 : vector<16xf32> to vector<1x16xf32>
        tpu.vector_store %arg15[%swap3A_144, %swap3A_145], %swap3A_148 {strides = array<i32>} : memref<80x128xf32, #tpu.memory_space<vmem>>, vector<1x16xf32>,
      }
      %scan3A_62 = arith.constant 80 : i32
      %mul3A_63 = arith.constant 624 : i32
      %mul3A_64 = arith.muli %arg1, %mul3A_63 : i32
      %add3A_65 = arith.constant 0 : i32
      %add3A_66 = arith.addi %mul3A_64, %add3A_65 : i32
      "tpu.region"() ({
        %run_scoped3A = tpu.sem_alloc : memref<!tpu.dma_semaphore, #tpu.memory_space<semaphore_mem>>
        %dma_start3A_109 = arith.constant 0 : i32
        %dma_start3A_110 = arith.constant 0 : i32
        %dma_start3A_111 = tpu.memref_slice %arg15[%dma_start3A_109, %dma_start3A_110] : memref<80x128xf32, #tpu.memory_space<vmem>> -> memref<80x128xf32, #tpu.memory_space<vmem>>
        %dma_start3A_112 = arith.constant 0 : i32
        %dma_start3A_113 = tpu.memref_slice %arg12[%add3A_66, %dma_start3A_112] : memref<10000x128xf32, #tpu.memory_space<vmem_shared>> -> memref<80x128xf32, #tpu.memory_space<vmem_shared>>
        %dma_start3A_114 = arith.constant 0 : i32
        %dma_start3A_115 = tpu.memref_slice %arg12[%add3A_66, %dma_start3A_114] : memref<10000x128xf32, #tpu.memory_space<vmem_shared>> -> memref<80x128xf32, #tpu.memory_space<vmem_shared>>
        %dma_start3A_116 = arith.constant 0 : i32
        %dma_start3A_117 = arith.constant 0 : i32
        %dma_start3A_118 = tpu.memref_slice %arg15[%dma_start3A_116, %dma_start3A_117] : memref<80x128xf32, #tpu.memory_space<vmem>> -> memref<80x128xf32, #tpu.memory_space<vmem>>
        tpu.enqueue_dma source(%dma_start3A_118 : memref<80x128xf32, #tpu.memory_space<vmem>>) target(%dma_start3A_115 : memref<80x128xf32, #tpu.memory_space<vmem_shared>>) target_semaphore(%run_scoped3A : memref<!tpu.dma_semaphore, #tpu.memory_space<semaphore_mem>>)
        %dma_wait3A = arith.constant 0 : i32
        %dma_wait3A_119 = arith.constant 0 : i32
        %dma_wait3A_120 = tpu.memref_slice %arg15[%dma_wait3A, %dma_wait3A_119] : memref<80x128xf32, #tpu.memory_space<vmem>> -> memref<80x128xf32, #tpu.memory_space<vmem>>
        %dma_wait3A_121 = arith.constant 0 : i32
        %dma_wait3A_122 = tpu.memref_slice %arg12[%add3A_66, %dma_wait3A_121] : memref<10000x128xf32, #tpu.memory_space<vmem_shared>> -> memref<80x128xf32, #tpu.memory_space<vmem_shared>>
        %dma_wait3A_123 = arith.constant 0 : i32
        %dma_wait3A_124 = tpu.memref_slice %arg12[%add3A_66, %dma_wait3A_123] : memref<10000x128xf32, #tpu.memory_space<vmem_shared>> -> memref<80x128xf32, #tpu.memory_space<vmem_shared>>
        %dma_wait3A_125 = arith.constant 0 : i32
        %dma_wait3A_126 = arith.constant 0 : i32
        %dma_wait3A_127 = tpu.memref_slice %arg15[%dma_wait3A_125, %dma_wait3A_126] : memref<80x128xf32, #tpu.memory_space<vmem>> -> memref<80x128xf32, #tpu.memory_space<vmem>>
        tpu.wait_dma2 semaphore(%run_scoped3A : memref<!tpu.dma_semaphore, #tpu.memory_space<semaphore_mem>>) src(%dma_wait3A_127 : memref<80x128xf32, #tpu.memory_space<vmem>>) dst(%dma_wait3A_124 : memref<80x128xf32, #tpu.memory_space<vmem_shared>>)
        tpu.yield
      }) : () -> ()
      %add3A_67 = arith.constant 80 : i32
      %add3A_68 = arith.addi %mul3A_64, %add3A_67 : i32
      "tpu.region"() ({
        %run_scoped3A = tpu.sem_alloc : memref<!tpu.dma_semaphore, #tpu.memory_space<semaphore_mem>>
        %dma_start3A_109 = arith.constant 0 : i32
        %dma_start3A_110 = arith.constant 0 : i32
        %dma_start3A_111 = tpu.memref_slice %arg15[%dma_start3A_109, %dma_start3A_110] : memref<80x128xf32, #tpu.memory_space<vmem>> -> memref<80x128xf32, #tpu.memory_space<vmem>>
        %dma_start3A_112 = arith.constant 0 : i32
        %dma_start3A_113 = tpu.memref_slice %arg12[%add3A_68, %dma_start3A_112] : memref<10000x128xf32, #tpu.memory_space<vmem_shared>> -> memref<80x128xf32, #tpu.memory_space<vmem_shared>>
        %dma_start3A_114 = arith.constant 0 : i32
        %dma_start3A_115 = tpu.memref_slice %arg12[%add3A_68, %dma_start3A_114] : memref<10000x128xf32, #tpu.memory_space<vmem_shared>> -> memref<80x128xf32, #tpu.memory_space<vmem_shared>>
        %dma_start3A_116 = arith.constant 0 : i32
        %dma_start3A_117 = arith.constant 0 : i32
        %dma_start3A_118 = tpu.memref_slice %arg15[%dma_start3A_116, %dma_start3A_117] : memref<80x128xf32, #tpu.memory_space<vmem>> -> memref<80x128xf32, #tpu.memory_space<vmem>>
        tpu.enqueue_dma source(%dma_start3A_118 : memref<80x128xf32, #tpu.memory_space<vmem>>) target(%dma_start3A_115 : memref<80x128xf32, #tpu.memory_space<vmem_shared>>) target_semaphore(%run_scoped3A : memref<!tpu.dma_semaphore, #tpu.memory_space<semaphore_mem>>)
        %dma_wait3A = arith.constant 0 : i32
        %dma_wait3A_119 = arith.constant 0 : i32
        %dma_wait3A_120 = tpu.memref_slice %arg15[%dma_wait3A, %dma_wait3A_119] : memref<80x128xf32, #tpu.memory_space<vmem>> -> memref<80x128xf32, #tpu.memory_space<vmem>>
        %dma_wait3A_121 = arith.constant 0 : i32
        %dma_wait3A_122 = tpu.memref_slice %arg12[%add3A_68, %dma_wait3A_121] : memref<10000x128xf32, #tpu.memory_space<vmem_shared>> -> memref<80x128xf32, #tpu.memory_space<vmem_shared>>
        %dma_wait3A_123 = arith.constant 0 : i32
        %dma_wait3A_124 = tpu.memref_slice %arg12[%add3A_68, %dma_wait3A_123] : memref<10000x128xf32, #tpu.memory_space<vmem_shared>> -> memref<80x128xf32, #tpu.memory_space<vmem_shared>>
        %dma_wait3A_125 = arith.constant 0 : i32
        %dma_wait3A_126 = arith.constant 0 : i32
        %dma_wait3A_127 = tpu.memref_slice %arg15[%dma_wait3A_125, %dma_wait3A_126] : memref<80x128xf32, #tpu.memory_space<vmem>> -> memref<80x128xf32, #tpu.memory_space<vmem>>
        tpu.wait_dma2 semaphore(%run_scoped3A : memref<!tpu.dma_semaphore, #tpu.memory_space<semaphore_mem>>) src(%dma_wait3A_127 : memref<80x128xf32, #tpu.memory_space<vmem>>) dst(%dma_wait3A_124 : memref<80x128xf32, #tpu.memory_space<vmem_shared>>)
        tpu.yield
      }) : () -> ()
      %add3A_69 = arith.constant 160 : i32
      %add3A_70 = arith.addi %mul3A_64, %add3A_69 : i32
      "tpu.region"() ({
        %run_scoped3A = tpu.sem_alloc : memref<!tpu.dma_semaphore, #tpu.memory_space<semaphore_mem>>
        %dma_start3A_109 = arith.constant 0 : i32
        %dma_start3A_110 = arith.constant 0 : i32
        %dma_start3A_111 = tpu.memref_slice %arg15[%dma_start3A_109, %dma_start3A_110] : memref<80x128xf32, #tpu.memory_space<vmem>> -> memref<80x128xf32, #tpu.memory_space<vmem>>
        %dma_start3A_112 = arith.constant 0 : i32
        %dma_start3A_113 = tpu.memref_slice %arg12[%add3A_70, %dma_start3A_112] : memref<10000x128xf32, #tpu.memory_space<vmem_shared>> -> memref<80x128xf32, #tpu.memory_space<vmem_shared>>
        %dma_start3A_114 = arith.constant 0 : i32
        %dma_start3A_115 = tpu.memref_slice %arg12[%add3A_70, %dma_start3A_114] : memref<10000x128xf32, #tpu.memory_space<vmem_shared>> -> memref<80x128xf32, #tpu.memory_space<vmem_shared>>
        %dma_start3A_116 = arith.constant 0 : i32
        %dma_start3A_117 = arith.constant 0 : i32
        %dma_start3A_118 = tpu.memref_slice %arg15[%dma_start3A_116, %dma_start3A_117] : memref<80x128xf32, #tpu.memory_space<vmem>> -> memref<80x128xf32, #tpu.memory_space<vmem>>
        tpu.enqueue_dma source(%dma_start3A_118 : memref<80x128xf32, #tpu.memory_space<vmem>>) target(%dma_start3A_115 : memref<80x128xf32, #tpu.memory_space<vmem_shared>>) target_semaphore(%run_scoped3A : memref<!tpu.dma_semaphore, #tpu.memory_space<semaphore_mem>>)
        %dma_wait3A = arith.constant 0 : i32
        %dma_wait3A_119 = arith.constant 0 : i32
        %dma_wait3A_120 = tpu.memref_slice %arg15[%dma_wait3A, %dma_wait3A_119] : memref<80x128xf32, #tpu.memory_space<vmem>> -> memref<80x128xf32, #tpu.memory_space<vmem>>
        %dma_wait3A_121 = arith.constant 0 : i32
        %dma_wait3A_122 = tpu.memref_slice %arg12[%add3A_70, %dma_wait3A_121] : memref<10000x128xf32, #tpu.memory_space<vmem_shared>> -> memref<80x128xf32, #tpu.memory_space<vmem_shared>>
        %dma_wait3A_123 = arith.constant 0 : i32
        %dma_wait3A_124 = tpu.memref_slice %arg12[%add3A_70, %dma_wait3A_123] : memref<10000x128xf32, #tpu.memory_space<vmem_shared>> -> memref<80x128xf32, #tpu.memory_space<vmem_shared>>
        %dma_wait3A_125 = arith.constant 0 : i32
        %dma_wait3A_126 = arith.constant 0 : i32
        %dma_wait3A_127 = tpu.memref_slice %arg15[%dma_wait3A_125, %dma_wait3A_126] : memref<80x128xf32, #tpu.memory_space<vmem>> -> memref<80x128xf32, #tpu.memory_space<vmem>>
        tpu.wait_dma2 semaphore(%run_scoped3A : memref<!tpu.dma_semaphore, #tpu.memory_space<semaphore_mem>>) src(%dma_wait3A_127 : memref<80x128xf32, #tpu.memory_space<vmem>>) dst(%dma_wait3A_124 : memref<80x128xf32, #tpu.memory_space<vmem_shared>>)
        tpu.yield
      }) : () -> ()
      %add3A_71 = arith.constant 240 : i32
      %add3A_72 = arith.addi %mul3A_64, %add3A_71 : i32
      "tpu.region"() ({
        %run_scoped3A = tpu.sem_alloc : memref<!tpu.dma_semaphore, #tpu.memory_space<semaphore_mem>>
        %dma_start3A_109 = arith.constant 0 : i32
        %dma_start3A_110 = arith.constant 0 : i32
        %dma_start3A_111 = tpu.memref_slice %arg15[%dma_start3A_109, %dma_start3A_110] : memref<80x128xf32, #tpu.memory_space<vmem>> -> memref<80x128xf32, #tpu.memory_space<vmem>>
        %dma_start3A_112 = arith.constant 0 : i32
        %dma_start3A_113 = tpu.memref_slice %arg12[%add3A_72, %dma_start3A_112] : memref<10000x128xf32, #tpu.memory_space<vmem_shared>> -> memref<80x128xf32, #tpu.memory_space<vmem_shared>>
        %dma_start3A_114 = arith.constant 0 : i32
        %dma_start3A_115 = tpu.memref_slice %arg12[%add3A_72, %dma_start3A_114] : memref<10000x128xf32, #tpu.memory_space<vmem_shared>> -> memref<80x128xf32, #tpu.memory_space<vmem_shared>>
        %dma_start3A_116 = arith.constant 0 : i32
        %dma_start3A_117 = arith.constant 0 : i32
        %dma_start3A_118 = tpu.memref_slice %arg15[%dma_start3A_116, %dma_start3A_117] : memref<80x128xf32, #tpu.memory_space<vmem>> -> memref<80x128xf32, #tpu.memory_space<vmem>>
        tpu.enqueue_dma source(%dma_start3A_118 : memref<80x128xf32, #tpu.memory_space<vmem>>) target(%dma_start3A_115 : memref<80x128xf32, #tpu.memory_space<vmem_shared>>) target_semaphore(%run_scoped3A : memref<!tpu.dma_semaphore, #tpu.memory_space<semaphore_mem>>)
        %dma_wait3A = arith.constant 0 : i32
        %dma_wait3A_119 = arith.constant 0 : i32
        %dma_wait3A_120 = tpu.memref_slice %arg15[%dma_wait3A, %dma_wait3A_119] : memref<80x128xf32, #tpu.memory_space<vmem>> -> memref<80x128xf32, #tpu.memory_space<vmem>>
        %dma_wait3A_121 = arith.constant 0 : i32
        %dma_wait3A_122 = tpu.memref_slice %arg12[%add3A_72, %dma_wait3A_121] : memref<10000x128xf32, #tpu.memory_space<vmem_shared>> -> memref<80x128xf32, #tpu.memory_space<vmem_shared>>
        %dma_wait3A_123 = arith.constant 0 : i32
        %dma_wait3A_124 = tpu.memref_slice %arg12[%add3A_72, %dma_wait3A_123] : memref<10000x128xf32, #tpu.memory_space<vmem_shared>> -> memref<80x128xf32, #tpu.memory_space<vmem_shared>>
        %dma_wait3A_125 = arith.constant 0 : i32
        %dma_wait3A_126 = arith.constant 0 : i32
        %dma_wait3A_127 = tpu.memref_slice %arg15[%dma_wait3A_125, %dma_wait3A_126] : memref<80x128xf32, #tpu.memory_space<vmem>> -> memref<80x128xf32, #tpu.memory_space<vmem>>
        tpu.wait_dma2 semaphore(%run_scoped3A : memref<!tpu.dma_semaphore, #tpu.memory_space<semaphore_mem>>) src(%dma_wait3A_127 : memref<80x128xf32, #tpu.memory_space<vmem>>) dst(%dma_wait3A_124 : memref<80x128xf32, #tpu.memory_space<vmem_shared>>)
        tpu.yield
      }) : () -> ()
      %add3A_73 = arith.constant 320 : i32
      %add3A_74 = arith.addi %mul3A_64, %add3A_73 : i32
      "tpu.region"() ({
        %run_scoped3A = tpu.sem_alloc : memref<!tpu.dma_semaphore, #tpu.memory_space<semaphore_mem>>
        %dma_start3A_109 = arith.constant 0 : i32
        %dma_start3A_110 = arith.constant 0 : i32
        %dma_start3A_111 = tpu.memref_slice %arg15[%dma_start3A_109, %dma_start3A_110] : memref<80x128xf32, #tpu.memory_space<vmem>> -> memref<80x128xf32, #tpu.memory_space<vmem>>
        %dma_start3A_112 = arith.constant 0 : i32
        %dma_start3A_113 = tpu.memref_slice %arg12[%add3A_74, %dma_start3A_112] : memref<10000x128xf32, #tpu.memory_space<vmem_shared>> -> memref<80x128xf32, #tpu.memory_space<vmem_shared>>
        %dma_start3A_114 = arith.constant 0 : i32
        %dma_start3A_115 = tpu.memref_slice %arg12[%add3A_74, %dma_start3A_114] : memref<10000x128xf32, #tpu.memory_space<vmem_shared>> -> memref<80x128xf32, #tpu.memory_space<vmem_shared>>
        %dma_start3A_116 = arith.constant 0 : i32
        %dma_start3A_117 = arith.constant 0 : i32
        %dma_start3A_118 = tpu.memref_slice %arg15[%dma_start3A_116, %dma_start3A_117] : memref<80x128xf32, #tpu.memory_space<vmem>> -> memref<80x128xf32, #tpu.memory_space<vmem>>
        tpu.enqueue_dma source(%dma_start3A_118 : memref<80x128xf32, #tpu.memory_space<vmem>>) target(%dma_start3A_115 : memref<80x128xf32, #tpu.memory_space<vmem_shared>>) target_semaphore(%run_scoped3A : memref<!tpu.dma_semaphore, #tpu.memory_space<semaphore_mem>>)
        %dma_wait3A = arith.constant 0 : i32
        %dma_wait3A_119 = arith.constant 0 : i32
        %dma_wait3A_120 = tpu.memref_slice %arg15[%dma_wait3A, %dma_wait3A_119] : memref<80x128xf32, #tpu.memory_space<vmem>> -> memref<80x128xf32, #tpu.memory_space<vmem>>
        %dma_wait3A_121 = arith.constant 0 : i32
        %dma_wait3A_122 = tpu.memref_slice %arg12[%add3A_74, %dma_wait3A_121] : memref<10000x128xf32, #tpu.memory_space<vmem_shared>> -> memref<80x128xf32, #tpu.memory_space<vmem_shared>>
        %dma_wait3A_123 = arith.constant 0 : i32
        %dma_wait3A_124 = tpu.memref_slice %arg12[%add3A_74, %dma_wait3A_123] : memref<10000x128xf32, #tpu.memory_space<vmem_shared>> -> memref<80x128xf32, #tpu.memory_space<vmem_shared>>
        %dma_wait3A_125 = arith.constant 0 : i32
        %dma_wait3A_126 = arith.constant 0 : i32
        %dma_wait3A_127 = tpu.memref_slice %arg15[%dma_wait3A_125, %dma_wait3A_126] : memref<80x128xf32, #tpu.memory_space<vmem>> -> memref<80x128xf32, #tpu.memory_space<vmem>>
        tpu.wait_dma2 semaphore(%run_scoped3A : memref<!tpu.dma_semaphore, #tpu.memory_space<semaphore_mem>>) src(%dma_wait3A_127 : memref<80x128xf32, #tpu.memory_space<vmem>>) dst(%dma_wait3A_124 : memref<80x128xf32, #tpu.memory_space<vmem_shared>>)
        tpu.yield
      }) : () -> ()
      %add3A_75 = arith.constant 400 : i32
      %add3A_76 = arith.addi %mul3A_64, %add3A_75 : i32
      "tpu.region"() ({
        %run_scoped3A = tpu.sem_alloc : memref<!tpu.dma_semaphore, #tpu.memory_space<semaphore_mem>>
        %dma_start3A_109 = arith.constant 0 : i32
        %dma_start3A_110 = arith.constant 0 : i32
        %dma_start3A_111 = tpu.memref_slice %arg15[%dma_start3A_109, %dma_start3A_110] : memref<80x128xf32, #tpu.memory_space<vmem>> -> memref<80x128xf32, #tpu.memory_space<vmem>>
        %dma_start3A_112 = arith.constant 0 : i32
        %dma_start3A_113 = tpu.memref_slice %arg12[%add3A_76, %dma_start3A_112] : memref<10000x128xf32, #tpu.memory_space<vmem_shared>> -> memref<80x128xf32, #tpu.memory_space<vmem_shared>>
        %dma_start3A_114 = arith.constant 0 : i32
        %dma_start3A_115 = tpu.memref_slice %arg12[%add3A_76, %dma_start3A_114] : memref<10000x128xf32, #tpu.memory_space<vmem_shared>> -> memref<80x128xf32, #tpu.memory_space<vmem_shared>>
        %dma_start3A_116 = arith.constant 0 : i32
        %dma_start3A_117 = arith.constant 0 : i32
        %dma_start3A_118 = tpu.memref_slice %arg15[%dma_start3A_116, %dma_start3A_117] : memref<80x128xf32, #tpu.memory_space<vmem>> -> memref<80x128xf32, #tpu.memory_space<vmem>>
        tpu.enqueue_dma source(%dma_start3A_118 : memref<80x128xf32, #tpu.memory_space<vmem>>) target(%dma_start3A_115 : memref<80x128xf32, #tpu.memory_space<vmem_shared>>) target_semaphore(%run_scoped3A : memref<!tpu.dma_semaphore, #tpu.memory_space<semaphore_mem>>)
        %dma_wait3A = arith.constant 0 : i32
        %dma_wait3A_119 = arith.constant 0 : i32
        %dma_wait3A_120 = tpu.memref_slice %arg15[%dma_wait3A, %dma_wait3A_119] : memref<80x128xf32, #tpu.memory_space<vmem>> -> memref<80x128xf32, #tpu.memory_space<vmem>>
        %dma_wait3A_121 = arith.constant 0 : i32
        %dma_wait3A_122 = tpu.memref_slice %arg12[%add3A_76, %dma_wait3A_121] : memref<10000x128xf32, #tpu.memory_space<vmem_shared>> -> memref<80x128xf32, #tpu.memory_space<vmem_shared>>
        %dma_wait3A_123 = arith.constant 0 : i32
        %dma_wait3A_124 = tpu.memref_slice %arg12[%add3A_76, %dma_wait3A_123] : memref<10000x128xf32, #tpu.memory_space<vmem_shared>> -> memref<80x128xf32, #tpu.memory_space<vmem_shared>>
        %dma_wait3A_125 = arith.constant 0 : i32
        %dma_wait3A_126 = arith.constant 0 : i32
        %dma_wait3A_127 = tpu.memref_slice %arg15[%dma_wait3A_125, %dma_wait3A_126] : memref<80x128xf32, #tpu.memory_space<vmem>> -> memref<80x128xf32, #tpu.memory_space<vmem>>
        tpu.wait_dma2 semaphore(%run_scoped3A : memref<!tpu.dma_semaphore, #tpu.memory_space<semaphore_mem>>) src(%dma_wait3A_127 : memref<80x128xf32, #tpu.memory_space<vmem>>) dst(%dma_wait3A_124 : memref<80x128xf32, #tpu.memory_space<vmem_shared>>)
        tpu.yield
      }) : () -> ()
      %add3A_77 = arith.constant 480 : i32
      %add3A_78 = arith.addi %mul3A_64, %add3A_77 : i32
      "tpu.region"() ({
        %run_scoped3A = tpu.sem_alloc : memref<!tpu.dma_semaphore, #tpu.memory_space<semaphore_mem>>
        %dma_start3A_109 = arith.constant 0 : i32
        %dma_start3A_110 = arith.constant 0 : i32
        %dma_start3A_111 = tpu.memref_slice %arg15[%dma_start3A_109, %dma_start3A_110] : memref<80x128xf32, #tpu.memory_space<vmem>> -> memref<80x128xf32, #tpu.memory_space<vmem>>
        %dma_start3A_112 = arith.constant 0 : i32
        %dma_start3A_113 = tpu.memref_slice %arg12[%add3A_78, %dma_start3A_112] : memref<10000x128xf32, #tpu.memory_space<vmem_shared>> -> memref<80x128xf32, #tpu.memory_space<vmem_shared>>
        %dma_start3A_114 = arith.constant 0 : i32
        %dma_start3A_115 = tpu.memref_slice %arg12[%add3A_78, %dma_start3A_114] : memref<10000x128xf32, #tpu.memory_space<vmem_shared>> -> memref<80x128xf32, #tpu.memory_space<vmem_shared>>
        %dma_start3A_116 = arith.constant 0 : i32
        %dma_start3A_117 = arith.constant 0 : i32
        %dma_start3A_118 = tpu.memref_slice %arg15[%dma_start3A_116, %dma_start3A_117] : memref<80x128xf32, #tpu.memory_space<vmem>> -> memref<80x128xf32, #tpu.memory_space<vmem>>
        tpu.enqueue_dma source(%dma_start3A_118 : memref<80x128xf32, #tpu.memory_space<vmem>>) target(%dma_start3A_115 : memref<80x128xf32, #tpu.memory_space<vmem_shared>>) target_semaphore(%run_scoped3A : memref<!tpu.dma_semaphore, #tpu.memory_space<semaphore_mem>>)
        %dma_wait3A = arith.constant 0 : i32
        %dma_wait3A_119 = arith.constant 0 : i32
        %dma_wait3A_120 = tpu.memref_slice %arg15[%dma_wait3A, %dma_wait3A_119] : memref<80x128xf32, #tpu.memory_space<vmem>> -> memref<80x128xf32, #tpu.memory_space<vmem>>
        %dma_wait3A_121 = arith.constant 0 : i32
        %dma_wait3A_122 = tpu.memref_slice %arg12[%add3A_78, %dma_wait3A_121] : memref<10000x128xf32, #tpu.memory_space<vmem_shared>> -> memref<80x128xf32, #tpu.memory_space<vmem_shared>>
        %dma_wait3A_123 = arith.constant 0 : i32
        %dma_wait3A_124 = tpu.memref_slice %arg12[%add3A_78, %dma_wait3A_123] : memref<10000x128xf32, #tpu.memory_space<vmem_shared>> -> memref<80x128xf32, #tpu.memory_space<vmem_shared>>
        %dma_wait3A_125 = arith.constant 0 : i32
        %dma_wait3A_126 = arith.constant 0 : i32
        %dma_wait3A_127 = tpu.memref_slice %arg15[%dma_wait3A_125, %dma_wait3A_126] : memref<80x128xf32, #tpu.memory_space<vmem>> -> memref<80x128xf32, #tpu.memory_space<vmem>>
        tpu.wait_dma2 semaphore(%run_scoped3A : memref<!tpu.dma_semaphore, #tpu.memory_space<semaphore_mem>>) src(%dma_wait3A_127 : memref<80x128xf32, #tpu.memory_space<vmem>>) dst(%dma_wait3A_124 : memref<80x128xf32, #tpu.memory_space<vmem_shared>>)
        tpu.yield
      }) : () -> ()
      %add3A_79 = arith.constant 560 : i32
      %add3A_80 = arith.addi %mul3A_64, %add3A_79 : i32
      "tpu.region"() ({
        %run_scoped3A = tpu.sem_alloc : memref<!tpu.dma_semaphore, #tpu.memory_space<semaphore_mem>>
        %dma_start3A_109 = arith.constant 0 : i32
        %dma_start3A_110 = arith.constant 0 : i32
        %dma_start3A_111 = tpu.memref_slice %arg15[%dma_start3A_109, %dma_start3A_110] : memref<80x128xf32, #tpu.memory_space<vmem>> -> memref<64x128xf32, #tpu.memory_space<vmem>>
        %dma_start3A_112 = arith.constant 0 : i32
        %dma_start3A_113 = tpu.memref_slice %arg12[%add3A_80, %dma_start3A_112] : memref<10000x128xf32, #tpu.memory_space<vmem_shared>> -> memref<64x128xf32, #tpu.memory_space<vmem_shared>>
        %dma_start3A_114 = arith.constant 0 : i32
        %dma_start3A_115 = tpu.memref_slice %arg12[%add3A_80, %dma_start3A_114] : memref<10000x128xf32, #tpu.memory_space<vmem_shared>> -> memref<64x128xf32, #tpu.memory_space<vmem_shared>>
        %dma_start3A_116 = arith.constant 0 : i32
        %dma_start3A_117 = arith.constant 0 : i32
        %dma_start3A_118 = tpu.memref_slice %arg15[%dma_start3A_116, %dma_start3A_117] : memref<80x128xf32, #tpu.memory_space<vmem>> -> memref<64x128xf32, #tpu.memory_space<vmem>>
        tpu.enqueue_dma source(%dma_start3A_118 : memref<64x128xf32, #tpu.memory_space<vmem>>) target(%dma_start3A_115 : memref<64x128xf32, #tpu.memory_space<vmem_shared>>) target_semaphore(%run_scoped3A : memref<!tpu.dma_semaphore, #tpu.memory_space<semaphore_mem>>)
        %dma_wait3A = arith.constant 0 : i32
        %dma_wait3A_119 = arith.constant 0 : i32
        %dma_wait3A_120 = tpu.memref_slice %arg15[%dma_wait3A, %dma_wait3A_119] : memref<80x128xf32, #tpu.memory_space<vmem>> -> memref<64x128xf32, #tpu.memory_space<vmem>>
        %dma_wait3A_121 = arith.constant 0 : i32
        %dma_wait3A_122 = tpu.memref_slice %arg12[%add3A_80, %dma_wait3A_121] : memref<10000x128xf32, #tpu.memory_space<vmem_shared>> -> memref<64x128xf32, #tpu.memory_space<vmem_shared>>
        %dma_wait3A_123 = arith.constant 0 : i32
        %dma_wait3A_124 = tpu.memref_slice %arg12[%add3A_80, %dma_wait3A_123] : memref<10000x128xf32, #tpu.memory_space<vmem_shared>> -> memref<64x128xf32, #tpu.memory_space<vmem_shared>>
        %dma_wait3A_125 = arith.constant 0 : i32
        %dma_wait3A_126 = arith.constant 0 : i32
        %dma_wait3A_127 = tpu.memref_slice %arg15[%dma_wait3A_125, %dma_wait3A_126] : memref<80x128xf32, #tpu.memory_space<vmem>> -> memref<64x128xf32, #tpu.memory_space<vmem>>
        tpu.wait_dma2 semaphore(%run_scoped3A : memref<!tpu.dma_semaphore, #tpu.memory_space<semaphore_mem>>) src(%dma_wait3A_127 : memref<64x128xf32, #tpu.memory_space<vmem>>) dst(%dma_wait3A_124 : memref<64x128xf32, #tpu.memory_space<vmem_shared>>)
        tpu.yield
      }) : () -> ()
      %eq3A_81 = arith.constant 0 : i32
      %eq3A_82 = arith.cmpi eq, %arg1, %eq3A_81 : i32
      %convert_element_type3A_83 = arith.extui %eq3A_82 : i1 to i32
      %cond3A_84 = arith.constant 0 : i32
      %cond3A_85 = arith.cmpi ne, %convert_element_type3A_83, %cond3A_84 : i32
      scf.if %cond3A_85 {
        "tpu.region"() ({
          %run_scoped3A = tpu.sem_alloc : memref<!tpu.dma_semaphore, #tpu.memory_space<semaphore_mem>>
          %dma_start3A_109 = arith.constant 0 : i32
          %dma_start3A_110 = arith.constant 0 : i32
          %dma_start3A_111 = tpu.memref_slice %arg15[%dma_start3A_109, %dma_start3A_110] : memref<80x128xf32, #tpu.memory_space<vmem>> -> memref<16x128xf32, #tpu.memory_space<vmem>>
          %dma_start3A_112 = arith.constant 9984 : i32
          %dma_start3A_113 = arith.constant 0 : i32
          %dma_start3A_114 = tpu.memref_slice %arg12[%dma_start3A_112, %dma_start3A_113] : memref<10000x128xf32, #tpu.memory_space<vmem_shared>> -> memref<16x128xf32, #tpu.memory_space<vmem_shared>>
          %dma_start3A_115 = arith.constant 9984 : i32
          %dma_start3A_116 = arith.constant 0 : i32
          %dma_start3A_117 = tpu.memref_slice %arg12[%dma_start3A_115, %dma_start3A_116] : memref<10000x128xf32, #tpu.memory_space<vmem_shared>> -> memref<16x128xf32, #tpu.memory_space<vmem_shared>>
          %dma_start3A_118 = arith.constant 0 : i32
          %dma_start3A_119 = arith.constant 0 : i32
          %dma_start3A_120 = tpu.memref_slice %arg15[%dma_start3A_118, %dma_start3A_119] : memref<80x128xf32, #tpu.memory_space<vmem>> -> memref<16x128xf32, #tpu.memory_space<vmem>>
          tpu.enqueue_dma source(%dma_start3A_120 : memref<16x128xf32, #tpu.memory_space<vmem>>) target(%dma_start3A_117 : memref<16x128xf32, #tpu.memory_space<vmem_shared>>) target_semaphore(%run_scoped3A : memref<!tpu.dma_semaphore, #tpu.memory_space<semaphore_mem>>)
          %dma_wait3A = arith.constant 0 : i32
          %dma_wait3A_121 = arith.constant 0 : i32
          %dma_wait3A_122 = tpu.memref_slice %arg15[%dma_wait3A, %dma_wait3A_121] : memref<80x128xf32, #tpu.memory_space<vmem>> -> memref<16x128xf32, #tpu.memory_space<vmem>>
          %dma_wait3A_123 = arith.constant 9984 : i32
          %dma_wait3A_124 = arith.constant 0 : i32
          %dma_wait3A_125 = tpu.memref_slice %arg12[%dma_wait3A_123, %dma_wait3A_124] : memref<10000x128xf32, #tpu.memory_space<vmem_shared>> -> memref<16x128xf32, #tpu.memory_space<vmem_shared>>
          %dma_wait3A_126 = arith.constant 9984 : i32
          %dma_wait3A_127 = arith.constant 0 : i32
          %dma_wait3A_128 = tpu.memref_slice %arg12[%dma_wait3A_126, %dma_wait3A_127] : memref<10000x128xf32, #tpu.memory_space<vmem_shared>> -> memref<16x128xf32, #tpu.memory_space<vmem_shared>>
          %dma_wait3A_129 = arith.constant 0 : i32
          %dma_wait3A_130 = arith.constant 0 : i32
          %dma_wait3A_131 = tpu.memref_slice %arg15[%dma_wait3A_129, %dma_wait3A_130] : memref<80x128xf32, #tpu.memory_space<vmem>> -> memref<16x128xf32, #tpu.memory_space<vmem>>
          tpu.wait_dma2 semaphore(%run_scoped3A : memref<!tpu.dma_semaphore, #tpu.memory_space<semaphore_mem>>) src(%dma_wait3A_131 : memref<16x128xf32, #tpu.memory_space<vmem>>) dst(%dma_wait3A_128 : memref<16x128xf32, #tpu.memory_space<vmem_shared>>)
          tpu.yield
        }) : () -> ()
      } else {
      }
      %barrier3A_86 = arith.constant 0 : index
      tpu.barrier barrier_id(%barrier3A_86)
      %dma_start3A_87 = arith.constant 0 : i32
      %dma_start3A_88 = tpu.memref_slice %arg13[%dma_start3A_87] : memref<10000xi32, #tpu.memory_space<vmem>> -> memref<80xi32, #tpu.memory_space<vmem>>
      %dma_start3A_89 = arith.constant 0 : i32
      %dma_start3A_90 = arith.constant 0 : i32
      %dma_start3A_91 = tpu.memref_slice %arg5[%dma_start3A_89, %dma_start3A_90] : memref<10000x128xf32, #tpu.memory_space<hbm>> -> memref<10000x128xf32, #tpu.memory_space<hbm>>
      tpu.enqueue_indirect_dma source(%dma_start3A_91 : memref<10000x128xf32, #tpu.memory_space<hbm>>) target(%arg15 : memref<80x128xf32, #tpu.memory_space<vmem>>) offsets(%dma_start3A_88 : memref<80xi32, #tpu.memory_space<vmem>>) semaphore(%arg17 : memref<!tpu.dma_semaphore, #tpu.memory_space<semaphore_mem>>)
      %dma_start3A_92 = arith.constant 80 : i32
      %dma_start3A_93 = tpu.memref_slice %arg13[%dma_start3A_92] : memref<10000xi32, #tpu.memory_space<vmem>> -> memref<80xi32, #tpu.memory_space<vmem>>
      %dma_start3A_94 = arith.constant 0 : i32
      %dma_start3A_95 = arith.constant 0 : i32
      %dma_start3A_96 = tpu.memref_slice %arg5[%dma_start3A_94, %dma_start3A_95] : memref<10000x128xf32, #tpu.memory_space<hbm>> -> memref<10000x128xf32, #tpu.memory_space<hbm>>
      tpu.enqueue_indirect_dma source(%dma_start3A_96 : memref<10000x128xf32, #tpu.memory_space<hbm>>) target(%arg16 : memref<80x128xf32, #tpu.memory_space<vmem>>) offsets(%dma_start3A_93 : memref<80xi32, #tpu.memory_space<vmem>>) semaphore(%arg18 : memref<!tpu.dma_semaphore, #tpu.memory_space<semaphore_mem>>)
      %scan3A_97 = arith.constant 0 : i32
      %scan3A_98 = arith.constant 0 : i32
      %scan3A_99 = arith.constant 63 : i32
      %scan3A_100 = arith.addi %scan3A_98, %scan3A_99 : i32
      %scan3A_101 = arith.constant 1 : i32
      scf.for %scan3A_109 = %scan3A_98 to %scan3A_100 step %scan3A_101  : i32 {
        %mul3A_110 = arith.constant 2 : i32
        %mul3A_111 = arith.muli %mul3A_110, %scan3A_109 : i32
        %add3A_112 = arith.constant 0 : i32
        %add3A_113 = arith.addi %mul3A_111, %add3A_112 : i32
        %lt3A = arith.constant 125 : i32
        %lt3A_114 = arith.cmpi slt, %add3A_113, %lt3A : i32
        %convert_element_type3A_115 = arith.extui %lt3A_114 : i1 to i32
        %cond3A_116 = arith.constant 0 : i32
        %cond3A_117 = arith.cmpi ne, %convert_element_type3A_115, %cond3A_116 : i32
        scf.if %cond3A_117 {
          %dma_wait3A = arith.constant 0 : i32
          %dma_wait3A_127 = tpu.memref_slice %arg13[%dma_wait3A] : memref<10000xi32, #tpu.memory_space<vmem>> -> memref<80xi32, #tpu.memory_space<vmem>>
          %dma_wait3A_128 = arith.constant 0 : i32
          %dma_wait3A_129 = arith.constant 0 : i32
          %dma_wait3A_130 = tpu.memref_slice %arg5[%dma_wait3A_128, %dma_wait3A_129] : memref<10000x128xf32, #tpu.memory_space<hbm>> -> memref<10000x128xf32, #tpu.memory_space<hbm>>
          tpu.wait_indirect_dma semaphore(%arg17 : memref<!tpu.dma_semaphore, #tpu.memory_space<semaphore_mem>>) src(%dma_wait3A_130 : memref<10000x128xf32, #tpu.memory_space<hbm>>) dst(%arg15 : memref<80x128xf32, #tpu.memory_space<vmem>>)
          "tpu.region"() ({
            %run_scoped3A = tpu.sem_alloc : memref<!tpu.dma_semaphore, #tpu.memory_space<semaphore_mem>>
            %dma_start3A_138 = arith.constant 0 : i32
            %dma_start3A_139 = tpu.memref_slice %arg14[%add3A_113, %dma_start3A_138] : memref<125x80xi32, #tpu.memory_space<vmem>> -> memref<1x80xi32, #tpu.memory_space<vmem>>
            %dma_start3A_140 = tpu.memref_squeeze %dma_start3A_139 : memref<1x80xi32, #tpu.memory_space<vmem>> -> memref<80xi32, #tpu.memory_space<vmem>>
            %dma_start3A_141 = arith.constant 0 : i32
            %dma_start3A_142 = arith.constant 0 : i32
            %dma_start3A_143 = tpu.memref_slice %arg12[%dma_start3A_141, %dma_start3A_142] : memref<10000x128xf32, #tpu.memory_space<vmem_shared>> -> memref<10000x128xf32, #tpu.memory_space<vmem_shared>>
            tpu.enqueue_indirect_dma source(%arg15 : memref<80x128xf32, #tpu.memory_space<vmem>>) target(%dma_start3A_143 : memref<10000x128xf32, #tpu.memory_space<vmem_shared>>) offsets(%dma_start3A_140 : memref<80xi32, #tpu.memory_space<vmem>>) semaphore(%run_scoped3A : memref<!tpu.dma_semaphore, #tpu.memory_space<semaphore_mem>>) {add = true}
            %dma_wait3A_144 = arith.constant 0 : i32
            %dma_wait3A_145 = tpu.memref_slice %arg14[%add3A_113, %dma_wait3A_144] : memref<125x80xi32, #tpu.memory_space<vmem>> -> memref<1x80xi32, #tpu.memory_space<vmem>>
            %dma_wait3A_146 = tpu.memref_squeeze %dma_wait3A_145 : memref<1x80xi32, #tpu.memory_space<vmem>> -> memref<80xi32, #tpu.memory_space<vmem>>
            %dma_wait3A_147 = arith.constant 0 : i32
            %dma_wait3A_148 = arith.constant 0 : i32
            %dma_wait3A_149 = tpu.memref_slice %arg12[%dma_wait3A_147, %dma_wait3A_148] : memref<10000x128xf32, #tpu.memory_space<vmem_shared>> -> memref<10000x128xf32, #tpu.memory_space<vmem_shared>>
            tpu.wait_indirect_dma semaphore(%run_scoped3A : memref<!tpu.dma_semaphore, #tpu.memory_space<semaphore_mem>>) src(%arg15 : memref<80x128xf32, #tpu.memory_space<vmem>>) dst(%dma_wait3A_149 : memref<10000x128xf32, #tpu.memory_space<vmem_shared>>)
            tpu.yield
          }) : () -> ()
          %add3A_131 = arith.constant 2 : i32
          %add3A_132 = arith.addi %add3A_113, %add3A_131 : i32
          %lt3A_133 = arith.constant 125 : i32
          %lt3A_134 = arith.cmpi slt, %add3A_132, %lt3A_133 : i32
          %convert_element_type3A_135 = arith.extui %lt3A_134 : i1 to i32
          %cond3A_136 = arith.constant 0 : i32
          %cond3A_137 = arith.cmpi ne, %convert_element_type3A_135, %cond3A_136 : i32
          scf.if %cond3A_137 {
            %mul3A_138 = arith.constant 80 : i32
            %mul3A_139 = arith.muli %add3A_132, %mul3A_138 : i32
            %dma_start3A_140 = tpu.memref_slice %arg13[%mul3A_139] : memref<10000xi32, #tpu.memory_space<vmem>> -> memref<80xi32, #tpu.memory_space<vmem>>
            %dma_start3A_141 = arith.constant 0 : i32
            %dma_start3A_142 = arith.constant 0 : i32
            %dma_start3A_143 = tpu.memref_slice %arg5[%dma_start3A_141, %dma_start3A_142] : memref<10000x128xf32, #tpu.memory_space<hbm>> -> memref<10000x128xf32, #tpu.memory_space<hbm>>
            tpu.enqueue_indirect_dma source(%dma_start3A_143 : memref<10000x128xf32, #tpu.memory_space<hbm>>) target(%arg15 : memref<80x128xf32, #tpu.memory_space<vmem>>) offsets(%dma_start3A_140 : memref<80xi32, #tpu.memory_space<vmem>>) semaphore(%arg17 : memref<!tpu.dma_semaphore, #tpu.memory_space<semaphore_mem>>)
          } else {
          }
        } else {
        }
        %mul3A_118 = arith.constant 2 : i32
        %mul3A_119 = arith.muli %mul3A_118, %scan3A_109 : i32
        %add3A_120 = arith.constant 1 : i32
        %add3A_121 = arith.addi %mul3A_119, %add3A_120 : i32
        %lt3A_122 = arith.constant 125 : i32
        %lt3A_123 = arith.cmpi slt, %add3A_121, %lt3A_122 : i32
        %convert_element_type3A_124 = arith.extui %lt3A_123 : i1 to i32
        %cond3A_125 = arith.constant 0 : i32
        %cond3A_126 = arith.cmpi ne, %convert_element_type3A_124, %cond3A_125 : i32
        scf.if %cond3A_126 {
          %dma_wait3A = arith.constant 0 : i32
          %dma_wait3A_127 = tpu.memref_slice %arg13[%dma_wait3A] : memref<10000xi32, #tpu.memory_space<vmem>> -> memref<80xi32, #tpu.memory_space<vmem>>
          %dma_wait3A_128 = arith.constant 0 : i32
          %dma_wait3A_129 = arith.constant 0 : i32
          %dma_wait3A_130 = tpu.memref_slice %arg5[%dma_wait3A_128, %dma_wait3A_129] : memref<10000x128xf32, #tpu.memory_space<hbm>> -> memref<10000x128xf32, #tpu.memory_space<hbm>>
          tpu.wait_indirect_dma semaphore(%arg18 : memref<!tpu.dma_semaphore, #tpu.memory_space<semaphore_mem>>) src(%dma_wait3A_130 : memref<10000x128xf32, #tpu.memory_space<hbm>>) dst(%arg16 : memref<80x128xf32, #tpu.memory_space<vmem>>)
          "tpu.region"() ({
            %run_scoped3A = tpu.sem_alloc : memref<!tpu.dma_semaphore, #tpu.memory_space<semaphore_mem>>
            %dma_start3A_138 = arith.constant 0 : i32
            %dma_start3A_139 = tpu.memref_slice %arg14[%add3A_121, %dma_start3A_138] : memref<125x80xi32, #tpu.memory_space<vmem>> -> memref<1x80xi32, #tpu.memory_space<vmem>>
            %dma_start3A_140 = tpu.memref_squeeze %dma_start3A_139 : memref<1x80xi32, #tpu.memory_space<vmem>> -> memref<80xi32, #tpu.memory_space<vmem>>
            %dma_start3A_141 = arith.constant 0 : i32
            %dma_start3A_142 = arith.constant 0 : i32
            %dma_start3A_143 = tpu.memref_slice %arg12[%dma_start3A_141, %dma_start3A_142] : memref<10000x128xf32, #tpu.memory_space<vmem_shared>> -> memref<10000x128xf32, #tpu.memory_space<vmem_shared>>
            tpu.enqueue_indirect_dma source(%arg16 : memref<80x128xf32, #tpu.memory_space<vmem>>) target(%dma_start3A_143 : memref<10000x128xf32, #tpu.memory_space<vmem_shared>>) offsets(%dma_start3A_140 : memref<80xi32, #tpu.memory_space<vmem>>) semaphore(%run_scoped3A : memref<!tpu.dma_semaphore, #tpu.memory_space<semaphore_mem>>) {add = true}
            %dma_wait3A_144 = arith.constant 0 : i32
            %dma_wait3A_145 = tpu.memref_slice %arg14[%add3A_121, %dma_wait3A_144] : memref<125x80xi32, #tpu.memory_space<vmem>> -> memref<1x80xi32, #tpu.memory_space<vmem>>
            %dma_wait3A_146 = tpu.memref_squeeze %dma_wait3A_145 : memref<1x80xi32, #tpu.memory_space<vmem>> -> memref<80xi32, #tpu.memory_space<vmem>>
            %dma_wait3A_147 = arith.constant 0 : i32
            %dma_wait3A_148 = arith.constant 0 : i32
            %dma_wait3A_149 = tpu.memref_slice %arg12[%dma_wait3A_147, %dma_wait3A_148] : memref<10000x128xf32, #tpu.memory_space<vmem_shared>> -> memref<10000x128xf32, #tpu.memory_space<vmem_shared>>
            tpu.wait_indirect_dma semaphore(%run_scoped3A : memref<!tpu.dma_semaphore, #tpu.memory_space<semaphore_mem>>) src(%arg16 : memref<80x128xf32, #tpu.memory_space<vmem>>) dst(%dma_wait3A_149 : memref<10000x128xf32, #tpu.memory_space<vmem_shared>>)
            tpu.yield
          }) : () -> ()
          %add3A_131 = arith.constant 2 : i32
          %add3A_132 = arith.addi %add3A_121, %add3A_131 : i32
          %lt3A_133 = arith.constant 125 : i32
          %lt3A_134 = arith.cmpi slt, %add3A_132, %lt3A_133 : i32
          %convert_element_type3A_135 = arith.extui %lt3A_134 : i1 to i32
          %cond3A_136 = arith.constant 0 : i32
          %cond3A_137 = arith.cmpi ne, %convert_element_type3A_135, %cond3A_136 : i32
          scf.if %cond3A_137 {
            %mul3A_138 = arith.constant 80 : i32
            %mul3A_139 = arith.muli %add3A_132, %mul3A_138 : i32
            %dma_start3A_140 = tpu.memref_slice %arg13[%mul3A_139] : memref<10000xi32, #tpu.memory_space<vmem>> -> memref<80xi32, #tpu.memory_space<vmem>>
            %dma_start3A_141 = arith.constant 0 : i32
            %dma_start3A_142 = arith.constant 0 : i32
            %dma_start3A_143 = tpu.memref_slice %arg5[%dma_start3A_141, %dma_start3A_142] : memref<10000x128xf32, #tpu.memory_space<hbm>> -> memref<10000x128xf32, #tpu.memory_space<hbm>>
            tpu.enqueue_indirect_dma source(%dma_start3A_143 : memref<10000x128xf32, #tpu.memory_space<hbm>>) target(%arg16 : memref<80x128xf32, #tpu.memory_space<vmem>>) offsets(%dma_start3A_140 : memref<80xi32, #tpu.memory_space<vmem>>) semaphore(%arg18 : memref<!tpu.dma_semaphore, #tpu.memory_space<semaphore_mem>>)
          } else {
          }
        } else {
        }
      }
      %scan3A_102 = arith.constant 63 : i32
      %barrier3A_103 = arith.constant 0 : index
      tpu.barrier barrier_id(%barrier3A_103)
      "tpu.region"() ({
        %run_scoped3A = tpu.sem_alloc : memref<!tpu.dma_semaphore, #tpu.memory_space<semaphore_mem>>
        %dma_start3A_109 = arith.constant 0 : i32
        %dma_start3A_110 = tpu.memref_slice %arg11[%mul3A_64, %dma_start3A_109] : memref<10000x128xf32, #tpu.memory_space<hbm>> -> memref<624x128xf32, #tpu.memory_space<hbm>>
        %dma_start3A_111 = arith.constant 0 : i32
        %dma_start3A_112 = tpu.memref_slice %arg12[%mul3A_64, %dma_start3A_111] : memref<10000x128xf32, #tpu.memory_space<vmem_shared>> -> memref<624x128xf32, #tpu.memory_space<vmem_shared>>
        tpu.enqueue_dma source(%dma_start3A_112 : memref<624x128xf32, #tpu.memory_space<vmem_shared>>) target(%dma_start3A_110 : memref<624x128xf32, #tpu.memory_space<hbm>>) target_semaphore(%run_scoped3A : memref<!tpu.dma_semaphore, #tpu.memory_space<semaphore_mem>>)
        %dma_wait3A = arith.constant 0 : i32
        %dma_wait3A_113 = tpu.memref_slice %arg11[%mul3A_64, %dma_wait3A] : memref<10000x128xf32, #tpu.memory_space<hbm>> -> memref<624x128xf32, #tpu.memory_space<hbm>>
        %dma_wait3A_114 = arith.constant 0 : i32
        %dma_wait3A_115 = tpu.memref_slice %arg12[%mul3A_64, %dma_wait3A_114] : memref<10000x128xf32, #tpu.memory_space<vmem_shared>> -> memref<624x128xf32, #tpu.memory_space<vmem_shared>>
        tpu.wait_dma2 semaphore(%run_scoped3A : memref<!tpu.dma_semaphore, #tpu.memory_space<semaphore_mem>>) src(%dma_wait3A_115 : memref<624x128xf32, #tpu.memory_space<vmem_shared>>) dst(%dma_wait3A_113 : memref<624x128xf32, #tpu.memory_space<hbm>>)
        tpu.yield
      }) : () -> ()
      %eq3A_104 = arith.constant 0 : i32
      %eq3A_105 = arith.cmpi eq, %arg1, %eq3A_104 : i32
      %convert_element_type3A_106 = arith.extui %eq3A_105 : i1 to i32
      %cond3A_107 = arith.constant 0 : i32
      %cond3A_108 = arith.cmpi ne, %convert_element_type3A_106, %cond3A_107 : i32
      scf.if %cond3A_108 {
        "tpu.region"() ({
          %run_scoped3A = tpu.sem_alloc : memref<!tpu.dma_semaphore, #tpu.memory_space<semaphore_mem>>
          %dma_start3A_109 = arith.constant 9984 : i32
          %dma_start3A_110 = arith.constant 0 : i32
          %dma_start3A_111 = tpu.memref_slice %arg11[%dma_start3A_109, %dma_start3A_110] : memref<10000x128xf32, #tpu.memory_space<hbm>> -> memref<16x128xf32, #tpu.memory_space<hbm>>
          %dma_start3A_112 = arith.constant 9984 : i32
          %dma_start3A_113 = arith.constant 0 : i32
          %dma_start3A_114 = tpu.memref_slice %arg12[%dma_start3A_112, %dma_start3A_113] : memref<10000x128xf32, #tpu.memory_space<vmem_shared>> -> memref<16x128xf32, #tpu.memory_space<vmem_shared>>
          tpu.enqueue_dma source(%dma_start3A_114 : memref<16x128xf32, #tpu.memory_space<vmem_shared>>) target(%dma_start3A_111 : memref<16x128xf32, #tpu.memory_space<hbm>>) target_semaphore(%run_scoped3A : memref<!tpu.dma_semaphore, #tpu.memory_space<semaphore_mem>>)
          %dma_wait3A = arith.constant 9984 : i32
          %dma_wait3A_115 = arith.constant 0 : i32
          %dma_wait3A_116 = tpu.memref_slice %arg11[%dma_wait3A, %dma_wait3A_115] : memref<10000x128xf32, #tpu.memory_space<hbm>> -> memref<16x128xf32, #tpu.memory_space<hbm>>
          %dma_wait3A_117 = arith.constant 9984 : i32
          %dma_wait3A_118 = arith.constant 0 : i32
          %dma_wait3A_119 = tpu.memref_slice %arg12[%dma_wait3A_117, %dma_wait3A_118] : memref<10000x128xf32, #tpu.memory_space<vmem_shared>> -> memref<16x128xf32, #tpu.memory_space<vmem_shared>>
          tpu.wait_dma2 semaphore(%run_scoped3A : memref<!tpu.dma_semaphore, #tpu.memory_space<semaphore_mem>>) src(%dma_wait3A_119 : memref<16x128xf32, #tpu.memory_space<vmem_shared>>) dst(%dma_wait3A_116 : memref<16x128xf32, #tpu.memory_space<hbm>>)
          tpu.yield
        }) : () -> ()
      } else {
      }
    } else {
    }
    return
  }
}

module attributes {stable_mosaic.version = 14 : i64} {
  func.func @body(%arg0: i32, %arg1: memref<2000x128xf32, #tpu.memory_space<vmem>>, %arg2: memref<2000x128xf32, #tpu.memory_space<vmem>>, %arg3: memref<2000x256xf32, #tpu.memory_space<vmem>>, %arg4: memref<256x512xf32, #tpu.memory_space<vmem>>, %arg5: memref<256x512xf32, #tpu.memory_space<vmem>>, %arg6: memref<1x512xf32, #tpu.memory_space<vmem>>, %arg7: memref<2000x128xf32, #tpu.memory_space<vmem>>, %arg8: memref<2000x128xf32, #tpu.memory_space<vmem>>, %arg9: memref<2000x128xf32, #tpu.memory_space<vmem>>, %arg10: memref<2000x128xf32, #tpu.memory_space<vmem>>) attributes {dimension_semantics = [#tpu.dimension_semantics<arbitrary>], iteration_bounds = array<i64: 5>, scalar_prefetch = 0 : i64, scratch_operands = 0 : i64, tpu.core_type = #tpu.core_type<tc>, window_params = [{transform_indices = @transform_0, window_bounds = array<i64: 2000, 128>}, {transform_indices = @transform_1, window_bounds = array<i64: 2000, 128>}, {transform_indices = @transform_2, window_bounds = array<i64: 2000, 256>}, {pipeline_mode = #tpu.pipeline_mode<synchronous>, transform_indices = @transform_3, window_bounds = array<i64: 256, 512>}, {pipeline_mode = #tpu.pipeline_mode<synchronous>, transform_indices = @transform_4, window_bounds = array<i64: 256, 512>}, {pipeline_mode = #tpu.pipeline_mode<synchronous>, transform_indices = @transform_5, window_bounds = array<i64: 1, 512>}, {transform_indices = @transform_6, window_bounds = array<i64: 2000, 128>}, {transform_indices = @transform_7, window_bounds = array<i64: 2000, 128>}, {transform_indices = @transform_8, window_bounds = array<i64: 2000, 128>}, {transform_indices = @transform_9, window_bounds = array<i64: 2000, 128>}]} {
    %get3A = arith.constant 0 : index
    %get3A_0 = arith.constant 0 : index
    %get3A_1 = vector.load %arg1[%get3A, %get3A_0] : memref<2000x128xf32, #tpu.memory_space<vmem>>, vector<2000x128xf32>
    %get3A_2 = arith.constant 0 : index
    %get3A_3 = arith.constant 0 : index
    %get3A_4 = vector.load %arg2[%get3A_2, %get3A_3] : memref<2000x128xf32, #tpu.memory_space<vmem>>, vector<2000x128xf32>
    %concatenate3A = tpu.concatenate %get3A_1, %get3A_4 in 1 : vector<2000x128xf32>, vector<2000x128xf32> -> vector<2000x256xf32>
    %get3A_5 = arith.constant 0 : index
    %get3A_6 = arith.constant 0 : index
    %get3A_7 = vector.load %arg4[%get3A_5, %get3A_6] : memref<256x512xf32, #tpu.memory_space<vmem>>, vector<256x512xf32>
    %dot_general3A = arith.constant dense<0.000000e+00> : vector<2000x512xf32>
    %dot_general3A_8 = tpu.matmul %concatenate3A, %get3A_7, %dot_general3A {dimension_numbers = #tpu.dot_dimension_numbers<[1], [0], [0], [1], [0, 0, 1, 1], [], []>, transpose_lhs_hint = false} : vector<2000x256xf32>, vector<256x512xf32>, vector<2000x512xf32> -> vector<2000x512xf32>
    %get3A_9 = arith.constant 0 : index
    %get3A_10 = arith.constant 0 : index
    %get3A_11 = vector.load %arg3[%get3A_9, %get3A_10] : memref<2000x256xf32, #tpu.memory_space<vmem>>, vector<2000x256xf32>
    %get3A_12 = arith.constant 0 : index
    %get3A_13 = arith.constant 0 : index
    %get3A_14 = vector.load %arg5[%get3A_12, %get3A_13] : memref<256x512xf32, #tpu.memory_space<vmem>>, vector<256x512xf32>
    %dot_general3A_15 = arith.constant dense<0.000000e+00> : vector<2000x512xf32>
    %dot_general3A_16 = tpu.matmul %get3A_11, %get3A_14, %dot_general3A_15 {dimension_numbers = #tpu.dot_dimension_numbers<[1], [0], [0], [1], [0, 0, 1, 1], [], []>, transpose_lhs_hint = false} : vector<2000x256xf32>, vector<256x512xf32>, vector<2000x512xf32> -> vector<2000x512xf32>
    %add3A = arith.addf %dot_general3A_8, %dot_general3A_16 : vector<2000x512xf32>
    %get3A_17 = arith.constant 0 : index
    %get3A_18 = arith.constant 0 : index
    %get3A_19 = vector.load %arg6[%get3A_17, %get3A_18] : memref<1x512xf32, #tpu.memory_space<vmem>>, vector<1x512xf32>
    %add3A_20 = vector.broadcast %get3A_19 : vector<1x512xf32> to vector<2000x512xf32>
    %add3A_21 = arith.addf %add3A, %add3A_20 : vector<2000x512xf32>
    %max3A = arith.constant 0.000000e+00 : f32
    %max3A_22 = vector.broadcast %max3A : f32 to vector<2000x512xf32>
    %max3A_23 = arith.maximumf %add3A_21, %max3A_22 : vector<2000x512xf32>
    %slice3A = vector.extract_strided_slice %max3A_23 {offsets = [0, 0], sizes = [2000, 128], strides = [1, 1]} : vector<2000x512xf32> to vector<2000x128xf32>
    %swap3A = arith.constant 0 : index
    %swap3A_24 = arith.constant 0 : index
    %swap3A_25 = vector.load %arg7[%swap3A, %swap3A_24] : memref<2000x128xf32, #tpu.memory_space<vmem>>, vector<2000x128xf32>
    tpu.vector_store %arg7[%swap3A, %swap3A_24], %slice3A {strides = array<i32>} : memref<2000x128xf32, #tpu.memory_space<vmem>>, vector<2000x128xf32>,
    %slice3A_26 = vector.extract_strided_slice %max3A_23 {offsets = [0, 128], sizes = [2000, 128], strides = [1, 1]} : vector<2000x512xf32> to vector<2000x128xf32>
    %swap3A_27 = arith.constant 0 : index
    %swap3A_28 = arith.constant 0 : index
    %swap3A_29 = vector.load %arg8[%swap3A_27, %swap3A_28] : memref<2000x128xf32, #tpu.memory_space<vmem>>, vector<2000x128xf32>
    tpu.vector_store %arg8[%swap3A_27, %swap3A_28], %slice3A_26 {strides = array<i32>} : memref<2000x128xf32, #tpu.memory_space<vmem>>, vector<2000x128xf32>,
    %slice3A_30 = vector.extract_strided_slice %max3A_23 {offsets = [0, 256], sizes = [2000, 128], strides = [1, 1]} : vector<2000x512xf32> to vector<2000x128xf32>
    %swap3A_31 = arith.constant 0 : index
    %swap3A_32 = arith.constant 0 : index
    %swap3A_33 = vector.load %arg9[%swap3A_31, %swap3A_32] : memref<2000x128xf32, #tpu.memory_space<vmem>>, vector<2000x128xf32>
    tpu.vector_store %arg9[%swap3A_31, %swap3A_32], %slice3A_30 {strides = array<i32>} : memref<2000x128xf32, #tpu.memory_space<vmem>>, vector<2000x128xf32>,
    %slice3A_34 = vector.extract_strided_slice %max3A_23 {offsets = [0, 384], sizes = [2000, 128], strides = [1, 1]} : vector<2000x512xf32> to vector<2000x128xf32>
    %swap3A_35 = arith.constant 0 : index
    %swap3A_36 = arith.constant 0 : index
    %swap3A_37 = vector.load %arg10[%swap3A_35, %swap3A_36] : memref<2000x128xf32, #tpu.memory_space<vmem>>, vector<2000x128xf32>
    tpu.vector_store %arg10[%swap3A_35, %swap3A_36], %slice3A_34 {strides = array<i32>} : memref<2000x128xf32, #tpu.memory_space<vmem>>, vector<2000x128xf32>,
    return
  }
  func.func @transform_0(%arg0: i32) -> (i32, i32) {
    %c0_i32 = arith.constant 0 : i32
    %c0_i32_0 = arith.constant 0 : i32
    return %arg0, %c0_i32 : i32, i32
  }
  func.func @transform_1(%arg0: i32) -> (i32, i32) {
    %c0_i32 = arith.constant 0 : i32
    %c0_i32_0 = arith.constant 0 : i32
    return %arg0, %c0_i32 : i32, i32
  }
  func.func @transform_2(%arg0: i32) -> (i32, i32) {
    %c0_i32 = arith.constant 0 : i32
    %c0_i32_0 = arith.constant 0 : i32
    return %arg0, %c0_i32 : i32, i32
  }
  func.func @transform_3(%arg0: i32) -> (i32, i32) {
    %c0_i32 = arith.constant 0 : i32
    %c0_i32_0 = arith.constant 0 : i32
    %c0_i32_1 = arith.constant 0 : i32
    return %c0_i32, %c0_i32_0 : i32, i32
  }
  func.func @transform_4(%arg0: i32) -> (i32, i32) {
    %c0_i32 = arith.constant 0 : i32
    %c0_i32_0 = arith.constant 0 : i32
    %c0_i32_1 = arith.constant 0 : i32
    return %c0_i32, %c0_i32_0 : i32, i32
  }
  func.func @transform_5(%arg0: i32) -> (i32, i32) {
    %c0_i32 = arith.constant 0 : i32
    %c0_i32_0 = arith.constant 0 : i32
    %c0_i32_1 = arith.constant 0 : i32
    return %c0_i32, %c0_i32_0 : i32, i32
  }
  func.func @transform_6(%arg0: i32) -> (i32, i32) {
    %c0_i32 = arith.constant 0 : i32
    %c0_i32_0 = arith.constant 0 : i32
    return %arg0, %c0_i32 : i32, i32
  }
  func.func @transform_7(%arg0: i32) -> (i32, i32) {
    %c0_i32 = arith.constant 0 : i32
    %c0_i32_0 = arith.constant 0 : i32
    return %arg0, %c0_i32 : i32, i32
  }
  func.func @transform_8(%arg0: i32) -> (i32, i32) {
    %c0_i32 = arith.constant 0 : i32
    %c0_i32_0 = arith.constant 0 : i32
    return %arg0, %c0_i32 : i32, i32
  }
  func.func @transform_9(%arg0: i32) -> (i32, i32) {
    %c0_i32 = arith.constant 0 : i32
    %c0_i32_0 = arith.constant 0 : i32
    return %arg0, %c0_i32 : i32, i32
  }
}

module attributes {stable_mosaic.version = 14 : i64} {
  func.func @body(%arg0: i32, %arg1: memref<2000x128xf32, #tpu.memory_space<vmem>>, %arg2: memref<2000x128xf32, #tpu.memory_space<vmem>>, %arg3: memref<2000x128xf32, #tpu.memory_space<vmem>>, %arg4: memref<2000x128xf32, #tpu.memory_space<vmem>>, %arg5: memref<2000x128xf32, #tpu.memory_space<vmem>>, %arg6: memref<2000x128xf32, #tpu.memory_space<vmem>>, %arg7: memref<2000x128xf32, #tpu.memory_space<vmem>>, %arg8: memref<2000x128xf32, #tpu.memory_space<vmem>>, %arg9: memref<512x512xf32, #tpu.memory_space<vmem>>, %arg10: memref<512x512xf32, #tpu.memory_space<vmem>>, %arg11: memref<512x512xf32, #tpu.memory_space<vmem>>, %arg12: memref<512x512xf32, #tpu.memory_space<vmem>>, %arg13: memref<512x512xf32, #tpu.memory_space<vmem>>, %arg14: memref<512x512xf32, #tpu.memory_space<vmem>>, %arg15: memref<512x512xf32, #tpu.memory_space<vmem>>, %arg16: memref<512x256xf32, #tpu.memory_space<vmem>>, %arg17: memref<1x512xf32, #tpu.memory_space<vmem>>, %arg18: memref<1x512xf32, #tpu.memory_space<vmem>>, %arg19: memref<1x512xf32, #tpu.memory_space<vmem>>, %arg20: memref<1x512xf32, #tpu.memory_space<vmem>>, %arg21: memref<1x256xf32, #tpu.memory_space<vmem>>, %arg22: memref<2000x256xf32, #tpu.memory_space<vmem>>, %arg23: memref<2000x256xf32, #tpu.memory_space<vmem>>, %arg24: memref<512x256xf32, #tpu.memory_space<vmem>>, %arg25: memref<512x256xf32, #tpu.memory_space<vmem>>, %arg26: memref<1x256xf32, #tpu.memory_space<vmem>>) attributes {dimension_semantics = [#tpu.dimension_semantics<arbitrary>], iteration_bounds = array<i64: 5>, scalar_prefetch = 0 : i64, scratch_operands = 3 : i64, tpu.core_type = #tpu.core_type<tc>, window_params = [{transform_indices = @transform_0, window_bounds = array<i64: 2000, 128>}, {transform_indices = @transform_1, window_bounds = array<i64: 2000, 128>}, {transform_indices = @transform_2, window_bounds = array<i64: 2000, 128>}, {transform_indices = @transform_3, window_bounds = array<i64: 2000, 128>}, {transform_indices = @transform_4, window_bounds = array<i64: 2000, 128>}, {transform_indices = @transform_5, window_bounds = array<i64: 2000, 128>}, {transform_indices = @transform_6, window_bounds = array<i64: 2000, 128>}, {transform_indices = @transform_7, window_bounds = array<i64: 2000, 128>}, {pipeline_mode = #tpu.pipeline_mode<synchronous>, transform_indices = @transform_8, window_bounds = array<i64: 512, 512>}, {pipeline_mode = #tpu.pipeline_mode<synchronous>, transform_indices = @transform_9, window_bounds = array<i64: 512, 512>}, {pipeline_mode = #tpu.pipeline_mode<synchronous>, transform_indices = @transform_10, window_bounds = array<i64: 512, 512>}, {pipeline_mode = #tpu.pipeline_mode<synchronous>, transform_indices = @transform_11, window_bounds = array<i64: 512, 512>}, {pipeline_mode = #tpu.pipeline_mode<synchronous>, transform_indices = @transform_12, window_bounds = array<i64: 512, 512>}, {pipeline_mode = #tpu.pipeline_mode<synchronous>, transform_indices = @transform_13, window_bounds = array<i64: 512, 512>}, {pipeline_mode = #tpu.pipeline_mode<synchronous>, transform_indices = @transform_14, window_bounds = array<i64: 512, 512>}, {pipeline_mode = #tpu.pipeline_mode<synchronous>, transform_indices = @transform_15, window_bounds = array<i64: 512, 256>}, {pipeline_mode = #tpu.pipeline_mode<synchronous>, transform_indices = @transform_16, window_bounds = array<i64: 1, 512>}, {pipeline_mode = #tpu.pipeline_mode<synchronous>, transform_indices = @transform_17, window_bounds = array<i64: 1, 512>}, {pipeline_mode = #tpu.pipeline_mode<synchronous>, transform_indices = @transform_18, window_bounds = array<i64: 1, 512>}, {pipeline_mode = #tpu.pipeline_mode<synchronous>, transform_indices = @transform_19, window_bounds = array<i64: 1, 512>}, {pipeline_mode = #tpu.pipeline_mode<synchronous>, transform_indices = @transform_20, window_bounds = array<i64: 1, 256>}, {transform_indices = @transform_21, window_bounds = array<i64: 2000, 256>}, {transform_indices = @transform_22, window_bounds = array<i64: 2000, 256>}]} {
    %eq3A = arith.constant 0 : i32
    %eq3A_0 = arith.cmpi eq, %arg0, %eq3A : i32
    %convert_element_type3A = arith.extui %eq3A_0 : i1 to i32
    %cond3A = arith.constant 0 : i32
    %cond3A_1 = arith.cmpi ne, %convert_element_type3A, %cond3A : i32
    scf.if %cond3A_1 {
      %get3A_78 = arith.constant 0 : index
      %get3A_79 = arith.constant 0 : index
      %get3A_80 = vector.load %arg15[%get3A_78, %get3A_79] : memref<512x512xf32, #tpu.memory_space<vmem>>, vector<512x512xf32>
      %get3A_81 = arith.constant 0 : index
      %get3A_82 = arith.constant 0 : index
      %get3A_83 = vector.load %arg16[%get3A_81, %get3A_82] : memref<512x256xf32, #tpu.memory_space<vmem>>, vector<512x256xf32>
      %dot_general3A_84 = arith.constant dense<0.000000e+00> : vector<512x256xf32>
      %dot_general3A_85 = tpu.matmul %get3A_80, %get3A_83, %dot_general3A_84 {dimension_numbers = #tpu.dot_dimension_numbers<[1], [0], [0], [1], [0, 0, 1, 1], [], []>, transpose_lhs_hint = false} : vector<512x512xf32>, vector<512x256xf32>, vector<512x256xf32> -> vector<512x256xf32>
      %get3A_86 = arith.constant 0 : index
      %get3A_87 = arith.constant 0 : index
      %get3A_88 = vector.load %arg13[%get3A_86, %get3A_87] : memref<512x512xf32, #tpu.memory_space<vmem>>, vector<512x512xf32>
      %dot_general3A_89 = arith.constant dense<0.000000e+00> : vector<512x256xf32>
      %dot_general3A_90 = tpu.matmul %get3A_88, %dot_general3A_85, %dot_general3A_89 {dimension_numbers = #tpu.dot_dimension_numbers<[1], [0], [0], [1], [0, 0, 1, 1], [], []>, transpose_lhs_hint = false} : vector<512x512xf32>, vector<512x256xf32>, vector<512x256xf32> -> vector<512x256xf32>
      %swap3A_91 = arith.constant 0 : index
      %swap3A_92 = arith.constant 0 : index
      %swap3A_93 = vector.load %arg24[%swap3A_91, %swap3A_92] : memref<512x256xf32, #tpu.memory_space<vmem>>, vector<512x256xf32>
      tpu.vector_store %arg24[%swap3A_91, %swap3A_92], %dot_general3A_90 {strides = array<i32>} : memref<512x256xf32, #tpu.memory_space<vmem>>, vector<512x256xf32>,
      %get3A_94 = arith.constant 0 : index
      %get3A_95 = arith.constant 0 : index
      %get3A_96 = vector.load %arg14[%get3A_94, %get3A_95] : memref<512x512xf32, #tpu.memory_space<vmem>>, vector<512x512xf32>
      %dot_general3A_97 = arith.constant dense<0.000000e+00> : vector<512x256xf32>
      %dot_general3A_98 = tpu.matmul %get3A_96, %dot_general3A_85, %dot_general3A_97 {dimension_numbers = #tpu.dot_dimension_numbers<[1], [0], [0], [1], [0, 0, 1, 1], [], []>, transpose_lhs_hint = false} : vector<512x512xf32>, vector<512x256xf32>, vector<512x256xf32> -> vector<512x256xf32>
      %swap3A_99 = arith.constant 0 : index
      %swap3A_100 = arith.constant 0 : index
      %swap3A_101 = vector.load %arg25[%swap3A_99, %swap3A_100] : memref<512x256xf32, #tpu.memory_space<vmem>>, vector<512x256xf32>
      tpu.vector_store %arg25[%swap3A_99, %swap3A_100], %dot_general3A_98 {strides = array<i32>} : memref<512x256xf32, #tpu.memory_space<vmem>>, vector<512x256xf32>,
      %get3A_102 = arith.constant 0 : index
      %get3A_103 = arith.constant 0 : index
      %get3A_104 = vector.load %arg21[%get3A_102, %get3A_103] : memref<1x256xf32, #tpu.memory_space<vmem>>, vector<1x256xf32>
      %get3A_105 = arith.constant 0 : index
      %get3A_106 = arith.constant 0 : index
      %get3A_107 = vector.load %arg20[%get3A_105, %get3A_106] : memref<1x512xf32, #tpu.memory_space<vmem>>, vector<1x512xf32>
      %get3A_108 = arith.constant 0 : index
      %get3A_109 = arith.constant 0 : index
      %get3A_110 = vector.load %arg16[%get3A_108, %get3A_109] : memref<512x256xf32, #tpu.memory_space<vmem>>, vector<512x256xf32>
      %dot_general3A_111 = arith.constant dense<0.000000e+00> : vector<1x256xf32>
      %dot_general3A_112 = tpu.matmul %get3A_107, %get3A_110, %dot_general3A_111 {dimension_numbers = #tpu.dot_dimension_numbers<[1], [0], [0], [1], [0, 0, 1, 1], [], []>, transpose_lhs_hint = false} : vector<1x512xf32>, vector<512x256xf32>, vector<1x256xf32> -> vector<1x256xf32>
      %add3A_113 = arith.addf %get3A_104, %dot_general3A_112 : vector<1x256xf32>
      %get3A_114 = arith.constant 0 : index
      %get3A_115 = arith.constant 0 : index
      %get3A_116 = vector.load %arg19[%get3A_114, %get3A_115] : memref<1x512xf32, #tpu.memory_space<vmem>>, vector<1x512xf32>
      %dot_general3A_117 = arith.constant dense<0.000000e+00> : vector<1x256xf32>
      %dot_general3A_118 = tpu.matmul %get3A_116, %dot_general3A_85, %dot_general3A_117 {dimension_numbers = #tpu.dot_dimension_numbers<[1], [0], [0], [1], [0, 0, 1, 1], [], []>, transpose_lhs_hint = false} : vector<1x512xf32>, vector<512x256xf32>, vector<1x256xf32> -> vector<1x256xf32>
      %add3A_119 = arith.addf %add3A_113, %dot_general3A_118 : vector<1x256xf32>
      %swap3A_120 = arith.constant 0 : index
      %swap3A_121 = arith.constant 0 : index
      %swap3A_122 = vector.load %arg26[%swap3A_120, %swap3A_121] : memref<1x256xf32, #tpu.memory_space<vmem>>, vector<1x256xf32>
      tpu.vector_store %arg26[%swap3A_120, %swap3A_121], %add3A_119 {strides = array<i32>} : memref<1x256xf32, #tpu.memory_space<vmem>>, vector<1x256xf32>,
    } else {
    }
    %get3A = arith.constant 0 : index
    %get3A_2 = arith.constant 0 : index
    %get3A_3 = vector.load %arg1[%get3A, %get3A_2] : memref<2000x128xf32, #tpu.memory_space<vmem>>, vector<2000x128xf32>
    %get3A_4 = arith.constant 0 : index
    %get3A_5 = arith.constant 0 : index
    %get3A_6 = vector.load %arg2[%get3A_4, %get3A_5] : memref<2000x128xf32, #tpu.memory_space<vmem>>, vector<2000x128xf32>
    %get3A_7 = arith.constant 0 : index
    %get3A_8 = arith.constant 0 : index
    %get3A_9 = vector.load %arg3[%get3A_7, %get3A_8] : memref<2000x128xf32, #tpu.memory_space<vmem>>, vector<2000x128xf32>
    %get3A_10 = arith.constant 0 : index
    %get3A_11 = arith.constant 0 : index
    %get3A_12 = vector.load %arg4[%get3A_10, %get3A_11] : memref<2000x128xf32, #tpu.memory_space<vmem>>, vector<2000x128xf32>
    %concatenate3A = tpu.concatenate %get3A_3, %get3A_6, %get3A_9, %get3A_12 in 1 : vector<2000x128xf32>, vector<2000x128xf32>, vector<2000x128xf32>, vector<2000x128xf32> -> vector<2000x512xf32>
    %get3A_13 = arith.constant 0 : index
    %get3A_14 = arith.constant 0 : index
    %get3A_15 = vector.load %arg5[%get3A_13, %get3A_14] : memref<2000x128xf32, #tpu.memory_space<vmem>>, vector<2000x128xf32>
    %get3A_16 = arith.constant 0 : index
    %get3A_17 = arith.constant 0 : index
    %get3A_18 = vector.load %arg6[%get3A_16, %get3A_17] : memref<2000x128xf32, #tpu.memory_space<vmem>>, vector<2000x128xf32>
    %get3A_19 = arith.constant 0 : index
    %get3A_20 = arith.constant 0 : index
    %get3A_21 = vector.load %arg7[%get3A_19, %get3A_20] : memref<2000x128xf32, #tpu.memory_space<vmem>>, vector<2000x128xf32>
    %get3A_22 = arith.constant 0 : index
    %get3A_23 = arith.constant 0 : index
    %get3A_24 = vector.load %arg8[%get3A_22, %get3A_23] : memref<2000x128xf32, #tpu.memory_space<vmem>>, vector<2000x128xf32>
    %concatenate3A_25 = tpu.concatenate %get3A_15, %get3A_18, %get3A_21, %get3A_24 in 1 : vector<2000x128xf32>, vector<2000x128xf32>, vector<2000x128xf32>, vector<2000x128xf32> -> vector<2000x512xf32>
    %get3A_26 = arith.constant 0 : index
    %get3A_27 = arith.constant 0 : index
    %get3A_28 = vector.load %arg9[%get3A_26, %get3A_27] : memref<512x512xf32, #tpu.memory_space<vmem>>, vector<512x512xf32>
    %dot_general3A = arith.constant dense<0.000000e+00> : vector<2000x512xf32>
    %dot_general3A_29 = tpu.matmul %concatenate3A, %get3A_28, %dot_general3A {dimension_numbers = #tpu.dot_dimension_numbers<[1], [0], [0], [1], [0, 0, 1, 1], [], []>, transpose_lhs_hint = false} : vector<2000x512xf32>, vector<512x512xf32>, vector<2000x512xf32> -> vector<2000x512xf32>
    %get3A_30 = arith.constant 0 : index
    %get3A_31 = arith.constant 0 : index
    %get3A_32 = vector.load %arg10[%get3A_30, %get3A_31] : memref<512x512xf32, #tpu.memory_space<vmem>>, vector<512x512xf32>
    %dot_general3A_33 = arith.constant dense<0.000000e+00> : vector<2000x512xf32>
    %dot_general3A_34 = tpu.matmul %concatenate3A_25, %get3A_32, %dot_general3A_33 {dimension_numbers = #tpu.dot_dimension_numbers<[1], [0], [0], [1], [0, 0, 1, 1], [], []>, transpose_lhs_hint = false} : vector<2000x512xf32>, vector<512x512xf32>, vector<2000x512xf32> -> vector<2000x512xf32>
    %add3A = arith.addf %dot_general3A_29, %dot_general3A_34 : vector<2000x512xf32>
    %get3A_35 = arith.constant 0 : index
    %get3A_36 = arith.constant 0 : index
    %get3A_37 = vector.load %arg17[%get3A_35, %get3A_36] : memref<1x512xf32, #tpu.memory_space<vmem>>, vector<1x512xf32>
    %add3A_38 = vector.broadcast %get3A_37 : vector<1x512xf32> to vector<2000x512xf32>
    %add3A_39 = arith.addf %add3A, %add3A_38 : vector<2000x512xf32>
    %max3A = arith.constant 0.000000e+00 : f32
    %max3A_40 = vector.broadcast %max3A : f32 to vector<2000x512xf32>
    %max3A_41 = arith.maximumf %add3A_39, %max3A_40 : vector<2000x512xf32>
    %get3A_42 = arith.constant 0 : index
    %get3A_43 = arith.constant 0 : index
    %get3A_44 = vector.load %arg11[%get3A_42, %get3A_43] : memref<512x512xf32, #tpu.memory_space<vmem>>, vector<512x512xf32>
    %dot_general3A_45 = arith.constant dense<0.000000e+00> : vector<2000x512xf32>
    %dot_general3A_46 = tpu.matmul %concatenate3A_25, %get3A_44, %dot_general3A_45 {dimension_numbers = #tpu.dot_dimension_numbers<[1], [0], [0], [1], [0, 0, 1, 1], [], []>, transpose_lhs_hint = false} : vector<2000x512xf32>, vector<512x512xf32>, vector<2000x512xf32> -> vector<2000x512xf32>
    %get3A_47 = arith.constant 0 : index
    %get3A_48 = arith.constant 0 : index
    %get3A_49 = vector.load %arg12[%get3A_47, %get3A_48] : memref<512x512xf32, #tpu.memory_space<vmem>>, vector<512x512xf32>
    %dot_general3A_50 = arith.constant dense<0.000000e+00> : vector<2000x512xf32>
    %dot_general3A_51 = tpu.matmul %max3A_41, %get3A_49, %dot_general3A_50 {dimension_numbers = #tpu.dot_dimension_numbers<[1], [0], [0], [1], [0, 0, 1, 1], [], []>, transpose_lhs_hint = false} : vector<2000x512xf32>, vector<512x512xf32>, vector<2000x512xf32> -> vector<2000x512xf32>
    %add3A_52 = arith.addf %dot_general3A_46, %dot_general3A_51 : vector<2000x512xf32>
    %get3A_53 = arith.constant 0 : index
    %get3A_54 = arith.constant 0 : index
    %get3A_55 = vector.load %arg18[%get3A_53, %get3A_54] : memref<1x512xf32, #tpu.memory_space<vmem>>, vector<1x512xf32>
    %add3A_56 = vector.broadcast %get3A_55 : vector<1x512xf32> to vector<2000x512xf32>
    %add3A_57 = arith.addf %add3A_52, %add3A_56 : vector<2000x512xf32>
    %get3A_58 = arith.constant 0 : index
    %get3A_59 = arith.constant 0 : index
    %get3A_60 = vector.load %arg24[%get3A_58, %get3A_59] : memref<512x256xf32, #tpu.memory_space<vmem>>, vector<512x256xf32>
    %dot_general3A_61 = arith.constant dense<0.000000e+00> : vector<2000x256xf32>
    %dot_general3A_62 = tpu.matmul %add3A_57, %get3A_60, %dot_general3A_61 {dimension_numbers = #tpu.dot_dimension_numbers<[1], [0], [0], [1], [0, 0, 1, 1], [], []>, transpose_lhs_hint = false} : vector<2000x512xf32>, vector<512x256xf32>, vector<2000x256xf32> -> vector<2000x256xf32>
    %get3A_63 = arith.constant 0 : index
    %get3A_64 = arith.constant 0 : index
    %get3A_65 = vector.load %arg26[%get3A_63, %get3A_64] : memref<1x256xf32, #tpu.memory_space<vmem>>, vector<1x256xf32>
    %add3A_66 = vector.broadcast %get3A_65 : vector<1x256xf32> to vector<2000x256xf32>
    %add3A_67 = arith.addf %dot_general3A_62, %add3A_66 : vector<2000x256xf32>
    %swap3A = arith.constant 0 : index
    %swap3A_68 = arith.constant 0 : index
    %swap3A_69 = vector.load %arg22[%swap3A, %swap3A_68] : memref<2000x256xf32, #tpu.memory_space<vmem>>, vector<2000x256xf32>
    tpu.vector_store %arg22[%swap3A, %swap3A_68], %add3A_67 {strides = array<i32>} : memref<2000x256xf32, #tpu.memory_space<vmem>>, vector<2000x256xf32>,
    %get3A_70 = arith.constant 0 : index
    %get3A_71 = arith.constant 0 : index
    %get3A_72 = vector.load %arg25[%get3A_70, %get3A_71] : memref<512x256xf32, #tpu.memory_space<vmem>>, vector<512x256xf32>
    %dot_general3A_73 = arith.constant dense<0.000000e+00> : vector<2000x256xf32>
    %dot_general3A_74 = tpu.matmul %add3A_57, %get3A_72, %dot_general3A_73 {dimension_numbers = #tpu.dot_dimension_numbers<[1], [0], [0], [1], [0, 0, 1, 1], [], []>, transpose_lhs_hint = false} : vector<2000x512xf32>, vector<512x256xf32>, vector<2000x256xf32> -> vector<2000x256xf32>
    %swap3A_75 = arith.constant 0 : index
    %swap3A_76 = arith.constant 0 : index
    %swap3A_77 = vector.load %arg23[%swap3A_75, %swap3A_76] : memref<2000x256xf32, #tpu.memory_space<vmem>>, vector<2000x256xf32>
    tpu.vector_store %arg23[%swap3A_75, %swap3A_76], %dot_general3A_74 {strides = array<i32>} : memref<2000x256xf32, #tpu.memory_space<vmem>>, vector<2000x256xf32>,
    return
  }
  func.func @transform_0(%arg0: i32) -> (i32, i32) {
    %c0_i32 = arith.constant 0 : i32
    %c0_i32_0 = arith.constant 0 : i32
    return %arg0, %c0_i32 : i32, i32
  }
  func.func @transform_1(%arg0: i32) -> (i32, i32) {
    %c0_i32 = arith.constant 0 : i32
    %c0_i32_0 = arith.constant 0 : i32
    return %arg0, %c0_i32 : i32, i32
  }
  func.func @transform_2(%arg0: i32) -> (i32, i32) {
    %c0_i32 = arith.constant 0 : i32
    %c0_i32_0 = arith.constant 0 : i32
    return %arg0, %c0_i32 : i32, i32
  }
  func.func @transform_3(%arg0: i32) -> (i32, i32) {
    %c0_i32 = arith.constant 0 : i32
    %c0_i32_0 = arith.constant 0 : i32
    return %arg0, %c0_i32 : i32, i32
  }
  func.func @transform_4(%arg0: i32) -> (i32, i32) {
    %c0_i32 = arith.constant 0 : i32
    %c0_i32_0 = arith.constant 0 : i32
    return %arg0, %c0_i32 : i32, i32
  }
  func.func @transform_5(%arg0: i32) -> (i32, i32) {
    %c0_i32 = arith.constant 0 : i32
    %c0_i32_0 = arith.constant 0 : i32
    return %arg0, %c0_i32 : i32, i32
  }
  func.func @transform_6(%arg0: i32) -> (i32, i32) {
    %c0_i32 = arith.constant 0 : i32
    %c0_i32_0 = arith.constant 0 : i32
    return %arg0, %c0_i32 : i32, i32
  }
  func.func @transform_7(%arg0: i32) -> (i32, i32) {
    %c0_i32 = arith.constant 0 : i32
    %c0_i32_0 = arith.constant 0 : i32
    return %arg0, %c0_i32 : i32, i32
  }
  func.func @transform_8(%arg0: i32) -> (i32, i32) {
    %c0_i32 = arith.constant 0 : i32
    %c0_i32_0 = arith.constant 0 : i32
    %c0_i32_1 = arith.constant 0 : i32
    return %c0_i32, %c0_i32_0 : i32, i32
  }
  func.func @transform_9(%arg0: i32) -> (i32, i32) {
    %c0_i32 = arith.constant 0 : i32
    %c0_i32_0 = arith.constant 0 : i32
    %c0_i32_1 = arith.constant 0 : i32
    return %c0_i32, %c0_i32_0 : i32, i32
  }
  func.func @transform_10(%arg0: i32) -> (i32, i32) {
    %c0_i32 = arith.constant 0 : i32
    %c0_i32_0 = arith.constant 0 : i32
    %c0_i32_1 = arith.constant 0 : i32
    return %c0_i32, %c0_i32_0 : i32, i32
  }
  func.func @transform_11(%arg0: i32) -> (i32, i32) {
    %c0_i32 = arith.constant 0 : i32
    %c0_i32_0 = arith.constant 0 : i32
    %c0_i32_1 = arith.constant 0 : i32
    return %c0_i32, %c0_i32_0 : i32, i32
  }
  func.func @transform_12(%arg0: i32) -> (i32, i32) {
    %c0_i32 = arith.constant 0 : i32
    %c0_i32_0 = arith.constant 0 : i32
    %c0_i32_1 = arith.constant 0 : i32
    return %c0_i32, %c0_i32_0 : i32, i32
  }
  func.func @transform_13(%arg0: i32) -> (i32, i32) {
    %c0_i32 = arith.constant 0 : i32
    %c0_i32_0 = arith.constant 0 : i32
    %c0_i32_1 = arith.constant 0 : i32
    return %c0_i32, %c0_i32_0 : i32, i32
  }
  func.func @transform_14(%arg0: i32) -> (i32, i32) {
    %c0_i32 = arith.constant 0 : i32
    %c0_i32_0 = arith.constant 0 : i32
    %c0_i32_1 = arith.constant 0 : i32
    return %c0_i32, %c0_i32_0 : i32, i32
  }
  func.func @transform_15(%arg0: i32) -> (i32, i32) {
    %c0_i32 = arith.constant 0 : i32
    %c0_i32_0 = arith.constant 0 : i32
    %c0_i32_1 = arith.constant 0 : i32
    return %c0_i32, %c0_i32_0 : i32, i32
  }
  func.func @transform_16(%arg0: i32) -> (i32, i32) {
    %c0_i32 = arith.constant 0 : i32
    %c0_i32_0 = arith.constant 0 : i32
    %c0_i32_1 = arith.constant 0 : i32
    return %c0_i32, %c0_i32_0 : i32, i32
  }
  func.func @transform_17(%arg0: i32) -> (i32, i32) {
    %c0_i32 = arith.constant 0 : i32
    %c0_i32_0 = arith.constant 0 : i32
    %c0_i32_1 = arith.constant 0 : i32
    return %c0_i32, %c0_i32_0 : i32, i32
  }
  func.func @transform_18(%arg0: i32) -> (i32, i32) {
    %c0_i32 = arith.constant 0 : i32
    %c0_i32_0 = arith.constant 0 : i32
    %c0_i32_1 = arith.constant 0 : i32
    return %c0_i32, %c0_i32_0 : i32, i32
  }
  func.func @transform_19(%arg0: i32) -> (i32, i32) {
    %c0_i32 = arith.constant 0 : i32
    %c0_i32_0 = arith.constant 0 : i32
    %c0_i32_1 = arith.constant 0 : i32
    return %c0_i32, %c0_i32_0 : i32, i32
  }
  func.func @transform_20(%arg0: i32) -> (i32, i32) {
    %c0_i32 = arith.constant 0 : i32
    %c0_i32_0 = arith.constant 0 : i32
    %c0_i32_1 = arith.constant 0 : i32
    return %c0_i32, %c0_i32_0 : i32, i32
  }
  func.func @transform_21(%arg0: i32) -> (i32, i32) {
    %c0_i32 = arith.constant 0 : i32
    %c0_i32_0 = arith.constant 0 : i32
    return %arg0, %c0_i32 : i32, i32
  }
  func.func @transform_22(%arg0: i32) -> (i32, i32) {
    %c0_i32 = arith.constant 0 : i32
    %c0_i32_0 = arith.constant 0 : i32
    return %arg0, %c0_i32 : i32, i32
  }
}

</mosaic_0001>

<sc_bundles>
// kernel: kernel.10.cloned.1.call-start
scs
__scs_entry_jumppad:
0x0: {  	(pc) =	sbr.rel $0x88, $3  }
0x1: {  	(tag) =	ssettag $0x0;
	lr =	simm.s32 $0x1  }
0x2: {  	[smem:$0x3F90] =	sst lr;
	_ =	strace $0xD0000000  }
0x3: {  	_ = 	snop  }
0x4: {  	_ = 	snop  }
0x5: {  	_ = 	snop  }
0x6: {  	_ = 	snop  }
0x7: {  	_ = 	snop  }
__scs_overlays_trampoline_lowered:
0x8: {  	[smem:$0x3F9F] =	sst s0  }
0x9: {  	[smem:$0x3FA0] =	sst s1  }
0xa: {  	[smem:$0x3FA1] =	sst s2  }
0xb: {  	[smem:$0x3FA2] =	sst s3  }
0xc: {  	[smem:$0x3FA3] =	sst s4  }
0xd: {  	[smem:$0x3FA4] =	sst s5  }
0xe: {  	[smem:$0x3FA5] =	sst s6  }
0xf: {  	[smem:$0x3FA6] =	sst s7  }
0x10: {  	[smem:$0x3FA7] =	sst s8  }
0x11: {  	[smem:$0x3FA8] =	sst s9;
	s0 =	simm.s32 @!p0 $0x0  }
0x12: {  	s1 =	sld [smem:$0x3F8E];
	s0 =	simm.s32 @p0 $0x1  }
0x13: {  	[smem:$0x3FA9] =	sst s0;
	s0 =	simm.s32 @!p1 $0x0  }
0x14: {  	s2 =	sld [smem:$0x3F8D];
	s0 =	simm.s32 @p1 $0x1  }
0x15: {  	[smem:$0x3FAA] =	sst s0;
	s0 =	simm.s32 @!p2 $0x0  }
0x16: {  	s3 =	sld [smem:$0x3FDB];
	s0 =	simm.s32 @p2 $0x1  }
0x17: {  	s4 =	simm.s32 $0x1BF5;
	[smem:$0x3FAC] =	sst s0  }
0x18: {  	s0 =	sld [smem:$0x3F8F];
	_ =	swait.ge [sflag:s4], $0x0  }
0x19: {  	s7 =	sld [smem:$0x3F90]  }
0x1a: {  	s8 =	sadd.s32 $0xFFFFE003, lr  }
0x1b: {  	s9 =	sadd.s32 $0xFFFFFEF7, lr;
	s5 =	simm.s32 $0xFFFFFFFF;
	p2 =	slt.u32 s8, $0xFFFFF086  }
0x1c: {  	p1 =	slt.u32 s9, $0xF7A;
	s5 =	simm.s32 @!p2 $0x0  }
0x1d: {  	s5 =	simm.s32 @p1 $0x1;
	p0 =	seq.s32 s7, s2  }
0x1e: {  	s7 =	smul.u32 @!p0 $0xF7A, s2;
	p2 =	seq.s32 @!p0 s5, $0x0  }
0x1f: {  	s9 =	smul.u32 $0xF7A, s1;
	s8 =	simm.s32 @!p0 $0x1BF5;
	p2 =	por !p2, p0  }
0x20: {  	[sflag:s8] =	ssyncset.s32 @!p0 $0xFFFFF086;
	s6 =	sadd.s32 @!p0 s3, s7;
	s7 =	simm.s32 @!p0 $0x108  }
0x21: {  	s3 =	sadd.s32 s3, s9;
	s6 =	sadd.s32 @!p0 $0x88, s6;
	s7 =	simm.s32 @p2 $0x1082  }
0x22: {  	[simem:s7], [sflag:s8] =	dma.local @!p0 [hbm:s6], $0xF7A  }
0x23: {  	s9 =	sor.u32 $0xD0000000, s2;
	s6 =	simm.s32 $0x108;
	_ =	swait.ge @!p0 [sflag:s8], $0x0  }
0x24: {  	s3 =	sadd.s32 $0x88, s3;
	s6 =	simm.s32 @!p1 $0x1082;
	[sflag:s4] =	ssyncset.s32 $0xFFFFF086  }
0x25: {  	[simem:s6], [sflag:s4] =	dma.local [hbm:s3], $0xF7A  }
0x26: {  	[smem:$0x3F90] =	sst s1;
	(tag) =	ssettag s2;
	_ =	strace s9  }
0x27: {  	s1 =	sld [smem:$0x3FA0]  }
0x28: {  	s2 =	sld [smem:$0x3FA1]  }
0x29: {  	s4 =	sld [smem:$0x3FA3]  }
0x2a: {  	p0 =	seq.s32 s5, $0x0;
	s5 =	sld [smem:$0x3FA4]  }
0x2b: {  	s6 =	sld [smem:$0x3FA5]  }
0x2c: {  	s7 =	sld [smem:$0x3FA6]  }
0x2d: {  	s3 =	simm.s32 $0x108;
	s8 =	sld [smem:$0x3FA7]  }
0x2e: {  	s3 =	simm.s32 @!p0 $0x1082;
	s9 =	sld [smem:$0x3FA8]  }
0x2f: {  	lr =	sadd.s32 s0, s3;
	s0 =	sld [smem:$0x3F9F]  }
0x30: {  	s3 =	sld [smem:$0x3FA2]  }
0x31: {  	[smem:$0x3FAB] =	sst s10  }
0x32: {  	s10 =	sld [smem:$0x3FA9];
	_ =	sdelay $0x3  }
0x33: {  	p0 =	seq.s32 s10, $0x1;
	s10 =	sld [smem:$0x3FAB];
	_ =	sdelay $0x3  }
0x34: {  	[smem:$0x3FAB] =	sst s10  }
0x35: {  	s10 =	sld [smem:$0x3FAA];
	_ =	sdelay $0x3  }
0x36: {  	p1 =	seq.s32 s10, $0x1;
	s10 =	sld [smem:$0x3FAB];
	_ =	sdelay $0x3  }
0x37: {  	[smem:$0x3FAB] =	sst s10  }
0x38: {  	s10 =	sld [smem:$0x3FAC]  }
0x39: {  	_ = 	snop;
	(pc) =	sbr.ind lr, $3  }
0x3a: {  	_ = 	snop  }
0x3b: {  	_ = 	snop  }
0x3c: {  	p2 =	seq.s32 s10, $0x1;
	s10 =	sld [smem:$0x3FAB]  }
0x3d: {  	_ =	shalt  }
0x3e: {  	_ =	shalt  }
0x3f: {  	_ =	shalt  }
0x40: {  	_ =	shalt  }
0x41: {  	_ =	shalt  }
0x42: {  	_ =	shalt  }
0x43: {  	_ =	shalt  }
0x44: {  	_ =	shalt  }
0x45: {  	_ =	shalt  }
0x46: {  	_ =	shalt  }
0x47: {  	_ =	shalt  }
0x48: {  	_ =	shalt  }
0x49: {  	_ =	shalt  }
0x4a: {  	_ =	shalt  }
0x4b: {  	_ =	shalt  }
0x4c: {  	_ =	shalt  }
0x4d: {  	_ =	shalt  }
0x4e: {  	_ =	shalt  }
0x4f: {  	_ =	shalt  }
0x50: {  	_ =	shalt  }
0x51: {  	_ =	shalt  }
0x52: {  	_ =	shalt  }
0x53: {  	_ =	shalt  }
0x54: {  	_ =	shalt  }
0x55: {  	_ =	shalt  }
0x56: {  	_ =	shalt  }
0x57: {  	_ =	shalt  }
0x58: {  	_ =	shalt  }
0x59: {  	_ =	shalt  }
0x5a: {  	_ =	shalt  }
0x5b: {  	_ =	shalt  }
0x5c: {  	_ =	shalt  }
0x5d: {  	_ =	shalt  }
0x5e: {  	_ =	shalt  }
0x5f: {  	_ =	shalt  }
0x60: {  	_ =	shalt  }
0x61: {  	_ =	shalt  }
0x62: {  	_ =	shalt  }
0x63: {  	_ =	shalt  }
0x64: {  	_ =	shalt  }
0x65: {  	_ =	shalt  }
0x66: {  	_ =	shalt  }
0x67: {  	_ =	shalt  }
0x68: {  	_ =	shalt  }
0x69: {  	_ =	shalt  }
0x6a: {  	_ =	shalt  }
0x6b: {  	_ =	shalt  }
0x6c: {  	_ =	shalt  }
0x6d: {  	_ =	shalt  }
0x6e: {  	_ =	shalt  }
0x6f: {  	_ =	shalt  }
0x70: {  	_ =	shalt  }
0x71: {  	_ =	shalt  }
0x72: {  	_ =	shalt  }
0x73: {  	_ =	shalt  }
0x74: {  	_ =	shalt  }
0x75: {  	_ =	shalt  }
0x76: {  	_ =	shalt  }
0x77: {  	_ =	shalt  }
0x78: {  	_ =	shalt  }
0x79: {  	_ =	shalt  }
0x7a: {  	_ =	shalt  }
0x7b: {  	_ =	shalt  }
0x7c: {  	_ =	shalt  }
0x7d: {  	_ =	shalt  }
0x7e: {  	_ =	shalt  }
0x7f: {  	_ =	shalt  }
0x80: {  	_ =	shalt  }
0x81: {  	_ =	shalt  }
0x82: {  	_ =	shalt  }
0x83: {  	_ =	shalt  }
0x84: {  	_ =	shalt  }
0x85: {  	_ =	shalt  }
0x86: {  	_ =	shalt  }
0x87: {  	_ =	shalt  }
.Lfunc_end0:
.L_simem_size_0:
called_computation.1_lowered:
.L_overlay_start_0:
0x88: {  	s2 =	sld [smem:$0x3FD9]  }
0x89: {  	s3 =	sld [smem:$0x3FFE];
	_ =	sdelay $0x1  }
0x8a: {  	s1 =	srdreg.scid  }
0x8b: {  	s0 =	sand.u32 $0x1, s1  }
0x8c: {  	s17 =	sshll.u32 s0, $0xA;
	s2 =	sadd.s32 s3, s2  }
0x8d: {  	s2 =	sadd.s32 s2, s17  }
0x8e: {  	[smem:$0x3FB7] =	sst s2  }
0x8f: {  	_ = 	snop  }
0x90: {  	s2 =	sld [smem:$0x3FD0];
	(tm) =	ssettm $0x1  }
0x91: {  	s18 =	sld [smem:$0x3FFB];
	_ =	sdelay $0x3  }
0x92: {  	_ =	strace s18  }
0x93: {  	s3 =	sld [smem:$0x3FFC];
	_ =	sdelay $0x3  }
0x94: {  	_ =	strace s3  }
0x95: {  	s3 =	sld [smem:$0x3FFD];
	_ =	sdelay $0x3  }
0x96: {  	_ =	strace s3  }
0x97: {  	_ =	strace $0x8FFFFFFF  }
0x98: {  	s19 =	sld [smem:$0x3FDB];
	_ =	sdelay $0x1  }
0x99: {  	s4 =	simm.s32 $_scs_section_size  }
0x9a: {  	s5 =	simm.s32 $_size__tile_overlayer_lowered;
	s6 =	simm.s32 $_tile_overlayer_lowered  }
0x9b: {  	s22 =	simm.s32 $0x1BFF;
	s21 =	sshll.u32 s6, $0x1;
	s3 =	sadd.s32 s4, s19  }
0x9c: {  	s7 =	simm.s32 $0x0;
	s20 =	sshll.u32 s5, $0x1;
	s5 =	sadd.s32 s21, s3  }
0x9d: {  	[timem:s7], [sflag:s22] =	dma.local [hbm:s5], s20  }
0x9e: {  	_ =	swait.ge [sflag:s22], s20  }
0x9f: {  	s4 =	ssub.s32 $0x0, s20;
	[sflag:s22] =	ssyncset.done $0x0  }
0xa0: {  	[sflag:s22] =	ssyncadd.s32 s4;
	_ =	sdelay $0x1  }
0xa1: {  	s23 =	simm.s32 $0x1B8B  }
0xa2: {  	_ =	swait.ge [sflag:s23], $0x1  }
0xa3: {  	[sflag:s23] =	ssyncset.done $0x0  }
0xa4: {  	s25 =	simm.s32 $0x1B8E;
	s24 =	sld [smem:$0x3FFE];
	[sflag:s23] =	ssyncadd.s32 $0xFFFFFFFF  }
0xa5: {  	s26 =	simm.s32 $execute0_lowered;
	[smem:$0x3FD2] =	sst s25  }
0xa6: {  	s5 =	sshll.u32 s26, $0x1;
	_ =	strace $0x80000049;
	[dreg:$0x1] =	wrdreg $0xFFFFFFFF  }
0xa7: {  	s28 =	simm.s32 $_size_execute0_lowered;
	s3 =	sadd.s32 s3, s5;
	[dreg:$0x0] =	wrdreg $0x0  }
0xa8: {  	s5 =	sshll.u32 s28, $0x1;
	[dreg:$0x2] =	wrdreg s3  }
0xa9: {  	[dreg:$0x3] =	wrdreg s5  }
0xaa: {  	[dreg:$0x4] =	wrdreg $0xC0  }
0xab: {  	_ =	task [dreg:s7], $0x5FFFF  }
0xac: {  	[dreg:$0x1] =	wrdreg $0xFFFFFFFF  }
0xad: {  	[dreg:$0x0] =	wrdreg $0x60  }
0xae: {  	[dreg:$0x2] =	wrdreg s2  }
0xaf: {  	[dreg:$0x3] =	wrdreg s24  }
0xb0: {  	[dreg:$0x4] =	wrdreg $0x0  }
0xb1: {  	[dreg:$0x5] =	wrdreg $0x9  }
0xb2: {  	_ =	task.clear_ibuf [dreg:s7], $0x6FFFF;
	_ =	strace $0x90000049  }
0xb3: {  	s29 =	simm.s32 $0x9;
	_ =	strace $0x8000004B  }
0xb4: {  	_ =	swait.ge [sflag:s29], $0x1  }
0xb5: {  	[sflag:s29] =	ssyncadd.s32 $0xFFFFFFFF  }
0xb6: {  	_ =	strace $0x9000004B  }
0xb7: {  	_ =	sfence  }
0xb8: {  	s30 =	sld [smem:$0x0];
	_ =	sdelay $0x2  }
0xb9: {  	s31 =	sshll.u32 s1, $0xD;
	s1 =	sshrl.u32 s1, $0x2  }
0xba: {  	s3 =	sand.u32 $0x4000, s31;
	s1 =	sadd.s32 s1, s30  }
0xbb: {  	s0 =	sor.u32 s3, s0;
	s1 =	sshll.u32 s1, $0x11  }
0xbc: {  	s0 =	sor.u32 s1, s0  }
0xbd: {  	s0 =	sadd.s32 $0x8F2B, s0  }
0xbe: {  	[sflag:s0] =	ssyncadd.remote.s32 $0x1  }
0xbf: {  	_ =	sfence.sel $0xFFFF  }
0xc0: {  	[dreg:$0x0] =	wrdreg $0xFFFFFFFF;
	(pc) =	sbr.abs _section_cstart, $3  }
0xc1: {  	[dreg:$0x1] =	wrdreg $0xFFFFFFFF  }
0xc2: {  	_ =	task.clear_ibuf [dreg:s7], $0x2FFFF;
	_ =	strace $0x9FFFFFFF  }
0xc3: {  	(tm) =	ssettm $0x7FFFFFFF  }
tec
execute0_lowered:
.L_overlay_start_1:
0x0: {  	(tag) =	ssettag $0x1  }
0x1: {  	s1 =	rddreg [dreg:$0x0]  }
0x2: {  	s0 =	rddreg [dreg:$0x1]  }
0x3: {  	s2 =	rddreg [dreg:$0x2];
	s3 =	simm.s32 $0x0;
	s20 =	stileid.u32  }
0x4: {  	s9 =	srdreg.scid;
	s29 =	simm.s32 $0x13880;
	s30 =	simm.s32 $0x3  }
0x5: {  	s31 =	simm.s32 $0x50;
	[smem:$0x7FF] =	sst s3;
	s4 =	smul.u32 $0x4E2, s20  }
0x6: {  	s5 =	sadd.s32 $0x10600, s0;
	s6 =	sadd.s32 $0x37800, s0;
	s7 =	sadd.s32 $0x5EA00, s0  }
0x7: {  	s8 =	sshll.u32 s20, $0xB;
	s10 =	smul.u32 $0x2700, s20;
	s9 =	sand.u32 $0x1, s9  }
0x8: {  	s21 =	sadd.s32 $0xACE00, s0;
	s12 =	smul.u32 $0x4E000, s20;
	s22 =	sadd.s32 $0xFB200, s0  }
0x9: {  	p1 =	sne.s32 s20, $0x0;
	p2 =	seq.s32 s20, $0x0;
	s28 =	sadd.s32 $0x138000, s2  }
0xa: {  	s20 =	simm.s32 $0x1C800;
	_ =	strace $0x8000004A;
	s8 =	sadd.s32 s8, s0  }
0xb: {  	s11 =	ssub.s32 $0x2, s9;
	p0 =	seq.s32 s9, $0x1;
	[dreg:$0x4] =	wrdreg s21  }
0xc: {  	s9 =	sadd.s32 $0xACC00, s0;
	[dreg:$0x5] =	wrdreg s22;
	s4 =	sadd.s32 s4, s0  }
0xd: {  	s19 =	sadd.s32 s10, s0;
	s13 =	sshrl.u32 s11, $0x1;
	s26 =	sshrl.u32 s12, $0x2  }
0xe: {  	s8 =	sadd.s32 $0x8600, s8;
	[dreg:$0x9] =	wrdreg s9;
	s23 =	sadd.s32 s21, s10  }
0xf: {  	s0 =	sadd.s32 $0xFB000, s0;
	s25 =	sadd.s32 s22, s10;
	s21 =	simm.s32 $0x1  }
0x10: {  	s22 =	simm.s32 $0x2;
	s9 =	simm.s32 $0x0;
	[dreg:$0x7] =	wrdreg s8  }
0x11: {  	s11 =	ssub.s32 s11, s13;
	s4 =	sadd.s32 $0x3600, s4;
	[dreg:$0xa] =	wrdreg s23  }
0x12: {  	s12 =	sadd.s32 s26, s2;
	s8 =	sadd.s32 $0x85C00, s19;
	[dreg:$0xc] =	wrdreg s0  }
0x13: {  	s24 =	sadd.s32 $0xD4000, s19;
	[dreg:$0xd] =	wrdreg s25;
	s0 =	simm.s32 $0x1A000  }
.Ltmp0:
0x14: {  	[dreg:$0x6] =	wrdreg s4;
	s13 =	sadd.s32 $0x2800, s12;
	(pc) =	sbr.rel .LBB2_1-.Ltmp0, $4  }
0x15: {  	s14 =	sadd.s32 $0x5000, s12;
	s15 =	sadd.s32 $0x7800, s12;
	s16 =	sadd.s32 $0xA000, s12  }
0x16: {  	s17 =	sadd.s32 $0xC800, s12;
	s18 =	sadd.s32 $0xF000, s12;
	[dreg:$0x8] =	wrdreg s8  }
0x17: {  	[dreg:$0xb] =	wrdreg s24;
	s26 =	smax.u32 s11, $0x1;
	s24 =	simm.s32 $0x19D80  }
0x18: {  	v0 =	vimm.f32 $0.0e+00;
	s8 =	simm.s32 $0x19E00;
	[dreg:$0xe] =	wrdreg s26;
	s26 =	sadd.s32 $0x11800, s12  }
.LBB2_18:
0x19: {  	s10 =	sadd.s32 $0x27000, s10;
	s11 =	sshrl.u32 s28, $0x3  }
0x1a: {  	[hbm:s10], [sflag:s4] =	dma.local [spmem:s11], $0x100  }
0x1b: {  	_ =	swait.ge [sflag:s30], $0x100  }
0x1c: {  	[sflag:s30] =	ssyncset.done $0x0  }
0x1d: {  	[sflag:s30] =	ssyncadd.s32 $0xFFFFFF00  }
.LBB2_19:
0x1e: {  	s9 =	sadd.s32 $0x1, s9;
	s4 =	rddreg [dreg:$0xe]  }
0x1f: {  	p3 =	sne.s32 s9, s4  }
.Ltmp1:
0x20: {  	_ = 	snop;
	(pc) =	sbr.rel @!p3 .LBB2_20-.Ltmp1, $1  }
0x21: {  	_ =	sdelay $0x3  }
.LBB2_1:
0x22: {  	s4 =	rddreg [dreg:$0x6]  }
0x23: {  	[tilespmem:s29], [sflag:$0x3] =	stream.linear.gather [hbm4b:s4+s3], $0x2710, $0x38;
	[tilespmem:$0x1F000] =	vst v63  }
0x24: {  	_ =	swait.ge [sflag:s30], $0x2710  }
0x25: {  	s10 =	simm.s32 $0x16000;
	[sflag:s30] =	ssyncset.done $0x0  }
.Ltmp2:
0x26: {  	s25 =	rddreg [dreg:$0x7];
	[sflag:s30] =	ssyncadd.s32 $0xFFFFD8F0;
	(pc) =	sbr.rel @!p0 .LBB2_2-.Ltmp2, $4  }
0x27: {  	[tilespmem:s10], [sflag:$0x3] =	stream.linear.gather [hbm4b:s25+s3], $0x3E80, $0x38;
	[tilespmem:$0x1F000] =	vst v63  }
0x28: {  	_ =	swait.ge [sflag:s30], $0x3E80  }
0x29: {  	s11 =	sadd.s32 $0x200, s3;
	[sflag:s30] =	ssyncset.done $0x0  }
0x2a: {  	s4 =	sshra.s32 s3, $0x2;
	s10 =	sshrl.u32 @!p1 s28, $0x3;
	[sflag:s30] =	ssyncadd.s32 $0xFFFFC180  }
.LBB2_10:
0x2b: {  	p3 =	sne.s32 s11, $0x9E00;
	[tilespmem:s4+$0x1A070] =	vst v0  }
0x2c: {  	[tilespmem:s4+$0x1A000] =	vst v0  }
0x2d: {  	[tilespmem:s4+$0x1A010] =	vst v0  }
.Ltmp3:
0x2e: {  	[tilespmem:s4+$0x1A020] =	vst v0;
	(pc) =	sbr.rel @p3 .LBB2_10-.Ltmp3, $4  }
0x2f: {  	[tilespmem:s4+$0x1A030] =	vst v0  }
0x30: {  	[tilespmem:s4+$0x1A040] =	vst v0  }
0x31: {  	[tilespmem:s4+$0x1A050] =	vst v0  }
0x32: {  	[tilespmem:s4+$0x1A060] =	vst v0;
	s4 =	sshra.s32 s11, $0x2;
	s11 =	sadd.s32 $0x200, s11  }
0x33: {  	[tilespmem:s4+$0x1A070] =	vst v0  }
0x34: {  	[tilespmem:s4+$0x1A000] =	vst v0  }
0x35: {  	[tilespmem:s4+$0x1A010] =	vst v0  }
0x36: {  	[tilespmem:s4+$0x1A020] =	vst v0  }
0x37: {  	[tilespmem:s4+$0x1A030] =	vst v0  }
0x38: {  	[tilespmem:s4+$0x1A040] =	vst v0  }
0x39: {  	[tilespmem:s4+$0x1A050] =	vst v0  }
0x3a: {  	[tilespmem:s4+$0x1A060] =	vst v0  }
0x3b: {  	[spmem:s12] =	stream.linear.scatter [tilespmem:s0], [sflag:$0x3], $0x2800, $0x38;
	[tilespmem:$0x1F000] =	vst v63  }
0x3c: {  	_ =	swait.ge [sflag:s30], $0x2800  }
0x3d: {  	[sflag:s30] =	ssyncset.done $0x0  }
0x3e: {  	[sflag:s30] =	ssyncadd.s32 $0xFFFFD800  }
0x3f: {  	[spmem:s13] =	stream.linear.scatter [tilespmem:s0], [sflag:$0x3], $0x2800, $0x38;
	[tilespmem:$0x1F000] =	vst v63  }
0x40: {  	_ =	swait.ge [sflag:s30], $0x2800  }
0x41: {  	[sflag:s30] =	ssyncset.done $0x0  }
0x42: {  	[sflag:s30] =	ssyncadd.s32 $0xFFFFD800  }
0x43: {  	[spmem:s14] =	stream.linear.scatter [tilespmem:s0], [sflag:$0x3], $0x2800, $0x38;
	[tilespmem:$0x1F000] =	vst v63  }
0x44: {  	_ =	swait.ge [sflag:s30], $0x2800  }
0x45: {  	[sflag:s30] =	ssyncset.done $0x0  }
0x46: {  	[sflag:s30] =	ssyncadd.s32 $0xFFFFD800  }
0x47: {  	[spmem:s15] =	stream.linear.scatter [tilespmem:s0], [sflag:$0x3], $0x2800, $0x38;
	[tilespmem:$0x1F000] =	vst v63  }
0x48: {  	_ =	swait.ge [sflag:s30], $0x2800  }
0x49: {  	[sflag:s30] =	ssyncset.done $0x0  }
0x4a: {  	[sflag:s30] =	ssyncadd.s32 $0xFFFFD800  }
0x4b: {  	[spmem:s16] =	stream.linear.scatter [tilespmem:s0], [sflag:$0x3], $0x2800, $0x38;
	[tilespmem:$0x1F000] =	vst v63  }
0x4c: {  	_ =	swait.ge [sflag:s30], $0x2800  }
0x4d: {  	[sflag:s30] =	ssyncset.done $0x0  }
0x4e: {  	[sflag:s30] =	ssyncadd.s32 $0xFFFFD800  }
0x4f: {  	[spmem:s17] =	stream.linear.scatter [tilespmem:s0], [sflag:$0x3], $0x2800, $0x38;
	[tilespmem:$0x1F000] =	vst v63  }
0x50: {  	_ =	swait.ge [sflag:s30], $0x2800  }
0x51: {  	[sflag:s30] =	ssyncset.done $0x0  }
0x52: {  	[sflag:s30] =	ssyncadd.s32 $0xFFFFD800  }
0x53: {  	[spmem:s18] =	stream.linear.scatter [tilespmem:s0], [sflag:$0x3], $0x2800, $0x38;
	[tilespmem:$0x1F000] =	vst v63  }
0x54: {  	_ =	swait.ge [sflag:s30], $0x2800  }
0x55: {  	[sflag:s30] =	ssyncset.done $0x0  }
0x56: {  	[sflag:s30] =	ssyncadd.s32 $0xFFFFD800  }
0x57: {  	[spmem:s26] =	stream.linear.scatter [tilespmem:s0], [sflag:$0x3], $0x2000, $0x38;
	[tilespmem:$0x1F000] =	vst v63  }
0x58: {  	_ =	swait.ge [sflag:s30], $0x2000  }
0x59: {  	[sflag:s30] =	ssyncset.done $0x0  }
0x5a: {  	s4 =	simm.s32 @!p1 $0x1A000;
	[sflag:s30] =	ssyncadd.s32 $0xFFFFE000  }
0x5b: {  	[spmem:s28] =	stream.linear.scatter @!p1 [tilespmem:s4], [sflag:$0x3], $0x800, $0x38;
	[tilespmem:$0x1F000] =	vst v63  }
0x5c: {  	s4 =	simm.s32 @!p1 $0x3  }
0x5d: {  	_ =	swait.ge @!p1 [sflag:s4], $0x800  }
0x5e: {  	[sflag:s4] =	ssyncset.done @!p1 $0x0  }
0x5f: {  	[sflag:s4] =	ssyncadd.s32 @!p1 $0xFFFFF800  }
0x60: {  	[bflag:$0x0] =	sbarrier.arrive $0xFFFF  }
0x61: {  	[tilespmem:s0], [sflag:$0x1] =	stream.indirect.gather [hbm4b:s6+s31], $0x80, s29, s31, $0xb8;
	[tilespmem:$0x1F000] =	vst v63  }
0x62: {  	s11 =	simm.s32 $0x138D0  }
0x63: {  	[tilespmem:s20], [sflag:$0x2] =	stream.indirect.gather [hbm4b:s6+s31], $0x80, s11, s31, $0xb8;
	[tilespmem:$0x1F000] =	vst v63  }
0x64: {  	_ =	swait.ge [sflag:s21], $0x2800  }
0x65: {  	[sflag:s21] =	ssyncset.done $0x0  }
0x66: {  	s19 =	simm.s32 $0x16000;
	[sflag:s21] =	ssyncadd.s32 $0xFFFFD800  }
0x67: {  	[spmem:s2] =	stream.indirect.scatter.add.f32 [tilespmem:s0], [sflag:$0x3], $0x80, s19, s31, $0xb8;
	[tilespmem:$0x1F000] =	vst v63  }
0x68: {  	_ =	swait.ge [sflag:s30], $0x2800  }
0x69: {  	[sflag:s30] =	ssyncset.done $0x0  }
0x6a: {  	s23 =	simm.s32 $0x13920;
	[sflag:s30] =	ssyncadd.s32 $0xFFFFD800  }
0x6b: {  	[tilespmem:s0], [sflag:$0x1] =	stream.indirect.gather [hbm4b:s6+s31], $0x80, s23, s31, $0xb8;
	[tilespmem:$0x1F000] =	vst v63  }
0x6c: {  	_ =	swait.ge [sflag:s22], $0x2800  }
0x6d: {  	[sflag:s22] =	ssyncset.done $0x0  }
0x6e: {  	s25 =	simm.s32 $0x16080;
	[sflag:s22] =	ssyncadd.s32 $0xFFFFD800  }
0x6f: {  	[spmem:s2] =	stream.indirect.scatter.add.f32 [tilespmem:s20], [sflag:$0x3], $0x80, s25, s31, $0xb8;
	[tilespmem:$0x1F000] =	vst v63  }
0x70: {  	_ =	swait.ge [sflag:s30], $0x2800  }
0x71: {  	s4 =	simm.s32 $0x139C0;
	[sflag:s30] =	ssyncset.done $0x0  }
0x72: {  	s11 =	simm.s32 $0x400;
	s19 =	simm.s32 $0x13970;
	[sflag:s30] =	ssyncadd.s32 $0xFFFFD800  }
.LBB2_12:
0x73: {  	[tilespmem:s20], [sflag:$0x2] =	stream.indirect.gather [hbm4b:s6+s31], $0x80, s19, s31, $0xb8;
	[tilespmem:$0x1F000] =	vst v63  }
0x74: {  	s19 =	smov.u32 s11  }
0x75: {  	p3 =	sne.s32 s11, $0xF000;
	s11 =	sadd.s32 $0x400, s11;
	_ =	swait.ge [sflag:s21], $0x2800  }
0x76: {  	s19 =	sshra.s32 s19, $0x2;
	[sflag:s21] =	ssyncset.done $0x0  }
0x77: {  	s23 =	sadd.s32 $0x16000, s19;
	[sflag:s21] =	ssyncadd.s32 $0xFFFFD800  }
0x78: {  	[spmem:s2] =	stream.indirect.scatter.add.f32 [tilespmem:s0], [sflag:$0x3], $0x80, s23, s31, $0xb8;
	[tilespmem:$0x1F000] =	vst v63  }
0x79: {  	_ =	swait.ge [sflag:s30], $0x2800  }
0x7a: {  	[sflag:s30] =	ssyncset.done $0x0  }
0x7b: {  	[sflag:s30] =	ssyncadd.s32 $0xFFFFD800  }
0x7c: {  	[tilespmem:s0], [sflag:$0x1] =	stream.indirect.gather [hbm4b:s6+s31], $0x80, s4, s31, $0xb8;
	[tilespmem:$0x1F000] =	vst v63  }
0x7d: {  	_ =	swait.ge [sflag:s22], $0x2800  }
0x7e: {  	[sflag:s22] =	ssyncset.done $0x0  }
.Ltmp4:
0x7f: {  	s19 =	sadd.s32 $0x16080, s19;
	[sflag:s22] =	ssyncadd.s32 $0xFFFFD800;
	(pc) =	sbr.rel @p3 .LBB2_12-.Ltmp4, $4  }
0x80: {  	[spmem:s2] =	stream.indirect.scatter.add.f32 [tilespmem:s20], [sflag:$0x3], $0x80, s19, s31, $0xb8;
	[tilespmem:$0x1F000] =	vst v63  }
0x81: {  	_ =	swait.ge [sflag:s30], $0x2800  }
0x82: {  	[sflag:s30] =	ssyncset.done $0x0  }
0x83: {  	s19 =	sadd.s32 $0x50, s4;
	s4 =	sadd.s32 $0xA0, s4;
	[sflag:s30] =	ssyncadd.s32 $0xFFFFD800  }
0x84: {  	[tilespmem:s20], [sflag:$0x2] =	stream.indirect.gather [hbm4b:s6+s31], $0x80, s19, s31, $0xb8;
	[tilespmem:$0x1F000] =	vst v63  }
0x85: {  	_ =	swait.ge [sflag:s21], $0x2800  }
0x86: {  	[sflag:s21] =	ssyncset.done $0x0  }
0x87: {  	s11 =	simm.s32 $0x19D00;
	[sflag:s21] =	ssyncadd.s32 $0xFFFFD800  }
0x88: {  	[spmem:s2] =	stream.indirect.scatter.add.f32 [tilespmem:s0], [sflag:$0x3], $0x80, s11, s31, $0xb8;
	[tilespmem:$0x1F000] =	vst v63  }
0x89: {  	_ =	swait.ge [sflag:s30], $0x2800  }
0x8a: {  	[sflag:s30] =	ssyncset.done $0x0  }
0x8b: {  	[sflag:s30] =	ssyncadd.s32 $0xFFFFD800  }
0x8c: {  	[tilespmem:s0], [sflag:$0x1] =	stream.indirect.gather [hbm4b:s6+s31], $0x80, s4, s31, $0xb8;
	[tilespmem:$0x1F000] =	vst v63  }
0x8d: {  	_ =	swait.ge [sflag:s22], $0x2800  }
0x8e: {  	[sflag:s22] =	ssyncset.done $0x0  }
0x8f: {  	[sflag:s22] =	ssyncadd.s32 $0xFFFFD800  }
0x90: {  	[spmem:s2] =	stream.indirect.scatter.add.f32 [tilespmem:s20], [sflag:$0x3], $0x80, s24, s31, $0xb8;
	[tilespmem:$0x1F000] =	vst v63  }
0x91: {  	_ =	swait.ge [sflag:s30], $0x2800  }
0x92: {  	[sflag:s30] =	ssyncset.done $0x0  }
0x93: {  	[sflag:s30] =	ssyncadd.s32 $0xFFFFD800  }
0x94: {  	_ =	swait.ge [sflag:s21], $0x2800  }
0x95: {  	[sflag:s21] =	ssyncset.done $0x0  }
0x96: {  	[sflag:s21] =	ssyncadd.s32 $0xFFFFD800  }
0x97: {  	[spmem:s2] =	stream.indirect.scatter.add.f32 [tilespmem:s0], [sflag:$0x3], $0x80, s8, s31, $0xb8;
	[tilespmem:$0x1F000] =	vst v63  }
0x98: {  	_ =	swait.ge [sflag:s30], $0x2800  }
0x99: {  	[sflag:s30] =	ssyncset.done $0x0  }
0x9a: {  	s23 =	stileid.u32;
	[sflag:s30] =	ssyncadd.s32 $0xFFFFD800  }
0x9b: {  	s4 =	sshll.u32 s23, $0x6;
	[bflag:$0x0] =	sbarrier.arrive $0xFFFF  }
0x9c: {  	s11 =	sshrl.u32 s12, $0x3;
	s4 =	sor.u32 $0x1C03, s4;
	s25 =	rddreg [dreg:$0xb]  }
0x9d: {  	[hbm:s25], [sflag:s4] =	dma.local [spmem:s11], $0x2700  }
0x9e: {  	_ =	swait.ge [sflag:s30], $0x2700  }
0x9f: {  	[sflag:s30] =	ssyncset.done $0x0  }
0xa0: {  	s19 =	rddreg [dreg:$0xc];
	[sflag:s30] =	ssyncadd.s32 $0xFFFFD900  }
0xa1: {  	[hbm:s19], [sflag:s4] =	dma.local @!p1 [spmem:s10], $0x100  }
0xa2: {  	s10 =	simm.s32 @!p1 $0x3  }
0xa3: {  	_ =	swait.ge @!p1 [sflag:s10], $0x100  }
0xa4: {  	[sflag:s10] =	ssyncset.done @!p1 $0x0  }
0xa5: {  	s19 =	simm.s32 $0x200;
	[sflag:s10] =	ssyncadd.s32 @!p1 $0xFFFFFF00;
	s10 =	simm.s32 $0x0  }
.LBB2_14:
0xa6: {  	p3 =	sne.s32 s19, $0x9E00;
	[tilespmem:s10+$0x1A070] =	vst v0  }
0xa7: {  	[tilespmem:s10+$0x1A000] =	vst v0  }
0xa8: {  	[tilespmem:s10+$0x1A010] =	vst v0  }
.Ltmp5:
0xa9: {  	[tilespmem:s10+$0x1A020] =	vst v0;
	(pc) =	sbr.rel @p3 .LBB2_14-.Ltmp5, $4  }
0xaa: {  	[tilespmem:s10+$0x1A030] =	vst v0  }
0xab: {  	[tilespmem:s10+$0x1A040] =	vst v0  }
0xac: {  	[tilespmem:s10+$0x1A050] =	vst v0  }
0xad: {  	[tilespmem:s10+$0x1A060] =	vst v0;
	s10 =	sshra.s32 s19, $0x2;
	s19 =	sadd.s32 $0x200, s19  }
0xae: {  	[tilespmem:s10+$0x1A070] =	vst v0  }
0xaf: {  	[tilespmem:s10+$0x1A000] =	vst v0  }
0xb0: {  	[tilespmem:s10+$0x1A010] =	vst v0  }
0xb1: {  	[tilespmem:s10+$0x1A020] =	vst v0  }
0xb2: {  	[tilespmem:s10+$0x1A030] =	vst v0  }
0xb3: {  	[tilespmem:s10+$0x1A040] =	vst v0  }
0xb4: {  	[tilespmem:s10+$0x1A050] =	vst v0  }
0xb5: {  	[tilespmem:s10+$0x1A060] =	vst v0  }
0xb6: {  	[spmem:s12] =	stream.linear.scatter [tilespmem:s0], [sflag:$0x3], $0x2800, $0x38;
	[tilespmem:$0x1F000] =	vst v63  }
0xb7: {  	_ =	swait.ge [sflag:s30], $0x2800  }
0xb8: {  	[sflag:s30] =	ssyncset.done $0x0  }
0xb9: {  	[sflag:s30] =	ssyncadd.s32 $0xFFFFD800  }
0xba: {  	[spmem:s13] =	stream.linear.scatter [tilespmem:s0], [sflag:$0x3], $0x2800, $0x38;
	[tilespmem:$0x1F000] =	vst v63  }
0xbb: {  	_ =	swait.ge [sflag:s30], $0x2800  }
0xbc: {  	[sflag:s30] =	ssyncset.done $0x0  }
0xbd: {  	[sflag:s30] =	ssyncadd.s32 $0xFFFFD800  }
0xbe: {  	[spmem:s14] =	stream.linear.scatter [tilespmem:s0], [sflag:$0x3], $0x2800, $0x38;
	[tilespmem:$0x1F000] =	vst v63  }
0xbf: {  	_ =	swait.ge [sflag:s30], $0x2800  }
0xc0: {  	[sflag:s30] =	ssyncset.done $0x0  }
0xc1: {  	[sflag:s30] =	ssyncadd.s32 $0xFFFFD800  }
0xc2: {  	[spmem:s15] =	stream.linear.scatter [tilespmem:s0], [sflag:$0x3], $0x2800, $0x38;
	[tilespmem:$0x1F000] =	vst v63  }
0xc3: {  	_ =	swait.ge [sflag:s30], $0x2800  }
0xc4: {  	[sflag:s30] =	ssyncset.done $0x0  }
0xc5: {  	[sflag:s30] =	ssyncadd.s32 $0xFFFFD800  }
0xc6: {  	[spmem:s16] =	stream.linear.scatter [tilespmem:s0], [sflag:$0x3], $0x2800, $0x38;
	[tilespmem:$0x1F000] =	vst v63  }
0xc7: {  	_ =	swait.ge [sflag:s30], $0x2800  }
0xc8: {  	[sflag:s30] =	ssyncset.done $0x0  }
0xc9: {  	[sflag:s30] =	ssyncadd.s32 $0xFFFFD800  }
0xca: {  	[spmem:s17] =	stream.linear.scatter [tilespmem:s0], [sflag:$0x3], $0x2800, $0x38;
	[tilespmem:$0x1F000] =	vst v63  }
0xcb: {  	_ =	swait.ge [sflag:s30], $0x2800  }
0xcc: {  	[sflag:s30] =	ssyncset.done $0x0  }
0xcd: {  	[sflag:s30] =	ssyncadd.s32 $0xFFFFD800  }
0xce: {  	[spmem:s18] =	stream.linear.scatter [tilespmem:s0], [sflag:$0x3], $0x2800, $0x38;
	[tilespmem:$0x1F000] =	vst v63  }
0xcf: {  	_ =	swait.ge [sflag:s30], $0x2800  }
0xd0: {  	[sflag:s30] =	ssyncset.done $0x0  }
0xd1: {  	[sflag:s30] =	ssyncadd.s32 $0xFFFFD800  }
0xd2: {  	[spmem:s26] =	stream.linear.scatter [tilespmem:s0], [sflag:$0x3], $0x2000, $0x38;
	[tilespmem:$0x1F000] =	vst v63  }
0xd3: {  	_ =	swait.ge [sflag:s30], $0x2000  }
0xd4: {  	[sflag:s30] =	ssyncset.done $0x0  }
0xd5: {  	s10 =	simm.s32 @!p1 $0x1A000;
	[sflag:s30] =	ssyncadd.s32 $0xFFFFE000  }
0xd6: {  	[spmem:s28] =	stream.linear.scatter @!p1 [tilespmem:s10], [sflag:$0x3], $0x800, $0x38;
	[tilespmem:$0x1F000] =	vst v63  }
0xd7: {  	s10 =	simm.s32 @!p1 $0x3  }
0xd8: {  	_ =	swait.ge @!p1 [sflag:s10], $0x800  }
0xd9: {  	[sflag:s10] =	ssyncset.done @!p1 $0x0  }
0xda: {  	[sflag:s10] =	ssyncadd.s32 @!p1 $0xFFFFF800  }
0xdb: {  	[bflag:$0x0] =	sbarrier.arrive $0xFFFF  }
0xdc: {  	[tilespmem:s0], [sflag:$0x1] =	stream.indirect.gather [hbm4b:s7+s31], $0x80, s29, s31, $0xb8;
	[tilespmem:$0x1F000] =	vst v63  }
0xdd: {  	s25 =	simm.s32 $0x138D0  }
0xde: {  	[tilespmem:s20], [sflag:$0x2] =	stream.indirect.gather [hbm4b:s7+s31], $0x80, s25, s31, $0xb8;
	[tilespmem:$0x1F000] =	vst v63  }
0xdf: {  	_ =	swait.ge [sflag:s21], $0x2800  }
0xe0: {  	[sflag:s21] =	ssyncset.done $0x0  }
0xe1: {  	s19 =	simm.s32 $0x16000;
	[sflag:s21] =	ssyncadd.s32 $0xFFFFD800  }
0xe2: {  	[spmem:s2] =	stream.indirect.scatter.add.f32 [tilespmem:s0], [sflag:$0x3], $0x80, s19, s31, $0xb8;
	[tilespmem:$0x1F000] =	vst v63  }
0xe3: {  	_ =	swait.ge [sflag:s30], $0x2800  }
0xe4: {  	[sflag:s30] =	ssyncset.done $0x0  }
0xe5: {  	s23 =	simm.s32 $0x13920;
	[sflag:s30] =	ssyncadd.s32 $0xFFFFD800  }
0xe6: {  	[tilespmem:s0], [sflag:$0x1] =	stream.indirect.gather [hbm4b:s7+s31], $0x80, s23, s31, $0xb8;
	[tilespmem:$0x1F000] =	vst v63  }
0xe7: {  	_ =	swait.ge [sflag:s22], $0x2800  }
0xe8: {  	[sflag:s22] =	ssyncset.done $0x0  }
0xe9: {  	s25 =	simm.s32 $0x16080;
	[sflag:s22] =	ssyncadd.s32 $0xFFFFD800  }
0xea: {  	[spmem:s2] =	stream.indirect.scatter.add.f32 [tilespmem:s20], [sflag:$0x3], $0x80, s25, s31, $0xb8;
	[tilespmem:$0x1F000] =	vst v63  }
0xeb: {  	_ =	swait.ge [sflag:s30], $0x2800  }
0xec: {  	s10 =	simm.s32 $0x139C0;
	[sflag:s30] =	ssyncset.done $0x0  }
0xed: {  	s19 =	simm.s32 $0x400;
	s25 =	simm.s32 $0x13970;
	[sflag:s30] =	ssyncadd.s32 $0xFFFFD800  }
.LBB2_16:
0xee: {  	[tilespmem:s20], [sflag:$0x2] =	stream.indirect.gather [hbm4b:s7+s31], $0x80, s25, s31, $0xb8;
	[tilespmem:$0x1F000] =	vst v63  }
0xef: {  	s23 =	smov.u32 s19  }
0xf0: {  	p3 =	sne.s32 s19, $0xF000;
	s19 =	sadd.s32 $0x400, s19;
	_ =	swait.ge [sflag:s21], $0x2800  }
0xf1: {  	s23 =	sshra.s32 s23, $0x2;
	[sflag:s21] =	ssyncset.done $0x0  }
0xf2: {  	s25 =	sadd.s32 $0x16000, s23;
	[sflag:s21] =	ssyncadd.s32 $0xFFFFD800  }
0xf3: {  	[spmem:s2] =	stream.indirect.scatter.add.f32 [tilespmem:s0], [sflag:$0x3], $0x80, s25, s31, $0xb8;
	[tilespmem:$0x1F000] =	vst v63  }
0xf4: {  	_ =	swait.ge [sflag:s30], $0x2800  }
0xf5: {  	[sflag:s30] =	ssyncset.done $0x0  }
0xf6: {  	[sflag:s30] =	ssyncadd.s32 $0xFFFFD800  }
0xf7: {  	[tilespmem:s0], [sflag:$0x1] =	stream.indirect.gather [hbm4b:s7+s31], $0x80, s10, s31, $0xb8;
	[tilespmem:$0x1F000] =	vst v63  }
0xf8: {  	_ =	swait.ge [sflag:s22], $0x2800  }
0xf9: {  	[sflag:s22] =	ssyncset.done $0x0  }
.Ltmp6:
0xfa: {  	s23 =	sadd.s32 $0x16080, s23;
	[sflag:s22] =	ssyncadd.s32 $0xFFFFD800;
	(pc) =	sbr.rel @p3 .LBB2_16-.Ltmp6, $4  }
0xfb: {  	[spmem:s2] =	stream.indirect.scatter.add.f32 [tilespmem:s20], [sflag:$0x3], $0x80, s23, s31, $0xb8;
	[tilespmem:$0x1F000] =	vst v63  }
0xfc: {  	_ =	swait.ge [sflag:s30], $0x2800  }
0xfd: {  	[sflag:s30] =	ssyncset.done $0x0  }
0xfe: {  	s25 =	sadd.s32 $0x50, s10;
	s10 =	sadd.s32 $0xA0, s10;
	[sflag:s30] =	ssyncadd.s32 $0xFFFFD800  }
0xff: {  	[tilespmem:s20], [sflag:$0x2] =	stream.indirect.gather [hbm4b:s7+s31], $0x80, s25, s31, $0xb8;
	[tilespmem:$0x1F000] =	vst v63  }
0x100: {  	_ =	swait.ge [sflag:s21], $0x2800  }
0x101: {  	[sflag:s21] =	ssyncset.done $0x0  }
0x102: {  	s19 =	simm.s32 $0x19D00;
	[sflag:s21] =	ssyncadd.s32 $0xFFFFD800  }
0x103: {  	[spmem:s2] =	stream.indirect.scatter.add.f32 [tilespmem:s0], [sflag:$0x3], $0x80, s19, s31, $0xb8;
	[tilespmem:$0x1F000] =	vst v63  }
0x104: {  	_ =	swait.ge [sflag:s30], $0x2800  }
0x105: {  	[sflag:s30] =	ssyncset.done $0x0  }
0x106: {  	[sflag:s30] =	ssyncadd.s32 $0xFFFFD800  }
0x107: {  	[tilespmem:s0], [sflag:$0x1] =	stream.indirect.gather [hbm4b:s7+s31], $0x80, s10, s31, $0xb8;
	[tilespmem:$0x1F000] =	vst v63  }
0x108: {  	_ =	swait.ge [sflag:s22], $0x2800  }
0x109: {  	[sflag:s22] =	ssyncset.done $0x0  }
0x10a: {  	[sflag:s22] =	ssyncadd.s32 $0xFFFFD800  }
0x10b: {  	[spmem:s2] =	stream.indirect.scatter.add.f32 [tilespmem:s20], [sflag:$0x3], $0x80, s24, s31, $0xb8;
	[tilespmem:$0x1F000] =	vst v63  }
0x10c: {  	_ =	swait.ge [sflag:s30], $0x2800  }
0x10d: {  	[sflag:s30] =	ssyncset.done $0x0  }
0x10e: {  	[sflag:s30] =	ssyncadd.s32 $0xFFFFD800  }
0x10f: {  	_ =	swait.ge [sflag:s21], $0x2800  }
0x110: {  	[sflag:s21] =	ssyncset.done $0x0  }
0x111: {  	[sflag:s21] =	ssyncadd.s32 $0xFFFFD800  }
0x112: {  	[spmem:s2] =	stream.indirect.scatter.add.f32 [tilespmem:s0], [sflag:$0x3], $0x80, s8, s31, $0xb8;
	[tilespmem:$0x1F000] =	vst v63  }
0x113: {  	_ =	swait.ge [sflag:s30], $0x2800  }
0x114: {  	[sflag:s30] =	ssyncset.done $0x0  }
0x115: {  	[sflag:s30] =	ssyncadd.s32 $0xFFFFD800  }
0x116: {  	[bflag:$0x0] =	sbarrier.arrive $0xFFFF  }
0x117: {  	s25 =	rddreg [dreg:$0xd]  }
0x118: {  	[hbm:s25], [sflag:s4] =	dma.local [spmem:s11], $0x2700  }
.Ltmp7:
0x119: {  	_ = 	snop;
	(pc) =	sbr.rel @p1 .LBB2_19-.Ltmp7, $4  }
.Ltmp8:
0x11a: {  	_ = 	snop;
	(pc) =	sbr.rel @!p1 .LBB2_18-.Ltmp8, $4  }
0x11b: {  	_ =	swait.ge [sflag:s30], $0x2700  }
0x11c: {  	[sflag:s30] =	ssyncset.done $0x0  }
0x11d: {  	s10 =	rddreg [dreg:$0x5];
	[sflag:s30] =	ssyncadd.s32 $0xFFFFD900  }
0x11e: {  	_ = 	snop  }
.LBB2_2:
0x11f: {  	p3 =	sne.s32 s11, $0x9E00;
	[tilespmem:s4+$0x1A070] =	vst v0  }
0x120: {  	[tilespmem:s4+$0x1A000] =	vst v0  }
0x121: {  	[tilespmem:s4+$0x1A010] =	vst v0  }
.Ltmp9:
0x122: {  	[tilespmem:s4+$0x1A020] =	vst v0;
	(pc) =	sbr.rel @p3 .LBB2_2-.Ltmp9, $4  }
0x123: {  	[tilespmem:s4+$0x1A030] =	vst v0  }
0x124: {  	[tilespmem:s4+$0x1A040] =	vst v0  }
0x125: {  	[tilespmem:s4+$0x1A050] =	vst v0  }
0x126: {  	[tilespmem:s4+$0x1A060] =	vst v0;
	s4 =	sshra.s32 s11, $0x2;
	s11 =	sadd.s32 $0x200, s11  }
0x127: {  	[tilespmem:s4+$0x1A070] =	vst v0  }
0x128: {  	[tilespmem:s4+$0x1A000] =	vst v0  }
0x129: {  	[tilespmem:s4+$0x1A010] =	vst v0  }
0x12a: {  	[tilespmem:s4+$0x1A020] =	vst v0  }
0x12b: {  	[tilespmem:s4+$0x1A030] =	vst v0  }
0x12c: {  	[tilespmem:s4+$0x1A040] =	vst v0  }
0x12d: {  	[tilespmem:s4+$0x1A050] =	vst v0  }
0x12e: {  	[tilespmem:s4+$0x1A060] =	vst v0  }
0x12f: {  	[spmem:s12] =	stream.linear.scatter [tilespmem:s0], [sflag:$0x3], $0x2800, $0x38;
	[tilespmem:$0x1F000] =	vst v63  }
0x130: {  	_ =	swait.ge [sflag:s30], $0x2800  }
0x131: {  	[sflag:s30] =	ssyncset.done $0x0  }
0x132: {  	[sflag:s30] =	ssyncadd.s32 $0xFFFFD800  }
0x133: {  	[spmem:s13] =	stream.linear.scatter [tilespmem:s0], [sflag:$0x3], $0x2800, $0x38;
	[tilespmem:$0x1F000] =	vst v63  }
0x134: {  	_ =	swait.ge [sflag:s30], $0x2800  }
0x135: {  	[sflag:s30] =	ssyncset.done $0x0  }
0x136: {  	[sflag:s30] =	ssyncadd.s32 $0xFFFFD800  }
0x137: {  	[spmem:s14] =	stream.linear.scatter [tilespmem:s0], [sflag:$0x3], $0x2800, $0x38;
	[tilespmem:$0x1F000] =	vst v63  }
0x138: {  	_ =	swait.ge [sflag:s30], $0x2800  }
0x139: {  	[sflag:s30] =	ssyncset.done $0x0  }
0x13a: {  	[sflag:s30] =	ssyncadd.s32 $0xFFFFD800  }
0x13b: {  	[spmem:s15] =	stream.linear.scatter [tilespmem:s0], [sflag:$0x3], $0x2800, $0x38;
	[tilespmem:$0x1F000] =	vst v63  }
0x13c: {  	_ =	swait.ge [sflag:s30], $0x2800  }
0x13d: {  	[sflag:s30] =	ssyncset.done $0x0  }
0x13e: {  	[sflag:s30] =	ssyncadd.s32 $0xFFFFD800  }
0x13f: {  	[spmem:s16] =	stream.linear.scatter [tilespmem:s0], [sflag:$0x3], $0x2800, $0x38;
	[tilespmem:$0x1F000] =	vst v63  }
0x140: {  	_ =	swait.ge [sflag:s30], $0x2800  }
0x141: {  	[sflag:s30] =	ssyncset.done $0x0  }
0x142: {  	[sflag:s30] =	ssyncadd.s32 $0xFFFFD800  }
0x143: {  	[spmem:s17] =	stream.linear.scatter [tilespmem:s0], [sflag:$0x3], $0x2800, $0x38;
	[tilespmem:$0x1F000] =	vst v63  }
0x144: {  	_ =	swait.ge [sflag:s30], $0x2800  }
0x145: {  	[sflag:s30] =	ssyncset.done $0x0  }
0x146: {  	[sflag:s30] =	ssyncadd.s32 $0xFFFFD800  }
0x147: {  	[spmem:s18] =	stream.linear.scatter [tilespmem:s0], [sflag:$0x3], $0x2800, $0x38;
	[tilespmem:$0x1F000] =	vst v63  }
0x148: {  	_ =	swait.ge [sflag:s30], $0x2800  }
0x149: {  	[sflag:s30] =	ssyncset.done $0x0  }
0x14a: {  	[sflag:s30] =	ssyncadd.s32 $0xFFFFD800  }
0x14b: {  	[spmem:s26] =	stream.linear.scatter [tilespmem:s0], [sflag:$0x3], $0x2000, $0x38;
	[tilespmem:$0x1F000] =	vst v63  }
0x14c: {  	_ =	swait.ge [sflag:s30], $0x2000  }
0x14d: {  	[sflag:s30] =	ssyncset.done $0x0  }
0x14e: {  	s4 =	simm.s32 @!p1 $0x1A000;
	[sflag:s30] =	ssyncadd.s32 $0xFFFFE000  }
0x14f: {  	[spmem:s28] =	stream.linear.scatter @!p1 [tilespmem:s4], [sflag:$0x3], $0x800, $0x38;
	[tilespmem:$0x1F000] =	vst v63  }
0x150: {  	s4 =	simm.s32 @!p1 $0x3  }
0x151: {  	_ =	swait.ge @!p1 [sflag:s4], $0x800  }
0x152: {  	[sflag:s4] =	ssyncset.done @!p1 $0x0  }
0x153: {  	[sflag:s4] =	ssyncadd.s32 @!p1 $0xFFFFF800  }
0x154: {  	[bflag:$0x0] =	sbarrier.arrive $0xFFFF  }
0x155: {  	[tilespmem:s0], [sflag:$0x1] =	stream.indirect.gather [hbm4b:s1+s31], $0x80, s29, s31, $0xb8;
	[tilespmem:$0x1F000] =	vst v63  }
0x156: {  	s11 =	simm.s32 $0x138D0  }
0x157: {  	[tilespmem:s20], [sflag:$0x2] =	stream.indirect.gather [hbm4b:s1+s31], $0x80, s11, s31, $0xb8;
	[tilespmem:$0x1F000] =	vst v63  }
0x158: {  	_ =	swait.ge [sflag:s21], $0x2800  }
0x159: {  	[sflag:s21] =	ssyncset.done $0x0  }
0x15a: {  	s19 =	simm.s32 $0x16000;
	[sflag:s21] =	ssyncadd.s32 $0xFFFFD800  }
0x15b: {  	[spmem:s2] =	stream.indirect.scatter.add.f32 [tilespmem:s0], [sflag:$0x3], $0x80, s19, s31, $0xb8;
	[tilespmem:$0x1F000] =	vst v63  }
0x15c: {  	_ =	swait.ge [sflag:s30], $0x2800  }
0x15d: {  	[sflag:s30] =	ssyncset.done $0x0  }
0x15e: {  	s23 =	simm.s32 $0x13920;
	[sflag:s30] =	ssyncadd.s32 $0xFFFFD800  }
0x15f: {  	[tilespmem:s0], [sflag:$0x1] =	stream.indirect.gather [hbm4b:s1+s31], $0x80, s23, s31, $0xb8;
	[tilespmem:$0x1F000] =	vst v63  }
0x160: {  	_ =	swait.ge [sflag:s22], $0x2800  }
0x161: {  	[sflag:s22] =	ssyncset.done $0x0  }
0x162: {  	s25 =	simm.s32 $0x16080;
	[sflag:s22] =	ssyncadd.s32 $0xFFFFD800  }
0x163: {  	[spmem:s2] =	stream.indirect.scatter.add.f32 [tilespmem:s20], [sflag:$0x3], $0x80, s25, s31, $0xb8;
	[tilespmem:$0x1F000] =	vst v63  }
0x164: {  	_ =	swait.ge [sflag:s30], $0x2800  }
0x165: {  	s4 =	simm.s32 $0x139C0;
	[sflag:s30] =	ssyncset.done $0x0  }
0x166: {  	s11 =	simm.s32 $0x400;
	s19 =	simm.s32 $0x13970;
	[sflag:s30] =	ssyncadd.s32 $0xFFFFD800  }
.LBB2_4:
0x167: {  	[tilespmem:s20], [sflag:$0x2] =	stream.indirect.gather [hbm4b:s1+s31], $0x80, s19, s31, $0xb8;
	[tilespmem:$0x1F000] =	vst v63  }
0x168: {  	s19 =	smov.u32 s11  }
0x169: {  	p3 =	sne.s32 s11, $0xF000;
	s11 =	sadd.s32 $0x400, s11;
	_ =	swait.ge [sflag:s21], $0x2800  }
0x16a: {  	s19 =	sshra.s32 s19, $0x2;
	[sflag:s21] =	ssyncset.done $0x0  }
0x16b: {  	s25 =	sadd.s32 $0x16000, s19;
	[sflag:s21] =	ssyncadd.s32 $0xFFFFD800  }
0x16c: {  	[spmem:s2] =	stream.indirect.scatter.add.f32 [tilespmem:s0], [sflag:$0x3], $0x80, s25, s31, $0xb8;
	[tilespmem:$0x1F000] =	vst v63  }
0x16d: {  	_ =	swait.ge [sflag:s30], $0x2800  }
0x16e: {  	[sflag:s30] =	ssyncset.done $0x0  }
0x16f: {  	[sflag:s30] =	ssyncadd.s32 $0xFFFFD800  }
0x170: {  	[tilespmem:s0], [sflag:$0x1] =	stream.indirect.gather [hbm4b:s1+s31], $0x80, s4, s31, $0xb8;
	[tilespmem:$0x1F000] =	vst v63  }
0x171: {  	_ =	swait.ge [sflag:s22], $0x2800  }
0x172: {  	[sflag:s22] =	ssyncset.done $0x0  }
.Ltmp10:
0x173: {  	s19 =	sadd.s32 $0x16080, s19;
	[sflag:s22] =	ssyncadd.s32 $0xFFFFD800;
	(pc) =	sbr.rel @p3 .LBB2_4-.Ltmp10, $4  }
0x174: {  	[spmem:s2] =	stream.indirect.scatter.add.f32 [tilespmem:s20], [sflag:$0x3], $0x80, s19, s31, $0xb8;
	[tilespmem:$0x1F000] =	vst v63  }
0x175: {  	_ =	swait.ge [sflag:s30], $0x2800  }
0x176: {  	[sflag:s30] =	ssyncset.done $0x0  }
0x177: {  	s19 =	sadd.s32 $0x50, s4;
	s4 =	sadd.s32 $0xA0, s4;
	[sflag:s30] =	ssyncadd.s32 $0xFFFFD800  }
0x178: {  	[tilespmem:s20], [sflag:$0x2] =	stream.indirect.gather [hbm4b:s1+s31], $0x80, s19, s31, $0xb8;
	[tilespmem:$0x1F000] =	vst v63  }
0x179: {  	_ =	swait.ge [sflag:s21], $0x2800  }
0x17a: {  	[sflag:s21] =	ssyncset.done $0x0  }
0x17b: {  	s11 =	simm.s32 $0x19D00;
	[sflag:s21] =	ssyncadd.s32 $0xFFFFD800  }
0x17c: {  	[spmem:s2] =	stream.indirect.scatter.add.f32 [tilespmem:s0], [sflag:$0x3], $0x80, s11, s31, $0xb8;
	[tilespmem:$0x1F000] =	vst v63  }
0x17d: {  	_ =	swait.ge [sflag:s30], $0x2800  }
0x17e: {  	[sflag:s30] =	ssyncset.done $0x0  }
0x17f: {  	[sflag:s30] =	ssyncadd.s32 $0xFFFFD800  }
0x180: {  	[tilespmem:s0], [sflag:$0x1] =	stream.indirect.gather [hbm4b:s1+s31], $0x80, s4, s31, $0xb8;
	[tilespmem:$0x1F000] =	vst v63  }
0x181: {  	_ =	swait.ge [sflag:s22], $0x2800  }
0x182: {  	[sflag:s22] =	ssyncset.done $0x0  }
0x183: {  	[sflag:s22] =	ssyncadd.s32 $0xFFFFD800  }
0x184: {  	[spmem:s2] =	stream.indirect.scatter.add.f32 [tilespmem:s20], [sflag:$0x3], $0x80, s24, s31, $0xb8;
	[tilespmem:$0x1F000] =	vst v63  }
0x185: {  	_ =	swait.ge [sflag:s30], $0x2800  }
0x186: {  	[sflag:s30] =	ssyncset.done $0x0  }
0x187: {  	[sflag:s30] =	ssyncadd.s32 $0xFFFFD800  }
0x188: {  	_ =	swait.ge [sflag:s21], $0x2800  }
0x189: {  	[sflag:s21] =	ssyncset.done $0x0  }
0x18a: {  	[sflag:s21] =	ssyncadd.s32 $0xFFFFD800  }
0x18b: {  	[spmem:s2] =	stream.indirect.scatter.add.f32 [tilespmem:s0], [sflag:$0x3], $0x80, s8, s31, $0xb8;
	[tilespmem:$0x1F000] =	vst v63  }
0x18c: {  	_ =	swait.ge [sflag:s30], $0x2800  }
0x18d: {  	[sflag:s30] =	ssyncset.done $0x0  }
0x18e: {  	s23 =	stileid.u32;
	[sflag:s30] =	ssyncadd.s32 $0xFFFFD800  }
0x18f: {  	s4 =	sshll.u32 s23, $0x6;
	[bflag:$0x0] =	sbarrier.arrive $0xFFFF  }
0x190: {  	s11 =	sshrl.u32 s12, $0x3;
	s4 =	sor.u32 $0x1C03, s4;
	s25 =	rddreg [dreg:$0x8]  }
0x191: {  	[hbm:s25], [sflag:s4] =	dma.local [spmem:s11], $0x2700  }
0x192: {  	_ =	swait.ge [sflag:s30], $0x2700  }
0x193: {  	[sflag:s30] =	ssyncset.done $0x0  }
0x194: {  	s19 =	rddreg [dreg:$0x9];
	[sflag:s30] =	ssyncadd.s32 $0xFFFFD900  }
0x195: {  	[hbm:s19], [sflag:s4] =	dma.local @!p1 [spmem:s10], $0x100  }
0x196: {  	s10 =	simm.s32 @!p1 $0x3  }
0x197: {  	_ =	swait.ge @!p1 [sflag:s10], $0x100  }
0x198: {  	[sflag:s10] =	ssyncset.done @!p1 $0x0  }
0x199: {  	s19 =	simm.s32 $0x200;
	[sflag:s10] =	ssyncadd.s32 @!p1 $0xFFFFFF00;
	s10 =	simm.s32 $0x0  }
.LBB2_6:
0x19a: {  	p3 =	sne.s32 s19, $0x9E00;
	[tilespmem:s10+$0x1A070] =	vst v0  }
0x19b: {  	[tilespmem:s10+$0x1A000] =	vst v0  }
0x19c: {  	[tilespmem:s10+$0x1A010] =	vst v0  }
.Ltmp11:
0x19d: {  	[tilespmem:s10+$0x1A020] =	vst v0;
	(pc) =	sbr.rel @p3 .LBB2_6-.Ltmp11, $4  }
0x19e: {  	[tilespmem:s10+$0x1A030] =	vst v0  }
0x19f: {  	[tilespmem:s10+$0x1A040] =	vst v0  }
0x1a0: {  	[tilespmem:s10+$0x1A050] =	vst v0  }
0x1a1: {  	[tilespmem:s10+$0x1A060] =	vst v0;
	s10 =	sshra.s32 s19, $0x2;
	s19 =	sadd.s32 $0x200, s19  }
0x1a2: {  	[tilespmem:s10+$0x1A070] =	vst v0  }
0x1a3: {  	[tilespmem:s10+$0x1A000] =	vst v0  }
0x1a4: {  	[tilespmem:s10+$0x1A010] =	vst v0  }
0x1a5: {  	[tilespmem:s10+$0x1A020] =	vst v0  }
0x1a6: {  	[tilespmem:s10+$0x1A030] =	vst v0  }
0x1a7: {  	[tilespmem:s10+$0x1A040] =	vst v0  }
0x1a8: {  	[tilespmem:s10+$0x1A050] =	vst v0  }
0x1a9: {  	[tilespmem:s10+$0x1A060] =	vst v0  }
0x1aa: {  	[spmem:s12] =	stream.linear.scatter [tilespmem:s0], [sflag:$0x3], $0x2800, $0x38;
	[tilespmem:$0x1F000] =	vst v63  }
0x1ab: {  	_ =	swait.ge [sflag:s30], $0x2800  }
0x1ac: {  	[sflag:s30] =	ssyncset.done $0x0  }
0x1ad: {  	[sflag:s30] =	ssyncadd.s32 $0xFFFFD800  }
0x1ae: {  	[spmem:s13] =	stream.linear.scatter [tilespmem:s0], [sflag:$0x3], $0x2800, $0x38;
	[tilespmem:$0x1F000] =	vst v63  }
0x1af: {  	_ =	swait.ge [sflag:s30], $0x2800  }
0x1b0: {  	[sflag:s30] =	ssyncset.done $0x0  }
0x1b1: {  	[sflag:s30] =	ssyncadd.s32 $0xFFFFD800  }
0x1b2: {  	[spmem:s14] =	stream.linear.scatter [tilespmem:s0], [sflag:$0x3], $0x2800, $0x38;
	[tilespmem:$0x1F000] =	vst v63  }
0x1b3: {  	_ =	swait.ge [sflag:s30], $0x2800  }
0x1b4: {  	[sflag:s30] =	ssyncset.done $0x0  }
0x1b5: {  	[sflag:s30] =	ssyncadd.s32 $0xFFFFD800  }
0x1b6: {  	[spmem:s15] =	stream.linear.scatter [tilespmem:s0], [sflag:$0x3], $0x2800, $0x38;
	[tilespmem:$0x1F000] =	vst v63  }
0x1b7: {  	_ =	swait.ge [sflag:s30], $0x2800  }
0x1b8: {  	[sflag:s30] =	ssyncset.done $0x0  }
0x1b9: {  	[sflag:s30] =	ssyncadd.s32 $0xFFFFD800  }
0x1ba: {  	[spmem:s16] =	stream.linear.scatter [tilespmem:s0], [sflag:$0x3], $0x2800, $0x38;
	[tilespmem:$0x1F000] =	vst v63  }
0x1bb: {  	_ =	swait.ge [sflag:s30], $0x2800  }
0x1bc: {  	[sflag:s30] =	ssyncset.done $0x0  }
0x1bd: {  	[sflag:s30] =	ssyncadd.s32 $0xFFFFD800  }
0x1be: {  	[spmem:s17] =	stream.linear.scatter [tilespmem:s0], [sflag:$0x3], $0x2800, $0x38;
	[tilespmem:$0x1F000] =	vst v63  }
0x1bf: {  	_ =	swait.ge [sflag:s30], $0x2800  }
0x1c0: {  	[sflag:s30] =	ssyncset.done $0x0  }
0x1c1: {  	[sflag:s30] =	ssyncadd.s32 $0xFFFFD800  }
0x1c2: {  	[spmem:s18] =	stream.linear.scatter [tilespmem:s0], [sflag:$0x3], $0x2800, $0x38;
	[tilespmem:$0x1F000] =	vst v63  }
0x1c3: {  	_ =	swait.ge [sflag:s30], $0x2800  }
0x1c4: {  	[sflag:s30] =	ssyncset.done $0x0  }
0x1c5: {  	[sflag:s30] =	ssyncadd.s32 $0xFFFFD800  }
0x1c6: {  	[spmem:s26] =	stream.linear.scatter [tilespmem:s0], [sflag:$0x3], $0x2000, $0x38;
	[tilespmem:$0x1F000] =	vst v63  }
0x1c7: {  	_ =	swait.ge [sflag:s30], $0x2000  }
0x1c8: {  	[sflag:s30] =	ssyncset.done $0x0  }
0x1c9: {  	s10 =	simm.s32 @!p1 $0x1A000;
	[sflag:s30] =	ssyncadd.s32 $0xFFFFE000  }
0x1ca: {  	[spmem:s28] =	stream.linear.scatter @!p1 [tilespmem:s10], [sflag:$0x3], $0x800, $0x38;
	[tilespmem:$0x1F000] =	vst v63  }
0x1cb: {  	s10 =	simm.s32 @!p1 $0x3  }
0x1cc: {  	_ =	swait.ge @!p1 [sflag:s10], $0x800  }
0x1cd: {  	[sflag:s10] =	ssyncset.done @!p1 $0x0  }
0x1ce: {  	[sflag:s10] =	ssyncadd.s32 @!p1 $0xFFFFF800  }
0x1cf: {  	[bflag:$0x0] =	sbarrier.arrive $0xFFFF  }
0x1d0: {  	[tilespmem:s0], [sflag:$0x1] =	stream.indirect.gather [hbm4b:s5+s31], $0x80, s29, s31, $0xb8;
	[tilespmem:$0x1F000] =	vst v63  }
0x1d1: {  	s25 =	simm.s32 $0x138D0  }
0x1d2: {  	[tilespmem:s20], [sflag:$0x2] =	stream.indirect.gather [hbm4b:s5+s31], $0x80, s25, s31, $0xb8;
	[tilespmem:$0x1F000] =	vst v63  }
0x1d3: {  	_ =	swait.ge [sflag:s21], $0x2800  }
0x1d4: {  	[sflag:s21] =	ssyncset.done $0x0  }
0x1d5: {  	s19 =	simm.s32 $0x16000;
	[sflag:s21] =	ssyncadd.s32 $0xFFFFD800  }
0x1d6: {  	[spmem:s2] =	stream.indirect.scatter.add.f32 [tilespmem:s0], [sflag:$0x3], $0x80, s19, s31, $0xb8;
	[tilespmem:$0x1F000] =	vst v63  }
0x1d7: {  	_ =	swait.ge [sflag:s30], $0x2800  }
0x1d8: {  	[sflag:s30] =	ssyncset.done $0x0  }
0x1d9: {  	s23 =	simm.s32 $0x13920;
	[sflag:s30] =	ssyncadd.s32 $0xFFFFD800  }
0x1da: {  	[tilespmem:s0], [sflag:$0x1] =	stream.indirect.gather [hbm4b:s5+s31], $0x80, s23, s31, $0xb8;
	[tilespmem:$0x1F000] =	vst v63  }
0x1db: {  	_ =	swait.ge [sflag:s22], $0x2800  }
0x1dc: {  	[sflag:s22] =	ssyncset.done $0x0  }
0x1dd: {  	s25 =	simm.s32 $0x16080;
	[sflag:s22] =	ssyncadd.s32 $0xFFFFD800  }
0x1de: {  	[spmem:s2] =	stream.indirect.scatter.add.f32 [tilespmem:s20], [sflag:$0x3], $0x80, s25, s31, $0xb8;
	[tilespmem:$0x1F000] =	vst v63  }
0x1df: {  	_ =	swait.ge [sflag:s30], $0x2800  }
0x1e0: {  	s10 =	simm.s32 $0x139C0;
	[sflag:s30] =	ssyncset.done $0x0  }
0x1e1: {  	s19 =	simm.s32 $0x400;
	s25 =	simm.s32 $0x13970;
	[sflag:s30] =	ssyncadd.s32 $0xFFFFD800  }
.LBB2_8:
0x1e2: {  	[tilespmem:s20], [sflag:$0x2] =	stream.indirect.gather [hbm4b:s5+s31], $0x80, s25, s31, $0xb8;
	[tilespmem:$0x1F000] =	vst v63  }
0x1e3: {  	s25 =	smov.u32 s19  }
0x1e4: {  	p3 =	sne.s32 s19, $0xF000;
	s19 =	sadd.s32 $0x400, s19;
	_ =	swait.ge [sflag:s21], $0x2800  }
0x1e5: {  	s25 =	sshra.s32 s25, $0x2;
	[sflag:s21] =	ssyncset.done $0x0  }
0x1e6: {  	s23 =	sadd.s32 $0x16000, s25;
	[sflag:s21] =	ssyncadd.s32 $0xFFFFD800  }
0x1e7: {  	[spmem:s2] =	stream.indirect.scatter.add.f32 [tilespmem:s0], [sflag:$0x3], $0x80, s23, s31, $0xb8;
	[tilespmem:$0x1F000] =	vst v63  }
0x1e8: {  	_ =	swait.ge [sflag:s30], $0x2800  }
0x1e9: {  	[sflag:s30] =	ssyncset.done $0x0  }
0x1ea: {  	[sflag:s30] =	ssyncadd.s32 $0xFFFFD800  }
0x1eb: {  	[tilespmem:s0], [sflag:$0x1] =	stream.indirect.gather [hbm4b:s5+s31], $0x80, s10, s31, $0xb8;
	[tilespmem:$0x1F000] =	vst v63  }
0x1ec: {  	_ =	swait.ge [sflag:s22], $0x2800  }
0x1ed: {  	[sflag:s22] =	ssyncset.done $0x0  }
.Ltmp12:
0x1ee: {  	s23 =	sadd.s32 $0x16080, s25;
	[sflag:s22] =	ssyncadd.s32 $0xFFFFD800;
	(pc) =	sbr.rel @p3 .LBB2_8-.Ltmp12, $4  }
0x1ef: {  	[spmem:s2] =	stream.indirect.scatter.add.f32 [tilespmem:s20], [sflag:$0x3], $0x80, s23, s31, $0xb8;
	[tilespmem:$0x1F000] =	vst v63  }
0x1f0: {  	_ =	swait.ge [sflag:s30], $0x2800  }
0x1f1: {  	[sflag:s30] =	ssyncset.done $0x0  }
0x1f2: {  	s25 =	sadd.s32 $0x50, s10;
	s10 =	sadd.s32 $0xA0, s10;
	[sflag:s30] =	ssyncadd.s32 $0xFFFFD800  }
0x1f3: {  	[tilespmem:s20], [sflag:$0x2] =	stream.indirect.gather [hbm4b:s5+s31], $0x80, s25, s31, $0xb8;
	[tilespmem:$0x1F000] =	vst v63  }
0x1f4: {  	_ =	swait.ge [sflag:s21], $0x2800  }
0x1f5: {  	[sflag:s21] =	ssyncset.done $0x0  }
0x1f6: {  	s19 =	simm.s32 $0x19D00;
	[sflag:s21] =	ssyncadd.s32 $0xFFFFD800  }
0x1f7: {  	[spmem:s2] =	stream.indirect.scatter.add.f32 [tilespmem:s0], [sflag:$0x3], $0x80, s19, s31, $0xb8;
	[tilespmem:$0x1F000] =	vst v63  }
0x1f8: {  	_ =	swait.ge [sflag:s30], $0x2800  }
0x1f9: {  	[sflag:s30] =	ssyncset.done $0x0  }
0x1fa: {  	[sflag:s30] =	ssyncadd.s32 $0xFFFFD800  }
0x1fb: {  	[tilespmem:s0], [sflag:$0x1] =	stream.indirect.gather [hbm4b:s5+s31], $0x80, s10, s31, $0xb8;
	[tilespmem:$0x1F000] =	vst v63  }
0x1fc: {  	_ =	swait.ge [sflag:s22], $0x2800  }
0x1fd: {  	[sflag:s22] =	ssyncset.done $0x0  }
0x1fe: {  	[sflag:s22] =	ssyncadd.s32 $0xFFFFD800  }
0x1ff: {  	[spmem:s2] =	stream.indirect.scatter.add.f32 [tilespmem:s20], [sflag:$0x3], $0x80, s24, s31, $0xb8;
	[tilespmem:$0x1F000] =	vst v63  }
0x200: {  	_ =	swait.ge [sflag:s30], $0x2800  }
0x201: {  	[sflag:s30] =	ssyncset.done $0x0  }
0x202: {  	[sflag:s30] =	ssyncadd.s32 $0xFFFFD800  }
0x203: {  	_ =	swait.ge [sflag:s21], $0x2800  }
0x204: {  	[sflag:s21] =	ssyncset.done $0x0  }
0x205: {  	[sflag:s21] =	ssyncadd.s32 $0xFFFFD800  }
0x206: {  	[spmem:s2] =	stream.indirect.scatter.add.f32 [tilespmem:s0], [sflag:$0x3], $0x80, s8, s31, $0xb8;
	[tilespmem:$0x1F000] =	vst v63  }
0x207: {  	_ =	swait.ge [sflag:s30], $0x2800  }
0x208: {  	[sflag:s30] =	ssyncset.done $0x0  }
0x209: {  	[sflag:s30] =	ssyncadd.s32 $0xFFFFD800  }
0x20a: {  	[bflag:$0x0] =	sbarrier.arrive $0xFFFF  }
0x20b: {  	s25 =	rddreg [dreg:$0xa]  }
0x20c: {  	[hbm:s25], [sflag:s4] =	dma.local [spmem:s11], $0x2700  }
.Ltmp13:
0x20d: {  	_ = 	snop;
	(pc) =	sbr.rel @!p2 .LBB2_19-.Ltmp13, $4  }
.Ltmp14:
0x20e: {  	_ = 	snop;
	(pc) =	sbr.rel @p2 .LBB2_18-.Ltmp14, $4  }
0x20f: {  	_ =	swait.ge [sflag:s30], $0x2700  }
0x210: {  	[sflag:s30] =	ssyncset.done $0x0  }
0x211: {  	s10 =	rddreg [dreg:$0x4];
	[sflag:s30] =	ssyncadd.s32 $0xFFFFD900  }
0x212: {  	_ = 	snop  }
.LBB2_20:
0x213: {  	_ =	sfence.sel $0x180000  }
0x214: {  	[bflag:$0x0] =	sbarrier.arrive $0xFFFF  }
0x215: {  	_ =	strace $0x9000004A  }
0x216: {  	[bflag:$0x2] =	sbarrier.arrive $0xFFFF  }
0x217: {  	s0 =	rddreg [dreg:$0x3]  }
0x218: {  	s0 =	sadd.s32 @!p1 $0x100000, s0  }
0x219: {  	[sflag:s0] =	ssyncadd.tile.s32 @!p1 $0x1;
	_ =	shalt  }
.Lfunc_end2:
_tile_overlayer_lowered:
.L_overlay_start_2:
0x21a: {  	(tag) =	ssettag $0x2  }
0x21b: {  	s0 =	rddreg [dreg:$0x0];
	s2 =	stileid.u32  }
0x21c: {  	s1 =	rddreg [dreg:$0x1];
	p0 =	sne.s32 s2, $0x0  }
0x21d: {  	s3 =	rddreg [dreg:$0x2];
	[bflag:$0x3] =	sbarrier.arrive $0xFFFF;
	s2 =	simm.s32 @!p0 $0x1C03  }
0x21e: {  	[timem:s3], [sflag:s2] =	dma.local @!p0 [hbm:s0], s1  }
0x21f: {  	s0 =	simm.s32 @!p0 $0x3  }
0x220: {  	_ =	swait.ge @!p0 [sflag:s0], s1  }
0x221: {  	s1 =	ssub.s32 @!p0 $0x0, s1;
	[sflag:s0] =	ssyncset.done @!p0 $0x0  }
0x222: {  	[sflag:s0] =	ssyncadd.s32 @!p0 s1  }
0x223: {  	[bflag:$0x3] =	sbarrier.arrive $0xFFFF  }
0x224: {  	_ =	shalt  }

// kernel: kernel.13.cloned.1.call-start
scs
__scs_entry_jumppad:
0x0: {  	(pc) =	sbr.rel $0x88, $3  }
0x1: {  	(tag) =	ssettag $0x0;
	lr =	simm.s32 $0x1  }
0x2: {  	[smem:$0x3F90] =	sst lr;
	_ =	strace $0xD0000000  }
0x3: {  	_ = 	snop  }
0x4: {  	_ = 	snop  }
0x5: {  	_ = 	snop  }
0x6: {  	_ = 	snop  }
0x7: {  	_ = 	snop  }
__scs_overlays_trampoline_lowered:
0x8: {  	[smem:$0x3F9F] =	sst s0  }
0x9: {  	[smem:$0x3FA0] =	sst s1  }
0xa: {  	[smem:$0x3FA1] =	sst s2  }
0xb: {  	[smem:$0x3FA2] =	sst s3  }
0xc: {  	[smem:$0x3FA3] =	sst s4  }
0xd: {  	[smem:$0x3FA4] =	sst s5  }
0xe: {  	[smem:$0x3FA5] =	sst s6  }
0xf: {  	[smem:$0x3FA6] =	sst s7  }
0x10: {  	[smem:$0x3FA7] =	sst s8  }
0x11: {  	[smem:$0x3FA8] =	sst s9;
	s0 =	simm.s32 @!p0 $0x0  }
0x12: {  	s1 =	sld [smem:$0x3F8E];
	s0 =	simm.s32 @p0 $0x1  }
0x13: {  	[smem:$0x3FA9] =	sst s0;
	s0 =	simm.s32 @!p1 $0x0  }
0x14: {  	s2 =	sld [smem:$0x3F8D];
	s0 =	simm.s32 @p1 $0x1  }
0x15: {  	[smem:$0x3FAA] =	sst s0;
	s0 =	simm.s32 @!p2 $0x0  }
0x16: {  	s3 =	sld [smem:$0x3FDB];
	s0 =	simm.s32 @p2 $0x1  }
0x17: {  	s4 =	simm.s32 $0x1BF5;
	[smem:$0x3FAC] =	sst s0  }
0x18: {  	s0 =	sld [smem:$0x3F8F];
	_ =	swait.ge [sflag:s4], $0x0  }
0x19: {  	s7 =	sld [smem:$0x3F90]  }
0x1a: {  	s8 =	sadd.s32 $0xFFFFE003, lr  }
0x1b: {  	s9 =	sadd.s32 $0xFFFFFEF7, lr;
	s5 =	simm.s32 $0xFFFFFFFF;
	p2 =	slt.u32 s8, $0xFFFFF086  }
0x1c: {  	p1 =	slt.u32 s9, $0xF7A;
	s5 =	simm.s32 @!p2 $0x0  }
0x1d: {  	s5 =	simm.s32 @p1 $0x1;
	p0 =	seq.s32 s7, s2  }
0x1e: {  	s7 =	smul.u32 @!p0 $0xF7A, s2;
	p2 =	seq.s32 @!p0 s5, $0x0  }
0x1f: {  	s9 =	smul.u32 $0xF7A, s1;
	s8 =	simm.s32 @!p0 $0x1BF5;
	p2 =	por !p2, p0  }
0x20: {  	[sflag:s8] =	ssyncset.s32 @!p0 $0xFFFFF086;
	s6 =	sadd.s32 @!p0 s3, s7;
	s7 =	simm.s32 @!p0 $0x108  }
0x21: {  	s3 =	sadd.s32 s3, s9;
	s6 =	sadd.s32 @!p0 $0x88, s6;
	s7 =	simm.s32 @p2 $0x1082  }
0x22: {  	[simem:s7], [sflag:s8] =	dma.local @!p0 [hbm:s6], $0xF7A  }
0x23: {  	s9 =	sor.u32 $0xD0000000, s2;
	s6 =	simm.s32 $0x108;
	_ =	swait.ge @!p0 [sflag:s8], $0x0  }
0x24: {  	s3 =	sadd.s32 $0x88, s3;
	s6 =	simm.s32 @!p1 $0x1082;
	[sflag:s4] =	ssyncset.s32 $0xFFFFF086  }
0x25: {  	[simem:s6], [sflag:s4] =	dma.local [hbm:s3], $0xF7A  }
0x26: {  	[smem:$0x3F90] =	sst s1;
	(tag) =	ssettag s2;
	_ =	strace s9  }
0x27: {  	s1 =	sld [smem:$0x3FA0]  }
0x28: {  	s2 =	sld [smem:$0x3FA1]  }
0x29: {  	s4 =	sld [smem:$0x3FA3]  }
0x2a: {  	p0 =	seq.s32 s5, $0x0;
	s5 =	sld [smem:$0x3FA4]  }
0x2b: {  	s6 =	sld [smem:$0x3FA5]  }
0x2c: {  	s7 =	sld [smem:$0x3FA6]  }
0x2d: {  	s3 =	simm.s32 $0x108;
	s8 =	sld [smem:$0x3FA7]  }
0x2e: {  	s3 =	simm.s32 @!p0 $0x1082;
	s9 =	sld [smem:$0x3FA8]  }
0x2f: {  	lr =	sadd.s32 s0, s3;
	s0 =	sld [smem:$0x3F9F]  }
0x30: {  	s3 =	sld [smem:$0x3FA2]  }
0x31: {  	[smem:$0x3FAB] =	sst s10  }
0x32: {  	s10 =	sld [smem:$0x3FA9];
	_ =	sdelay $0x3  }
0x33: {  	p0 =	seq.s32 s10, $0x1;
	s10 =	sld [smem:$0x3FAB];
	_ =	sdelay $0x3  }
0x34: {  	[smem:$0x3FAB] =	sst s10  }
0x35: {  	s10 =	sld [smem:$0x3FAA];
	_ =	sdelay $0x3  }
0x36: {  	p1 =	seq.s32 s10, $0x1;
	s10 =	sld [smem:$0x3FAB];
	_ =	sdelay $0x3  }
0x37: {  	[smem:$0x3FAB] =	sst s10  }
0x38: {  	s10 =	sld [smem:$0x3FAC]  }
0x39: {  	_ = 	snop;
	(pc) =	sbr.ind lr, $3  }
0x3a: {  	_ = 	snop  }
0x3b: {  	_ = 	snop  }
0x3c: {  	p2 =	seq.s32 s10, $0x1;
	s10 =	sld [smem:$0x3FAB]  }
0x3d: {  	_ =	shalt  }
0x3e: {  	_ =	shalt  }
0x3f: {  	_ =	shalt  }
0x40: {  	_ =	shalt  }
0x41: {  	_ =	shalt  }
0x42: {  	_ =	shalt  }
0x43: {  	_ =	shalt  }
0x44: {  	_ =	shalt  }
0x45: {  	_ =	shalt  }
0x46: {  	_ =	shalt  }
0x47: {  	_ =	shalt  }
0x48: {  	_ =	shalt  }
0x49: {  	_ =	shalt  }
0x4a: {  	_ =	shalt  }
0x4b: {  	_ =	shalt  }
0x4c: {  	_ =	shalt  }
0x4d: {  	_ =	shalt  }
0x4e: {  	_ =	shalt  }
0x4f: {  	_ =	shalt  }
0x50: {  	_ =	shalt  }
0x51: {  	_ =	shalt  }
0x52: {  	_ =	shalt  }
0x53: {  	_ =	shalt  }
0x54: {  	_ =	shalt  }
0x55: {  	_ =	shalt  }
0x56: {  	_ =	shalt  }
0x57: {  	_ =	shalt  }
0x58: {  	_ =	shalt  }
0x59: {  	_ =	shalt  }
0x5a: {  	_ =	shalt  }
0x5b: {  	_ =	shalt  }
0x5c: {  	_ =	shalt  }
0x5d: {  	_ =	shalt  }
0x5e: {  	_ =	shalt  }
0x5f: {  	_ =	shalt  }
0x60: {  	_ =	shalt  }
0x61: {  	_ =	shalt  }
0x62: {  	_ =	shalt  }
0x63: {  	_ =	shalt  }
0x64: {  	_ =	shalt  }
0x65: {  	_ =	shalt  }
0x66: {  	_ =	shalt  }
0x67: {  	_ =	shalt  }
0x68: {  	_ =	shalt  }
0x69: {  	_ =	shalt  }
0x6a: {  	_ =	shalt  }
0x6b: {  	_ =	shalt  }
0x6c: {  	_ =	shalt  }
0x6d: {  	_ =	shalt  }
0x6e: {  	_ =	shalt  }
0x6f: {  	_ =	shalt  }
0x70: {  	_ =	shalt  }
0x71: {  	_ =	shalt  }
0x72: {  	_ =	shalt  }
0x73: {  	_ =	shalt  }
0x74: {  	_ =	shalt  }
0x75: {  	_ =	shalt  }
0x76: {  	_ =	shalt  }
0x77: {  	_ =	shalt  }
0x78: {  	_ =	shalt  }
0x79: {  	_ =	shalt  }
0x7a: {  	_ =	shalt  }
0x7b: {  	_ =	shalt  }
0x7c: {  	_ =	shalt  }
0x7d: {  	_ =	shalt  }
0x7e: {  	_ =	shalt  }
0x7f: {  	_ =	shalt  }
0x80: {  	_ =	shalt  }
0x81: {  	_ =	shalt  }
0x82: {  	_ =	shalt  }
0x83: {  	_ =	shalt  }
0x84: {  	_ =	shalt  }
0x85: {  	_ =	shalt  }
0x86: {  	_ =	shalt  }
0x87: {  	_ =	shalt  }
.Lfunc_end0:
.L_simem_size_0:
called_computation.2_lowered:
.L_overlay_start_0:
0x88: {  	s2 =	sld [smem:$0x3FD9]  }
0x89: {  	s3 =	sld [smem:$0x3FFE];
	_ =	sdelay $0x1  }
0x8a: {  	s1 =	srdreg.scid  }
0x8b: {  	s0 =	sand.u32 $0x1, s1  }
0x8c: {  	s17 =	sshll.u32 s0, $0xA;
	s2 =	sadd.s32 s3, s2  }
0x8d: {  	s2 =	sadd.s32 s2, s17  }
0x8e: {  	[smem:$0x3FB7] =	sst s2  }
0x8f: {  	_ = 	snop  }
0x90: {  	s2 =	sld [smem:$0x3FD0];
	(tm) =	ssettm $0x1  }
0x91: {  	s18 =	sld [smem:$0x3FFB];
	_ =	sdelay $0x3  }
0x92: {  	_ =	strace s18  }
0x93: {  	s3 =	sld [smem:$0x3FFC];
	_ =	sdelay $0x3  }
0x94: {  	_ =	strace s3  }
0x95: {  	s3 =	sld [smem:$0x3FFD];
	_ =	sdelay $0x3  }
0x96: {  	_ =	strace s3  }
0x97: {  	_ =	strace $0x8FFFFFFF  }
0x98: {  	s19 =	sld [smem:$0x3FDB];
	_ =	sdelay $0x1  }
0x99: {  	s4 =	simm.s32 $_scs_section_size  }
0x9a: {  	s5 =	simm.s32 $_size__tile_overlayer_lowered;
	s6 =	simm.s32 $_tile_overlayer_lowered  }
0x9b: {  	s22 =	simm.s32 $0x1BFF;
	s21 =	sshll.u32 s6, $0x1;
	s3 =	sadd.s32 s4, s19  }
0x9c: {  	s7 =	simm.s32 $0x0;
	s20 =	sshll.u32 s5, $0x1;
	s5 =	sadd.s32 s21, s3  }
0x9d: {  	[timem:s7], [sflag:s22] =	dma.local [hbm:s5], s20  }
0x9e: {  	_ =	swait.ge [sflag:s22], s20  }
0x9f: {  	s4 =	ssub.s32 $0x0, s20;
	[sflag:s22] =	ssyncset.done $0x0  }
0xa0: {  	[sflag:s22] =	ssyncadd.s32 s4;
	_ =	sdelay $0x1  }
0xa1: {  	s23 =	simm.s32 $0x1B8B  }
0xa2: {  	_ =	swait.ge [sflag:s23], $0x1  }
0xa3: {  	[sflag:s23] =	ssyncset.done $0x0  }
0xa4: {  	s25 =	simm.s32 $0x1B8E;
	s24 =	sld [smem:$0x3FFE];
	[sflag:s23] =	ssyncadd.s32 $0xFFFFFFFF  }
0xa5: {  	s26 =	simm.s32 $execute0_lowered;
	[smem:$0x3FD2] =	sst s25  }
0xa6: {  	s5 =	sshll.u32 s26, $0x1;
	_ =	strace $0x8000004C;
	[dreg:$0x1] =	wrdreg $0xFFFFFFFF  }
0xa7: {  	s28 =	simm.s32 $_size_execute0_lowered;
	s3 =	sadd.s32 s3, s5;
	[dreg:$0x0] =	wrdreg $0x0  }
0xa8: {  	s5 =	sshll.u32 s28, $0x1;
	[dreg:$0x2] =	wrdreg s3  }
0xa9: {  	[dreg:$0x3] =	wrdreg s5  }
0xaa: {  	[dreg:$0x4] =	wrdreg $0xC0  }
0xab: {  	_ =	task [dreg:s7], $0x5FFFF  }
0xac: {  	[dreg:$0x1] =	wrdreg $0xFFFFFFFF  }
0xad: {  	[dreg:$0x0] =	wrdreg $0x60  }
0xae: {  	[dreg:$0x2] =	wrdreg s24  }
0xaf: {  	[dreg:$0x3] =	wrdreg s2  }
0xb0: {  	[dreg:$0x4] =	wrdreg $0x9  }
0xb1: {  	_ =	task.clear_ibuf [dreg:s7], $0x5FFFF;
	_ =	strace $0x9000004C  }
0xb2: {  	s29 =	simm.s32 $0x9;
	_ =	strace $0x8000004E  }
0xb3: {  	_ =	swait.ge [sflag:s29], $0x1  }
0xb4: {  	[sflag:s29] =	ssyncadd.s32 $0xFFFFFFFF  }
0xb5: {  	_ =	strace $0x9000004E  }
0xb6: {  	_ =	sfence  }
0xb7: {  	s30 =	sld [smem:$0x0];
	_ =	sdelay $0x2  }
0xb8: {  	s31 =	sshll.u32 s1, $0xD;
	s1 =	sshrl.u32 s1, $0x2  }
0xb9: {  	s3 =	sand.u32 $0x4000, s31;
	s1 =	sadd.s32 s1, s30  }
0xba: {  	s0 =	sor.u32 s3, s0;
	s1 =	sshll.u32 s1, $0x11  }
0xbb: {  	s0 =	sor.u32 s1, s0  }
0xbc: {  	s0 =	sadd.s32 $0x8F2B, s0  }
0xbd: {  	[sflag:s0] =	ssyncadd.remote.s32 $0x1  }
0xbe: {  	_ =	sfence.sel $0xFFFF  }
0xbf: {  	[dreg:$0x0] =	wrdreg $0xFFFFFFFF;
	(pc) =	sbr.abs _section_cstart, $3  }
0xc0: {  	[dreg:$0x1] =	wrdreg $0xFFFFFFFF  }
0xc1: {  	_ =	task.clear_ibuf [dreg:s7], $0x2FFFF;
	_ =	strace $0x9FFFFFFF  }
0xc2: {  	(tm) =	ssettm $0x7FFFFFFF  }
0xc3: {  	_ =	shalt  }
tec
execute0_lowered:
.L_overlay_start_1:
0x0: {  	(tag) =	ssettag $0x1  }
0x1: {  	s0 =	rddreg [dreg:$0x0];
	s1 =	srdreg.scid  }
0x2: {  	s3 =	stileid.u32;
	s2 =	rddreg [dreg:$0x1]  }
0x3: {  	s10 =	simm.s32 $0x5;
	s12 =	simm.s32 $0x2800;
	s13 =	simm.s32 $0x3000  }
0x4: {  	s14 =	simm.s32 $0x3800;
	s15 =	simm.s32 $0x4000;
	s16 =	simm.s32 $0x4800  }
0x5: {  	s17 =	simm.s32 $0x7800;
	s18 =	simm.s32 $0x8000;
	s19 =	simm.s32 $0x8800  }
0x6: {  	s20 =	simm.s32 $0x9000;
	s21 =	simm.s32 $0x9800;
	s28 =	simm.s32 $0xA000  }
0x7: {  	s11 =	simm.s32 $0x3;
	s1 =	sand.u32 $0x1, s1;
	s4 =	sshll.u32 s3, $0x1  }
0x8: {  	s9 =	simm.s32 $0x0;
	s3 =	simm.s32 $0x0;
	s4 =	sor.u32 s1, s4  }
0x9: {  	s5 =	sadd.s32 $0x85C00, s0;
	s1 =	ssub.s32 $0x2, s1;
	s4 =	smul.u32 $0x1388, s4  }
0xa: {  	s6 =	sadd.s32 $0x12C400, s0;
	[smem:$0x7FF] =	sst s3;
	s8 =	sshrl.u32 s1, $0x1  }
.Ltmp0:
0xb: {  	s1 =	ssub.s32 s1, s8;
	s7 =	sshrl.u32 s4, $0x3;
	(pc) =	sbr.rel .LBB2_1-.Ltmp0, $4  }
0xc: {  	_ =	strace $0x8000004D;
	s31 =	smax.u32 s1, $0x1;
	s0 =	sadd.s32 s7, s0  }
0xd: {  	v2 =	vlaneseq.u32;
	s8 =	simm.s32 $0x2;
	[dreg:$0x5] =	wrdreg s31;
	s7 =	sadd.s32 $0x127400, s0  }
0xe: {  	vm0 =	vmmov $0xffff;
	v1 =	vshrl.u32 v2, $0x3;
	s1 =	simm.s32 $0xC000;
	s0 =	sadd.s32 $0x122400, s0;
	[dreg:$0x3] =	wrdreg s7  }
0xf: {  	v0 =	vand.u32 $0x7, v2;
	v2 =	vor.u32 $0x8, v2;
	v1 =	vmul.u32 $0x8, v1;
	[dreg:$0x4] =	wrdreg s0;
	s0 =	simm.s32 $0x1;
	s7 =	simm.s32 $0x4  }
.LBB2_11:
0x10: {  	_ =	swait.ge [sflag:s11], $0x2800  }
0x11: {  	[sflag:s11] =	ssyncset.done $0x0  }
0x12: {  	[sflag:s11] =	ssyncadd.s32 $0xFFFFD800  }
0x13: {  	_ =	swait.ge [sflag:s7], $0x2800  }
0x14: {  	s9 =	sadd.s32 $0x1, s9;
	s22 =	rddreg [dreg:$0x5]  }
0x15: {  	p0 =	sne.s32 s9, s22  }
.Ltmp1:
0x16: {  	_ = 	snop;
	(pc) =	sbr.rel @!p0 .LBB2_12-.Ltmp1, $3  }
0x17: {  	_ =	sdelay $0x1  }
0x18: {  	[sflag:s7] =	ssyncset.done $0x0  }
0x19: {  	[sflag:s7] =	ssyncadd.s32 $0xFFFFD800  }
.LBB2_1:
0x1a: {  	s22 =	rddreg [dreg:$0x3]  }
0x1b: {  	[tilespmem:s3], [sflag:$0x5] =	stream.linear.gather [hbm4b:s22+s3], $0x1388, $0x38;
	[tilespmem:$0xC800] =	vst v63  }
0x1c: {  	_ =	swait.ge [sflag:s10], $0x1388  }
0x1d: {  	[sflag:s10] =	ssyncset.done $0x0  }
0x1e: {  	s23 =	simm.s32 $0x1400;
	s30 =	rddreg [dreg:$0x4];
	[sflag:s10] =	ssyncadd.s32 $0xFFFFEC78  }
0x1f: {  	[tilespmem:s23], [sflag:$0x5] =	stream.linear.gather [hbm4b:s30+s3], $0x1388, $0x38;
	[tilespmem:$0xC800] =	vst v63  }
0x20: {  	_ =	swait.ge [sflag:s10], $0x1388  }
0x21: {  	[sflag:s10] =	ssyncset.done $0x0  }
0x22: {  	[sflag:s10] =	ssyncadd.s32 $0xFFFFEC78  }
0x23: {  	v3 =	vld [tilespmem:$0x0];
	_ =	sdelay $0x4  }
0x24: {  	v4 =	vshll.u32 v3, $0x1  }
0x25: {  	v3 =	vand.u32 $0x7, v3;
	v4 =	vand.u32 $0xFFFFFFF0, v4  }
0x26: {  	v3 =	vor.u32 v3, v4  }
0x27: {  	v4 =	vperm.xlane v3, v0;
	_ =	sdelay $0x1  }
0x28: {  	v3 =	vperm.xlane v3, v2;
	v4 =	vadd.s32 v1, v4;
	_ =	sdelay $0x1  }
0x29: {  	v3 =	vadd.s32 v1, v3;
	_ =	sdelay $0x2  }
0x2a: {  	[tilespmem:s12], [sflag:$0x1] =	stream.indirect_vreg.gather [hbm4b:s5+s3], $0x80, v4, vm0, $0xb8;
	[tilespmem:$0xC800] =	vst v63  }
0x2b: {  	_ = 	snop  }
0x2c: {  	[tilespmem:s13], [sflag:$0x1] =	stream.indirect_vreg.gather [hbm4b:s5+s3], $0x80, v3, vm0, $0xb8;
	[tilespmem:$0xC800] =	vst v63  }
0x2d: {  	v3 =	vld [tilespmem:$0x10];
	_ =	sdelay $0x4  }
0x2e: {  	v53 =	vshll.u32 v3, $0x1  }
0x2f: {  	v3 =	vand.u32 $0x7, v3;
	v4 =	vand.u32 $0xFFFFFFF0, v53  }
0x30: {  	v3 =	vor.u32 v3, v4  }
0x31: {  	v4 =	vperm.xlane v3, v0;
	_ =	sdelay $0x1  }
0x32: {  	v3 =	vperm.xlane v3, v2;
	v4 =	vadd.s32 v1, v4;
	_ =	sdelay $0x1  }
0x33: {  	v3 =	vadd.s32 v1, v3;
	_ =	sdelay $0x2  }
0x34: {  	[tilespmem:s14], [sflag:$0x1] =	stream.indirect_vreg.gather [hbm4b:s5+s3], $0x80, v4, vm0, $0xb8;
	[tilespmem:$0xC800] =	vst v63  }
0x35: {  	_ = 	snop  }
0x36: {  	[tilespmem:s15], [sflag:$0x1] =	stream.indirect_vreg.gather [hbm4b:s5+s3], $0x80, v3, vm0, $0xb8;
	[tilespmem:$0xC800] =	vst v63  }
0x37: {  	v3 =	vld.msk [tilespmem:$0x20], $0xff;
	_ =	sdelay $0x4  }
0x38: {  	v54 =	vshll.u32 v3, $0x1  }
0x39: {  	v3 =	vand.u32 $0x7, v3;
	v4 =	vand.u32 $0xFFFFFFF0, v54  }
0x3a: {  	v3 =	vor.u32 v3, v4  }
0x3b: {  	v3 =	vperm.xlane v3, v0;
	_ =	sdelay $0x1  }
0x3c: {  	v3 =	vadd.s32 v1, v3;
	_ =	sdelay $0x4  }
0x3d: {  	[tilespmem:s16], [sflag:$0x1] =	stream.indirect_vreg.gather [hbm4b:s5+s3], $0x80, v3, vm0, $0xb8;
	[tilespmem:$0xC800] =	vst v63  }
0x3e: {  	v3 =	vld [tilespmem:$0x1400];
	_ =	sdelay $0x4  }
0x3f: {  	v55 =	vshll.u32 v3, $0x1  }
0x40: {  	v3 =	vand.u32 $0x7, v3;
	v4 =	vand.u32 $0xFFFFFFF0, v55  }
0x41: {  	v3 =	vor.u32 v3, v4  }
0x42: {  	v4 =	vperm.xlane v3, v0;
	_ =	sdelay $0x1  }
0x43: {  	v3 =	vperm.xlane v3, v2;
	v4 =	vadd.s32 v1, v4;
	_ =	sdelay $0x1  }
0x44: {  	v3 =	vadd.s32 v1, v3;
	_ =	sdelay $0x2  }
0x45: {  	[tilespmem:s17], [sflag:$0x1] =	stream.indirect_vreg.gather [hbm4b:s6+s3], $0x80, v4, vm0, $0xb8;
	[tilespmem:$0xC800] =	vst v63  }
0x46: {  	_ = 	snop  }
0x47: {  	[tilespmem:s18], [sflag:$0x1] =	stream.indirect_vreg.gather [hbm4b:s6+s3], $0x80, v3, vm0, $0xb8;
	[tilespmem:$0xC800] =	vst v63  }
0x48: {  	v3 =	vld [tilespmem:$0x1410];
	_ =	sdelay $0x4  }
0x49: {  	v56 =	vshll.u32 v3, $0x1  }
0x4a: {  	v3 =	vand.u32 $0x7, v3;
	v4 =	vand.u32 $0xFFFFFFF0, v56  }
0x4b: {  	v3 =	vor.u32 v3, v4  }
0x4c: {  	v4 =	vperm.xlane v3, v0;
	_ =	sdelay $0x1  }
0x4d: {  	v3 =	vperm.xlane v3, v2;
	v4 =	vadd.s32 v1, v4;
	_ =	sdelay $0x1  }
0x4e: {  	v3 =	vadd.s32 v1, v3;
	_ =	sdelay $0x2  }
0x4f: {  	[tilespmem:s19], [sflag:$0x1] =	stream.indirect_vreg.gather [hbm4b:s6+s3], $0x80, v4, vm0, $0xb8;
	[tilespmem:$0xC800] =	vst v63  }
0x50: {  	_ = 	snop  }
0x51: {  	[tilespmem:s20], [sflag:$0x1] =	stream.indirect_vreg.gather [hbm4b:s6+s3], $0x80, v3, vm0, $0xb8;
	[tilespmem:$0xC800] =	vst v63  }
0x52: {  	v3 =	vld.msk [tilespmem:$0x1420], $0xff;
	_ =	sdelay $0x4  }
0x53: {  	v57 =	vshll.u32 v3, $0x1  }
0x54: {  	v3 =	vand.u32 $0x7, v3;
	v4 =	vand.u32 $0xFFFFFFF0, v57  }
0x55: {  	v3 =	vor.u32 v3, v4  }
0x56: {  	v3 =	vperm.xlane v3, v0;
	_ =	sdelay $0x1  }
0x57: {  	v3 =	vadd.s32 v1, v3;
	_ =	sdelay $0x4  }
0x58: {  	[tilespmem:s21], [sflag:$0x1] =	stream.indirect_vreg.gather [hbm4b:s6+s3], $0x80, v3, vm0, $0xb8;
	[tilespmem:$0xC800] =	vst v63  }
0x59: {  	v3 =	vld [tilespmem:$0x28];
	_ =	sdelay $0x4  }
0x5a: {  	v58 =	vshll.u32 v3, $0x1  }
0x5b: {  	v3 =	vand.u32 $0x7, v3;
	v4 =	vand.u32 $0xFFFFFFF0, v58  }
0x5c: {  	v3 =	vor.u32 v3, v4  }
0x5d: {  	v4 =	vperm.xlane v3, v0;
	_ =	sdelay $0x1  }
0x5e: {  	v3 =	vperm.xlane v3, v2;
	v4 =	vadd.s32 v1, v4;
	_ =	sdelay $0x1  }
0x5f: {  	v3 =	vadd.s32 v1, v3;
	_ =	sdelay $0x1  }
0x60: {  	s31 =	simm.s32 $0x5000  }
0x61: {  	[tilespmem:s31], [sflag:$0x2] =	stream.indirect_vreg.gather [hbm4b:s5+s3], $0x80, v4, vm0, $0xb8;
	[tilespmem:$0xC800] =	vst v63  }
0x62: {  	s23 =	simm.s32 $0x5800  }
0x63: {  	[tilespmem:s23], [sflag:$0x2] =	stream.indirect_vreg.gather [hbm4b:s5+s3], $0x80, v3, vm0, $0xb8;
	[tilespmem:$0xC800] =	vst v63  }
0x64: {  	v3 =	vld [tilespmem:$0x38];
	_ =	sdelay $0x4  }
0x65: {  	v59 =	vshll.u32 v3, $0x1  }
0x66: {  	v3 =	vand.u32 $0x7, v3;
	v4 =	vand.u32 $0xFFFFFFF0, v59  }
0x67: {  	v3 =	vor.u32 v3, v4  }
0x68: {  	v4 =	vperm.xlane v3, v0;
	_ =	sdelay $0x1  }
0x69: {  	v3 =	vperm.xlane v3, v2;
	v4 =	vadd.s32 v1, v4;
	_ =	sdelay $0x1  }
0x6a: {  	v3 =	vadd.s32 v1, v3;
	_ =	sdelay $0x1  }
0x6b: {  	s24 =	simm.s32 $0x6000  }
0x6c: {  	[tilespmem:s24], [sflag:$0x2] =	stream.indirect_vreg.gather [hbm4b:s5+s3], $0x80, v4, vm0, $0xb8;
	[tilespmem:$0xC800] =	vst v63  }
0x6d: {  	s25 =	simm.s32 $0x6800  }
0x6e: {  	[tilespmem:s25], [sflag:$0x2] =	stream.indirect_vreg.gather [hbm4b:s5+s3], $0x80, v3, vm0, $0xb8;
	[tilespmem:$0xC800] =	vst v63  }
0x6f: {  	v3 =	vld.msk [tilespmem:$0x48], $0xff;
	_ =	sdelay $0x4  }
0x70: {  	v60 =	vshll.u32 v3, $0x1  }
0x71: {  	v3 =	vand.u32 $0x7, v3;
	v4 =	vand.u32 $0xFFFFFFF0, v60  }
0x72: {  	v3 =	vor.u32 v3, v4  }
0x73: {  	v3 =	vperm.xlane v3, v0;
	_ =	sdelay $0x1  }
0x74: {  	v3 =	vadd.s32 v1, v3;
	_ =	sdelay $0x3  }
0x75: {  	s26 =	simm.s32 $0x7000  }
0x76: {  	[tilespmem:s26], [sflag:$0x2] =	stream.indirect_vreg.gather [hbm4b:s5+s3], $0x80, v3, vm0, $0xb8;
	[tilespmem:$0xC800] =	vst v63  }
0x77: {  	v3 =	vld [tilespmem:$0x1428];
	_ =	sdelay $0x4  }
0x78: {  	v61 =	vshll.u32 v3, $0x1  }
0x79: {  	v3 =	vand.u32 $0x7, v3;
	v4 =	vand.u32 $0xFFFFFFF0, v61  }
0x7a: {  	v3 =	vor.u32 v3, v4  }
0x7b: {  	v4 =	vperm.xlane v3, v0;
	_ =	sdelay $0x1  }
0x7c: {  	v3 =	vperm.xlane v3, v2;
	v4 =	vadd.s32 v1, v4;
	_ =	sdelay $0x1  }
0x7d: {  	v3 =	vadd.s32 v1, v3;
	_ =	sdelay $0x2  }
0x7e: {  	[tilespmem:s28], [sflag:$0x2] =	stream.indirect_vreg.gather [hbm4b:s6+s3], $0x80, v4, vm0, $0xb8;
	[tilespmem:$0xC800] =	vst v63  }
0x7f: {  	s29 =	simm.s32 $0xA800  }
0x80: {  	[tilespmem:s29], [sflag:$0x2] =	stream.indirect_vreg.gather [hbm4b:s6+s3], $0x80, v3, vm0, $0xb8;
	[tilespmem:$0xC800] =	vst v63  }
0x81: {  	v3 =	vld [tilespmem:$0x1438];
	_ =	sdelay $0x4  }
0x82: {  	v62 =	vshll.u32 v3, $0x1  }
0x83: {  	v3 =	vand.u32 $0x7, v3;
	v4 =	vand.u32 $0xFFFFFFF0, v62  }
0x84: {  	v3 =	vor.u32 v3, v4  }
0x85: {  	v4 =	vperm.xlane v3, v0;
	_ =	sdelay $0x1  }
0x86: {  	v3 =	vperm.xlane v3, v2;
	v4 =	vadd.s32 v1, v4;
	_ =	sdelay $0x1  }
0x87: {  	v3 =	vadd.s32 v1, v3;
	_ =	sdelay $0x1  }
0x88: {  	s30 =	simm.s32 $0xB000  }
0x89: {  	[tilespmem:s30], [sflag:$0x2] =	stream.indirect_vreg.gather [hbm4b:s6+s3], $0x80, v4, vm0, $0xb8;
	[tilespmem:$0xC800] =	vst v63  }
0x8a: {  	s31 =	simm.s32 $0xB800  }
0x8b: {  	[tilespmem:s31], [sflag:$0x2] =	stream.indirect_vreg.gather [hbm4b:s6+s3], $0x80, v3, vm0, $0xb8;
	[tilespmem:$0xC800] =	vst v63  }
0x8c: {  	v3 =	vld.msk [tilespmem:$0x1448], $0xff;
	_ =	sdelay $0x4  }
0x8d: {  	v63 =	vshll.u32 v3, $0x1  }
0x8e: {  	v3 =	vand.u32 $0x7, v3;
	v4 =	vand.u32 $0xFFFFFFF0, v63  }
0x8f: {  	v3 =	vor.u32 v3, v4  }
0x90: {  	v3 =	vperm.xlane v3, v0;
	_ =	sdelay $0x1  }
0x91: {  	v3 =	vadd.s32 v1, v3  }
.Ltmp2:
0x92: {  	_ = 	snop;
	(pc) =	sbr.rel .LBB2_2-.Ltmp2, $3  }
0x93: {  	_ =	sdelay $0x1  }
0x94: {  	s22 =	simm.s32 $0x0  }
0x95: {  	[tilespmem:s1], [sflag:$0x2] =	stream.indirect_vreg.gather [hbm4b:s6+s3], $0x80, v3, vm0, $0xb8;
	[tilespmem:$0xC800] =	vst v63  }
.LBB2_10:
0x96: {  	s22 =	sadd.s32 $0x1, s22  }
0x97: {  	p0 =	sne.s32 s22, $0x3F  }
.Ltmp3:
0x98: {  	_ = 	snop;
	(pc) =	sbr.rel @!p0 .LBB2_11-.Ltmp3, $1  }
0x99: {  	_ =	sdelay $0x3  }
.LBB2_2:
0x9a: {  	_ =	swait.ge [sflag:s0], $0x2800  }
0x9b: {  	[sflag:s0] =	ssyncset.done $0x0  }
0x9c: {  	[sflag:s0] =	ssyncadd.s32 $0xFFFFD800  }
0x9d: {  	s23 =	simm.s32 $0x0;
	_ =	swait.ge [sflag:s0], $0x2800  }
0x9e: {  	s24 =	sand.u32 $0x3800, s23;
	s23 =	sand.u32 $0x380, s23;
	[sflag:s0] =	ssyncset.done $0x0  }
0x9f: {  	s23 =	sor.u32 s23, s24;
	[sflag:s0] =	ssyncadd.s32 $0xFFFFD800  }
0xa0: {  	v3 =	vld [tilespmem:s23+$0x2C70]  }
0xa1: {  	v4 =	vld [tilespmem:s23+$0x2800]  }
0xa2: {  	v5 =	vld [tilespmem:s23+$0x2810]  }
0xa3: {  	v6 =	vld [tilespmem:s23+$0x2820]  }
0xa4: {  	v7 =	vld [tilespmem:s23+$0x2830]  }
0xa5: {  	v8 =	vld [tilespmem:s23+$0x2840]  }
0xa6: {  	v9 =	vld [tilespmem:s23+$0x2850]  }
0xa7: {  	v10 =	vld [tilespmem:s23+$0x2860]  }
0xa8: {  	v11 =	vld [tilespmem:s23+$0x2870]  }
0xa9: {  	v12 =	vld [tilespmem:s23+$0x2C00]  }
0xaa: {  	v13 =	vld [tilespmem:s23+$0x2C10]  }
0xab: {  	v14 =	vld [tilespmem:s23+$0x2C20]  }
0xac: {  	v15 =	vld [tilespmem:s23+$0x2C30]  }
0xad: {  	v16 =	vld [tilespmem:s23+$0x2C40]  }
0xae: {  	v17 =	vld [tilespmem:s23+$0x2C50]  }
0xaf: {  	[tilespmem:s23+$0x7C70] =	vst.add.f32.msk $0xffff, v3  }
0xb0: {  	v3 =	vld [tilespmem:s23+$0x2C60]  }
0xb1: {  	[tilespmem:s23+$0x7800] =	vst.add.f32.msk $0xffff, v4  }
0xb2: {  	[tilespmem:s23+$0x7810] =	vst.add.f32.msk $0xffff, v5  }
0xb3: {  	[tilespmem:s23+$0x7820] =	vst.add.f32.msk $0xffff, v6  }
0xb4: {  	[tilespmem:s23+$0x7830] =	vst.add.f32.msk $0xffff, v7  }
0xb5: {  	[tilespmem:s23+$0x7840] =	vst.add.f32.msk $0xffff, v8  }
0xb6: {  	[tilespmem:s23+$0x7850] =	vst.add.f32.msk $0xffff, v9  }
0xb7: {  	[tilespmem:s23+$0x7860] =	vst.add.f32.msk $0xffff, v10  }
0xb8: {  	[tilespmem:s23+$0x7870] =	vst.add.f32.msk $0xffff, v11  }
0xb9: {  	[tilespmem:s23+$0x7C00] =	vst.add.f32.msk $0xffff, v12  }
0xba: {  	[tilespmem:s23+$0x7C10] =	vst.add.f32.msk $0xffff, v13  }
0xbb: {  	[tilespmem:s23+$0x7C20] =	vst.add.f32.msk $0xffff, v14  }
0xbc: {  	[tilespmem:s23+$0x7C30] =	vst.add.f32.msk $0xffff, v15  }
0xbd: {  	s25 =	simm.s32 $0x100;
	s24 =	simm.s32 $0x80;
	[tilespmem:s23+$0x7C40] =	vst.add.f32.msk $0xffff, v16  }
0xbe: {  	s26 =	sand.u32 $0x3800, s25;
	s25 =	simm.s32 $0x200;
	s29 =	sand.u32 $0x380, s24;
	[tilespmem:s23+$0x7C50] =	vst.add.f32.msk $0xffff, v17  }
.LBB2_3:
0xbf: {  	p0 =	sne.s32 s25, $0x2700;
	[tilespmem:s23+$0x7C60] =	vst.add.f32.msk $0xffff, v3;
	s23 =	sor.u32 s29, s26  }
0xc0: {  	v3 =	vld [tilespmem:s23+$0x2C70]  }
0xc1: {  	v4 =	vld [tilespmem:s23+$0x2800]  }
0xc2: {  	v5 =	vld [tilespmem:s23+$0x2810]  }
0xc3: {  	v6 =	vld [tilespmem:s23+$0x2820]  }
0xc4: {  	v7 =	vld [tilespmem:s23+$0x2830]  }
0xc5: {  	[tilespmem:s23+$0x7C70] =	vst.add.f32.msk $0xffff, v3  }
0xc6: {  	v8 =	vld [tilespmem:s23+$0x2840]  }
0xc7: {  	v9 =	vld [tilespmem:s23+$0x2850]  }
0xc8: {  	v10 =	vld [tilespmem:s23+$0x2860]  }
0xc9: {  	v11 =	vld [tilespmem:s23+$0x2870]  }
0xca: {  	v12 =	vld [tilespmem:s23+$0x2C00]  }
0xcb: {  	v13 =	vld [tilespmem:s23+$0x2C10]  }
0xcc: {  	v14 =	vld [tilespmem:s23+$0x2C20]  }
0xcd: {  	v15 =	vld [tilespmem:s23+$0x2C30]  }
0xce: {  	v16 =	vld [tilespmem:s23+$0x2C40]  }
0xcf: {  	v17 =	vld [tilespmem:s23+$0x2C50]  }
0xd0: {  	v3 =	vld [tilespmem:s23+$0x2C60]  }
0xd1: {  	[tilespmem:s23+$0x7800] =	vst.add.f32.msk $0xffff, v4  }
0xd2: {  	[tilespmem:s23+$0x7810] =	vst.add.f32.msk $0xffff, v5  }
0xd3: {  	[tilespmem:s23+$0x7820] =	vst.add.f32.msk $0xffff, v6  }
0xd4: {  	[tilespmem:s23+$0x7830] =	vst.add.f32.msk $0xffff, v7  }
0xd5: {  	[tilespmem:s23+$0x7840] =	vst.add.f32.msk $0xffff, v8  }
0xd6: {  	[tilespmem:s23+$0x7850] =	vst.add.f32.msk $0xffff, v9  }
0xd7: {  	[tilespmem:s23+$0x7860] =	vst.add.f32.msk $0xffff, v10  }
0xd8: {  	[tilespmem:s23+$0x7870] =	vst.add.f32.msk $0xffff, v11  }
0xd9: {  	[tilespmem:s23+$0x7C00] =	vst.add.f32.msk $0xffff, v12  }
.Ltmp4:
0xda: {  	[tilespmem:s23+$0x7C10] =	vst.add.f32.msk $0xffff, v13;
	(pc) =	sbr.rel @p0 .LBB2_3-.Ltmp4, $4  }
0xdb: {  	[tilespmem:s23+$0x7C20] =	vst.add.f32.msk $0xffff, v14  }
0xdc: {  	[tilespmem:s23+$0x7C30] =	vst.add.f32.msk $0xffff, v15  }
0xdd: {  	s24 =	sadd.s32 $0x80, s24;
	[tilespmem:s23+$0x7C40] =	vst.add.f32.msk $0xffff, v16  }
0xde: {  	s26 =	sand.u32 $0x3800, s25;
	s25 =	sadd.s32 $0x100, s25;
	s29 =	sand.u32 $0x380, s24;
	[tilespmem:s23+$0x7C50] =	vst.add.f32.msk $0xffff, v17  }
0xdf: {  	s24 =	sor.u32 s29, s26;
	[tilespmem:s23+$0x7C60] =	vst.add.f32.msk $0xffff, v3  }
0xe0: {  	v3 =	vld [tilespmem:s24+$0x2C70]  }
0xe1: {  	v4 =	vld [tilespmem:s24+$0x2800]  }
0xe2: {  	v5 =	vld [tilespmem:s24+$0x2810]  }
0xe3: {  	v6 =	vld [tilespmem:s24+$0x2820]  }
0xe4: {  	v7 =	vld [tilespmem:s24+$0x2830]  }
0xe5: {  	v8 =	vld [tilespmem:s24+$0x2850]  }
0xe6: {  	v9 =	vld [tilespmem:s24+$0x2860]  }
0xe7: {  	v10 =	vld [tilespmem:s24+$0x2870]  }
0xe8: {  	v11 =	vld [tilespmem:s24+$0x2C00]  }
0xe9: {  	v12 =	vld [tilespmem:s24+$0x2C10]  }
0xea: {  	v13 =	vld [tilespmem:s24+$0x2C20]  }
0xeb: {  	v14 =	vld [tilespmem:s24+$0x2C30]  }
0xec: {  	v15 =	vld [tilespmem:s24+$0x2C40]  }
0xed: {  	v16 =	vld [tilespmem:s24+$0x2C50]  }
0xee: {  	v17 =	vld [tilespmem:s24+$0x2C60]  }
0xef: {  	[tilespmem:s24+$0x7C70] =	vst.add.f32.msk $0xffff, v3  }
0xf0: {  	v3 =	vld [tilespmem:s24+$0x2840]  }
0xf1: {  	[tilespmem:s24+$0x7800] =	vst.add.f32.msk $0xffff, v4  }
0xf2: {  	[tilespmem:s24+$0x7810] =	vst.add.f32.msk $0xffff, v5  }
0xf3: {  	[tilespmem:s24+$0x7820] =	vst.add.f32.msk $0xffff, v6  }
0xf4: {  	[tilespmem:s24+$0x7830] =	vst.add.f32.msk $0xffff, v7  }
0xf5: {  	[tilespmem:s24+$0x7850] =	vst.add.f32.msk $0xffff, v8  }
0xf6: {  	[tilespmem:s24+$0x7860] =	vst.add.f32.msk $0xffff, v9  }
0xf7: {  	[tilespmem:s24+$0x7870] =	vst.add.f32.msk $0xffff, v10  }
0xf8: {  	[tilespmem:s24+$0x7C00] =	vst.add.f32.msk $0xffff, v11  }
0xf9: {  	[tilespmem:s24+$0x7C10] =	vst.add.f32.msk $0xffff, v12  }
0xfa: {  	[tilespmem:s24+$0x7C20] =	vst.add.f32.msk $0xffff, v13  }
0xfb: {  	s23 =	smul.u32 $0x50, s22;
	p0 =	seq.s32 s22, $0x3E;
	[tilespmem:s24+$0x7C30] =	vst.add.f32.msk $0xffff, v14  }
.Ltmp5:
0xfc: {  	[tilespmem:s24+$0x7C40] =	vst.add.f32.msk $0xffff, v15;
	(pc) =	sbr.rel @p0 .LBB2_11-.Ltmp5, $4  }
0xfd: {  	s25 =	sadd.s32 s4, s23;
	[tilespmem:s24+$0x7C50] =	vst.add.f32.msk $0xffff, v16  }
0xfe: {  	s25 =	sshll.u32 s25, $0x5;
	[tilespmem:s24+$0x7C60] =	vst.add.f32.msk $0xffff, v17  }
0xff: {  	s31 =	sadd.s32 s2, s25;
	[tilespmem:s24+$0x7840] =	vst.add.f32.msk $0xffff, v3  }
0x100: {  	[hbm4b:s31+s3] =	stream.linear.scatter [tilespmem:s17], [sflag:$0x3], $0x2800, $0x38;
	[tilespmem:$0xC800] =	vst v63  }
0x101: {  	v3 =	vld [tilespmem:s23+$0x50];
	_ =	sdelay $0x4  }
0x102: {  	v4 =	vshll.u32 v3, $0x1  }
0x103: {  	v3 =	vand.u32 $0x7, v3;
	v4 =	vand.u32 $0xFFFFFFF0, v4  }
0x104: {  	v3 =	vor.u32 v3, v4  }
0x105: {  	v4 =	vperm.xlane v3, v0;
	_ =	sdelay $0x1  }
0x106: {  	v3 =	vperm.xlane v3, v2;
	v4 =	vadd.s32 v1, v4;
	_ =	sdelay $0x1  }
0x107: {  	v3 =	vadd.s32 v1, v3;
	_ =	sdelay $0x2  }
0x108: {  	[tilespmem:s12], [sflag:$0x1] =	stream.indirect_vreg.gather [hbm4b:s5+s3], $0x80, v4, vm0, $0xb8;
	[tilespmem:$0xC800] =	vst v63  }
0x109: {  	_ = 	snop  }
0x10a: {  	[tilespmem:s13], [sflag:$0x1] =	stream.indirect_vreg.gather [hbm4b:s5+s3], $0x80, v3, vm0, $0xb8;
	[tilespmem:$0xC800] =	vst v63  }
0x10b: {  	v3 =	vld [tilespmem:s23+$0x60];
	_ =	sdelay $0x4  }
0x10c: {  	v59 =	vshll.u32 v3, $0x1  }
0x10d: {  	v3 =	vand.u32 $0x7, v3;
	v4 =	vand.u32 $0xFFFFFFF0, v59  }
0x10e: {  	v3 =	vor.u32 v3, v4  }
0x10f: {  	v4 =	vperm.xlane v3, v0;
	_ =	sdelay $0x1  }
0x110: {  	v3 =	vperm.xlane v3, v2;
	v4 =	vadd.s32 v1, v4;
	_ =	sdelay $0x1  }
0x111: {  	v3 =	vadd.s32 v1, v3;
	_ =	sdelay $0x2  }
0x112: {  	[tilespmem:s14], [sflag:$0x1] =	stream.indirect_vreg.gather [hbm4b:s5+s3], $0x80, v4, vm0, $0xb8;
	[tilespmem:$0xC800] =	vst v63  }
0x113: {  	_ = 	snop  }
0x114: {  	[tilespmem:s15], [sflag:$0x1] =	stream.indirect_vreg.gather [hbm4b:s5+s3], $0x80, v3, vm0, $0xb8;
	[tilespmem:$0xC800] =	vst v63  }
0x115: {  	v3 =	vld.msk [tilespmem:s23+$0x70], $0xff;
	_ =	sdelay $0x4  }
0x116: {  	v60 =	vshll.u32 v3, $0x1  }
0x117: {  	v3 =	vand.u32 $0x7, v3;
	v4 =	vand.u32 $0xFFFFFFF0, v60  }
0x118: {  	v3 =	vor.u32 v3, v4  }
0x119: {  	v3 =	vperm.xlane v3, v0;
	_ =	sdelay $0x1  }
0x11a: {  	v3 =	vadd.s32 v1, v3;
	_ =	sdelay $0x4  }
0x11b: {  	[tilespmem:s16], [sflag:$0x1] =	stream.indirect_vreg.gather [hbm4b:s5+s3], $0x80, v3, vm0, $0xb8;
	[tilespmem:$0xC800] =	vst v63  }
0x11c: {  	_ =	swait.ge [sflag:s11], $0x2800  }
0x11d: {  	[sflag:s11] =	ssyncset.done $0x0  }
0x11e: {  	[sflag:s11] =	ssyncadd.s32 $0xFFFFD800  }
0x11f: {  	v3 =	vld [tilespmem:s23+$0x1450];
	_ =	sdelay $0x4  }
0x120: {  	v61 =	vshll.u32 v3, $0x1  }
0x121: {  	v3 =	vand.u32 $0x7, v3;
	v4 =	vand.u32 $0xFFFFFFF0, v61  }
0x122: {  	v3 =	vor.u32 v3, v4  }
0x123: {  	v4 =	vperm.xlane v3, v0;
	_ =	sdelay $0x1  }
0x124: {  	v3 =	vperm.xlane v3, v2;
	v4 =	vadd.s32 v1, v4;
	_ =	sdelay $0x1  }
0x125: {  	v3 =	vadd.s32 v1, v3;
	_ =	sdelay $0x2  }
0x126: {  	[tilespmem:s17], [sflag:$0x1] =	stream.indirect_vreg.gather [hbm4b:s6+s3], $0x80, v4, vm0, $0xb8;
	[tilespmem:$0xC800] =	vst v63  }
0x127: {  	_ = 	snop  }
0x128: {  	[tilespmem:s18], [sflag:$0x1] =	stream.indirect_vreg.gather [hbm4b:s6+s3], $0x80, v3, vm0, $0xb8;
	[tilespmem:$0xC800] =	vst v63  }
0x129: {  	v3 =	vld [tilespmem:s23+$0x1460];
	_ =	sdelay $0x4  }
0x12a: {  	v62 =	vshll.u32 v3, $0x1  }
0x12b: {  	v3 =	vand.u32 $0x7, v3;
	v4 =	vand.u32 $0xFFFFFFF0, v62  }
0x12c: {  	v3 =	vor.u32 v3, v4  }
0x12d: {  	v4 =	vperm.xlane v3, v0;
	_ =	sdelay $0x1  }
0x12e: {  	v3 =	vperm.xlane v3, v2;
	v4 =	vadd.s32 v1, v4;
	_ =	sdelay $0x1  }
0x12f: {  	v3 =	vadd.s32 v1, v3;
	_ =	sdelay $0x2  }
0x130: {  	[tilespmem:s19], [sflag:$0x1] =	stream.indirect_vreg.gather [hbm4b:s6+s3], $0x80, v4, vm0, $0xb8;
	[tilespmem:$0xC800] =	vst v63  }
0x131: {  	_ = 	snop  }
0x132: {  	[tilespmem:s20], [sflag:$0x1] =	stream.indirect_vreg.gather [hbm4b:s6+s3], $0x80, v3, vm0, $0xb8;
	[tilespmem:$0xC800] =	vst v63  }
0x133: {  	v3 =	vld.msk [tilespmem:s23+$0x1470], $0xff;
	_ =	sdelay $0x4  }
0x134: {  	v63 =	vshll.u32 v3, $0x1  }
0x135: {  	v3 =	vand.u32 $0x7, v3;
	v4 =	vand.u32 $0xFFFFFFF0, v63  }
0x136: {  	v3 =	vor.u32 v3, v4  }
0x137: {  	v3 =	vperm.xlane v3, v0  }
0x138: {  	s24 =	sshllo.u32 s22, $0x1  }
0x139: {  	p0 =	sgt.u32 s24, $0x7C;
	v3 =	vadd.s32 v1, v3  }
.Ltmp6:
0x13a: {  	_ = 	snop;
	(pc) =	sbr.rel @p0 .LBB2_10-.Ltmp6, $2  }
0x13b: {  	_ =	sdelay $0x2  }
0x13c: {  	[tilespmem:s21], [sflag:$0x1] =	stream.indirect_vreg.gather [hbm4b:s6+s3], $0x80, v3, vm0, $0xb8;
	[tilespmem:$0xC800] =	vst v63  }
0x13d: {  	_ =	swait.ge [sflag:s8], $0x2800  }
0x13e: {  	[sflag:s8] =	ssyncset.done $0x0  }
0x13f: {  	[sflag:s8] =	ssyncadd.s32 $0xFFFFD800  }
0x140: {  	s25 =	simm.s32 $0x0;
	_ =	swait.ge [sflag:s8], $0x2800  }
0x141: {  	s26 =	sand.u32 $0x3800, s25;
	s25 =	sand.u32 $0x380, s25;
	[sflag:s8] =	ssyncset.done $0x0  }
0x142: {  	s25 =	sor.u32 s25, s26;
	[sflag:s8] =	ssyncadd.s32 $0xFFFFD800  }
0x143: {  	v3 =	vld [tilespmem:s25+$0x5470]  }
0x144: {  	v4 =	vld [tilespmem:s25+$0x5000]  }
0x145: {  	v5 =	vld [tilespmem:s25+$0x5010]  }
0x146: {  	v6 =	vld [tilespmem:s25+$0x5020]  }
0x147: {  	v7 =	vld [tilespmem:s25+$0x5030]  }
0x148: {  	v8 =	vld [tilespmem:s25+$0x5040]  }
0x149: {  	v9 =	vld [tilespmem:s25+$0x5050]  }
0x14a: {  	v10 =	vld [tilespmem:s25+$0x5060]  }
0x14b: {  	v11 =	vld [tilespmem:s25+$0x5070]  }
0x14c: {  	v12 =	vld [tilespmem:s25+$0x5400]  }
0x14d: {  	v13 =	vld [tilespmem:s25+$0x5410]  }
0x14e: {  	v14 =	vld [tilespmem:s25+$0x5420]  }
0x14f: {  	v15 =	vld [tilespmem:s25+$0x5430]  }
0x150: {  	v16 =	vld [tilespmem:s25+$0x5440]  }
0x151: {  	v17 =	vld [tilespmem:s25+$0x5450]  }
0x152: {  	[tilespmem:s25+$0xA470] =	vst.add.f32.msk $0xffff, v3  }
0x153: {  	v3 =	vld [tilespmem:s25+$0x5460]  }
0x154: {  	[tilespmem:s25+$0xA000] =	vst.add.f32.msk $0xffff, v4  }
0x155: {  	[tilespmem:s25+$0xA010] =	vst.add.f32.msk $0xffff, v5  }
0x156: {  	[tilespmem:s25+$0xA020] =	vst.add.f32.msk $0xffff, v6  }
0x157: {  	[tilespmem:s25+$0xA030] =	vst.add.f32.msk $0xffff, v7  }
0x158: {  	[tilespmem:s25+$0xA040] =	vst.add.f32.msk $0xffff, v8  }
0x159: {  	[tilespmem:s25+$0xA050] =	vst.add.f32.msk $0xffff, v9  }
0x15a: {  	[tilespmem:s25+$0xA060] =	vst.add.f32.msk $0xffff, v10  }
0x15b: {  	[tilespmem:s25+$0xA070] =	vst.add.f32.msk $0xffff, v11  }
0x15c: {  	[tilespmem:s25+$0xA400] =	vst.add.f32.msk $0xffff, v12  }
0x15d: {  	[tilespmem:s25+$0xA410] =	vst.add.f32.msk $0xffff, v13  }
0x15e: {  	[tilespmem:s25+$0xA420] =	vst.add.f32.msk $0xffff, v14  }
0x15f: {  	[tilespmem:s25+$0xA430] =	vst.add.f32.msk $0xffff, v15  }
0x160: {  	s29 =	simm.s32 $0x100;
	s26 =	simm.s32 $0x80;
	[tilespmem:s25+$0xA440] =	vst.add.f32.msk $0xffff, v16  }
0x161: {  	s30 =	sand.u32 $0x3800, s29;
	s29 =	simm.s32 $0x200;
	s31 =	sand.u32 $0x380, s26;
	[tilespmem:s25+$0xA450] =	vst.add.f32.msk $0xffff, v17  }
.LBB2_7:
0x162: {  	p0 =	sne.s32 s29, $0x2700;
	[tilespmem:s25+$0xA460] =	vst.add.f32.msk $0xffff, v3;
	s25 =	sor.u32 s31, s30  }
0x163: {  	v3 =	vld [tilespmem:s25+$0x5470]  }
0x164: {  	v4 =	vld [tilespmem:s25+$0x5000]  }
0x165: {  	v5 =	vld [tilespmem:s25+$0x5010]  }
0x166: {  	v6 =	vld [tilespmem:s25+$0x5020]  }
0x167: {  	v7 =	vld [tilespmem:s25+$0x5030]  }
0x168: {  	[tilespmem:s25+$0xA470] =	vst.add.f32.msk $0xffff, v3  }
0x169: {  	v8 =	vld [tilespmem:s25+$0x5040]  }
0x16a: {  	v9 =	vld [tilespmem:s25+$0x5050]  }
0x16b: {  	v10 =	vld [tilespmem:s25+$0x5060]  }
0x16c: {  	v11 =	vld [tilespmem:s25+$0x5070]  }
0x16d: {  	v12 =	vld [tilespmem:s25+$0x5400]  }
0x16e: {  	v13 =	vld [tilespmem:s25+$0x5410]  }
0x16f: {  	v14 =	vld [tilespmem:s25+$0x5420]  }
0x170: {  	v15 =	vld [tilespmem:s25+$0x5430]  }
0x171: {  	v16 =	vld [tilespmem:s25+$0x5440]  }
0x172: {  	v17 =	vld [tilespmem:s25+$0x5450]  }
0x173: {  	v3 =	vld [tilespmem:s25+$0x5460]  }
0x174: {  	[tilespmem:s25+$0xA000] =	vst.add.f32.msk $0xffff, v4  }
0x175: {  	[tilespmem:s25+$0xA010] =	vst.add.f32.msk $0xffff, v5  }
0x176: {  	[tilespmem:s25+$0xA020] =	vst.add.f32.msk $0xffff, v6  }
0x177: {  	[tilespmem:s25+$0xA030] =	vst.add.f32.msk $0xffff, v7  }
0x178: {  	[tilespmem:s25+$0xA040] =	vst.add.f32.msk $0xffff, v8  }
0x179: {  	[tilespmem:s25+$0xA050] =	vst.add.f32.msk $0xffff, v9  }
0x17a: {  	[tilespmem:s25+$0xA060] =	vst.add.f32.msk $0xffff, v10  }
0x17b: {  	[tilespmem:s25+$0xA070] =	vst.add.f32.msk $0xffff, v11  }
0x17c: {  	[tilespmem:s25+$0xA400] =	vst.add.f32.msk $0xffff, v12  }
.Ltmp7:
0x17d: {  	[tilespmem:s25+$0xA410] =	vst.add.f32.msk $0xffff, v13;
	(pc) =	sbr.rel @p0 .LBB2_7-.Ltmp7, $4  }
0x17e: {  	[tilespmem:s25+$0xA420] =	vst.add.f32.msk $0xffff, v14  }
0x17f: {  	[tilespmem:s25+$0xA430] =	vst.add.f32.msk $0xffff, v15  }
0x180: {  	s26 =	sadd.s32 $0x80, s26;
	[tilespmem:s25+$0xA440] =	vst.add.f32.msk $0xffff, v16  }
0x181: {  	s30 =	sand.u32 $0x3800, s29;
	s29 =	sadd.s32 $0x100, s29;
	s31 =	sand.u32 $0x380, s26;
	[tilespmem:s25+$0xA450] =	vst.add.f32.msk $0xffff, v17  }
0x182: {  	s26 =	sor.u32 s31, s30;
	[tilespmem:s25+$0xA460] =	vst.add.f32.msk $0xffff, v3  }
0x183: {  	v3 =	vld [tilespmem:s26+$0x5470]  }
0x184: {  	v4 =	vld [tilespmem:s26+$0x5000]  }
0x185: {  	v5 =	vld [tilespmem:s26+$0x5010]  }
0x186: {  	v6 =	vld [tilespmem:s26+$0x5020]  }
0x187: {  	v7 =	vld [tilespmem:s26+$0x5030]  }
0x188: {  	v8 =	vld [tilespmem:s26+$0x5050]  }
0x189: {  	v9 =	vld [tilespmem:s26+$0x5060]  }
0x18a: {  	v10 =	vld [tilespmem:s26+$0x5070]  }
0x18b: {  	v11 =	vld [tilespmem:s26+$0x5400]  }
0x18c: {  	v12 =	vld [tilespmem:s26+$0x5410]  }
0x18d: {  	v13 =	vld [tilespmem:s26+$0x5420]  }
0x18e: {  	v14 =	vld [tilespmem:s26+$0x5430]  }
0x18f: {  	v15 =	vld [tilespmem:s26+$0x5440]  }
0x190: {  	v16 =	vld [tilespmem:s26+$0x5450]  }
0x191: {  	v17 =	vld [tilespmem:s26+$0x5460]  }
0x192: {  	[tilespmem:s26+$0xA470] =	vst.add.f32.msk $0xffff, v3  }
0x193: {  	v3 =	vld [tilespmem:s26+$0x5040]  }
0x194: {  	[tilespmem:s26+$0xA000] =	vst.add.f32.msk $0xffff, v4  }
0x195: {  	[tilespmem:s26+$0xA010] =	vst.add.f32.msk $0xffff, v5  }
0x196: {  	[tilespmem:s26+$0xA020] =	vst.add.f32.msk $0xffff, v6  }
0x197: {  	[tilespmem:s26+$0xA030] =	vst.add.f32.msk $0xffff, v7  }
0x198: {  	[tilespmem:s26+$0xA050] =	vst.add.f32.msk $0xffff, v8  }
0x199: {  	[tilespmem:s26+$0xA060] =	vst.add.f32.msk $0xffff, v9  }
0x19a: {  	[tilespmem:s26+$0xA070] =	vst.add.f32.msk $0xffff, v10  }
0x19b: {  	[tilespmem:s26+$0xA400] =	vst.add.f32.msk $0xffff, v11  }
0x19c: {  	[tilespmem:s26+$0xA410] =	vst.add.f32.msk $0xffff, v12  }
0x19d: {  	[tilespmem:s26+$0xA420] =	vst.add.f32.msk $0xffff, v13  }
0x19e: {  	s24 =	smul.u32 $0x28, s24;
	p0 =	sgt.u32 s22, $0x3C;
	[tilespmem:s26+$0xA430] =	vst.add.f32.msk $0xffff, v14  }
.Ltmp8:
0x19f: {  	[tilespmem:s26+$0xA440] =	vst.add.f32.msk $0xffff, v15;
	(pc) =	sbr.rel @p0 .LBB2_10-.Ltmp8, $4  }
0x1a0: {  	s24 =	sadd.s32 s4, s24;
	[tilespmem:s26+$0xA450] =	vst.add.f32.msk $0xffff, v16  }
0x1a1: {  	s24 =	sshll.u32 s24, $0x5;
	[tilespmem:s26+$0xA460] =	vst.add.f32.msk $0xffff, v17  }
0x1a2: {  	s24 =	sadd.s32 s2, s24;
	[tilespmem:s26+$0xA040] =	vst.add.f32.msk $0xffff, v3  }
0x1a3: {  	[hbm4b:s24+s3] =	stream.linear.scatter [tilespmem:s28], [sflag:$0x4], $0x2800, $0x38;
	[tilespmem:$0xC800] =	vst v63  }
0x1a4: {  	v3 =	vld [tilespmem:s23+$0x78];
	_ =	sdelay $0x4  }
0x1a5: {  	v4 =	vshll.u32 v3, $0x1  }
0x1a6: {  	v3 =	vand.u32 $0x7, v3;
	v4 =	vand.u32 $0xFFFFFFF0, v4  }
0x1a7: {  	v3 =	vor.u32 v3, v4  }
0x1a8: {  	v4 =	vperm.xlane v3, v0;
	_ =	sdelay $0x1  }
0x1a9: {  	v3 =	vperm.xlane v3, v2;
	v4 =	vadd.s32 v1, v4;
	_ =	sdelay $0x1  }
0x1aa: {  	v3 =	vadd.s32 v1, v3;
	_ =	sdelay $0x1  }
0x1ab: {  	s24 =	simm.s32 $0x5000  }
0x1ac: {  	[tilespmem:s24], [sflag:$0x2] =	stream.indirect_vreg.gather [hbm4b:s5+s3], $0x80, v4, vm0, $0xb8;
	[tilespmem:$0xC800] =	vst v63  }
0x1ad: {  	s30 =	simm.s32 $0x5800  }
0x1ae: {  	[tilespmem:s30], [sflag:$0x2] =	stream.indirect_vreg.gather [hbm4b:s5+s3], $0x80, v3, vm0, $0xb8;
	[tilespmem:$0xC800] =	vst v63  }
0x1af: {  	v3 =	vld [tilespmem:s23+$0x88];
	_ =	sdelay $0x4  }
0x1b0: {  	v59 =	vshll.u32 v3, $0x1  }
0x1b1: {  	v3 =	vand.u32 $0x7, v3;
	v4 =	vand.u32 $0xFFFFFFF0, v59  }
0x1b2: {  	v3 =	vor.u32 v3, v4  }
0x1b3: {  	v4 =	vperm.xlane v3, v0;
	_ =	sdelay $0x1  }
0x1b4: {  	v3 =	vperm.xlane v3, v2;
	v4 =	vadd.s32 v1, v4;
	_ =	sdelay $0x1  }
0x1b5: {  	v3 =	vadd.s32 v1, v3;
	_ =	sdelay $0x1  }
0x1b6: {  	s31 =	simm.s32 $0x6000  }
0x1b7: {  	[tilespmem:s31], [sflag:$0x2] =	stream.indirect_vreg.gather [hbm4b:s5+s3], $0x80, v4, vm0, $0xb8;
	[tilespmem:$0xC800] =	vst v63  }
0x1b8: {  	s25 =	simm.s32 $0x6800  }
0x1b9: {  	[tilespmem:s25], [sflag:$0x2] =	stream.indirect_vreg.gather [hbm4b:s5+s3], $0x80, v3, vm0, $0xb8;
	[tilespmem:$0xC800] =	vst v63  }
0x1ba: {  	v3 =	vld.msk [tilespmem:s23+$0x98], $0xff;
	_ =	sdelay $0x4  }
0x1bb: {  	v60 =	vshll.u32 v3, $0x1  }
0x1bc: {  	v3 =	vand.u32 $0x7, v3;
	v4 =	vand.u32 $0xFFFFFFF0, v60  }
0x1bd: {  	v3 =	vor.u32 v3, v4  }
0x1be: {  	v3 =	vperm.xlane v3, v0;
	_ =	sdelay $0x1  }
0x1bf: {  	v3 =	vadd.s32 v1, v3;
	_ =	sdelay $0x3  }
0x1c0: {  	s26 =	simm.s32 $0x7000  }
0x1c1: {  	[tilespmem:s26], [sflag:$0x2] =	stream.indirect_vreg.gather [hbm4b:s5+s3], $0x80, v3, vm0, $0xb8;
	[tilespmem:$0xC800] =	vst v63  }
0x1c2: {  	_ =	swait.ge [sflag:s7], $0x2800  }
0x1c3: {  	[sflag:s7] =	ssyncset.done $0x0  }
0x1c4: {  	[sflag:s7] =	ssyncadd.s32 $0xFFFFD800  }
0x1c5: {  	v3 =	vld [tilespmem:s23+$0x1478];
	_ =	sdelay $0x4  }
0x1c6: {  	v61 =	vshll.u32 v3, $0x1  }
0x1c7: {  	v3 =	vand.u32 $0x7, v3;
	v4 =	vand.u32 $0xFFFFFFF0, v61  }
0x1c8: {  	v3 =	vor.u32 v3, v4  }
0x1c9: {  	v4 =	vperm.xlane v3, v0;
	_ =	sdelay $0x1  }
0x1ca: {  	v3 =	vperm.xlane v3, v2;
	v4 =	vadd.s32 v1, v4;
	_ =	sdelay $0x1  }
0x1cb: {  	v3 =	vadd.s32 v1, v3;
	_ =	sdelay $0x2  }
0x1cc: {  	[tilespmem:s28], [sflag:$0x2] =	stream.indirect_vreg.gather [hbm4b:s6+s3], $0x80, v4, vm0, $0xb8;
	[tilespmem:$0xC800] =	vst v63  }
0x1cd: {  	s29 =	simm.s32 $0xA800  }
0x1ce: {  	[tilespmem:s29], [sflag:$0x2] =	stream.indirect_vreg.gather [hbm4b:s6+s3], $0x80, v3, vm0, $0xb8;
	[tilespmem:$0xC800] =	vst v63  }
0x1cf: {  	v3 =	vld [tilespmem:s23+$0x1488];
	_ =	sdelay $0x4  }
0x1d0: {  	v62 =	vshll.u32 v3, $0x1  }
0x1d1: {  	v3 =	vand.u32 $0x7, v3;
	v4 =	vand.u32 $0xFFFFFFF0, v62  }
0x1d2: {  	v3 =	vor.u32 v3, v4  }
0x1d3: {  	v4 =	vperm.xlane v3, v0;
	_ =	sdelay $0x1  }
0x1d4: {  	v3 =	vperm.xlane v3, v2;
	v4 =	vadd.s32 v1, v4;
	_ =	sdelay $0x1  }
0x1d5: {  	v3 =	vadd.s32 v1, v3;
	_ =	sdelay $0x1  }
0x1d6: {  	s30 =	simm.s32 $0xB000  }
0x1d7: {  	[tilespmem:s30], [sflag:$0x2] =	stream.indirect_vreg.gather [hbm4b:s6+s3], $0x80, v4, vm0, $0xb8;
	[tilespmem:$0xC800] =	vst v63  }
0x1d8: {  	s31 =	simm.s32 $0xB800  }
0x1d9: {  	[tilespmem:s31], [sflag:$0x2] =	stream.indirect_vreg.gather [hbm4b:s6+s3], $0x80, v3, vm0, $0xb8;
	[tilespmem:$0xC800] =	vst v63  }
0x1da: {  	v3 =	vld.msk [tilespmem:s23+$0x1498], $0xff;
	_ =	sdelay $0x4  }
0x1db: {  	v63 =	vshll.u32 v3, $0x1  }
0x1dc: {  	v3 =	vand.u32 $0x7, v3;
	v4 =	vand.u32 $0xFFFFFFF0, v63  }
0x1dd: {  	v3 =	vor.u32 v3, v4  }
0x1de: {  	v3 =	vperm.xlane v3, v0;
	_ =	sdelay $0x1  }
0x1df: {  	v3 =	vadd.s32 v1, v3  }
.Ltmp9:
0x1e0: {  	_ = 	snop;
	(pc) =	sbr.rel .LBB2_10-.Ltmp9, $2  }
0x1e1: {  	_ =	sdelay $0x2  }
0x1e2: {  	[tilespmem:s1], [sflag:$0x2] =	stream.indirect_vreg.gather [hbm4b:s6+s3], $0x80, v3, vm0, $0xb8;
	[tilespmem:$0xC800] =	vst v63  }
.LBB2_12:
0x1e3: {  	_ =	sfence.sel $0x180000  }
0x1e4: {  	[bflag:$0x0] =	sbarrier.arrive $0xFFFF  }
0x1e5: {  	_ =	strace $0x9000004D  }
0x1e6: {  	s0 =	stileid.u32;
	[bflag:$0x2] =	sbarrier.arrive $0xFFFF  }
0x1e7: {  	p0 =	sne.s32 s0, $0x0;
	s0 =	rddreg [dreg:$0x2]  }
0x1e8: {  	s0 =	sadd.s32 @!p0 $0x100000, s0  }
0x1e9: {  	[sflag:s0] =	ssyncadd.tile.s32 @!p0 $0x1;
	_ =	shalt  }
.Lfunc_end2:
_tile_overlayer_lowered:
.L_overlay_start_2:
0x1ea: {  	(tag) =	ssettag $0x2  }
0x1eb: {  	s0 =	rddreg [dreg:$0x0];
	s2 =	stileid.u32  }
0x1ec: {  	s1 =	rddreg [dreg:$0x1];
	p0 =	sne.s32 s2, $0x0  }
0x1ed: {  	s3 =	rddreg [dreg:$0x2];
	[bflag:$0x3] =	sbarrier.arrive $0xFFFF;
	s2 =	simm.s32 @!p0 $0x1C05  }
0x1ee: {  	[timem:s3], [sflag:s2] =	dma.local @!p0 [hbm:s0], s1  }
0x1ef: {  	s0 =	simm.s32 @!p0 $0x5  }
0x1f0: {  	_ =	swait.ge @!p0 [sflag:s0], s1  }
0x1f1: {  	s1 =	ssub.s32 @!p0 $0x0, s1;
	[sflag:s0] =	ssyncset.done @!p0 $0x0  }
0x1f2: {  	[sflag:s0] =	ssyncadd.s32 @!p0 s1  }
0x1f3: {  	[bflag:$0x3] =	sbarrier.arrive $0xFFFF  }
0x1f4: {  	_ =	shalt  }

// kernel: kernel.7.cloned.1.call-start
scs
__scs_entry_jumppad:
0x0: {  	(pc) =	sbr.rel $0x88, $3  }
0x1: {  	(tag) =	ssettag $0x0;
	lr =	simm.s32 $0x1  }
0x2: {  	[smem:$0x3F90] =	sst lr;
	_ =	strace $0xD0000000  }
0x3: {  	_ = 	snop  }
0x4: {  	_ = 	snop  }
0x5: {  	_ = 	snop  }
0x6: {  	_ = 	snop  }
0x7: {  	_ = 	snop  }
__scs_overlays_trampoline_lowered:
0x8: {  	[smem:$0x3F9F] =	sst s0  }
0x9: {  	[smem:$0x3FA0] =	sst s1  }
0xa: {  	[smem:$0x3FA1] =	sst s2  }
0xb: {  	[smem:$0x3FA2] =	sst s3  }
0xc: {  	[smem:$0x3FA3] =	sst s4  }
0xd: {  	[smem:$0x3FA4] =	sst s5  }
0xe: {  	[smem:$0x3FA5] =	sst s6  }
0xf: {  	[smem:$0x3FA6] =	sst s7  }
0x10: {  	[smem:$0x3FA7] =	sst s8  }
0x11: {  	[smem:$0x3FA8] =	sst s9;
	s0 =	simm.s32 @!p0 $0x0  }
0x12: {  	s1 =	sld [smem:$0x3F8E];
	s0 =	simm.s32 @p0 $0x1  }
0x13: {  	[smem:$0x3FA9] =	sst s0;
	s0 =	simm.s32 @!p1 $0x0  }
0x14: {  	s2 =	sld [smem:$0x3F8D];
	s0 =	simm.s32 @p1 $0x1  }
0x15: {  	[smem:$0x3FAA] =	sst s0;
	s0 =	simm.s32 @!p2 $0x0  }
0x16: {  	s3 =	sld [smem:$0x3FDB];
	s0 =	simm.s32 @p2 $0x1  }
0x17: {  	s4 =	simm.s32 $0x1BF5;
	[smem:$0x3FAC] =	sst s0  }
0x18: {  	s0 =	sld [smem:$0x3F8F];
	_ =	swait.ge [sflag:s4], $0x0  }
0x19: {  	s7 =	sld [smem:$0x3F90]  }
0x1a: {  	s8 =	sadd.s32 $0xFFFFE003, lr  }
0x1b: {  	s9 =	sadd.s32 $0xFFFFFEF7, lr;
	s5 =	simm.s32 $0xFFFFFFFF;
	p2 =	slt.u32 s8, $0xFFFFF086  }
0x1c: {  	p1 =	slt.u32 s9, $0xF7A;
	s5 =	simm.s32 @!p2 $0x0  }
0x1d: {  	s5 =	simm.s32 @p1 $0x1;
	p0 =	seq.s32 s7, s2  }
0x1e: {  	s7 =	smul.u32 @!p0 $0xF7A, s2;
	p2 =	seq.s32 @!p0 s5, $0x0  }
0x1f: {  	s9 =	smul.u32 $0xF7A, s1;
	s8 =	simm.s32 @!p0 $0x1BF5;
	p2 =	por !p2, p0  }
0x20: {  	[sflag:s8] =	ssyncset.s32 @!p0 $0xFFFFF086;
	s6 =	sadd.s32 @!p0 s3, s7;
	s7 =	simm.s32 @!p0 $0x108  }
0x21: {  	s3 =	sadd.s32 s3, s9;
	s6 =	sadd.s32 @!p0 $0x88, s6;
	s7 =	simm.s32 @p2 $0x1082  }
0x22: {  	[simem:s7], [sflag:s8] =	dma.local @!p0 [hbm:s6], $0xF7A  }
0x23: {  	s9 =	sor.u32 $0xD0000000, s2;
	s6 =	simm.s32 $0x108;
	_ =	swait.ge @!p0 [sflag:s8], $0x0  }
0x24: {  	s3 =	sadd.s32 $0x88, s3;
	s6 =	simm.s32 @!p1 $0x1082;
	[sflag:s4] =	ssyncset.s32 $0xFFFFF086  }
0x25: {  	[simem:s6], [sflag:s4] =	dma.local [hbm:s3], $0xF7A  }
0x26: {  	[smem:$0x3F90] =	sst s1;
	(tag) =	ssettag s2;
	_ =	strace s9  }
0x27: {  	s1 =	sld [smem:$0x3FA0]  }
0x28: {  	s2 =	sld [smem:$0x3FA1]  }
0x29: {  	s4 =	sld [smem:$0x3FA3]  }
0x2a: {  	p0 =	seq.s32 s5, $0x0;
	s5 =	sld [smem:$0x3FA4]  }
0x2b: {  	s6 =	sld [smem:$0x3FA5]  }
0x2c: {  	s7 =	sld [smem:$0x3FA6]  }
0x2d: {  	s3 =	simm.s32 $0x108;
	s8 =	sld [smem:$0x3FA7]  }
0x2e: {  	s3 =	simm.s32 @!p0 $0x1082;
	s9 =	sld [smem:$0x3FA8]  }
0x2f: {  	lr =	sadd.s32 s0, s3;
	s0 =	sld [smem:$0x3F9F]  }
0x30: {  	s3 =	sld [smem:$0x3FA2]  }
0x31: {  	[smem:$0x3FAB] =	sst s10  }
0x32: {  	s10 =	sld [smem:$0x3FA9];
	_ =	sdelay $0x3  }
0x33: {  	p0 =	seq.s32 s10, $0x1;
	s10 =	sld [smem:$0x3FAB];
	_ =	sdelay $0x3  }
0x34: {  	[smem:$0x3FAB] =	sst s10  }
0x35: {  	s10 =	sld [smem:$0x3FAA];
	_ =	sdelay $0x3  }
0x36: {  	p1 =	seq.s32 s10, $0x1;
	s10 =	sld [smem:$0x3FAB];
	_ =	sdelay $0x3  }
0x37: {  	[smem:$0x3FAB] =	sst s10  }
0x38: {  	s10 =	sld [smem:$0x3FAC]  }
0x39: {  	_ = 	snop;
	(pc) =	sbr.ind lr, $3  }
0x3a: {  	_ = 	snop  }
0x3b: {  	_ = 	snop  }
0x3c: {  	p2 =	seq.s32 s10, $0x1;
	s10 =	sld [smem:$0x3FAB]  }
0x3d: {  	_ =	shalt  }
0x3e: {  	_ =	shalt  }
0x3f: {  	_ =	shalt  }
0x40: {  	_ =	shalt  }
0x41: {  	_ =	shalt  }
0x42: {  	_ =	shalt  }
0x43: {  	_ =	shalt  }
0x44: {  	_ =	shalt  }
0x45: {  	_ =	shalt  }
0x46: {  	_ =	shalt  }
0x47: {  	_ =	shalt  }
0x48: {  	_ =	shalt  }
0x49: {  	_ =	shalt  }
0x4a: {  	_ =	shalt  }
0x4b: {  	_ =	shalt  }
0x4c: {  	_ =	shalt  }
0x4d: {  	_ =	shalt  }
0x4e: {  	_ =	shalt  }
0x4f: {  	_ =	shalt  }
0x50: {  	_ =	shalt  }
0x51: {  	_ =	shalt  }
0x52: {  	_ =	shalt  }
0x53: {  	_ =	shalt  }
0x54: {  	_ =	shalt  }
0x55: {  	_ =	shalt  }
0x56: {  	_ =	shalt  }
0x57: {  	_ =	shalt  }
0x58: {  	_ =	shalt  }
0x59: {  	_ =	shalt  }
0x5a: {  	_ =	shalt  }
0x5b: {  	_ =	shalt  }
0x5c: {  	_ =	shalt  }
0x5d: {  	_ =	shalt  }
0x5e: {  	_ =	shalt  }
0x5f: {  	_ =	shalt  }
0x60: {  	_ =	shalt  }
0x61: {  	_ =	shalt  }
0x62: {  	_ =	shalt  }
0x63: {  	_ =	shalt  }
0x64: {  	_ =	shalt  }
0x65: {  	_ =	shalt  }
0x66: {  	_ =	shalt  }
0x67: {  	_ =	shalt  }
0x68: {  	_ =	shalt  }
0x69: {  	_ =	shalt  }
0x6a: {  	_ =	shalt  }
0x6b: {  	_ =	shalt  }
0x6c: {  	_ =	shalt  }
0x6d: {  	_ =	shalt  }
0x6e: {  	_ =	shalt  }
0x6f: {  	_ =	shalt  }
0x70: {  	_ =	shalt  }
0x71: {  	_ =	shalt  }
0x72: {  	_ =	shalt  }
0x73: {  	_ =	shalt  }
0x74: {  	_ =	shalt  }
0x75: {  	_ =	shalt  }
0x76: {  	_ =	shalt  }
0x77: {  	_ =	shalt  }
0x78: {  	_ =	shalt  }
0x79: {  	_ =	shalt  }
0x7a: {  	_ =	shalt  }
0x7b: {  	_ =	shalt  }
0x7c: {  	_ =	shalt  }
0x7d: {  	_ =	shalt  }
0x7e: {  	_ =	shalt  }
0x7f: {  	_ =	shalt  }
0x80: {  	_ =	shalt  }
0x81: {  	_ =	shalt  }
0x82: {  	_ =	shalt  }
0x83: {  	_ =	shalt  }
0x84: {  	_ =	shalt  }
0x85: {  	_ =	shalt  }
0x86: {  	_ =	shalt  }
0x87: {  	_ =	shalt  }
.Lfunc_end0:
.L_simem_size_0:
called_computation_lowered:
.L_overlay_start_0:
0x88: {  	s2 =	sld [smem:$0x3FD9]  }
0x89: {  	s3 =	sld [smem:$0x3FFE];
	_ =	sdelay $0x1  }
0x8a: {  	s1 =	srdreg.scid  }
0x8b: {  	s0 =	sand.u32 $0x1, s1  }
0x8c: {  	s17 =	sshll.u32 s0, $0xA;
	s2 =	sadd.s32 s3, s2  }
0x8d: {  	s2 =	sadd.s32 s2, s17  }
0x8e: {  	[smem:$0x3FB7] =	sst s2  }
0x8f: {  	_ = 	snop  }
0x90: {  	s2 =	sld [smem:$0x3FD0];
	(tm) =	ssettm $0x1  }
0x91: {  	s18 =	sld [smem:$0x3FFB];
	_ =	sdelay $0x3  }
0x92: {  	_ =	strace s18  }
0x93: {  	s3 =	sld [smem:$0x3FFC];
	_ =	sdelay $0x3  }
0x94: {  	_ =	strace s3  }
0x95: {  	s3 =	sld [smem:$0x3FFD];
	_ =	sdelay $0x3  }
0x96: {  	_ =	strace s3  }
0x97: {  	_ =	strace $0x8FFFFFFF  }
0x98: {  	s19 =	sld [smem:$0x3FDB];
	_ =	sdelay $0x1  }
0x99: {  	s4 =	simm.s32 $_scs_section_size  }
0x9a: {  	s5 =	simm.s32 $_size__tile_overlayer_lowered;
	s6 =	simm.s32 $_tile_overlayer_lowered  }
0x9b: {  	s22 =	simm.s32 $0x1BFF;
	s21 =	sshll.u32 s6, $0x1;
	s3 =	sadd.s32 s4, s19  }
0x9c: {  	s7 =	simm.s32 $0x0;
	s20 =	sshll.u32 s5, $0x1;
	s5 =	sadd.s32 s21, s3  }
0x9d: {  	[timem:s7], [sflag:s22] =	dma.local [hbm:s5], s20  }
0x9e: {  	_ =	swait.ge [sflag:s22], s20  }
0x9f: {  	s4 =	ssub.s32 $0x0, s20;
	[sflag:s22] =	ssyncset.done $0x0  }
0xa0: {  	[sflag:s22] =	ssyncadd.s32 s4;
	_ =	sdelay $0x1  }
0xa1: {  	s23 =	simm.s32 $0x1B8B  }
0xa2: {  	_ =	swait.ge [sflag:s23], $0x1  }
0xa3: {  	[sflag:s23] =	ssyncset.done $0x0  }
0xa4: {  	s25 =	simm.s32 $0x1B8E;
	s24 =	sld [smem:$0x3FFE];
	[sflag:s23] =	ssyncadd.s32 $0xFFFFFFFF  }
0xa5: {  	s26 =	simm.s32 $execute0_lowered;
	[smem:$0x3FD2] =	sst s25  }
0xa6: {  	s5 =	sshll.u32 s26, $0x1;
	_ =	strace $0x80000046;
	[dreg:$0x1] =	wrdreg $0xFFFFFFFF  }
0xa7: {  	s28 =	simm.s32 $_size_execute0_lowered;
	s3 =	sadd.s32 s3, s5;
	[dreg:$0x0] =	wrdreg $0x0  }
0xa8: {  	s5 =	sshll.u32 s28, $0x1;
	[dreg:$0x2] =	wrdreg s3  }
0xa9: {  	[dreg:$0x3] =	wrdreg s5  }
0xaa: {  	[dreg:$0x4] =	wrdreg $0xC0  }
0xab: {  	_ =	task [dreg:s7], $0x5FFFF  }
0xac: {  	[dreg:$0x1] =	wrdreg $0xFFFFFFFF  }
0xad: {  	[dreg:$0x0] =	wrdreg $0x60  }
0xae: {  	[dreg:$0x2] =	wrdreg s24  }
0xaf: {  	[dreg:$0x3] =	wrdreg s2  }
0xb0: {  	[dreg:$0x4] =	wrdreg $0x0  }
0xb1: {  	[dreg:$0x5] =	wrdreg $0x9  }
0xb2: {  	_ =	task.clear_ibuf [dreg:s7], $0x6FFFF;
	_ =	strace $0x90000046  }
0xb3: {  	s29 =	simm.s32 $0x9;
	_ =	strace $0x80000048  }
0xb4: {  	_ =	swait.ge [sflag:s29], $0x1  }
0xb5: {  	[sflag:s29] =	ssyncadd.s32 $0xFFFFFFFF  }
0xb6: {  	_ =	strace $0x90000048  }
0xb7: {  	_ =	sfence  }
0xb8: {  	s30 =	sld [smem:$0x0];
	_ =	sdelay $0x2  }
0xb9: {  	s31 =	sshll.u32 s1, $0xD;
	s1 =	sshrl.u32 s1, $0x2  }
0xba: {  	s3 =	sand.u32 $0x4000, s31;
	s1 =	sadd.s32 s1, s30  }
0xbb: {  	s0 =	sor.u32 s3, s0;
	s1 =	sshll.u32 s1, $0x11  }
0xbc: {  	s0 =	sor.u32 s1, s0  }
0xbd: {  	s0 =	sadd.s32 $0x8F2B, s0  }
0xbe: {  	[sflag:s0] =	ssyncadd.remote.s32 $0x1  }
0xbf: {  	_ =	sfence.sel $0xFFFF  }
0xc0: {  	[dreg:$0x0] =	wrdreg $0xFFFFFFFF;
	(pc) =	sbr.abs _section_cstart, $3  }
0xc1: {  	[dreg:$0x1] =	wrdreg $0xFFFFFFFF  }
0xc2: {  	_ =	task.clear_ibuf [dreg:s7], $0x2FFFF;
	_ =	strace $0x9FFFFFFF  }
0xc3: {  	(tm) =	ssettm $0x7FFFFFFF  }
tec
execute0_lowered:
.L_overlay_start_1:
0x0: {  	(tag) =	ssettag $0x1  }
0x1: {  	s0 =	rddreg [dreg:$0x0]  }
0x2: {  	s1 =	rddreg [dreg:$0x1]  }
0x3: {  	s2 =	rddreg [dreg:$0x2];
	s3 =	simm.s32 $0x0;
	s4 =	stileid.u32  }
0x4: {  	s7 =	srdreg.scid;
	s22 =	simm.s32 $0x13880;
	s23 =	simm.s32 $0x3  }
0x5: {  	s29 =	simm.s32 $0x1C800;
	s30 =	simm.s32 $0x1;
	s31 =	simm.s32 $0x2  }
0x6: {  	[smem:$0x7FF] =	sst s3;
	s6 =	smul.u32 $0x4E2, s4;
	s5 =	sadd.s32 $0x10600, s0  }
0x7: {  	s25 =	sshll.u32 s4, $0xB;
	s10 =	sand.u32 $0x1, s7;
	s12 =	smul.u32 $0x4E000, s4  }
0x8: {  	s7 =	sadd.s32 $0x5EA00, s0;
	s19 =	smul.u32 $0x2700, s4;
	s18 =	sadd.s32 $0x138000, s2  }
0x9: {  	p1 =	sne.s32 s4, $0x0;
	p2 =	seq.s32 s4, $0x0;
	_ =	strace $0x80000047  }
0xa: {  	s9 =	sadd.s32 s25, s0;
	s11 =	ssub.s32 $0x2, s10;
	p0 =	seq.s32 s10, $0x1  }
0xb: {  	s25 =	simm.s32 $0x1A000;
	s8 =	sadd.s32 s6, s0;
	s6 =	sadd.s32 $0x37800, s0  }
0xc: {  	s26 =	sshrl.u32 s11, $0x1;
	s28 =	sshrl.u32 s12, $0x2;
	s9 =	sadd.s32 $0x8600, s9  }
0xd: {  	s0 =	ssub.s32 s11, s26;
	s8 =	sadd.s32 $0x3600, s8;
	s10 =	sadd.s32 s28, s2  }
.Ltmp0:
0xe: {  	s20 =	sadd.s32 s6, s19;
	s19 =	sadd.s32 s7, s19;
	(pc) =	sbr.rel .LBB2_1-.Ltmp0, $4  }
0xf: {  	s26 =	simm.s32 $0x50;
	s11 =	sadd.s32 $0x2800, s10;
	s12 =	sadd.s32 $0x5000, s10  }
0x10: {  	s13 =	sadd.s32 $0x7800, s10;
	s14 =	sadd.s32 $0xA000, s10;
	s15 =	sadd.s32 $0xC800, s10  }
0x11: {  	s16 =	sadd.s32 $0xF000, s10;
	s17 =	sadd.s32 $0x11800, s10;
	[dreg:$0x4] =	wrdreg s20  }
0x12: {  	v0 =	vimm.f32 $0.0e+00;
	[dreg:$0x5] =	wrdreg s19;
	s21 =	smax.u32 s0, $0x1;
	s19 =	simm.s32 $0x0  }
.LBB2_10:
0x13: {  	s20 =	sadd.s32 $0x27000, s20;
	s24 =	sshrl.u32 s18, $0x3  }
0x14: {  	[hbm:s20], [sflag:s0] =	dma.local [spmem:s24], $0x100  }
0x15: {  	_ =	swait.ge [sflag:s23], $0x100  }
0x16: {  	[sflag:s23] =	ssyncset.done $0x0  }
0x17: {  	[sflag:s23] =	ssyncadd.s32 $0xFFFFFF00  }
.LBB2_11:
0x18: {  	s19 =	sadd.s32 $0x1, s19  }
0x19: {  	p3 =	sne.s32 s19, s21  }
.Ltmp1:
0x1a: {  	_ = 	snop;
	(pc) =	sbr.rel @!p3 .LBB2_12-.Ltmp1, $1  }
0x1b: {  	_ =	sdelay $0x3  }
.LBB2_1:
0x1c: {  	[tilespmem:s22], [sflag:$0x3] =	stream.linear.gather [hbm4b:s8+s3], $0x2710, $0x38;
	[tilespmem:$0x1F000] =	vst v63  }
0x1d: {  	_ =	swait.ge [sflag:s23], $0x2710  }
0x1e: {  	[sflag:s23] =	ssyncset.done $0x0  }
.Ltmp2:
0x1f: {  	s0 =	simm.s32 $0x16000;
	[sflag:s23] =	ssyncadd.s32 $0xFFFFD8F0;
	(pc) =	sbr.rel @!p0 .LBB2_2-.Ltmp2, $4  }
0x20: {  	[tilespmem:s0], [sflag:$0x3] =	stream.linear.gather [hbm4b:s9+s3], $0x3E80, $0x38;
	[tilespmem:$0x1F000] =	vst v63  }
0x21: {  	_ =	swait.ge [sflag:s23], $0x3E80  }
0x22: {  	[sflag:s23] =	ssyncset.done $0x0  }
0x23: {  	s20 =	sadd.s32 $0x200, s3;
	s0 =	sshra.s32 s3, $0x2;
	[sflag:s23] =	ssyncadd.s32 $0xFFFFC180  }
.LBB2_6:
0x24: {  	p3 =	sne.s32 s20, $0x9E00;
	[tilespmem:s0+$0x1A070] =	vst v0  }
0x25: {  	[tilespmem:s0+$0x1A000] =	vst v0  }
0x26: {  	[tilespmem:s0+$0x1A010] =	vst v0  }
.Ltmp3:
0x27: {  	[tilespmem:s0+$0x1A020] =	vst v0;
	(pc) =	sbr.rel @p3 .LBB2_6-.Ltmp3, $4  }
0x28: {  	[tilespmem:s0+$0x1A030] =	vst v0  }
0x29: {  	[tilespmem:s0+$0x1A040] =	vst v0  }
0x2a: {  	[tilespmem:s0+$0x1A050] =	vst v0  }
0x2b: {  	[tilespmem:s0+$0x1A060] =	vst v0;
	s0 =	sshra.s32 s20, $0x2;
	s20 =	sadd.s32 $0x200, s20  }
0x2c: {  	[tilespmem:s0+$0x1A070] =	vst v0  }
0x2d: {  	[tilespmem:s0+$0x1A000] =	vst v0  }
0x2e: {  	[tilespmem:s0+$0x1A010] =	vst v0  }
0x2f: {  	[tilespmem:s0+$0x1A020] =	vst v0  }
0x30: {  	[tilespmem:s0+$0x1A030] =	vst v0  }
0x31: {  	[tilespmem:s0+$0x1A040] =	vst v0  }
0x32: {  	[tilespmem:s0+$0x1A050] =	vst v0  }
0x33: {  	[tilespmem:s0+$0x1A060] =	vst v0  }
0x34: {  	[spmem:s10] =	stream.linear.scatter [tilespmem:s25], [sflag:$0x3], $0x2800, $0x38;
	[tilespmem:$0x1F000] =	vst v63  }
0x35: {  	_ =	swait.ge [sflag:s23], $0x2800  }
0x36: {  	[sflag:s23] =	ssyncset.done $0x0  }
0x37: {  	[sflag:s23] =	ssyncadd.s32 $0xFFFFD800  }
0x38: {  	[spmem:s11] =	stream.linear.scatter [tilespmem:s25], [sflag:$0x3], $0x2800, $0x38;
	[tilespmem:$0x1F000] =	vst v63  }
0x39: {  	_ =	swait.ge [sflag:s23], $0x2800  }
0x3a: {  	[sflag:s23] =	ssyncset.done $0x0  }
0x3b: {  	[sflag:s23] =	ssyncadd.s32 $0xFFFFD800  }
0x3c: {  	[spmem:s12] =	stream.linear.scatter [tilespmem:s25], [sflag:$0x3], $0x2800, $0x38;
	[tilespmem:$0x1F000] =	vst v63  }
0x3d: {  	_ =	swait.ge [sflag:s23], $0x2800  }
0x3e: {  	[sflag:s23] =	ssyncset.done $0x0  }
0x3f: {  	[sflag:s23] =	ssyncadd.s32 $0xFFFFD800  }
0x40: {  	[spmem:s13] =	stream.linear.scatter [tilespmem:s25], [sflag:$0x3], $0x2800, $0x38;
	[tilespmem:$0x1F000] =	vst v63  }
0x41: {  	_ =	swait.ge [sflag:s23], $0x2800  }
0x42: {  	[sflag:s23] =	ssyncset.done $0x0  }
0x43: {  	[sflag:s23] =	ssyncadd.s32 $0xFFFFD800  }
0x44: {  	[spmem:s14] =	stream.linear.scatter [tilespmem:s25], [sflag:$0x3], $0x2800, $0x38;
	[tilespmem:$0x1F000] =	vst v63  }
0x45: {  	_ =	swait.ge [sflag:s23], $0x2800  }
0x46: {  	[sflag:s23] =	ssyncset.done $0x0  }
0x47: {  	[sflag:s23] =	ssyncadd.s32 $0xFFFFD800  }
0x48: {  	[spmem:s15] =	stream.linear.scatter [tilespmem:s25], [sflag:$0x3], $0x2800, $0x38;
	[tilespmem:$0x1F000] =	vst v63  }
0x49: {  	_ =	swait.ge [sflag:s23], $0x2800  }
0x4a: {  	[sflag:s23] =	ssyncset.done $0x0  }
0x4b: {  	[sflag:s23] =	ssyncadd.s32 $0xFFFFD800  }
0x4c: {  	[spmem:s16] =	stream.linear.scatter [tilespmem:s25], [sflag:$0x3], $0x2800, $0x38;
	[tilespmem:$0x1F000] =	vst v63  }
0x4d: {  	_ =	swait.ge [sflag:s23], $0x2800  }
0x4e: {  	[sflag:s23] =	ssyncset.done $0x0  }
0x4f: {  	[sflag:s23] =	ssyncadd.s32 $0xFFFFD800  }
0x50: {  	[spmem:s17] =	stream.linear.scatter [tilespmem:s25], [sflag:$0x3], $0x2000, $0x38;
	[tilespmem:$0x1F000] =	vst v63  }
0x51: {  	_ =	swait.ge [sflag:s23], $0x2000  }
0x52: {  	[sflag:s23] =	ssyncset.done $0x0  }
0x53: {  	s0 =	simm.s32 @!p1 $0x1A000;
	[sflag:s23] =	ssyncadd.s32 $0xFFFFE000  }
0x54: {  	[spmem:s18] =	stream.linear.scatter @!p1 [tilespmem:s0], [sflag:$0x3], $0x800, $0x38;
	[tilespmem:$0x1F000] =	vst v63  }
0x55: {  	s0 =	simm.s32 @!p1 $0x3  }
0x56: {  	_ =	swait.ge @!p1 [sflag:s0], $0x800  }
0x57: {  	[sflag:s0] =	ssyncset.done @!p1 $0x0  }
0x58: {  	[sflag:s0] =	ssyncadd.s32 @!p1 $0xFFFFF800  }
0x59: {  	[bflag:$0x0] =	sbarrier.arrive $0xFFFF  }
0x5a: {  	[tilespmem:s25], [sflag:$0x1] =	stream.indirect.gather [hbm4b:s1+s26], $0x80, s22, s26, $0xb8;
	[tilespmem:$0x1F000] =	vst v63  }
0x5b: {  	s28 =	simm.s32 $0x138D0  }
0x5c: {  	[tilespmem:s29], [sflag:$0x2] =	stream.indirect.gather [hbm4b:s1+s26], $0x80, s28, s26, $0xb8;
	[tilespmem:$0x1F000] =	vst v63  }
0x5d: {  	_ =	swait.ge [sflag:s30], $0x2800  }
0x5e: {  	[sflag:s30] =	ssyncset.done $0x0  }
0x5f: {  	s20 =	simm.s32 $0x16000;
	[sflag:s30] =	ssyncadd.s32 $0xFFFFD800  }
0x60: {  	[spmem:s2] =	stream.indirect.scatter.add.f32 [tilespmem:s25], [sflag:$0x3], $0x80, s20, s26, $0xb8;
	[tilespmem:$0x1F000] =	vst v63  }
0x61: {  	_ =	swait.ge [sflag:s23], $0x2800  }
0x62: {  	[sflag:s23] =	ssyncset.done $0x0  }
0x63: {  	s24 =	simm.s32 $0x13920;
	[sflag:s23] =	ssyncadd.s32 $0xFFFFD800  }
0x64: {  	[tilespmem:s25], [sflag:$0x1] =	stream.indirect.gather [hbm4b:s1+s26], $0x80, s24, s26, $0xb8;
	[tilespmem:$0x1F000] =	vst v63  }
0x65: {  	_ =	swait.ge [sflag:s31], $0x2800  }
0x66: {  	[sflag:s31] =	ssyncset.done $0x0  }
0x67: {  	s28 =	simm.s32 $0x16080;
	[sflag:s31] =	ssyncadd.s32 $0xFFFFD800  }
0x68: {  	[spmem:s2] =	stream.indirect.scatter.add.f32 [tilespmem:s29], [sflag:$0x3], $0x80, s28, s26, $0xb8;
	[tilespmem:$0x1F000] =	vst v63  }
0x69: {  	_ =	swait.ge [sflag:s23], $0x2800  }
0x6a: {  	s0 =	simm.s32 $0x400;
	[sflag:s23] =	ssyncset.done $0x0  }
0x6b: {  	s20 =	simm.s32 $0x139C0;
	s24 =	simm.s32 $0x13970;
	[sflag:s23] =	ssyncadd.s32 $0xFFFFD800  }
.LBB2_8:
0x6c: {  	[tilespmem:s29], [sflag:$0x2] =	stream.indirect.gather [hbm4b:s1+s26], $0x80, s24, s26, $0xb8;
	[tilespmem:$0x1F000] =	vst v63  }
0x6d: {  	s24 =	smov.u32 s0  }
0x6e: {  	p3 =	sne.s32 s0, $0xF000;
	s0 =	sadd.s32 $0x400, s0;
	_ =	swait.ge [sflag:s30], $0x2800  }
0x6f: {  	s24 =	sshra.s32 s24, $0x2;
	[sflag:s30] =	ssyncset.done $0x0  }
0x70: {  	s28 =	sadd.s32 $0x16000, s24;
	[sflag:s30] =	ssyncadd.s32 $0xFFFFD800  }
0x71: {  	[spmem:s2] =	stream.indirect.scatter.add.f32 [tilespmem:s25], [sflag:$0x3], $0x80, s28, s26, $0xb8;
	[tilespmem:$0x1F000] =	vst v63  }
0x72: {  	_ =	swait.ge [sflag:s23], $0x2800  }
0x73: {  	[sflag:s23] =	ssyncset.done $0x0  }
0x74: {  	[sflag:s23] =	ssyncadd.s32 $0xFFFFD800  }
0x75: {  	[tilespmem:s25], [sflag:$0x1] =	stream.indirect.gather [hbm4b:s1+s26], $0x80, s20, s26, $0xb8;
	[tilespmem:$0x1F000] =	vst v63  }
0x76: {  	_ =	swait.ge [sflag:s31], $0x2800  }
0x77: {  	[sflag:s31] =	ssyncset.done $0x0  }
.Ltmp4:
0x78: {  	s24 =	sadd.s32 $0x16080, s24;
	[sflag:s31] =	ssyncadd.s32 $0xFFFFD800;
	(pc) =	sbr.rel @p3 .LBB2_8-.Ltmp4, $4  }
0x79: {  	[spmem:s2] =	stream.indirect.scatter.add.f32 [tilespmem:s29], [sflag:$0x3], $0x80, s24, s26, $0xb8;
	[tilespmem:$0x1F000] =	vst v63  }
0x7a: {  	_ =	swait.ge [sflag:s23], $0x2800  }
0x7b: {  	[sflag:s23] =	ssyncset.done $0x0  }
0x7c: {  	s24 =	sadd.s32 $0x50, s20;
	s20 =	sadd.s32 $0xA0, s20;
	[sflag:s23] =	ssyncadd.s32 $0xFFFFD800  }
0x7d: {  	[tilespmem:s29], [sflag:$0x2] =	stream.indirect.gather [hbm4b:s1+s26], $0x80, s24, s26, $0xb8;
	[tilespmem:$0x1F000] =	vst v63  }
0x7e: {  	_ =	swait.ge [sflag:s30], $0x2800  }
0x7f: {  	[sflag:s30] =	ssyncset.done $0x0  }
0x80: {  	s0 =	simm.s32 $0x19D00;
	[sflag:s30] =	ssyncadd.s32 $0xFFFFD800  }
0x81: {  	[spmem:s2] =	stream.indirect.scatter.add.f32 [tilespmem:s25], [sflag:$0x3], $0x80, s0, s26, $0xb8;
	[tilespmem:$0x1F000] =	vst v63  }
0x82: {  	_ =	swait.ge [sflag:s23], $0x2800  }
0x83: {  	[sflag:s23] =	ssyncset.done $0x0  }
0x84: {  	[sflag:s23] =	ssyncadd.s32 $0xFFFFD800  }
0x85: {  	[tilespmem:s25], [sflag:$0x1] =	stream.indirect.gather [hbm4b:s1+s26], $0x80, s20, s26, $0xb8;
	[tilespmem:$0x1F000] =	vst v63  }
0x86: {  	_ =	swait.ge [sflag:s31], $0x2800  }
0x87: {  	[sflag:s31] =	ssyncset.done $0x0  }
0x88: {  	s24 =	simm.s32 $0x19D80;
	[sflag:s31] =	ssyncadd.s32 $0xFFFFD800  }
0x89: {  	[spmem:s2] =	stream.indirect.scatter.add.f32 [tilespmem:s29], [sflag:$0x3], $0x80, s24, s26, $0xb8;
	[tilespmem:$0x1F000] =	vst v63  }
0x8a: {  	_ =	swait.ge [sflag:s23], $0x2800  }
0x8b: {  	[sflag:s23] =	ssyncset.done $0x0  }
0x8c: {  	[sflag:s23] =	ssyncadd.s32 $0xFFFFD800  }
0x8d: {  	_ =	swait.ge [sflag:s30], $0x2800  }
0x8e: {  	[sflag:s30] =	ssyncset.done $0x0  }
0x8f: {  	s28 =	simm.s32 $0x19E00;
	[sflag:s30] =	ssyncadd.s32 $0xFFFFD800  }
0x90: {  	[spmem:s2] =	stream.indirect.scatter.add.f32 [tilespmem:s25], [sflag:$0x3], $0x80, s28, s26, $0xb8;
	[tilespmem:$0x1F000] =	vst v63  }
0x91: {  	_ =	swait.ge [sflag:s23], $0x2800  }
0x92: {  	[sflag:s23] =	ssyncset.done $0x0  }
0x93: {  	[sflag:s23] =	ssyncadd.s32 $0xFFFFD800  }
0x94: {  	s20 =	sshll.u32 s4, $0x6;
	[bflag:$0x0] =	sbarrier.arrive $0xFFFF  }
0x95: {  	s0 =	sor.u32 $0x1C03, s20;
	s24 =	sshrl.u32 s10, $0x3;
	s28 =	rddreg [dreg:$0x5]  }
0x96: {  	[hbm:s28], [sflag:s0] =	dma.local [spmem:s24], $0x2700  }
.Ltmp5:
0x97: {  	_ = 	snop;
	(pc) =	sbr.rel @p1 .LBB2_11-.Ltmp5, $4  }
.Ltmp6:
0x98: {  	_ = 	snop;
	(pc) =	sbr.rel @!p1 .LBB2_10-.Ltmp6, $4  }
0x99: {  	_ =	swait.ge [sflag:s23], $0x2700  }
0x9a: {  	[sflag:s23] =	ssyncset.done $0x0  }
0x9b: {  	s20 =	smov.u32 s7;
	[sflag:s23] =	ssyncadd.s32 $0xFFFFD900  }
0x9c: {  	_ = 	snop  }
.LBB2_2:
0x9d: {  	p3 =	sne.s32 s20, $0x9E00;
	[tilespmem:s0+$0x1A070] =	vst v0  }
0x9e: {  	[tilespmem:s0+$0x1A000] =	vst v0  }
0x9f: {  	[tilespmem:s0+$0x1A010] =	vst v0  }
.Ltmp7:
0xa0: {  	[tilespmem:s0+$0x1A020] =	vst v0;
	(pc) =	sbr.rel @p3 .LBB2_2-.Ltmp7, $4  }
0xa1: {  	[tilespmem:s0+$0x1A030] =	vst v0  }
0xa2: {  	[tilespmem:s0+$0x1A040] =	vst v0  }
0xa3: {  	[tilespmem:s0+$0x1A050] =	vst v0  }
0xa4: {  	[tilespmem:s0+$0x1A060] =	vst v0;
	s0 =	sshra.s32 s20, $0x2;
	s20 =	sadd.s32 $0x200, s20  }
0xa5: {  	[tilespmem:s0+$0x1A070] =	vst v0  }
0xa6: {  	[tilespmem:s0+$0x1A000] =	vst v0  }
0xa7: {  	[tilespmem:s0+$0x1A010] =	vst v0  }
0xa8: {  	[tilespmem:s0+$0x1A020] =	vst v0  }
0xa9: {  	[tilespmem:s0+$0x1A030] =	vst v0  }
0xaa: {  	[tilespmem:s0+$0x1A040] =	vst v0  }
0xab: {  	[tilespmem:s0+$0x1A050] =	vst v0  }
0xac: {  	[tilespmem:s0+$0x1A060] =	vst v0  }
0xad: {  	[spmem:s10] =	stream.linear.scatter [tilespmem:s25], [sflag:$0x3], $0x2800, $0x38;
	[tilespmem:$0x1F000] =	vst v63  }
0xae: {  	_ =	swait.ge [sflag:s23], $0x2800  }
0xaf: {  	[sflag:s23] =	ssyncset.done $0x0  }
0xb0: {  	[sflag:s23] =	ssyncadd.s32 $0xFFFFD800  }
0xb1: {  	[spmem:s11] =	stream.linear.scatter [tilespmem:s25], [sflag:$0x3], $0x2800, $0x38;
	[tilespmem:$0x1F000] =	vst v63  }
0xb2: {  	_ =	swait.ge [sflag:s23], $0x2800  }
0xb3: {  	[sflag:s23] =	ssyncset.done $0x0  }
0xb4: {  	[sflag:s23] =	ssyncadd.s32 $0xFFFFD800  }
0xb5: {  	[spmem:s12] =	stream.linear.scatter [tilespmem:s25], [sflag:$0x3], $0x2800, $0x38;
	[tilespmem:$0x1F000] =	vst v63  }
0xb6: {  	_ =	swait.ge [sflag:s23], $0x2800  }
0xb7: {  	[sflag:s23] =	ssyncset.done $0x0  }
0xb8: {  	[sflag:s23] =	ssyncadd.s32 $0xFFFFD800  }
0xb9: {  	[spmem:s13] =	stream.linear.scatter [tilespmem:s25], [sflag:$0x3], $0x2800, $0x38;
	[tilespmem:$0x1F000] =	vst v63  }
0xba: {  	_ =	swait.ge [sflag:s23], $0x2800  }
0xbb: {  	[sflag:s23] =	ssyncset.done $0x0  }
0xbc: {  	[sflag:s23] =	ssyncadd.s32 $0xFFFFD800  }
0xbd: {  	[spmem:s14] =	stream.linear.scatter [tilespmem:s25], [sflag:$0x3], $0x2800, $0x38;
	[tilespmem:$0x1F000] =	vst v63  }
0xbe: {  	_ =	swait.ge [sflag:s23], $0x2800  }
0xbf: {  	[sflag:s23] =	ssyncset.done $0x0  }
0xc0: {  	[sflag:s23] =	ssyncadd.s32 $0xFFFFD800  }
0xc1: {  	[spmem:s15] =	stream.linear.scatter [tilespmem:s25], [sflag:$0x3], $0x2800, $0x38;
	[tilespmem:$0x1F000] =	vst v63  }
0xc2: {  	_ =	swait.ge [sflag:s23], $0x2800  }
0xc3: {  	[sflag:s23] =	ssyncset.done $0x0  }
0xc4: {  	[sflag:s23] =	ssyncadd.s32 $0xFFFFD800  }
0xc5: {  	[spmem:s16] =	stream.linear.scatter [tilespmem:s25], [sflag:$0x3], $0x2800, $0x38;
	[tilespmem:$0x1F000] =	vst v63  }
0xc6: {  	_ =	swait.ge [sflag:s23], $0x2800  }
0xc7: {  	[sflag:s23] =	ssyncset.done $0x0  }
0xc8: {  	[sflag:s23] =	ssyncadd.s32 $0xFFFFD800  }
0xc9: {  	[spmem:s17] =	stream.linear.scatter [tilespmem:s25], [sflag:$0x3], $0x2000, $0x38;
	[tilespmem:$0x1F000] =	vst v63  }
0xca: {  	_ =	swait.ge [sflag:s23], $0x2000  }
0xcb: {  	[sflag:s23] =	ssyncset.done $0x0  }
0xcc: {  	s0 =	simm.s32 @!p1 $0x1A000;
	[sflag:s23] =	ssyncadd.s32 $0xFFFFE000  }
0xcd: {  	[spmem:s18] =	stream.linear.scatter @!p1 [tilespmem:s0], [sflag:$0x3], $0x800, $0x38;
	[tilespmem:$0x1F000] =	vst v63  }
0xce: {  	s0 =	simm.s32 @!p1 $0x3  }
0xcf: {  	_ =	swait.ge @!p1 [sflag:s0], $0x800  }
0xd0: {  	[sflag:s0] =	ssyncset.done @!p1 $0x0  }
0xd1: {  	[sflag:s0] =	ssyncadd.s32 @!p1 $0xFFFFF800  }
0xd2: {  	[bflag:$0x0] =	sbarrier.arrive $0xFFFF  }
0xd3: {  	[tilespmem:s25], [sflag:$0x1] =	stream.indirect.gather [hbm4b:s5+s26], $0x80, s22, s26, $0xb8;
	[tilespmem:$0x1F000] =	vst v63  }
0xd4: {  	s28 =	simm.s32 $0x138D0  }
0xd5: {  	[tilespmem:s29], [sflag:$0x2] =	stream.indirect.gather [hbm4b:s5+s26], $0x80, s28, s26, $0xb8;
	[tilespmem:$0x1F000] =	vst v63  }
0xd6: {  	_ =	swait.ge [sflag:s30], $0x2800  }
0xd7: {  	[sflag:s30] =	ssyncset.done $0x0  }
0xd8: {  	s20 =	simm.s32 $0x16000;
	[sflag:s30] =	ssyncadd.s32 $0xFFFFD800  }
0xd9: {  	[spmem:s2] =	stream.indirect.scatter.add.f32 [tilespmem:s25], [sflag:$0x3], $0x80, s20, s26, $0xb8;
	[tilespmem:$0x1F000] =	vst v63  }
0xda: {  	_ =	swait.ge [sflag:s23], $0x2800  }
0xdb: {  	[sflag:s23] =	ssyncset.done $0x0  }
0xdc: {  	s24 =	simm.s32 $0x13920;
	[sflag:s23] =	ssyncadd.s32 $0xFFFFD800  }
0xdd: {  	[tilespmem:s25], [sflag:$0x1] =	stream.indirect.gather [hbm4b:s5+s26], $0x80, s24, s26, $0xb8;
	[tilespmem:$0x1F000] =	vst v63  }
0xde: {  	_ =	swait.ge [sflag:s31], $0x2800  }
0xdf: {  	[sflag:s31] =	ssyncset.done $0x0  }
0xe0: {  	s28 =	simm.s32 $0x16080;
	[sflag:s31] =	ssyncadd.s32 $0xFFFFD800  }
0xe1: {  	[spmem:s2] =	stream.indirect.scatter.add.f32 [tilespmem:s29], [sflag:$0x3], $0x80, s28, s26, $0xb8;
	[tilespmem:$0x1F000] =	vst v63  }
0xe2: {  	_ =	swait.ge [sflag:s23], $0x2800  }
0xe3: {  	s0 =	simm.s32 $0x400;
	[sflag:s23] =	ssyncset.done $0x0  }
0xe4: {  	s20 =	simm.s32 $0x139C0;
	s24 =	simm.s32 $0x13970;
	[sflag:s23] =	ssyncadd.s32 $0xFFFFD800  }
.LBB2_4:
0xe5: {  	[tilespmem:s29], [sflag:$0x2] =	stream.indirect.gather [hbm4b:s5+s26], $0x80, s24, s26, $0xb8;
	[tilespmem:$0x1F000] =	vst v63  }
0xe6: {  	s24 =	smov.u32 s0  }
0xe7: {  	p3 =	sne.s32 s0, $0xF000;
	s0 =	sadd.s32 $0x400, s0;
	_ =	swait.ge [sflag:s30], $0x2800  }
0xe8: {  	s24 =	sshra.s32 s24, $0x2;
	[sflag:s30] =	ssyncset.done $0x0  }
0xe9: {  	s28 =	sadd.s32 $0x16000, s24;
	[sflag:s30] =	ssyncadd.s32 $0xFFFFD800  }
0xea: {  	[spmem:s2] =	stream.indirect.scatter.add.f32 [tilespmem:s25], [sflag:$0x3], $0x80, s28, s26, $0xb8;
	[tilespmem:$0x1F000] =	vst v63  }
0xeb: {  	_ =	swait.ge [sflag:s23], $0x2800  }
0xec: {  	[sflag:s23] =	ssyncset.done $0x0  }
0xed: {  	[sflag:s23] =	ssyncadd.s32 $0xFFFFD800  }
0xee: {  	[tilespmem:s25], [sflag:$0x1] =	stream.indirect.gather [hbm4b:s5+s26], $0x80, s20, s26, $0xb8;
	[tilespmem:$0x1F000] =	vst v63  }
0xef: {  	_ =	swait.ge [sflag:s31], $0x2800  }
0xf0: {  	[sflag:s31] =	ssyncset.done $0x0  }
.Ltmp8:
0xf1: {  	s24 =	sadd.s32 $0x16080, s24;
	[sflag:s31] =	ssyncadd.s32 $0xFFFFD800;
	(pc) =	sbr.rel @p3 .LBB2_4-.Ltmp8, $4  }
0xf2: {  	[spmem:s2] =	stream.indirect.scatter.add.f32 [tilespmem:s29], [sflag:$0x3], $0x80, s24, s26, $0xb8;
	[tilespmem:$0x1F000] =	vst v63  }
0xf3: {  	_ =	swait.ge [sflag:s23], $0x2800  }
0xf4: {  	[sflag:s23] =	ssyncset.done $0x0  }
0xf5: {  	s24 =	sadd.s32 $0x50, s20;
	s20 =	sadd.s32 $0xA0, s20;
	[sflag:s23] =	ssyncadd.s32 $0xFFFFD800  }
0xf6: {  	[tilespmem:s29], [sflag:$0x2] =	stream.indirect.gather [hbm4b:s5+s26], $0x80, s24, s26, $0xb8;
	[tilespmem:$0x1F000] =	vst v63  }
0xf7: {  	_ =	swait.ge [sflag:s30], $0x2800  }
0xf8: {  	[sflag:s30] =	ssyncset.done $0x0  }
0xf9: {  	s0 =	simm.s32 $0x19D00;
	[sflag:s30] =	ssyncadd.s32 $0xFFFFD800  }
0xfa: {  	[spmem:s2] =	stream.indirect.scatter.add.f32 [tilespmem:s25], [sflag:$0x3], $0x80, s0, s26, $0xb8;
	[tilespmem:$0x1F000] =	vst v63  }
0xfb: {  	_ =	swait.ge [sflag:s23], $0x2800  }
0xfc: {  	[sflag:s23] =	ssyncset.done $0x0  }
0xfd: {  	[sflag:s23] =	ssyncadd.s32 $0xFFFFD800  }
0xfe: {  	[tilespmem:s25], [sflag:$0x1] =	stream.indirect.gather [hbm4b:s5+s26], $0x80, s20, s26, $0xb8;
	[tilespmem:$0x1F000] =	vst v63  }
0xff: {  	_ =	swait.ge [sflag:s31], $0x2800  }
0x100: {  	[sflag:s31] =	ssyncset.done $0x0  }
0x101: {  	s24 =	simm.s32 $0x19D80;
	[sflag:s31] =	ssyncadd.s32 $0xFFFFD800  }
0x102: {  	[spmem:s2] =	stream.indirect.scatter.add.f32 [tilespmem:s29], [sflag:$0x3], $0x80, s24, s26, $0xb8;
	[tilespmem:$0x1F000] =	vst v63  }
0x103: {  	_ =	swait.ge [sflag:s23], $0x2800  }
0x104: {  	[sflag:s23] =	ssyncset.done $0x0  }
0x105: {  	[sflag:s23] =	ssyncadd.s32 $0xFFFFD800  }
0x106: {  	_ =	swait.ge [sflag:s30], $0x2800  }
0x107: {  	[sflag:s30] =	ssyncset.done $0x0  }
0x108: {  	s28 =	simm.s32 $0x19E00;
	[sflag:s30] =	ssyncadd.s32 $0xFFFFD800  }
0x109: {  	[spmem:s2] =	stream.indirect.scatter.add.f32 [tilespmem:s25], [sflag:$0x3], $0x80, s28, s26, $0xb8;
	[tilespmem:$0x1F000] =	vst v63  }
0x10a: {  	_ =	swait.ge [sflag:s23], $0x2800  }
0x10b: {  	[sflag:s23] =	ssyncset.done $0x0  }
0x10c: {  	[sflag:s23] =	ssyncadd.s32 $0xFFFFD800  }
0x10d: {  	s20 =	sshll.u32 s4, $0x6;
	[bflag:$0x0] =	sbarrier.arrive $0xFFFF  }
0x10e: {  	s0 =	sor.u32 $0x1C03, s20;
	s24 =	sshrl.u32 s10, $0x3;
	s28 =	rddreg [dreg:$0x4]  }
0x10f: {  	[hbm:s28], [sflag:s0] =	dma.local [spmem:s24], $0x2700  }
.Ltmp9:
0x110: {  	_ = 	snop;
	(pc) =	sbr.rel @!p2 .LBB2_11-.Ltmp9, $4  }
.Ltmp10:
0x111: {  	_ = 	snop;
	(pc) =	sbr.rel @p2 .LBB2_10-.Ltmp10, $4  }
0x112: {  	_ =	swait.ge [sflag:s23], $0x2700  }
0x113: {  	[sflag:s23] =	ssyncset.done $0x0  }
0x114: {  	s20 =	smov.u32 s6;
	[sflag:s23] =	ssyncadd.s32 $0xFFFFD900  }
0x115: {  	_ = 	snop  }
.LBB2_12:
0x116: {  	_ =	sfence.sel $0x180000  }
0x117: {  	[bflag:$0x0] =	sbarrier.arrive $0xFFFF  }
0x118: {  	_ =	strace $0x90000047  }
0x119: {  	[bflag:$0x2] =	sbarrier.arrive $0xFFFF  }
0x11a: {  	s0 =	rddreg [dreg:$0x3]  }
0x11b: {  	s0 =	sadd.s32 @!p1 $0x100000, s0  }
0x11c: {  	[sflag:s0] =	ssyncadd.tile.s32 @!p1 $0x1;
	_ =	shalt  }
.Lfunc_end2:
_tile_overlayer_lowered:
.L_overlay_start_2:
0x11d: {  	(tag) =	ssettag $0x2  }
0x11e: {  	s0 =	rddreg [dreg:$0x0];
	s2 =	stileid.u32  }
0x11f: {  	s1 =	rddreg [dreg:$0x1];
	p0 =	sne.s32 s2, $0x0  }
0x120: {  	s3 =	rddreg [dreg:$0x2];
	[bflag:$0x3] =	sbarrier.arrive $0xFFFF;
	s2 =	simm.s32 @!p0 $0x1C03  }
0x121: {  	[timem:s3], [sflag:s2] =	dma.local @!p0 [hbm:s0], s1  }
0x122: {  	s0 =	simm.s32 @!p0 $0x3  }
0x123: {  	_ =	swait.ge @!p0 [sflag:s0], s1  }
0x124: {  	s1 =	ssub.s32 @!p0 $0x0, s1;
	[sflag:s0] =	ssyncset.done @!p0 $0x0  }
0x125: {  	[sflag:s0] =	ssyncadd.s32 @!p0 s1  }
0x126: {  	[bflag:$0x3] =	sbarrier.arrive $0xFFFF  }
0x127: {  	_ =	shalt  }

</sc_bundles>
